<compile_context>
chip_gen: v7x
topology: tpu7x:2x2x1
jax: 0.10.2.dev20260603
libtpu: 0.0.44.dev20260713+nightly
codegen_flags: <defaults>
</compile_context>

<pallas_src>
import functools

import jax
import jax.numpy as jnp
from jax import lax
from jax.experimental import pallas as pl
from jax.experimental.pallas import tpu as pltpu
from jax.experimental.pallas import tpu_sc as plsc

F32 = jnp.float32

NUM_SC = 2
NUM_TILES = 16
LANES = 16
EDGE_BLK = 80



def _pack_pair(a, b):
    af = a.astype(jnp.bfloat16).astype(F32)
    bf = b.astype(jnp.bfloat16).astype(F32)
    ab = jax.lax.bitcast_convert_type(af, jnp.int32)
    bb = jax.lax.bitcast_convert_type(bf, jnp.int32)
    lo = jax.lax.shift_right_logical(ab, 16)
    hi = jnp.bitwise_and(bb, jnp.int32(-65536))
    return jnp.bitwise_or(lo, hi)


def _pack_bf16(u):
    hw = u.shape[1] // 2
    return _pack_pair(u[:, :hw], u[:, hw:])


def _nproj_body(a_ref, w0_ref, w1_ref, b0_ref, b1_ref,
                o0_ref, o1_ref, op_ref):
    a = a_ref[...]
    u0 = jnp.dot(a, w0_ref[...], preferred_element_type=F32) + b0_ref[...]
    u1 = jnp.dot(a, w1_ref[...], preferred_element_type=F32) + b1_ref[...]
    o0_ref[...] = u0
    o1_ref[...] = u1
    op_ref[...] = _pack_pair(u0, u1)


def _project_nodes(a, w, b, blk):
    rows, k = a.shape
    h = w.shape[1]
    hh = h // 2
    hq = hh // 2
    grid = (rows // blk,)
    row = lambda i: (i, 0)
    full = lambda i: (0, 0)
    return pl.pallas_call(
        _nproj_body,
        grid=grid,
        in_specs=[
            pl.BlockSpec((blk, k), row),
            pl.BlockSpec((k, hh), full),
            pl.BlockSpec((k, hh), full),
            pl.BlockSpec((1, hh), full),
            pl.BlockSpec((1, hh), full),
        ],
        out_specs=[
            pl.BlockSpec((blk, hh), row),
            pl.BlockSpec((blk, hh), row),
            pl.BlockSpec((blk, hh), row),
        ],
        out_shape=[
            jax.ShapeDtypeStruct((rows, hh), F32),
            jax.ShapeDtypeStruct((rows, hh), F32),
            jax.ShapeDtypeStruct((rows, hh), jnp.int32),
        ],
    )(a, w[:, :hh], w[:, hh:], b[:hh].reshape(1, hh), b[hh:].reshape(1, hh))


def _eproj_body(a_ref, w0_ref, w1_ref, b0_ref, b1_ref, o0p_ref, o1p_ref):
    a = a_ref[...]
    u0 = jnp.dot(a, w0_ref[...], preferred_element_type=F32) + b0_ref[...]
    u1 = jnp.dot(a, w1_ref[...], preferred_element_type=F32) + b1_ref[...]
    o0p_ref[...] = _pack_bf16(u0)
    o1p_ref[...] = _pack_bf16(u1)


def _project_edges_packed(a, w, b, blk):
    rows, k = a.shape
    h = w.shape[1]
    hh = h // 2
    hq = hh // 2
    grid = (rows // blk,)
    row = lambda i: (i, 0)
    full = lambda i: (0, 0)
    return pl.pallas_call(
        _eproj_body,
        grid=grid,
        in_specs=[
            pl.BlockSpec((blk, k), row),
            pl.BlockSpec((k, hh), full),
            pl.BlockSpec((k, hh), full),
            pl.BlockSpec((1, hh), full),
            pl.BlockSpec((1, hh), full),
        ],
        out_specs=[
            pl.BlockSpec((blk, hq), row),
            pl.BlockSpec((blk, hq), row),
        ],
        out_shape=[
            jax.ShapeDtypeStruct((rows, hq), jnp.int32),
            jax.ShapeDtypeStruct((rows, hq), jnp.int32),
        ],
    )(a, w[:, :hh], w[:, hh:], b[:hh].reshape(1, hh), b[hh:].reshape(1, hh))


def _mlp_body(s_ref, h0_ref, h1_ref, a0_ref, a1_ref,
              w1a_ref, w1b_ref, b1_ref, w2a_ref, w2b_ref, b2a_ref, b2b_ref,
              g0_ref, g1_ref, gp_ref):
    s = s_ref[0, 0]
    h0 = h0_ref[...]
    h1 = h1_ref[...]
    z0 = s * h0 + a0_ref[...]
    z1 = s * h1 + a1_ref[...]
    t = jnp.dot(z0, w1a_ref[...], preferred_element_type=F32)
    t += jnp.dot(z1, w1b_ref[...], preferred_element_type=F32)
    t = jnp.maximum(t + b1_ref[...], 0.0)
    u0 = jnp.dot(t, w2a_ref[...], preferred_element_type=F32) + b2a_ref[...] + h0
    u1 = jnp.dot(t, w2b_ref[...], preferred_element_type=F32) + b2b_ref[...] + h1
    g0 = jnp.maximum(u0, 0.0)
    g1 = jnp.maximum(u1, 0.0)
    g0_ref[...] = g0
    g1_ref[...] = g1
    gp_ref[...] = _pack_pair(g0, g1)


def _gin_mlp(h0, h1, a0, a1, eps, w1, b1, w2, b2, blk):
    n, hh = h0.shape
    hid = w1.shape[1]
    grid = (n // blk,)
    row = lambda i: (i, 0)
    full = lambda i: (0, 0)
    s = (1.0 + eps).reshape(1, 1)
    return pl.pallas_call(
        _mlp_body,
        grid=grid,
        in_specs=[
            pl.BlockSpec(memory_space=pltpu.SMEM),
            pl.BlockSpec((blk, hh), row),
            pl.BlockSpec((blk, hh), row),
            pl.BlockSpec((blk, hh), row),
            pl.BlockSpec((blk, hh), row),
            pl.BlockSpec((hh, hid), full),
            pl.BlockSpec((hh, hid), full),
            pl.BlockSpec((1, hid), full),
            pl.BlockSpec((hid, hh), full),
            pl.BlockSpec((hid, hh), full),
            pl.BlockSpec((1, hh), full),
            pl.BlockSpec((1, hh), full),
        ],
        out_specs=[
            pl.BlockSpec((blk, hh), row),
            pl.BlockSpec((blk, hh), row),
            pl.BlockSpec((blk, hh), row),
        ],
        out_shape=[
            jax.ShapeDtypeStruct((n, hh), F32),
            jax.ShapeDtypeStruct((n, hh), F32),
            jax.ShapeDtypeStruct((n, hh), jnp.int32),
        ],
    )(s, h0, h1, a0, a1,
      w1[:hh, :], w1[hh:, :], b1.reshape(1, hid),
      w2[:, :hh], w2[:, hh:], b2[:hh].reshape(1, hh), b2[hh:].reshape(1, hh))


def _head_body(al_ref, f0_ref, f1_ref, wa_ref, wb_ref, b_ref, o_ref):
    al = al_ref[0, 0]
    n = f0_ref.shape[0]
    f0 = f0_ref[...]
    f1 = f1_ref[...]
    m0 = jnp.sum(f0, axis=0, keepdims=True) * (1.0 / n) + al * f0[0:1, :]
    m1 = jnp.sum(f1, axis=0, keepdims=True) * (1.0 / n) + al * f1[0:1, :]
    o_ref[...] = (jnp.dot(m0, wa_ref[...], preferred_element_type=F32)
                  + jnp.dot(m1, wb_ref[...], preferred_element_type=F32)
                  + b_ref[...])


def _head(f0, f1, alpha, out_w, out_b):
    n, hh = f0.shape
    od = out_w.shape[1]
    return pl.pallas_call(
        _head_body,
        in_specs=[
            pl.BlockSpec(memory_space=pltpu.SMEM),
            pl.BlockSpec((n, hh), lambda: (0, 0)),
            pl.BlockSpec((n, hh), lambda: (0, 0)),
            pl.BlockSpec((hh, od), lambda: (0, 0)),
            pl.BlockSpec((hh, od), lambda: (0, 0)),
            pl.BlockSpec((1, od), lambda: (0, 0)),
        ],
        out_specs=pl.BlockSpec((1, od), lambda: (0, 0)),
        out_shape=jax.ShapeDtypeStruct((1, od), F32),
    )(alpha.reshape(1, 1), f0, f1, out_w[:hh, :], out_w[hh:, :],
      out_b.reshape(1, od))



def _make_sc_aggr(n, e_cnt, hh):
    num_blk = e_cnt // EDGE_BLK
    blks = num_blk // NUM_TILES
    pairs = blks // 2
    stripe_rows = (n // NUM_TILES) // 8 * 8
    tail_rows = n - NUM_TILES * stripe_rows
    zfull = stripe_rows // EDGE_BLK
    zrem = stripe_rows - zfull * EDGE_BLK
    chunks = hh // LANES
    wchunks = chunks // 2
    hq = hh // 2
    B = EDGE_BLK
    MASK = jnp.int32(-65536)

    mesh = plsc.VectorSubcoreMesh(
        core_axis_name="c", subcore_axis_name="s",
        num_cores=NUM_SC, num_subcores=NUM_TILES)

    @functools.partial(
        pl.kernel,
        out_type=[jax.ShapeDtypeStruct((n, hh), F32),
                  jax.ShapeDtypeStruct((n, hh), F32)],
        mesh=mesh,
        compiler_params=pltpu.CompilerParams(needs_layout_passes=False),
        scratch_types=[
            pltpu.VMEM_SHARED((n, hh), F32),
            pltpu.VMEM((2, B), jnp.int32),
            pltpu.VMEM((2, B), jnp.int32),
            pltpu.VMEM((B, hh), jnp.int32),
            pltpu.VMEM((B, hh), jnp.int32),
            pltpu.VMEM((B, hq), jnp.int32),
            pltpu.VMEM((B, hq), jnp.int32),
            pltpu.SemaphoreType.DMA,
            pltpu.SemaphoreType.DMA,
            pltpu.SemaphoreType.DMA,
            pltpu.SemaphoreType.DMA,
            pltpu.SemaphoreType.DMA,
        ],
    )
    def sc_aggr(hp, e0, e1, src, dst, o0, o1,
                acc, sidx, didx, gath0, gath1, ebuf0, ebuf1,
                sem_g0, sem_g1, sem_e0, sem_e1, sem_i):
        cid = lax.axis_index("c")
        sid = lax.axis_index("s")
        gaths = (gath0, gath1)
        ebufs = (ebuf0, ebuf1)
        sem_gs = (sem_g0, sem_g1)
        sem_es = (sem_e0, sem_e1)

        zsrc = gath0.bitcast(F32)
        def zero_row(i, _):
            for f in range(chunks):
                zsrc[i, pl.ds(f * LANES, LANES)] = jnp.zeros((LANES,), F32)
            return 0
        lax.fori_loop(0, B, zero_row, 0)
        stripe = sid * stripe_rows
        for r in range(zfull):
            pltpu.sync_copy(zsrc, acc.at[pl.ds(stripe + r * B, B)])
        pltpu.sync_copy(zsrc.at[pl.ds(0, zrem)],
                        acc.at[pl.ds(stripe + zfull * B, zrem)])

        @pl.when(sid == NUM_TILES - 1)
        def _():
            pltpu.sync_copy(zsrc.at[pl.ds(0, tail_rows)],
                            acc.at[pl.ds(NUM_TILES * stripe_rows, tail_rows)])
        plsc.subcore_barrier()

        def run(e, o, hi_half):
            def ebase(j):
                return (sid + j * NUM_TILES) * B

            def issue_idx(j, p):
                pltpu.async_copy(src.at[pl.ds(ebase(j), B)], sidx.at[p], sem_i)
                pltpu.async_copy(dst.at[pl.ds(ebase(j), B)], didx.at[p], sem_i)

            def wait_idx(p):
                pltpu.make_async_copy(src.at[pl.ds(0, B)], sidx.at[p], sem_i).wait()
                pltpu.make_async_copy(dst.at[pl.ds(0, B)], didx.at[p], sem_i).wait()

            def issue_block(j, p):
                pltpu.async_copy(hp.at[sidx.at[p]], gaths[p], sem_gs[p])
                pltpu.async_copy(e.at[pl.ds(ebase(j), B)], ebufs[p], sem_es[p])

            def wait_block(p):
                pltpu.make_async_copy(hp.at[pl.ds(0, B)], gaths[p], sem_gs[p]).wait()
                pltpu.make_async_copy(e.at[pl.ds(0, B)], ebufs[p], sem_es[p]).wait()

            def compute(p):
                g, eb = gaths[p], ebufs[p]
                mv = gaths[p].bitcast(F32)
                fmt = plsc.PackFormat.INTERLEAVED
                bf16 = jnp.bfloat16

                def row_body(i, _):
                    for f in range(wchunks):
                        sl = pl.ds(f * LANES, LANES)
                        sl2 = pl.ds((wchunks + f) * LANES, LANES)
                        elo, ehi = plsc.unpack(
                            plsc.bitcast(eb[i, sl], bf16), format=fmt)
                        a1, b1 = plsc.unpack(
                            plsc.bitcast(g[i, sl], bf16), format=fmt)
                        a2, b2 = plsc.unpack(
                            plsc.bitcast(g[i, sl2], bf16), format=fmt)
                        h1v = b1 if hi_half else a1
                        h2v = b2 if hi_half else a2
                        mv[i, sl] = jnp.maximum(h1v + elo, 0.0)
                        mv[i, sl2] = jnp.maximum(h2v + ehi, 0.0)
                    return 0
                lax.fori_loop(0, B, row_body, 0)

            def step(j, p, q, do_head, do_tail):
                @pl.when(do_head)
                def _():
                    wait_idx(q)
                    issue_block(j + 1, q)
                wait_block(p)
                compute(p)
                pltpu.sync_copy(gaths[p].bitcast(F32), acc.at[didx.at[p]],
                                add=True)

                @pl.when(do_tail)
                def _():
                    issue_idx(j + 2, p)

            pltpu.sync_copy(src.at[pl.ds(ebase(0), B)], sidx.at[0])
            pltpu.sync_copy(dst.at[pl.ds(ebase(0), B)], didx.at[0])
            issue_block(0, 0)
            issue_idx(1, 1)

            def pair_body(t, _):
                more = t < pairs - 1
                step(2 * t, 0, 1, jnp.asarray(True), more)
                step(2 * t + 1, 1, 0, more, more)
                return 0
            lax.fori_loop(0, pairs, pair_body, 0)

            plsc.subcore_barrier()
            rs = pl.ds(stripe, stripe_rows)
            pltpu.sync_copy(acc.at[rs], o.at[rs])

            @pl.when(sid == NUM_TILES - 1)
            def _():
                ts = pl.ds(NUM_TILES * stripe_rows, tail_rows)
                pltpu.sync_copy(acc.at[ts], o.at[ts])

        @pl.when(cid == 0)
        def _():
            run(e0, o0, False)

        @pl.when(cid == 1)
        def _():
            run(e1, o1, True)

    return sc_aggr



def kernel(x, edge_index, edge_attr, node_W, node_b, edge_W, edge_b,
           eps0, mlp0_W1, mlp0_b1, mlp0_W2, mlp0_b2,
           eps1, mlp1_W1, mlp1_b1, mlp1_W2, mlp1_b2,
           alpha, out_W, out_b):
    n = x.shape[0]
    e_cnt = edge_attr.shape[0]
    hh = node_W.shape[1] // 2

    h0, h1, hp = _project_nodes(x, node_W, node_b, blk=1000)
    e0p, e1p = _project_edges_packed(edge_attr, edge_W, edge_b, blk=2000)

    sc_aggr = _make_sc_aggr(n, e_cnt, hh)

    src = edge_index[0]
    dst = edge_index[1]
    a0, a1 = sc_aggr(hp, e0p, e1p, src, dst)
    g0, g1, gp = _gin_mlp(h0, h1, a0, a1, eps0, mlp0_W1, mlp0_b1,
                          mlp0_W2, mlp0_b2, blk=1000)
    b0, b1 = sc_aggr(gp, e0p, e1p, src, dst)
    f0, f1, _ = _gin_mlp(g0, g1, b0, b1, eps1, mlp1_W1, mlp1_b1,
                         mlp1_W2, mlp1_b2, blk=1000)
    return _head(f0, f1, alpha, out_W, out_b)

# --- scband reference (transcript-rebuilt; emitter-appended) ---
"""Pipeline reference for scband-graph-encoder-56006373540170 (READ-ONLY COPY).

The authoritative reference and input builder live on the scoring server;
editing this copy changes nothing except your own understanding.
"""

import jax, jax.numpy as jnp
import numpy as np

N = 10000
E = 320000
IN_DIM = 128
HID = 256
OUT_DIM = 256


def setup_inputs(seed: int = 0) -> dict:
    key = jax.random.key(seed)
    ks = jax.random.split(key, 24)
    s = 0.05
    inp = {}
    inp['x'] = jax.random.normal(ks[0], (N, IN_DIM), dtype=jnp.float32)
    inp['edge_index'] = jax.random.randint(ks[1], (2, E), 0, N, dtype=jnp.int32)
    inp['edge_attr'] = jax.random.normal(ks[2], (E, IN_DIM), dtype=jnp.float32)
    # learned parameters
    inp['node_W'] = jax.random.normal(ks[3], (IN_DIM, HID), dtype=jnp.float32) * s
    inp['node_b'] = jnp.zeros((HID,), dtype=jnp.float32)
    inp['edge_W'] = jax.random.normal(ks[4], (IN_DIM, HID), dtype=jnp.float32) * s
    inp['edge_b'] = jnp.zeros((HID,), dtype=jnp.float32)
    inp['eps0'] = jnp.zeros((), dtype=jnp.float32)
    inp['mlp0_W1'] = jax.random.normal(ks[5], (HID, HID), dtype=jnp.float32) * s
    inp['mlp0_b1'] = jnp.zeros((HID,), dtype=jnp.float32)
    inp['mlp0_W2'] = jax.random.normal(ks[6], (HID, HID), dtype=jnp.float32) * s
    inp['mlp0_b2'] = jnp.zeros((HID,), dtype=jnp.float32)
    inp['eps1'] = jnp.zeros((), dtype=jnp.float32)
    inp['mlp1_W1'] = jax.random.normal(ks[7], (HID, HID), dtype=jnp.float32) * s
    inp['mlp1_b1'] = jnp.zeros((HID,), dtype=jnp.float32)
    inp['mlp1_W2'] = jax.random.normal(ks[8], (HID, HID), dtype=jnp.float32) * s
    inp['mlp1_b2'] = jnp.zeros((HID,), dtype=jnp.float32)
    inp['alpha'] = jnp.ones((), dtype=jnp.float32)
    inp['out_W'] = jax.random.normal(ks[9], (HID, OUT_DIM), dtype=jnp.float32) * s
    inp['out_b'] = jnp.zeros((OUT_DIM,), dtype=jnp.float32)
    return inp


def reference(x, edge_index, edge_attr, node_W, node_b, edge_W, edge_b,
              eps0, mlp0_W1, mlp0_b1, mlp0_W2, mlp0_b2,
              eps1, mlp1_W1, mlp1_b1, mlp1_W2, mlp1_b2,
              alpha, out_W, out_b):
    src = edge_index[0]
    dst = edge_index[1]
    h = x @ node_W + node_b
    e = edge_attr @ edge_W + edge_b

    def gine_conv(h, eps, W1, b1, W2, b2):
        # GINEConv: message = relu(x_j + e), sum-aggregate at dst, mlp((1+eps)*x_i + aggr)
        m = jax.nn.relu(h[src] + e)
        aggr = jax.ops.segment_sum(m, dst, num_segments=N)
        z = (1.0 + eps) * h + aggr
        return jax.nn.relu(z @ W1 + b1) @ W2 + b2

    x1 = gine_conv(h, eps0, mlp0_W1, mlp0_b1, mlp0_W2, mlp0_b2) + h
    h = jax.nn.relu(x1)
    x2 = gine_conv(h, eps1, mlp1_W1, mlp1_b1, mlp1_W2, mlp1_b2) + h
    h = jax.nn.relu(x2)

    # batch is all-zeros (single graph): global_mean_pool = mean over nodes,
    # to_dense_batch root = node 0
    h_mean = jnp.mean(h, axis=0, keepdims=True)
    h_root = h[0:1, :]
    out = h_mean + alpha * h_root
    return out @ out_W + out_b

if __name__ == "__main__":
    import jax
    _d = setup_inputs()
    print(jax.jit(kernel)(*tuple(_d.values())))

</pallas_src>

<mosaic_0001>
#map = affine_map<(d0, d1) -> (0, 0)>
#map1 = affine_map<(d0, d1) -> (0)>
module attributes {stable_mosaic.version = 14 : i64} {
  func.func @sc_aggr(%arg0: i32, %arg1: i32, %arg2: memref<10000x128xi32, #tpu.memory_space<hbm>>, %arg3: memref<320000x64xi32, #tpu.memory_space<hbm>>, %arg4: memref<320000x64xi32, #tpu.memory_space<hbm>>, %arg5: memref<320000xi32, #tpu.memory_space<hbm>>, %arg6: memref<320000xi32, #tpu.memory_space<hbm>>, %arg7: memref<10000x128xf32, #tpu.memory_space<hbm>>, %arg8: memref<10000x128xf32, #tpu.memory_space<hbm>>, %arg9: memref<10000x128xf32, #tpu.memory_space<vmem_shared>>, %arg10: memref<2x80xi32, #tpu.memory_space<vmem>>, %arg11: memref<2x80xi32, #tpu.memory_space<vmem>>, %arg12: memref<80x128xi32, #tpu.memory_space<vmem>>, %arg13: memref<80x128xi32, #tpu.memory_space<vmem>>, %arg14: memref<80x64xi32, #tpu.memory_space<vmem>>, %arg15: memref<80x64xi32, #tpu.memory_space<vmem>>, %arg16: memref<!tpu.dma_semaphore, #tpu.memory_space<semaphore_mem>>, %arg17: memref<!tpu.dma_semaphore, #tpu.memory_space<semaphore_mem>>, %arg18: memref<!tpu.dma_semaphore, #tpu.memory_space<semaphore_mem>>, %arg19: memref<!tpu.dma_semaphore, #tpu.memory_space<semaphore_mem>>, %arg20: memref<!tpu.dma_semaphore, #tpu.memory_space<semaphore_mem>>) attributes {dimension_semantics = [#tpu.dimension_semantics<core_parallel>, #tpu.dimension_semantics<subcore_parallel>], iteration_bounds = array<i64: 2, 16>, scalar_prefetch = 0 : i64, scratch_operands = 12 : i64, tpu.core_type = #tpu.core_type<sc_vector_subcore>, window_params = [{transform_indices = #map}, {transform_indices = #map}, {transform_indices = #map}, {transform_indices = #map1}, {transform_indices = #map1}, {transform_indices = #map}, {transform_indices = #map}]} {
    %scan3A = arith.constant 0 : i32
    %scan3A_0 = arith.constant 0 : i32
    %scan3A_1 = arith.constant 80 : i32
    %scan3A_2 = arith.addi %scan3A_0, %scan3A_1 : i32
    %scan3A_3 = arith.constant 1 : i32
    %scan3A_4 = scf.for %scan3A_34 = %scan3A_0 to %scan3A_2 step %scan3A_3 iter_args(%scan3A_35 = %scan3A) -> (i32)  : i32 {
      %broadcast_in_dim3A = arith.constant 0.000000e+00 : f32
      %broadcast_in_dim3A_36 = vector.broadcast %broadcast_in_dim3A : f32 to vector<16xf32>
      %swap3A = tpu.memref_bitcast %arg12 : memref<80x128xi32, #tpu.memory_space<vmem>> -> memref<80x128xf32, #tpu.memory_space<vmem>>
      %swap3A_37 = arith.index_cast %scan3A_34 : i32 to index
      %swap3A_38 = arith.constant 0 : index
      %swap3A_39 = tpu.vector_load %swap3A[%swap3A_37, %swap3A_38] {strides = array<i32>} : memref<80x128xf32, #tpu.memory_space<vmem>>, vector<16xf32>,
      tpu.vector_store %swap3A[%swap3A_37, %swap3A_38], %broadcast_in_dim3A_36 {strides = array<i32>} : memref<80x128xf32, #tpu.memory_space<vmem>>, vector<16xf32>,
      %broadcast_in_dim3A_40 = arith.constant 0.000000e+00 : f32
      %broadcast_in_dim3A_41 = vector.broadcast %broadcast_in_dim3A_40 : f32 to vector<16xf32>
      %swap3A_42 = tpu.memref_bitcast %arg12 : memref<80x128xi32, #tpu.memory_space<vmem>> -> memref<80x128xf32, #tpu.memory_space<vmem>>
      %swap3A_43 = arith.index_cast %scan3A_34 : i32 to index
      %swap3A_44 = arith.constant 16 : index
      %swap3A_45 = tpu.vector_load %swap3A_42[%swap3A_43, %swap3A_44] {strides = array<i32>} : memref<80x128xf32, #tpu.memory_space<vmem>>, vector<16xf32>,
      tpu.vector_store %swap3A_42[%swap3A_43, %swap3A_44], %broadcast_in_dim3A_41 {strides = array<i32>} : memref<80x128xf32, #tpu.memory_space<vmem>>, vector<16xf32>,
      %broadcast_in_dim3A_46 = arith.constant 0.000000e+00 : f32
      %broadcast_in_dim3A_47 = vector.broadcast %broadcast_in_dim3A_46 : f32 to vector<16xf32>
      %swap3A_48 = tpu.memref_bitcast %arg12 : memref<80x128xi32, #tpu.memory_space<vmem>> -> memref<80x128xf32, #tpu.memory_space<vmem>>
      %swap3A_49 = arith.index_cast %scan3A_34 : i32 to index
      %swap3A_50 = arith.constant 32 : index
      %swap3A_51 = tpu.vector_load %swap3A_48[%swap3A_49, %swap3A_50] {strides = array<i32>} : memref<80x128xf32, #tpu.memory_space<vmem>>, vector<16xf32>,
      tpu.vector_store %swap3A_48[%swap3A_49, %swap3A_50], %broadcast_in_dim3A_47 {strides = array<i32>} : memref<80x128xf32, #tpu.memory_space<vmem>>, vector<16xf32>,
      %broadcast_in_dim3A_52 = arith.constant 0.000000e+00 : f32
      %broadcast_in_dim3A_53 = vector.broadcast %broadcast_in_dim3A_52 : f32 to vector<16xf32>
      %swap3A_54 = tpu.memref_bitcast %arg12 : memref<80x128xi32, #tpu.memory_space<vmem>> -> memref<80x128xf32, #tpu.memory_space<vmem>>
      %swap3A_55 = arith.index_cast %scan3A_34 : i32 to index
      %swap3A_56 = arith.constant 48 : index
      %swap3A_57 = tpu.vector_load %swap3A_54[%swap3A_55, %swap3A_56] {strides = array<i32>} : memref<80x128xf32, #tpu.memory_space<vmem>>, vector<16xf32>,
      tpu.vector_store %swap3A_54[%swap3A_55, %swap3A_56], %broadcast_in_dim3A_53 {strides = array<i32>} : memref<80x128xf32, #tpu.memory_space<vmem>>, vector<16xf32>,
      %broadcast_in_dim3A_58 = arith.constant 0.000000e+00 : f32
      %broadcast_in_dim3A_59 = vector.broadcast %broadcast_in_dim3A_58 : f32 to vector<16xf32>
      %swap3A_60 = tpu.memref_bitcast %arg12 : memref<80x128xi32, #tpu.memory_space<vmem>> -> memref<80x128xf32, #tpu.memory_space<vmem>>
      %swap3A_61 = arith.index_cast %scan3A_34 : i32 to index
      %swap3A_62 = arith.constant 64 : index
      %swap3A_63 = tpu.vector_load %swap3A_60[%swap3A_61, %swap3A_62] {strides = array<i32>} : memref<80x128xf32, #tpu.memory_space<vmem>>, vector<16xf32>,
      tpu.vector_store %swap3A_60[%swap3A_61, %swap3A_62], %broadcast_in_dim3A_59 {strides = array<i32>} : memref<80x128xf32, #tpu.memory_space<vmem>>, vector<16xf32>,
      %broadcast_in_dim3A_64 = arith.constant 0.000000e+00 : f32
      %broadcast_in_dim3A_65 = vector.broadcast %broadcast_in_dim3A_64 : f32 to vector<16xf32>
      %swap3A_66 = tpu.memref_bitcast %arg12 : memref<80x128xi32, #tpu.memory_space<vmem>> -> memref<80x128xf32, #tpu.memory_space<vmem>>
      %swap3A_67 = arith.index_cast %scan3A_34 : i32 to index
      %swap3A_68 = arith.constant 80 : index
      %swap3A_69 = tpu.vector_load %swap3A_66[%swap3A_67, %swap3A_68] {strides = array<i32>} : memref<80x128xf32, #tpu.memory_space<vmem>>, vector<16xf32>,
      tpu.vector_store %swap3A_66[%swap3A_67, %swap3A_68], %broadcast_in_dim3A_65 {strides = array<i32>} : memref<80x128xf32, #tpu.memory_space<vmem>>, vector<16xf32>,
      %broadcast_in_dim3A_70 = arith.constant 0.000000e+00 : f32
      %broadcast_in_dim3A_71 = vector.broadcast %broadcast_in_dim3A_70 : f32 to vector<16xf32>
      %swap3A_72 = tpu.memref_bitcast %arg12 : memref<80x128xi32, #tpu.memory_space<vmem>> -> memref<80x128xf32, #tpu.memory_space<vmem>>
      %swap3A_73 = arith.index_cast %scan3A_34 : i32 to index
      %swap3A_74 = arith.constant 96 : index
      %swap3A_75 = tpu.vector_load %swap3A_72[%swap3A_73, %swap3A_74] {strides = array<i32>} : memref<80x128xf32, #tpu.memory_space<vmem>>, vector<16xf32>,
      tpu.vector_store %swap3A_72[%swap3A_73, %swap3A_74], %broadcast_in_dim3A_71 {strides = array<i32>} : memref<80x128xf32, #tpu.memory_space<vmem>>, vector<16xf32>,
      %broadcast_in_dim3A_76 = arith.constant 0.000000e+00 : f32
      %broadcast_in_dim3A_77 = vector.broadcast %broadcast_in_dim3A_76 : f32 to vector<16xf32>
      %swap3A_78 = tpu.memref_bitcast %arg12 : memref<80x128xi32, #tpu.memory_space<vmem>> -> memref<80x128xf32, #tpu.memory_space<vmem>>
      %swap3A_79 = arith.index_cast %scan3A_34 : i32 to index
      %swap3A_80 = arith.constant 112 : index
      %swap3A_81 = tpu.vector_load %swap3A_78[%swap3A_79, %swap3A_80] {strides = array<i32>} : memref<80x128xf32, #tpu.memory_space<vmem>>, vector<16xf32>,
      tpu.vector_store %swap3A_78[%swap3A_79, %swap3A_80], %broadcast_in_dim3A_77 {strides = array<i32>} : memref<80x128xf32, #tpu.memory_space<vmem>>, vector<16xf32>,
      %scan3A_82 = arith.constant 0 : i32
      scf.yield %scan3A_82 : i32
    }
    %scan3A_5 = arith.constant 80 : i32
    %mul3A = arith.constant 624 : i32
    %mul3A_6 = arith.muli %arg1, %mul3A : i32
    %add3A = arith.constant 0 : i32
    %add3A_7 = arith.addi %mul3A_6, %add3A : i32
    "tpu.region"() ({
      %run_scoped3A = tpu.sem_alloc : memref<!tpu.dma_semaphore, #tpu.memory_space<semaphore_mem>>
      %dma_start3A = tpu.memref_bitcast %arg12 : memref<80x128xi32, #tpu.memory_space<vmem>> -> memref<80x128xf32, #tpu.memory_space<vmem>>
      %dma_start3A_34 = arith.constant 0 : i32
      %dma_start3A_35 = tpu.memref_slice %arg9[%add3A_7, %dma_start3A_34] : memref<10000x128xf32, #tpu.memory_space<vmem_shared>> -> memref<80x128xf32, #tpu.memory_space<vmem_shared>>
      %dma_start3A_36 = arith.constant 0 : i32
      %dma_start3A_37 = tpu.memref_slice %arg9[%add3A_7, %dma_start3A_36] : memref<10000x128xf32, #tpu.memory_space<vmem_shared>> -> memref<80x128xf32, #tpu.memory_space<vmem_shared>>
      %dma_start3A_38 = tpu.memref_bitcast %arg12 : memref<80x128xi32, #tpu.memory_space<vmem>> -> memref<80x128xf32, #tpu.memory_space<vmem>>
      tpu.enqueue_dma source(%dma_start3A_38 : memref<80x128xf32, #tpu.memory_space<vmem>>) target(%dma_start3A_37 : memref<80x128xf32, #tpu.memory_space<vmem_shared>>) target_semaphore(%run_scoped3A : memref<!tpu.dma_semaphore, #tpu.memory_space<semaphore_mem>>)
      %dma_wait3A = tpu.memref_bitcast %arg12 : memref<80x128xi32, #tpu.memory_space<vmem>> -> memref<80x128xf32, #tpu.memory_space<vmem>>
      %dma_wait3A_39 = arith.constant 0 : i32
      %dma_wait3A_40 = tpu.memref_slice %arg9[%add3A_7, %dma_wait3A_39] : memref<10000x128xf32, #tpu.memory_space<vmem_shared>> -> memref<80x128xf32, #tpu.memory_space<vmem_shared>>
      %dma_wait3A_41 = arith.constant 0 : i32
      %dma_wait3A_42 = tpu.memref_slice %arg9[%add3A_7, %dma_wait3A_41] : memref<10000x128xf32, #tpu.memory_space<vmem_shared>> -> memref<80x128xf32, #tpu.memory_space<vmem_shared>>
      %dma_wait3A_43 = tpu.memref_bitcast %arg12 : memref<80x128xi32, #tpu.memory_space<vmem>> -> memref<80x128xf32, #tpu.memory_space<vmem>>
      tpu.wait_dma2 semaphore(%run_scoped3A : memref<!tpu.dma_semaphore, #tpu.memory_space<semaphore_mem>>) src(%dma_wait3A_43 : memref<80x128xf32, #tpu.memory_space<vmem>>) dst(%dma_wait3A_42 : memref<80x128xf32, #tpu.memory_space<vmem_shared>>)
      tpu.yield
    }) : () -> ()
    %add3A_8 = arith.constant 80 : i32
    %add3A_9 = arith.addi %mul3A_6, %add3A_8 : i32
    "tpu.region"() ({
      %run_scoped3A = tpu.sem_alloc : memref<!tpu.dma_semaphore, #tpu.memory_space<semaphore_mem>>
      %dma_start3A = tpu.memref_bitcast %arg12 : memref<80x128xi32, #tpu.memory_space<vmem>> -> memref<80x128xf32, #tpu.memory_space<vmem>>
      %dma_start3A_34 = arith.constant 0 : i32
      %dma_start3A_35 = tpu.memref_slice %arg9[%add3A_9, %dma_start3A_34] : memref<10000x128xf32, #tpu.memory_space<vmem_shared>> -> memref<80x128xf32, #tpu.memory_space<vmem_shared>>
      %dma_start3A_36 = arith.constant 0 : i32
      %dma_start3A_37 = tpu.memref_slice %arg9[%add3A_9, %dma_start3A_36] : memref<10000x128xf32, #tpu.memory_space<vmem_shared>> -> memref<80x128xf32, #tpu.memory_space<vmem_shared>>
      %dma_start3A_38 = tpu.memref_bitcast %arg12 : memref<80x128xi32, #tpu.memory_space<vmem>> -> memref<80x128xf32, #tpu.memory_space<vmem>>
      tpu.enqueue_dma source(%dma_start3A_38 : memref<80x128xf32, #tpu.memory_space<vmem>>) target(%dma_start3A_37 : memref<80x128xf32, #tpu.memory_space<vmem_shared>>) target_semaphore(%run_scoped3A : memref<!tpu.dma_semaphore, #tpu.memory_space<semaphore_mem>>)
      %dma_wait3A = tpu.memref_bitcast %arg12 : memref<80x128xi32, #tpu.memory_space<vmem>> -> memref<80x128xf32, #tpu.memory_space<vmem>>
      %dma_wait3A_39 = arith.constant 0 : i32
      %dma_wait3A_40 = tpu.memref_slice %arg9[%add3A_9, %dma_wait3A_39] : memref<10000x128xf32, #tpu.memory_space<vmem_shared>> -> memref<80x128xf32, #tpu.memory_space<vmem_shared>>
      %dma_wait3A_41 = arith.constant 0 : i32
      %dma_wait3A_42 = tpu.memref_slice %arg9[%add3A_9, %dma_wait3A_41] : memref<10000x128xf32, #tpu.memory_space<vmem_shared>> -> memref<80x128xf32, #tpu.memory_space<vmem_shared>>
      %dma_wait3A_43 = tpu.memref_bitcast %arg12 : memref<80x128xi32, #tpu.memory_space<vmem>> -> memref<80x128xf32, #tpu.memory_space<vmem>>
      tpu.wait_dma2 semaphore(%run_scoped3A : memref<!tpu.dma_semaphore, #tpu.memory_space<semaphore_mem>>) src(%dma_wait3A_43 : memref<80x128xf32, #tpu.memory_space<vmem>>) dst(%dma_wait3A_42 : memref<80x128xf32, #tpu.memory_space<vmem_shared>>)
      tpu.yield
    }) : () -> ()
    %add3A_10 = arith.constant 160 : i32
    %add3A_11 = arith.addi %mul3A_6, %add3A_10 : i32
    "tpu.region"() ({
      %run_scoped3A = tpu.sem_alloc : memref<!tpu.dma_semaphore, #tpu.memory_space<semaphore_mem>>
      %dma_start3A = tpu.memref_bitcast %arg12 : memref<80x128xi32, #tpu.memory_space<vmem>> -> memref<80x128xf32, #tpu.memory_space<vmem>>
      %dma_start3A_34 = arith.constant 0 : i32
      %dma_start3A_35 = tpu.memref_slice %arg9[%add3A_11, %dma_start3A_34] : memref<10000x128xf32, #tpu.memory_space<vmem_shared>> -> memref<80x128xf32, #tpu.memory_space<vmem_shared>>
      %dma_start3A_36 = arith.constant 0 : i32
      %dma_start3A_37 = tpu.memref_slice %arg9[%add3A_11, %dma_start3A_36] : memref<10000x128xf32, #tpu.memory_space<vmem_shared>> -> memref<80x128xf32, #tpu.memory_space<vmem_shared>>
      %dma_start3A_38 = tpu.memref_bitcast %arg12 : memref<80x128xi32, #tpu.memory_space<vmem>> -> memref<80x128xf32, #tpu.memory_space<vmem>>
      tpu.enqueue_dma source(%dma_start3A_38 : memref<80x128xf32, #tpu.memory_space<vmem>>) target(%dma_start3A_37 : memref<80x128xf32, #tpu.memory_space<vmem_shared>>) target_semaphore(%run_scoped3A : memref<!tpu.dma_semaphore, #tpu.memory_space<semaphore_mem>>)
      %dma_wait3A = tpu.memref_bitcast %arg12 : memref<80x128xi32, #tpu.memory_space<vmem>> -> memref<80x128xf32, #tpu.memory_space<vmem>>
      %dma_wait3A_39 = arith.constant 0 : i32
      %dma_wait3A_40 = tpu.memref_slice %arg9[%add3A_11, %dma_wait3A_39] : memref<10000x128xf32, #tpu.memory_space<vmem_shared>> -> memref<80x128xf32, #tpu.memory_space<vmem_shared>>
      %dma_wait3A_41 = arith.constant 0 : i32
      %dma_wait3A_42 = tpu.memref_slice %arg9[%add3A_11, %dma_wait3A_41] : memref<10000x128xf32, #tpu.memory_space<vmem_shared>> -> memref<80x128xf32, #tpu.memory_space<vmem_shared>>
      %dma_wait3A_43 = tpu.memref_bitcast %arg12 : memref<80x128xi32, #tpu.memory_space<vmem>> -> memref<80x128xf32, #tpu.memory_space<vmem>>
      tpu.wait_dma2 semaphore(%run_scoped3A : memref<!tpu.dma_semaphore, #tpu.memory_space<semaphore_mem>>) src(%dma_wait3A_43 : memref<80x128xf32, #tpu.memory_space<vmem>>) dst(%dma_wait3A_42 : memref<80x128xf32, #tpu.memory_space<vmem_shared>>)
      tpu.yield
    }) : () -> ()
    %add3A_12 = arith.constant 240 : i32
    %add3A_13 = arith.addi %mul3A_6, %add3A_12 : i32
    "tpu.region"() ({
      %run_scoped3A = tpu.sem_alloc : memref<!tpu.dma_semaphore, #tpu.memory_space<semaphore_mem>>
      %dma_start3A = tpu.memref_bitcast %arg12 : memref<80x128xi32, #tpu.memory_space<vmem>> -> memref<80x128xf32, #tpu.memory_space<vmem>>
      %dma_start3A_34 = arith.constant 0 : i32
      %dma_start3A_35 = tpu.memref_slice %arg9[%add3A_13, %dma_start3A_34] : memref<10000x128xf32, #tpu.memory_space<vmem_shared>> -> memref<80x128xf32, #tpu.memory_space<vmem_shared>>
      %dma_start3A_36 = arith.constant 0 : i32
      %dma_start3A_37 = tpu.memref_slice %arg9[%add3A_13, %dma_start3A_36] : memref<10000x128xf32, #tpu.memory_space<vmem_shared>> -> memref<80x128xf32, #tpu.memory_space<vmem_shared>>
      %dma_start3A_38 = tpu.memref_bitcast %arg12 : memref<80x128xi32, #tpu.memory_space<vmem>> -> memref<80x128xf32, #tpu.memory_space<vmem>>
      tpu.enqueue_dma source(%dma_start3A_38 : memref<80x128xf32, #tpu.memory_space<vmem>>) target(%dma_start3A_37 : memref<80x128xf32, #tpu.memory_space<vmem_shared>>) target_semaphore(%run_scoped3A : memref<!tpu.dma_semaphore, #tpu.memory_space<semaphore_mem>>)
      %dma_wait3A = tpu.memref_bitcast %arg12 : memref<80x128xi32, #tpu.memory_space<vmem>> -> memref<80x128xf32, #tpu.memory_space<vmem>>
      %dma_wait3A_39 = arith.constant 0 : i32
      %dma_wait3A_40 = tpu.memref_slice %arg9[%add3A_13, %dma_wait3A_39] : memref<10000x128xf32, #tpu.memory_space<vmem_shared>> -> memref<80x128xf32, #tpu.memory_space<vmem_shared>>
      %dma_wait3A_41 = arith.constant 0 : i32
      %dma_wait3A_42 = tpu.memref_slice %arg9[%add3A_13, %dma_wait3A_41] : memref<10000x128xf32, #tpu.memory_space<vmem_shared>> -> memref<80x128xf32, #tpu.memory_space<vmem_shared>>
      %dma_wait3A_43 = tpu.memref_bitcast %arg12 : memref<80x128xi32, #tpu.memory_space<vmem>> -> memref<80x128xf32, #tpu.memory_space<vmem>>
      tpu.wait_dma2 semaphore(%run_scoped3A : memref<!tpu.dma_semaphore, #tpu.memory_space<semaphore_mem>>) src(%dma_wait3A_43 : memref<80x128xf32, #tpu.memory_space<vmem>>) dst(%dma_wait3A_42 : memref<80x128xf32, #tpu.memory_space<vmem_shared>>)
      tpu.yield
    }) : () -> ()
    %add3A_14 = arith.constant 320 : i32
    %add3A_15 = arith.addi %mul3A_6, %add3A_14 : i32
    "tpu.region"() ({
      %run_scoped3A = tpu.sem_alloc : memref<!tpu.dma_semaphore, #tpu.memory_space<semaphore_mem>>
      %dma_start3A = tpu.memref_bitcast %arg12 : memref<80x128xi32, #tpu.memory_space<vmem>> -> memref<80x128xf32, #tpu.memory_space<vmem>>
      %dma_start3A_34 = arith.constant 0 : i32
      %dma_start3A_35 = tpu.memref_slice %arg9[%add3A_15, %dma_start3A_34] : memref<10000x128xf32, #tpu.memory_space<vmem_shared>> -> memref<80x128xf32, #tpu.memory_space<vmem_shared>>
      %dma_start3A_36 = arith.constant 0 : i32
      %dma_start3A_37 = tpu.memref_slice %arg9[%add3A_15, %dma_start3A_36] : memref<10000x128xf32, #tpu.memory_space<vmem_shared>> -> memref<80x128xf32, #tpu.memory_space<vmem_shared>>
      %dma_start3A_38 = tpu.memref_bitcast %arg12 : memref<80x128xi32, #tpu.memory_space<vmem>> -> memref<80x128xf32, #tpu.memory_space<vmem>>
      tpu.enqueue_dma source(%dma_start3A_38 : memref<80x128xf32, #tpu.memory_space<vmem>>) target(%dma_start3A_37 : memref<80x128xf32, #tpu.memory_space<vmem_shared>>) target_semaphore(%run_scoped3A : memref<!tpu.dma_semaphore, #tpu.memory_space<semaphore_mem>>)
      %dma_wait3A = tpu.memref_bitcast %arg12 : memref<80x128xi32, #tpu.memory_space<vmem>> -> memref<80x128xf32, #tpu.memory_space<vmem>>
      %dma_wait3A_39 = arith.constant 0 : i32
      %dma_wait3A_40 = tpu.memref_slice %arg9[%add3A_15, %dma_wait3A_39] : memref<10000x128xf32, #tpu.memory_space<vmem_shared>> -> memref<80x128xf32, #tpu.memory_space<vmem_shared>>
      %dma_wait3A_41 = arith.constant 0 : i32
      %dma_wait3A_42 = tpu.memref_slice %arg9[%add3A_15, %dma_wait3A_41] : memref<10000x128xf32, #tpu.memory_space<vmem_shared>> -> memref<80x128xf32, #tpu.memory_space<vmem_shared>>
      %dma_wait3A_43 = tpu.memref_bitcast %arg12 : memref<80x128xi32, #tpu.memory_space<vmem>> -> memref<80x128xf32, #tpu.memory_space<vmem>>
      tpu.wait_dma2 semaphore(%run_scoped3A : memref<!tpu.dma_semaphore, #tpu.memory_space<semaphore_mem>>) src(%dma_wait3A_43 : memref<80x128xf32, #tpu.memory_space<vmem>>) dst(%dma_wait3A_42 : memref<80x128xf32, #tpu.memory_space<vmem_shared>>)
      tpu.yield
    }) : () -> ()
    %add3A_16 = arith.constant 400 : i32
    %add3A_17 = arith.addi %mul3A_6, %add3A_16 : i32
    "tpu.region"() ({
      %run_scoped3A = tpu.sem_alloc : memref<!tpu.dma_semaphore, #tpu.memory_space<semaphore_mem>>
      %dma_start3A = tpu.memref_bitcast %arg12 : memref<80x128xi32, #tpu.memory_space<vmem>> -> memref<80x128xf32, #tpu.memory_space<vmem>>
      %dma_start3A_34 = arith.constant 0 : i32
      %dma_start3A_35 = tpu.memref_slice %arg9[%add3A_17, %dma_start3A_34] : memref<10000x128xf32, #tpu.memory_space<vmem_shared>> -> memref<80x128xf32, #tpu.memory_space<vmem_shared>>
      %dma_start3A_36 = arith.constant 0 : i32
      %dma_start3A_37 = tpu.memref_slice %arg9[%add3A_17, %dma_start3A_36] : memref<10000x128xf32, #tpu.memory_space<vmem_shared>> -> memref<80x128xf32, #tpu.memory_space<vmem_shared>>
      %dma_start3A_38 = tpu.memref_bitcast %arg12 : memref<80x128xi32, #tpu.memory_space<vmem>> -> memref<80x128xf32, #tpu.memory_space<vmem>>
      tpu.enqueue_dma source(%dma_start3A_38 : memref<80x128xf32, #tpu.memory_space<vmem>>) target(%dma_start3A_37 : memref<80x128xf32, #tpu.memory_space<vmem_shared>>) target_semaphore(%run_scoped3A : memref<!tpu.dma_semaphore, #tpu.memory_space<semaphore_mem>>)
      %dma_wait3A = tpu.memref_bitcast %arg12 : memref<80x128xi32, #tpu.memory_space<vmem>> -> memref<80x128xf32, #tpu.memory_space<vmem>>
      %dma_wait3A_39 = arith.constant 0 : i32
      %dma_wait3A_40 = tpu.memref_slice %arg9[%add3A_17, %dma_wait3A_39] : memref<10000x128xf32, #tpu.memory_space<vmem_shared>> -> memref<80x128xf32, #tpu.memory_space<vmem_shared>>
      %dma_wait3A_41 = arith.constant 0 : i32
      %dma_wait3A_42 = tpu.memref_slice %arg9[%add3A_17, %dma_wait3A_41] : memref<10000x128xf32, #tpu.memory_space<vmem_shared>> -> memref<80x128xf32, #tpu.memory_space<vmem_shared>>
      %dma_wait3A_43 = tpu.memref_bitcast %arg12 : memref<80x128xi32, #tpu.memory_space<vmem>> -> memref<80x128xf32, #tpu.memory_space<vmem>>
      tpu.wait_dma2 semaphore(%run_scoped3A : memref<!tpu.dma_semaphore, #tpu.memory_space<semaphore_mem>>) src(%dma_wait3A_43 : memref<80x128xf32, #tpu.memory_space<vmem>>) dst(%dma_wait3A_42 : memref<80x128xf32, #tpu.memory_space<vmem_shared>>)
      tpu.yield
    }) : () -> ()
    %add3A_18 = arith.constant 480 : i32
    %add3A_19 = arith.addi %mul3A_6, %add3A_18 : i32
    "tpu.region"() ({
      %run_scoped3A = tpu.sem_alloc : memref<!tpu.dma_semaphore, #tpu.memory_space<semaphore_mem>>
      %dma_start3A = tpu.memref_bitcast %arg12 : memref<80x128xi32, #tpu.memory_space<vmem>> -> memref<80x128xf32, #tpu.memory_space<vmem>>
      %dma_start3A_34 = arith.constant 0 : i32
      %dma_start3A_35 = tpu.memref_slice %arg9[%add3A_19, %dma_start3A_34] : memref<10000x128xf32, #tpu.memory_space<vmem_shared>> -> memref<80x128xf32, #tpu.memory_space<vmem_shared>>
      %dma_start3A_36 = arith.constant 0 : i32
      %dma_start3A_37 = tpu.memref_slice %arg9[%add3A_19, %dma_start3A_36] : memref<10000x128xf32, #tpu.memory_space<vmem_shared>> -> memref<80x128xf32, #tpu.memory_space<vmem_shared>>
      %dma_start3A_38 = tpu.memref_bitcast %arg12 : memref<80x128xi32, #tpu.memory_space<vmem>> -> memref<80x128xf32, #tpu.memory_space<vmem>>
      tpu.enqueue_dma source(%dma_start3A_38 : memref<80x128xf32, #tpu.memory_space<vmem>>) target(%dma_start3A_37 : memref<80x128xf32, #tpu.memory_space<vmem_shared>>) target_semaphore(%run_scoped3A : memref<!tpu.dma_semaphore, #tpu.memory_space<semaphore_mem>>)
      %dma_wait3A = tpu.memref_bitcast %arg12 : memref<80x128xi32, #tpu.memory_space<vmem>> -> memref<80x128xf32, #tpu.memory_space<vmem>>
      %dma_wait3A_39 = arith.constant 0 : i32
      %dma_wait3A_40 = tpu.memref_slice %arg9[%add3A_19, %dma_wait3A_39] : memref<10000x128xf32, #tpu.memory_space<vmem_shared>> -> memref<80x128xf32, #tpu.memory_space<vmem_shared>>
      %dma_wait3A_41 = arith.constant 0 : i32
      %dma_wait3A_42 = tpu.memref_slice %arg9[%add3A_19, %dma_wait3A_41] : memref<10000x128xf32, #tpu.memory_space<vmem_shared>> -> memref<80x128xf32, #tpu.memory_space<vmem_shared>>
      %dma_wait3A_43 = tpu.memref_bitcast %arg12 : memref<80x128xi32, #tpu.memory_space<vmem>> -> memref<80x128xf32, #tpu.memory_space<vmem>>
      tpu.wait_dma2 semaphore(%run_scoped3A : memref<!tpu.dma_semaphore, #tpu.memory_space<semaphore_mem>>) src(%dma_wait3A_43 : memref<80x128xf32, #tpu.memory_space<vmem>>) dst(%dma_wait3A_42 : memref<80x128xf32, #tpu.memory_space<vmem_shared>>)
      tpu.yield
    }) : () -> ()
    %add3A_20 = arith.constant 560 : i32
    %add3A_21 = arith.addi %mul3A_6, %add3A_20 : i32
    "tpu.region"() ({
      %run_scoped3A = tpu.sem_alloc : memref<!tpu.dma_semaphore, #tpu.memory_space<semaphore_mem>>
      %dma_start3A = tpu.memref_bitcast %arg12 : memref<80x128xi32, #tpu.memory_space<vmem>> -> memref<80x128xf32, #tpu.memory_space<vmem>>
      %dma_start3A_34 = arith.constant 0 : i32
      %dma_start3A_35 = arith.constant 0 : i32
      %dma_start3A_36 = tpu.memref_slice %dma_start3A[%dma_start3A_34, %dma_start3A_35] : memref<80x128xf32, #tpu.memory_space<vmem>> -> memref<64x128xf32, #tpu.memory_space<vmem>>
      %dma_start3A_37 = arith.constant 0 : i32
      %dma_start3A_38 = tpu.memref_slice %arg9[%add3A_21, %dma_start3A_37] : memref<10000x128xf32, #tpu.memory_space<vmem_shared>> -> memref<64x128xf32, #tpu.memory_space<vmem_shared>>
      %dma_start3A_39 = arith.constant 0 : i32
      %dma_start3A_40 = tpu.memref_slice %arg9[%add3A_21, %dma_start3A_39] : memref<10000x128xf32, #tpu.memory_space<vmem_shared>> -> memref<64x128xf32, #tpu.memory_space<vmem_shared>>
      %dma_start3A_41 = tpu.memref_bitcast %arg12 : memref<80x128xi32, #tpu.memory_space<vmem>> -> memref<80x128xf32, #tpu.memory_space<vmem>>
      %dma_start3A_42 = arith.constant 0 : i32
      %dma_start3A_43 = arith.constant 0 : i32
      %dma_start3A_44 = tpu.memref_slice %dma_start3A_41[%dma_start3A_42, %dma_start3A_43] : memref<80x128xf32, #tpu.memory_space<vmem>> -> memref<64x128xf32, #tpu.memory_space<vmem>>
      tpu.enqueue_dma source(%dma_start3A_44 : memref<64x128xf32, #tpu.memory_space<vmem>>) target(%dma_start3A_40 : memref<64x128xf32, #tpu.memory_space<vmem_shared>>) target_semaphore(%run_scoped3A : memref<!tpu.dma_semaphore, #tpu.memory_space<semaphore_mem>>)
      %dma_wait3A = tpu.memref_bitcast %arg12 : memref<80x128xi32, #tpu.memory_space<vmem>> -> memref<80x128xf32, #tpu.memory_space<vmem>>
      %dma_wait3A_45 = arith.constant 0 : i32
      %dma_wait3A_46 = arith.constant 0 : i32
      %dma_wait3A_47 = tpu.memref_slice %dma_wait3A[%dma_wait3A_45, %dma_wait3A_46] : memref<80x128xf32, #tpu.memory_space<vmem>> -> memref<64x128xf32, #tpu.memory_space<vmem>>
      %dma_wait3A_48 = arith.constant 0 : i32
      %dma_wait3A_49 = tpu.memref_slice %arg9[%add3A_21, %dma_wait3A_48] : memref<10000x128xf32, #tpu.memory_space<vmem_shared>> -> memref<64x128xf32, #tpu.memory_space<vmem_shared>>
      %dma_wait3A_50 = arith.constant 0 : i32
      %dma_wait3A_51 = tpu.memref_slice %arg9[%add3A_21, %dma_wait3A_50] : memref<10000x128xf32, #tpu.memory_space<vmem_shared>> -> memref<64x128xf32, #tpu.memory_space<vmem_shared>>
      %dma_wait3A_52 = tpu.memref_bitcast %arg12 : memref<80x128xi32, #tpu.memory_space<vmem>> -> memref<80x128xf32, #tpu.memory_space<vmem>>
      %dma_wait3A_53 = arith.constant 0 : i32
      %dma_wait3A_54 = arith.constant 0 : i32
      %dma_wait3A_55 = tpu.memref_slice %dma_wait3A_52[%dma_wait3A_53, %dma_wait3A_54] : memref<80x128xf32, #tpu.memory_space<vmem>> -> memref<64x128xf32, #tpu.memory_space<vmem>>
      tpu.wait_dma2 semaphore(%run_scoped3A : memref<!tpu.dma_semaphore, #tpu.memory_space<semaphore_mem>>) src(%dma_wait3A_55 : memref<64x128xf32, #tpu.memory_space<vmem>>) dst(%dma_wait3A_51 : memref<64x128xf32, #tpu.memory_space<vmem_shared>>)
      tpu.yield
    }) : () -> ()
    %eq3A = arith.constant 15 : i32
    %eq3A_22 = arith.cmpi eq, %arg1, %eq3A : i32
    %convert_element_type3A = arith.extui %eq3A_22 : i1 to i32
    %cond3A = arith.constant 0 : i32
    %cond3A_23 = arith.cmpi ne, %convert_element_type3A, %cond3A : i32
    scf.if %cond3A_23 {
      "tpu.region"() ({
        %run_scoped3A = tpu.sem_alloc : memref<!tpu.dma_semaphore, #tpu.memory_space<semaphore_mem>>
        %dma_start3A = tpu.memref_bitcast %arg12 : memref<80x128xi32, #tpu.memory_space<vmem>> -> memref<80x128xf32, #tpu.memory_space<vmem>>
        %dma_start3A_34 = arith.constant 0 : i32
        %dma_start3A_35 = arith.constant 0 : i32
        %dma_start3A_36 = tpu.memref_slice %dma_start3A[%dma_start3A_34, %dma_start3A_35] : memref<80x128xf32, #tpu.memory_space<vmem>> -> memref<16x128xf32, #tpu.memory_space<vmem>>
        %dma_start3A_37 = arith.constant 9984 : i32
        %dma_start3A_38 = arith.constant 0 : i32
        %dma_start3A_39 = tpu.memref_slice %arg9[%dma_start3A_37, %dma_start3A_38] : memref<10000x128xf32, #tpu.memory_space<vmem_shared>> -> memref<16x128xf32, #tpu.memory_space<vmem_shared>>
        %dma_start3A_40 = arith.constant 9984 : i32
        %dma_start3A_41 = arith.constant 0 : i32
        %dma_start3A_42 = tpu.memref_slice %arg9[%dma_start3A_40, %dma_start3A_41] : memref<10000x128xf32, #tpu.memory_space<vmem_shared>> -> memref<16x128xf32, #tpu.memory_space<vmem_shared>>
        %dma_start3A_43 = tpu.memref_bitcast %arg12 : memref<80x128xi32, #tpu.memory_space<vmem>> -> memref<80x128xf32, #tpu.memory_space<vmem>>
        %dma_start3A_44 = arith.constant 0 : i32
        %dma_start3A_45 = arith.constant 0 : i32
        %dma_start3A_46 = tpu.memref_slice %dma_start3A_43[%dma_start3A_44, %dma_start3A_45] : memref<80x128xf32, #tpu.memory_space<vmem>> -> memref<16x128xf32, #tpu.memory_space<vmem>>
        tpu.enqueue_dma source(%dma_start3A_46 : memref<16x128xf32, #tpu.memory_space<vmem>>) target(%dma_start3A_42 : memref<16x128xf32, #tpu.memory_space<vmem_shared>>) target_semaphore(%run_scoped3A : memref<!tpu.dma_semaphore, #tpu.memory_space<semaphore_mem>>)
        %dma_wait3A = tpu.memref_bitcast %arg12 : memref<80x128xi32, #tpu.memory_space<vmem>> -> memref<80x128xf32, #tpu.memory_space<vmem>>
        %dma_wait3A_47 = arith.constant 0 : i32
        %dma_wait3A_48 = arith.constant 0 : i32
        %dma_wait3A_49 = tpu.memref_slice %dma_wait3A[%dma_wait3A_47, %dma_wait3A_48] : memref<80x128xf32, #tpu.memory_space<vmem>> -> memref<16x128xf32, #tpu.memory_space<vmem>>
        %dma_wait3A_50 = arith.constant 9984 : i32
        %dma_wait3A_51 = arith.constant 0 : i32
        %dma_wait3A_52 = tpu.memref_slice %arg9[%dma_wait3A_50, %dma_wait3A_51] : memref<10000x128xf32, #tpu.memory_space<vmem_shared>> -> memref<16x128xf32, #tpu.memory_space<vmem_shared>>
        %dma_wait3A_53 = arith.constant 9984 : i32
        %dma_wait3A_54 = arith.constant 0 : i32
        %dma_wait3A_55 = tpu.memref_slice %arg9[%dma_wait3A_53, %dma_wait3A_54] : memref<10000x128xf32, #tpu.memory_space<vmem_shared>> -> memref<16x128xf32, #tpu.memory_space<vmem_shared>>
        %dma_wait3A_56 = tpu.memref_bitcast %arg12 : memref<80x128xi32, #tpu.memory_space<vmem>> -> memref<80x128xf32, #tpu.memory_space<vmem>>
        %dma_wait3A_57 = arith.constant 0 : i32
        %dma_wait3A_58 = arith.constant 0 : i32
        %dma_wait3A_59 = tpu.memref_slice %dma_wait3A_56[%dma_wait3A_57, %dma_wait3A_58] : memref<80x128xf32, #tpu.memory_space<vmem>> -> memref<16x128xf32, #tpu.memory_space<vmem>>
        tpu.wait_dma2 semaphore(%run_scoped3A : memref<!tpu.dma_semaphore, #tpu.memory_space<semaphore_mem>>) src(%dma_wait3A_59 : memref<16x128xf32, #tpu.memory_space<vmem>>) dst(%dma_wait3A_55 : memref<16x128xf32, #tpu.memory_space<vmem_shared>>)
        tpu.yield
      }) : () -> ()
    } else {
    }
    %barrier3A = arith.constant 0 : index
    tpu.barrier barrier_id(%barrier3A)
    %eq3A_24 = arith.constant 0 : i32
    %eq3A_25 = arith.cmpi eq, %arg0, %eq3A_24 : i32
    %convert_element_type3A_26 = arith.extui %eq3A_25 : i1 to i32
    %cond3A_27 = arith.constant 0 : i32
    %cond3A_28 = arith.cmpi ne, %convert_element_type3A_26, %cond3A_27 : i32
    scf.if %cond3A_28 {
      %add3A_34 = arith.constant 0 : i32
      %add3A_35 = arith.addi %arg1, %add3A_34 : i32
      %mul3A_36 = arith.constant 80 : i32
      %mul3A_37 = arith.muli %add3A_35, %mul3A_36 : i32
      %run_scoped3A = arith.constant 0 : i32
      "tpu.region"() ({
        %run_scoped3A_96 = tpu.sem_alloc : memref<!tpu.dma_semaphore, #tpu.memory_space<semaphore_mem>>
        %dma_start3A_97 = arith.constant 0 : i32
        %dma_start3A_98 = tpu.memref_slice %arg10[%run_scoped3A, %dma_start3A_97] : memref<2x80xi32, #tpu.memory_space<vmem>> -> memref<1x80xi32, #tpu.memory_space<vmem>>
        %dma_start3A_99 = tpu.memref_squeeze %dma_start3A_98 : memref<1x80xi32, #tpu.memory_space<vmem>> -> memref<80xi32, #tpu.memory_space<vmem>>
        %dma_start3A_100 = tpu.memref_slice %arg5[%mul3A_37] : memref<320000xi32, #tpu.memory_space<hbm>> -> memref<80xi32, #tpu.memory_space<hbm>>
        %dma_start3A_101 = arith.constant 0 : i32
        %dma_start3A_102 = tpu.memref_slice %arg10[%run_scoped3A, %dma_start3A_101] : memref<2x80xi32, #tpu.memory_space<vmem>> -> memref<1x80xi32, #tpu.memory_space<vmem>>
        %dma_start3A_103 = tpu.memref_squeeze %dma_start3A_102 : memref<1x80xi32, #tpu.memory_space<vmem>> -> memref<80xi32, #tpu.memory_space<vmem>>
        %dma_start3A_104 = tpu.memref_slice %arg5[%mul3A_37] : memref<320000xi32, #tpu.memory_space<hbm>> -> memref<80xi32, #tpu.memory_space<hbm>>
        tpu.enqueue_dma source(%dma_start3A_104 : memref<80xi32, #tpu.memory_space<hbm>>) target(%dma_start3A_103 : memref<80xi32, #tpu.memory_space<vmem>>) target_semaphore(%run_scoped3A_96 : memref<!tpu.dma_semaphore, #tpu.memory_space<semaphore_mem>>)
        %dma_wait3A = arith.constant 0 : i32
        %dma_wait3A_105 = tpu.memref_slice %arg10[%run_scoped3A, %dma_wait3A] : memref<2x80xi32, #tpu.memory_space<vmem>> -> memref<1x80xi32, #tpu.memory_space<vmem>>
        %dma_wait3A_106 = tpu.memref_squeeze %dma_wait3A_105 : memref<1x80xi32, #tpu.memory_space<vmem>> -> memref<80xi32, #tpu.memory_space<vmem>>
        %dma_wait3A_107 = tpu.memref_slice %arg5[%mul3A_37] : memref<320000xi32, #tpu.memory_space<hbm>> -> memref<80xi32, #tpu.memory_space<hbm>>
        %dma_wait3A_108 = arith.constant 0 : i32
        %dma_wait3A_109 = tpu.memref_slice %arg10[%run_scoped3A, %dma_wait3A_108] : memref<2x80xi32, #tpu.memory_space<vmem>> -> memref<1x80xi32, #tpu.memory_space<vmem>>
        %dma_wait3A_110 = tpu.memref_squeeze %dma_wait3A_109 : memref<1x80xi32, #tpu.memory_space<vmem>> -> memref<80xi32, #tpu.memory_space<vmem>>
        %dma_wait3A_111 = tpu.memref_slice %arg5[%mul3A_37] : memref<320000xi32, #tpu.memory_space<hbm>> -> memref<80xi32, #tpu.memory_space<hbm>>
        tpu.wait_dma2 semaphore(%run_scoped3A_96 : memref<!tpu.dma_semaphore, #tpu.memory_space<semaphore_mem>>) src(%dma_wait3A_111 : memref<80xi32, #tpu.memory_space<hbm>>) dst(%dma_wait3A_110 : memref<80xi32, #tpu.memory_space<vmem>>)
        tpu.yield
      }) : () -> ()
      %add3A_38 = arith.constant 0 : i32
      %add3A_39 = arith.addi %arg1, %add3A_38 : i32
      %mul3A_40 = arith.constant 80 : i32
      %mul3A_41 = arith.muli %add3A_39, %mul3A_40 : i32
      %run_scoped3A_42 = arith.constant 0 : i32
      "tpu.region"() ({
        %run_scoped3A_96 = tpu.sem_alloc : memref<!tpu.dma_semaphore, #tpu.memory_space<semaphore_mem>>
        %dma_start3A_97 = arith.constant 0 : i32
        %dma_start3A_98 = tpu.memref_slice %arg11[%run_scoped3A_42, %dma_start3A_97] : memref<2x80xi32, #tpu.memory_space<vmem>> -> memref<1x80xi32, #tpu.memory_space<vmem>>
        %dma_start3A_99 = tpu.memref_squeeze %dma_start3A_98 : memref<1x80xi32, #tpu.memory_space<vmem>> -> memref<80xi32, #tpu.memory_space<vmem>>
        %dma_start3A_100 = tpu.memref_slice %arg6[%mul3A_41] : memref<320000xi32, #tpu.memory_space<hbm>> -> memref<80xi32, #tpu.memory_space<hbm>>
        %dma_start3A_101 = arith.constant 0 : i32
        %dma_start3A_102 = tpu.memref_slice %arg11[%run_scoped3A_42, %dma_start3A_101] : memref<2x80xi32, #tpu.memory_space<vmem>> -> memref<1x80xi32, #tpu.memory_space<vmem>>
        %dma_start3A_103 = tpu.memref_squeeze %dma_start3A_102 : memref<1x80xi32, #tpu.memory_space<vmem>> -> memref<80xi32, #tpu.memory_space<vmem>>
        %dma_start3A_104 = tpu.memref_slice %arg6[%mul3A_41] : memref<320000xi32, #tpu.memory_space<hbm>> -> memref<80xi32, #tpu.memory_space<hbm>>
        tpu.enqueue_dma source(%dma_start3A_104 : memref<80xi32, #tpu.memory_space<hbm>>) target(%dma_start3A_103 : memref<80xi32, #tpu.memory_space<vmem>>) target_semaphore(%run_scoped3A_96 : memref<!tpu.dma_semaphore, #tpu.memory_space<semaphore_mem>>)
        %dma_wait3A = arith.constant 0 : i32
        %dma_wait3A_105 = tpu.memref_slice %arg11[%run_scoped3A_42, %dma_wait3A] : memref<2x80xi32, #tpu.memory_space<vmem>> -> memref<1x80xi32, #tpu.memory_space<vmem>>
        %dma_wait3A_106 = tpu.memref_squeeze %dma_wait3A_105 : memref<1x80xi32, #tpu.memory_space<vmem>> -> memref<80xi32, #tpu.memory_space<vmem>>
        %dma_wait3A_107 = tpu.memref_slice %arg6[%mul3A_41] : memref<320000xi32, #tpu.memory_space<hbm>> -> memref<80xi32, #tpu.memory_space<hbm>>
        %dma_wait3A_108 = arith.constant 0 : i32
        %dma_wait3A_109 = tpu.memref_slice %arg11[%run_scoped3A_42, %dma_wait3A_108] : memref<2x80xi32, #tpu.memory_space<vmem>> -> memref<1x80xi32, #tpu.memory_space<vmem>>
        %dma_wait3A_110 = tpu.memref_squeeze %dma_wait3A_109 : memref<1x80xi32, #tpu.memory_space<vmem>> -> memref<80xi32, #tpu.memory_space<vmem>>
        %dma_wait3A_111 = tpu.memref_slice %arg6[%mul3A_41] : memref<320000xi32, #tpu.memory_space<hbm>> -> memref<80xi32, #tpu.memory_space<hbm>>
        tpu.wait_dma2 semaphore(%run_scoped3A_96 : memref<!tpu.dma_semaphore, #tpu.memory_space<semaphore_mem>>) src(%dma_wait3A_111 : memref<80xi32, #tpu.memory_space<hbm>>) dst(%dma_wait3A_110 : memref<80xi32, #tpu.memory_space<vmem>>)
        tpu.yield
      }) : () -> ()
      %dma_start3A = arith.constant 0 : i32
      %dma_start3A_43 = arith.constant 0 : i32
      %dma_start3A_44 = tpu.memref_slice %arg10[%dma_start3A, %dma_start3A_43] : memref<2x80xi32, #tpu.memory_space<vmem>> -> memref<1x80xi32, #tpu.memory_space<vmem>>
      %dma_start3A_45 = tpu.memref_squeeze %dma_start3A_44 : memref<1x80xi32, #tpu.memory_space<vmem>> -> memref<80xi32, #tpu.memory_space<vmem>>
      %dma_start3A_46 = arith.constant 0 : i32
      %dma_start3A_47 = arith.constant 0 : i32
      %dma_start3A_48 = tpu.memref_slice %arg2[%dma_start3A_46, %dma_start3A_47] : memref<10000x128xi32, #tpu.memory_space<hbm>> -> memref<10000x128xi32, #tpu.memory_space<hbm>>
      tpu.enqueue_indirect_dma source(%dma_start3A_48 : memref<10000x128xi32, #tpu.memory_space<hbm>>) target(%arg12 : memref<80x128xi32, #tpu.memory_space<vmem>>) offsets(%dma_start3A_45 : memref<80xi32, #tpu.memory_space<vmem>>) semaphore(%arg16 : memref<!tpu.dma_semaphore, #tpu.memory_space<semaphore_mem>>)
      %add3A_49 = arith.constant 0 : i32
      %add3A_50 = arith.addi %arg1, %add3A_49 : i32
      %mul3A_51 = arith.constant 80 : i32
      %mul3A_52 = arith.muli %add3A_50, %mul3A_51 : i32
      %dma_start3A_53 = arith.constant 0 : i32
      %dma_start3A_54 = tpu.memref_slice %arg3[%mul3A_52, %dma_start3A_53] : memref<320000x64xi32, #tpu.memory_space<hbm>> -> memref<80x64xi32, #tpu.memory_space<hbm>>
      %dma_start3A_55 = arith.constant 0 : i32
      %dma_start3A_56 = tpu.memref_slice %arg3[%mul3A_52, %dma_start3A_55] : memref<320000x64xi32, #tpu.memory_space<hbm>> -> memref<80x64xi32, #tpu.memory_space<hbm>>
      tpu.enqueue_dma source(%dma_start3A_56 : memref<80x64xi32, #tpu.memory_space<hbm>>) target(%arg14 : memref<80x64xi32, #tpu.memory_space<vmem>>) target_semaphore(%arg18 : memref<!tpu.dma_semaphore, #tpu.memory_space<semaphore_mem>>)
      %add3A_57 = arith.constant 16 : i32
      %add3A_58 = arith.addi %arg1, %add3A_57 : i32
      %mul3A_59 = arith.constant 80 : i32
      %mul3A_60 = arith.muli %add3A_58, %mul3A_59 : i32
      %dma_start3A_61 = arith.constant 1 : i32
      %dma_start3A_62 = arith.constant 0 : i32
      %dma_start3A_63 = tpu.memref_slice %arg10[%dma_start3A_61, %dma_start3A_62] : memref<2x80xi32, #tpu.memory_space<vmem>> -> memref<1x80xi32, #tpu.memory_space<vmem>>
      %dma_start3A_64 = tpu.memref_squeeze %dma_start3A_63 : memref<1x80xi32, #tpu.memory_space<vmem>> -> memref<80xi32, #tpu.memory_space<vmem>>
      %dma_start3A_65 = tpu.memref_slice %arg5[%mul3A_60] : memref<320000xi32, #tpu.memory_space<hbm>> -> memref<80xi32, #tpu.memory_space<hbm>>
      %dma_start3A_66 = arith.constant 0 : i32
      %dma_start3A_67 = tpu.memref_slice %arg10[%dma_start3A_61, %dma_start3A_66] : memref<2x80xi32, #tpu.memory_space<vmem>> -> memref<1x80xi32, #tpu.memory_space<vmem>>
      %dma_start3A_68 = tpu.memref_squeeze %dma_start3A_67 : memref<1x80xi32, #tpu.memory_space<vmem>> -> memref<80xi32, #tpu.memory_space<vmem>>
      %dma_start3A_69 = tpu.memref_slice %arg5[%mul3A_60] : memref<320000xi32, #tpu.memory_space<hbm>> -> memref<80xi32, #tpu.memory_space<hbm>>
      tpu.enqueue_dma source(%dma_start3A_69 : memref<80xi32, #tpu.memory_space<hbm>>) target(%dma_start3A_68 : memref<80xi32, #tpu.memory_space<vmem>>) target_semaphore(%arg20 : memref<!tpu.dma_semaphore, #tpu.memory_space<semaphore_mem>>)
      %add3A_70 = arith.constant 16 : i32
      %add3A_71 = arith.addi %arg1, %add3A_70 : i32
      %mul3A_72 = arith.constant 80 : i32
      %mul3A_73 = arith.muli %add3A_71, %mul3A_72 : i32
      %dma_start3A_74 = arith.constant 1 : i32
      %dma_start3A_75 = arith.constant 0 : i32
      %dma_start3A_76 = tpu.memref_slice %arg11[%dma_start3A_74, %dma_start3A_75] : memref<2x80xi32, #tpu.memory_space<vmem>> -> memref<1x80xi32, #tpu.memory_space<vmem>>
      %dma_start3A_77 = tpu.memref_squeeze %dma_start3A_76 : memref<1x80xi32, #tpu.memory_space<vmem>> -> memref<80xi32, #tpu.memory_space<vmem>>
      %dma_start3A_78 = tpu.memref_slice %arg6[%mul3A_73] : memref<320000xi32, #tpu.memory_space<hbm>> -> memref<80xi32, #tpu.memory_space<hbm>>
      %dma_start3A_79 = arith.constant 0 : i32
      %dma_start3A_80 = tpu.memref_slice %arg11[%dma_start3A_74, %dma_start3A_79] : memref<2x80xi32, #tpu.memory_space<vmem>> -> memref<1x80xi32, #tpu.memory_space<vmem>>
      %dma_start3A_81 = tpu.memref_squeeze %dma_start3A_80 : memref<1x80xi32, #tpu.memory_space<vmem>> -> memref<80xi32, #tpu.memory_space<vmem>>
      %dma_start3A_82 = tpu.memref_slice %arg6[%mul3A_73] : memref<320000xi32, #tpu.memory_space<hbm>> -> memref<80xi32, #tpu.memory_space<hbm>>
      tpu.enqueue_dma source(%dma_start3A_82 : memref<80xi32, #tpu.memory_space<hbm>>) target(%dma_start3A_81 : memref<80xi32, #tpu.memory_space<vmem>>) target_semaphore(%arg20 : memref<!tpu.dma_semaphore, #tpu.memory_space<semaphore_mem>>)
      %scan3A_83 = arith.constant 0 : i32
      %scan3A_84 = arith.constant 0 : i32
      %scan3A_85 = arith.constant 125 : i32
      %scan3A_86 = arith.addi %scan3A_84, %scan3A_85 : i32
      %scan3A_87 = arith.constant 1 : i32
      %scan3A_88 = scf.for %scan3A_96 = %scan3A_84 to %scan3A_86 step %scan3A_87 iter_args(%scan3A_97 = %scan3A_83) -> (i32)  : i32 {
        %lt3A = arith.constant 124 : i32
        %lt3A_98 = arith.cmpi slt, %scan3A_96, %lt3A : i32
        %mul3A_99 = arith.constant 2 : i32
        %mul3A_100 = arith.muli %mul3A_99, %scan3A_96 : i32
        %cond3A_101 = arith.constant 1 : i32
        %dma_wait3A = arith.constant 1 : i32
        %dma_wait3A_102 = arith.constant 0 : i32
        %dma_wait3A_103 = tpu.memref_slice %arg10[%dma_wait3A, %dma_wait3A_102] : memref<2x80xi32, #tpu.memory_space<vmem>> -> memref<1x80xi32, #tpu.memory_space<vmem>>
        %dma_wait3A_104 = tpu.memref_squeeze %dma_wait3A_103 : memref<1x80xi32, #tpu.memory_space<vmem>> -> memref<80xi32, #tpu.memory_space<vmem>>
        %dma_wait3A_105 = arith.constant 0 : i32
        %dma_wait3A_106 = tpu.memref_slice %arg5[%dma_wait3A_105] : memref<320000xi32, #tpu.memory_space<hbm>> -> memref<80xi32, #tpu.memory_space<hbm>>
        %dma_wait3A_107 = arith.constant 0 : i32
        %dma_wait3A_108 = tpu.memref_slice %arg10[%dma_wait3A, %dma_wait3A_107] : memref<2x80xi32, #tpu.memory_space<vmem>> -> memref<1x80xi32, #tpu.memory_space<vmem>>
        %dma_wait3A_109 = tpu.memref_squeeze %dma_wait3A_108 : memref<1x80xi32, #tpu.memory_space<vmem>> -> memref<80xi32, #tpu.memory_space<vmem>>
        %dma_wait3A_110 = arith.constant 0 : i32
        %dma_wait3A_111 = tpu.memref_slice %arg5[%dma_wait3A_110] : memref<320000xi32, #tpu.memory_space<hbm>> -> memref<80xi32, #tpu.memory_space<hbm>>
        tpu.wait_dma2 semaphore(%arg20 : memref<!tpu.dma_semaphore, #tpu.memory_space<semaphore_mem>>) src(%dma_wait3A_111 : memref<80xi32, #tpu.memory_space<hbm>>) dst(%dma_wait3A_109 : memref<80xi32, #tpu.memory_space<vmem>>)
        %dma_wait3A_112 = arith.constant 1 : i32
        %dma_wait3A_113 = arith.constant 0 : i32
        %dma_wait3A_114 = tpu.memref_slice %arg11[%dma_wait3A_112, %dma_wait3A_113] : memref<2x80xi32, #tpu.memory_space<vmem>> -> memref<1x80xi32, #tpu.memory_space<vmem>>
        %dma_wait3A_115 = tpu.memref_squeeze %dma_wait3A_114 : memref<1x80xi32, #tpu.memory_space<vmem>> -> memref<80xi32, #tpu.memory_space<vmem>>
        %dma_wait3A_116 = arith.constant 0 : i32
        %dma_wait3A_117 = tpu.memref_slice %arg6[%dma_wait3A_116] : memref<320000xi32, #tpu.memory_space<hbm>> -> memref<80xi32, #tpu.memory_space<hbm>>
        %dma_wait3A_118 = arith.constant 0 : i32
        %dma_wait3A_119 = tpu.memref_slice %arg11[%dma_wait3A_112, %dma_wait3A_118] : memref<2x80xi32, #tpu.memory_space<vmem>> -> memref<1x80xi32, #tpu.memory_space<vmem>>
        %dma_wait3A_120 = tpu.memref_squeeze %dma_wait3A_119 : memref<1x80xi32, #tpu.memory_space<vmem>> -> memref<80xi32, #tpu.memory_space<vmem>>
        %dma_wait3A_121 = arith.constant 0 : i32
        %dma_wait3A_122 = tpu.memref_slice %arg6[%dma_wait3A_121] : memref<320000xi32, #tpu.memory_space<hbm>> -> memref<80xi32, #tpu.memory_space<hbm>>
        tpu.wait_dma2 semaphore(%arg20 : memref<!tpu.dma_semaphore, #tpu.memory_space<semaphore_mem>>) src(%dma_wait3A_122 : memref<80xi32, #tpu.memory_space<hbm>>) dst(%dma_wait3A_120 : memref<80xi32, #tpu.memory_space<vmem>>)
        %add3A_123 = arith.constant 1 : i32
        %add3A_124 = arith.addi %mul3A_100, %add3A_123 : i32
        %dma_start3A_125 = arith.constant 1 : i32
        %dma_start3A_126 = arith.constant 0 : i32
        %dma_start3A_127 = tpu.memref_slice %arg10[%dma_start3A_125, %dma_start3A_126] : memref<2x80xi32, #tpu.memory_space<vmem>> -> memref<1x80xi32, #tpu.memory_space<vmem>>
        %dma_start3A_128 = tpu.memref_squeeze %dma_start3A_127 : memref<1x80xi32, #tpu.memory_space<vmem>> -> memref<80xi32, #tpu.memory_space<vmem>>
        %dma_start3A_129 = arith.constant 0 : i32
        %dma_start3A_130 = arith.constant 0 : i32
        %dma_start3A_131 = tpu.memref_slice %arg2[%dma_start3A_129, %dma_start3A_130] : memref<10000x128xi32, #tpu.memory_space<hbm>> -> memref<10000x128xi32, #tpu.memory_space<hbm>>
        tpu.enqueue_indirect_dma source(%dma_start3A_131 : memref<10000x128xi32, #tpu.memory_space<hbm>>) target(%arg13 : memref<80x128xi32, #tpu.memory_space<vmem>>) offsets(%dma_start3A_128 : memref<80xi32, #tpu.memory_space<vmem>>) semaphore(%arg17 : memref<!tpu.dma_semaphore, #tpu.memory_space<semaphore_mem>>)
        %mul3A_132 = arith.constant 16 : i32
        %mul3A_133 = arith.muli %add3A_124, %mul3A_132 : i32
        %add3A_134 = arith.addi %arg1, %mul3A_133 : i32
        %mul3A_135 = arith.constant 80 : i32
        %mul3A_136 = arith.muli %add3A_134, %mul3A_135 : i32
        %dma_start3A_137 = arith.constant 0 : i32
        %dma_start3A_138 = tpu.memref_slice %arg3[%mul3A_136, %dma_start3A_137] : memref<320000x64xi32, #tpu.memory_space<hbm>> -> memref<80x64xi32, #tpu.memory_space<hbm>>
        %dma_start3A_139 = arith.constant 0 : i32
        %dma_start3A_140 = tpu.memref_slice %arg3[%mul3A_136, %dma_start3A_139] : memref<320000x64xi32, #tpu.memory_space<hbm>> -> memref<80x64xi32, #tpu.memory_space<hbm>>
        tpu.enqueue_dma source(%dma_start3A_140 : memref<80x64xi32, #tpu.memory_space<hbm>>) target(%arg15 : memref<80x64xi32, #tpu.memory_space<vmem>>) target_semaphore(%arg19 : memref<!tpu.dma_semaphore, #tpu.memory_space<semaphore_mem>>)
        %dma_wait3A_141 = arith.constant 0 : i32
        %dma_wait3A_142 = arith.constant 0 : i32
        %dma_wait3A_143 = tpu.memref_slice %arg2[%dma_wait3A_141, %dma_wait3A_142] : memref<10000x128xi32, #tpu.memory_space<hbm>> -> memref<80x128xi32, #tpu.memory_space<hbm>>
        %dma_wait3A_144 = arith.constant 0 : i32
        %dma_wait3A_145 = arith.constant 0 : i32
        %dma_wait3A_146 = tpu.memref_slice %arg2[%dma_wait3A_144, %dma_wait3A_145] : memref<10000x128xi32, #tpu.memory_space<hbm>> -> memref<80x128xi32, #tpu.memory_space<hbm>>
        tpu.wait_dma2 semaphore(%arg16 : memref<!tpu.dma_semaphore, #tpu.memory_space<semaphore_mem>>) src(%dma_wait3A_146 : memref<80x128xi32, #tpu.memory_space<hbm>>) dst(%arg12 : memref<80x128xi32, #tpu.memory_space<vmem>>)
        %dma_wait3A_147 = arith.constant 0 : i32
        %dma_wait3A_148 = arith.constant 0 : i32
        %dma_wait3A_149 = tpu.memref_slice %arg3[%dma_wait3A_147, %dma_wait3A_148] : memref<320000x64xi32, #tpu.memory_space<hbm>> -> memref<80x64xi32, #tpu.memory_space<hbm>>
        %dma_wait3A_150 = arith.constant 0 : i32
        %dma_wait3A_151 = arith.constant 0 : i32
        %dma_wait3A_152 = tpu.memref_slice %arg3[%dma_wait3A_150, %dma_wait3A_151] : memref<320000x64xi32, #tpu.memory_space<hbm>> -> memref<80x64xi32, #tpu.memory_space<hbm>>
        tpu.wait_dma2 semaphore(%arg18 : memref<!tpu.dma_semaphore, #tpu.memory_space<semaphore_mem>>) src(%dma_wait3A_152 : memref<80x64xi32, #tpu.memory_space<hbm>>) dst(%arg14 : memref<80x64xi32, #tpu.memory_space<vmem>>)
        %scan3A_153 = arith.constant 0 : i32
        %scan3A_154 = arith.constant 0 : i32
        %scan3A_155 = arith.constant 80 : i32
        %scan3A_156 = arith.addi %scan3A_154, %scan3A_155 : i32
        %scan3A_157 = arith.constant 1 : i32
        %scan3A_158 = scf.for %scan3A_195 = %scan3A_154 to %scan3A_156 step %scan3A_157 iter_args(%scan3A_196 = %scan3A_153) -> (i32)  : i32 {
          %get3A = arith.index_cast %scan3A_195 : i32 to index
          %get3A_197 = arith.constant 0 : index
          %get3A_198 = tpu.vector_load %arg14[%get3A, %get3A_197] {strides = array<i32>} : memref<80x64xi32, #tpu.memory_space<vmem>>, vector<16xi32>,
          %bitcast3A = vector.bitcast %get3A_198 : vector<16xi32> to vector<32xbf16>
          %unpack3A = tpu.unpack_subelements %bitcast3A, 0 {pack_format = #tpu.pack_format<interleaved>} : vector<32xbf16> -> vector<16xf32>
          %unpack3A_199 = tpu.unpack_subelements %bitcast3A, 1 {pack_format = #tpu.pack_format<interleaved>} : vector<32xbf16> -> vector<16xf32>
          %get3A_200 = arith.index_cast %scan3A_195 : i32 to index
          %get3A_201 = arith.constant 0 : index
          %get3A_202 = tpu.vector_load %arg12[%get3A_200, %get3A_201] {strides = array<i32>} : memref<80x128xi32, #tpu.memory_space<vmem>>, vector<16xi32>,
          %bitcast3A_203 = vector.bitcast %get3A_202 : vector<16xi32> to vector<32xbf16>
          %unpack3A_204 = tpu.unpack_subelements %bitcast3A_203, 0 {pack_format = #tpu.pack_format<interleaved>} : vector<32xbf16> -> vector<16xf32>
          %unpack3A_205 = tpu.unpack_subelements %bitcast3A_203, 1 {pack_format = #tpu.pack_format<interleaved>} : vector<32xbf16> -> vector<16xf32>
          %get3A_206 = arith.index_cast %scan3A_195 : i32 to index
          %get3A_207 = arith.constant 64 : index
          %get3A_208 = tpu.vector_load %arg12[%get3A_206, %get3A_207] {strides = array<i32>} : memref<80x128xi32, #tpu.memory_space<vmem>>, vector<16xi32>,
          %bitcast3A_209 = vector.bitcast %get3A_208 : vector<16xi32> to vector<32xbf16>
          %unpack3A_210 = tpu.unpack_subelements %bitcast3A_209, 0 {pack_format = #tpu.pack_format<interleaved>} : vector<32xbf16> -> vector<16xf32>
          %unpack3A_211 = tpu.unpack_subelements %bitcast3A_209, 1 {pack_format = #tpu.pack_format<interleaved>} : vector<32xbf16> -> vector<16xf32>
          %add3A_212 = arith.addf %unpack3A_204, %unpack3A : vector<16xf32>
          %max3A = arith.constant 0.000000e+00 : f32
          %max3A_213 = vector.broadcast %max3A : f32 to vector<16xf32>
          %max3A_214 = arith.maximumf %add3A_212, %max3A_213 : vector<16xf32>
          %swap3A = tpu.memref_bitcast %arg12 : memref<80x128xi32, #tpu.memory_space<vmem>> -> memref<80x128xf32, #tpu.memory_space<vmem>>
          %swap3A_215 = arith.index_cast %scan3A_195 : i32 to index
          %swap3A_216 = arith.constant 0 : index
          %swap3A_217 = tpu.vector_load %swap3A[%swap3A_215, %swap3A_216] {strides = array<i32>} : memref<80x128xf32, #tpu.memory_space<vmem>>, vector<16xf32>,
          tpu.vector_store %swap3A[%swap3A_215, %swap3A_216], %max3A_214 {strides = array<i32>} : memref<80x128xf32, #tpu.memory_space<vmem>>, vector<16xf32>,
          %add3A_218 = arith.addf %unpack3A_210, %unpack3A_199 : vector<16xf32>
          %max3A_219 = arith.constant 0.000000e+00 : f32
          %max3A_220 = vector.broadcast %max3A_219 : f32 to vector<16xf32>
          %max3A_221 = arith.maximumf %add3A_218, %max3A_220 : vector<16xf32>
          %swap3A_222 = tpu.memref_bitcast %arg12 : memref<80x128xi32, #tpu.memory_space<vmem>> -> memref<80x128xf32, #tpu.memory_space<vmem>>
          %swap3A_223 = arith.index_cast %scan3A_195 : i32 to index
          %swap3A_224 = arith.constant 64 : index
          %swap3A_225 = tpu.vector_load %swap3A_222[%swap3A_223, %swap3A_224] {strides = array<i32>} : memref<80x128xf32, #tpu.memory_space<vmem>>, vector<16xf32>,
          tpu.vector_store %swap3A_222[%swap3A_223, %swap3A_224], %max3A_221 {strides = array<i32>} : memref<80x128xf32, #tpu.memory_space<vmem>>, vector<16xf32>,
          %get3A_226 = arith.index_cast %scan3A_195 : i32 to index
          %get3A_227 = arith.constant 16 : index
          %get3A_228 = tpu.vector_load %arg14[%get3A_226, %get3A_227] {strides = array<i32>} : memref<80x64xi32, #tpu.memory_space<vmem>>, vector<16xi32>,
          %bitcast3A_229 = vector.bitcast %get3A_228 : vector<16xi32> to vector<32xbf16>
          %unpack3A_230 = tpu.unpack_subelements %bitcast3A_229, 0 {pack_format = #tpu.pack_format<interleaved>} : vector<32xbf16> -> vector<16xf32>
          %unpack3A_231 = tpu.unpack_subelements %bitcast3A_229, 1 {pack_format = #tpu.pack_format<interleaved>} : vector<32xbf16> -> vector<16xf32>
          %get3A_232 = arith.index_cast %scan3A_195 : i32 to index
          %get3A_233 = arith.constant 16 : index
          %get3A_234 = tpu.vector_load %arg12[%get3A_232, %get3A_233] {strides = array<i32>} : memref<80x128xi32, #tpu.memory_space<vmem>>, vector<16xi32>,
          %bitcast3A_235 = vector.bitcast %get3A_234 : vector<16xi32> to vector<32xbf16>
          %unpack3A_236 = tpu.unpack_subelements %bitcast3A_235, 0 {pack_format = #tpu.pack_format<interleaved>} : vector<32xbf16> -> vector<16xf32>
          %unpack3A_237 = tpu.unpack_subelements %bitcast3A_235, 1 {pack_format = #tpu.pack_format<interleaved>} : vector<32xbf16> -> vector<16xf32>
          %get3A_238 = arith.index_cast %scan3A_195 : i32 to index
          %get3A_239 = arith.constant 80 : index
          %get3A_240 = tpu.vector_load %arg12[%get3A_238, %get3A_239] {strides = array<i32>} : memref<80x128xi32, #tpu.memory_space<vmem>>, vector<16xi32>,
          %bitcast3A_241 = vector.bitcast %get3A_240 : vector<16xi32> to vector<32xbf16>
          %unpack3A_242 = tpu.unpack_subelements %bitcast3A_241, 0 {pack_format = #tpu.pack_format<interleaved>} : vector<32xbf16> -> vector<16xf32>
          %unpack3A_243 = tpu.unpack_subelements %bitcast3A_241, 1 {pack_format = #tpu.pack_format<interleaved>} : vector<32xbf16> -> vector<16xf32>
          %add3A_244 = arith.addf %unpack3A_236, %unpack3A_230 : vector<16xf32>
          %max3A_245 = arith.constant 0.000000e+00 : f32
          %max3A_246 = vector.broadcast %max3A_245 : f32 to vector<16xf32>
          %max3A_247 = arith.maximumf %add3A_244, %max3A_246 : vector<16xf32>
          %swap3A_248 = tpu.memref_bitcast %arg12 : memref<80x128xi32, #tpu.memory_space<vmem>> -> memref<80x128xf32, #tpu.memory_space<vmem>>
          %swap3A_249 = arith.index_cast %scan3A_195 : i32 to index
          %swap3A_250 = arith.constant 16 : index
          %swap3A_251 = tpu.vector_load %swap3A_248[%swap3A_249, %swap3A_250] {strides = array<i32>} : memref<80x128xf32, #tpu.memory_space<vmem>>, vector<16xf32>,
          tpu.vector_store %swap3A_248[%swap3A_249, %swap3A_250], %max3A_247 {strides = array<i32>} : memref<80x128xf32, #tpu.memory_space<vmem>>, vector<16xf32>,
          %add3A_252 = arith.addf %unpack3A_242, %unpack3A_231 : vector<16xf32>
          %max3A_253 = arith.constant 0.000000e+00 : f32
          %max3A_254 = vector.broadcast %max3A_253 : f32 to vector<16xf32>
          %max3A_255 = arith.maximumf %add3A_252, %max3A_254 : vector<16xf32>
          %swap3A_256 = tpu.memref_bitcast %arg12 : memref<80x128xi32, #tpu.memory_space<vmem>> -> memref<80x128xf32, #tpu.memory_space<vmem>>
          %swap3A_257 = arith.index_cast %scan3A_195 : i32 to index
          %swap3A_258 = arith.constant 80 : index
          %swap3A_259 = tpu.vector_load %swap3A_256[%swap3A_257, %swap3A_258] {strides = array<i32>} : memref<80x128xf32, #tpu.memory_space<vmem>>, vector<16xf32>,
          tpu.vector_store %swap3A_256[%swap3A_257, %swap3A_258], %max3A_255 {strides = array<i32>} : memref<80x128xf32, #tpu.memory_space<vmem>>, vector<16xf32>,
          %get3A_260 = arith.index_cast %scan3A_195 : i32 to index
          %get3A_261 = arith.constant 32 : index
          %get3A_262 = tpu.vector_load %arg14[%get3A_260, %get3A_261] {strides = array<i32>} : memref<80x64xi32, #tpu.memory_space<vmem>>, vector<16xi32>,
          %bitcast3A_263 = vector.bitcast %get3A_262 : vector<16xi32> to vector<32xbf16>
          %unpack3A_264 = tpu.unpack_subelements %bitcast3A_263, 0 {pack_format = #tpu.pack_format<interleaved>} : vector<32xbf16> -> vector<16xf32>
          %unpack3A_265 = tpu.unpack_subelements %bitcast3A_263, 1 {pack_format = #tpu.pack_format<interleaved>} : vector<32xbf16> -> vector<16xf32>
          %get3A_266 = arith.index_cast %scan3A_195 : i32 to index
          %get3A_267 = arith.constant 32 : index
          %get3A_268 = tpu.vector_load %arg12[%get3A_266, %get3A_267] {strides = array<i32>} : memref<80x128xi32, #tpu.memory_space<vmem>>, vector<16xi32>,
          %bitcast3A_269 = vector.bitcast %get3A_268 : vector<16xi32> to vector<32xbf16>
          %unpack3A_270 = tpu.unpack_subelements %bitcast3A_269, 0 {pack_format = #tpu.pack_format<interleaved>} : vector<32xbf16> -> vector<16xf32>
          %unpack3A_271 = tpu.unpack_subelements %bitcast3A_269, 1 {pack_format = #tpu.pack_format<interleaved>} : vector<32xbf16> -> vector<16xf32>
          %get3A_272 = arith.index_cast %scan3A_195 : i32 to index
          %get3A_273 = arith.constant 96 : index
          %get3A_274 = tpu.vector_load %arg12[%get3A_272, %get3A_273] {strides = array<i32>} : memref<80x128xi32, #tpu.memory_space<vmem>>, vector<16xi32>,
          %bitcast3A_275 = vector.bitcast %get3A_274 : vector<16xi32> to vector<32xbf16>
          %unpack3A_276 = tpu.unpack_subelements %bitcast3A_275, 0 {pack_format = #tpu.pack_format<interleaved>} : vector<32xbf16> -> vector<16xf32>
          %unpack3A_277 = tpu.unpack_subelements %bitcast3A_275, 1 {pack_format = #tpu.pack_format<interleaved>} : vector<32xbf16> -> vector<16xf32>
          %add3A_278 = arith.addf %unpack3A_270, %unpack3A_264 : vector<16xf32>
          %max3A_279 = arith.constant 0.000000e+00 : f32
          %max3A_280 = vector.broadcast %max3A_279 : f32 to vector<16xf32>
          %max3A_281 = arith.maximumf %add3A_278, %max3A_280 : vector<16xf32>
          %swap3A_282 = tpu.memref_bitcast %arg12 : memref<80x128xi32, #tpu.memory_space<vmem>> -> memref<80x128xf32, #tpu.memory_space<vmem>>
          %swap3A_283 = arith.index_cast %scan3A_195 : i32 to index
          %swap3A_284 = arith.constant 32 : index
          %swap3A_285 = tpu.vector_load %swap3A_282[%swap3A_283, %swap3A_284] {strides = array<i32>} : memref<80x128xf32, #tpu.memory_space<vmem>>, vector<16xf32>,
          tpu.vector_store %swap3A_282[%swap3A_283, %swap3A_284], %max3A_281 {strides = array<i32>} : memref<80x128xf32, #tpu.memory_space<vmem>>, vector<16xf32>,
          %add3A_286 = arith.addf %unpack3A_276, %unpack3A_265 : vector<16xf32>
          %max3A_287 = arith.constant 0.000000e+00 : f32
          %max3A_288 = vector.broadcast %max3A_287 : f32 to vector<16xf32>
          %max3A_289 = arith.maximumf %add3A_286, %max3A_288 : vector<16xf32>
          %swap3A_290 = tpu.memref_bitcast %arg12 : memref<80x128xi32, #tpu.memory_space<vmem>> -> memref<80x128xf32, #tpu.memory_space<vmem>>
          %swap3A_291 = arith.index_cast %scan3A_195 : i32 to index
          %swap3A_292 = arith.constant 96 : index
          %swap3A_293 = tpu.vector_load %swap3A_290[%swap3A_291, %swap3A_292] {strides = array<i32>} : memref<80x128xf32, #tpu.memory_space<vmem>>, vector<16xf32>,
          tpu.vector_store %swap3A_290[%swap3A_291, %swap3A_292], %max3A_289 {strides = array<i32>} : memref<80x128xf32, #tpu.memory_space<vmem>>, vector<16xf32>,
          %get3A_294 = arith.index_cast %scan3A_195 : i32 to index
          %get3A_295 = arith.constant 48 : index
          %get3A_296 = tpu.vector_load %arg14[%get3A_294, %get3A_295] {strides = array<i32>} : memref<80x64xi32, #tpu.memory_space<vmem>>, vector<16xi32>,
          %bitcast3A_297 = vector.bitcast %get3A_296 : vector<16xi32> to vector<32xbf16>
          %unpack3A_298 = tpu.unpack_subelements %bitcast3A_297, 0 {pack_format = #tpu.pack_format<interleaved>} : vector<32xbf16> -> vector<16xf32>
          %unpack3A_299 = tpu.unpack_subelements %bitcast3A_297, 1 {pack_format = #tpu.pack_format<interleaved>} : vector<32xbf16> -> vector<16xf32>
          %get3A_300 = arith.index_cast %scan3A_195 : i32 to index
          %get3A_301 = arith.constant 48 : index
          %get3A_302 = tpu.vector_load %arg12[%get3A_300, %get3A_301] {strides = array<i32>} : memref<80x128xi32, #tpu.memory_space<vmem>>, vector<16xi32>,
          %bitcast3A_303 = vector.bitcast %get3A_302 : vector<16xi32> to vector<32xbf16>
          %unpack3A_304 = tpu.unpack_subelements %bitcast3A_303, 0 {pack_format = #tpu.pack_format<interleaved>} : vector<32xbf16> -> vector<16xf32>
          %unpack3A_305 = tpu.unpack_subelements %bitcast3A_303, 1 {pack_format = #tpu.pack_format<interleaved>} : vector<32xbf16> -> vector<16xf32>
          %get3A_306 = arith.index_cast %scan3A_195 : i32 to index
          %get3A_307 = arith.constant 112 : index
          %get3A_308 = tpu.vector_load %arg12[%get3A_306, %get3A_307] {strides = array<i32>} : memref<80x128xi32, #tpu.memory_space<vmem>>, vector<16xi32>,
          %bitcast3A_309 = vector.bitcast %get3A_308 : vector<16xi32> to vector<32xbf16>
          %unpack3A_310 = tpu.unpack_subelements %bitcast3A_309, 0 {pack_format = #tpu.pack_format<interleaved>} : vector<32xbf16> -> vector<16xf32>
          %unpack3A_311 = tpu.unpack_subelements %bitcast3A_309, 1 {pack_format = #tpu.pack_format<interleaved>} : vector<32xbf16> -> vector<16xf32>
          %add3A_312 = arith.addf %unpack3A_304, %unpack3A_298 : vector<16xf32>
          %max3A_313 = arith.constant 0.000000e+00 : f32
          %max3A_314 = vector.broadcast %max3A_313 : f32 to vector<16xf32>
          %max3A_315 = arith.maximumf %add3A_312, %max3A_314 : vector<16xf32>
          %swap3A_316 = tpu.memref_bitcast %arg12 : memref<80x128xi32, #tpu.memory_space<vmem>> -> memref<80x128xf32, #tpu.memory_space<vmem>>
          %swap3A_317 = arith.index_cast %scan3A_195 : i32 to index
          %swap3A_318 = arith.constant 48 : index
          %swap3A_319 = tpu.vector_load %swap3A_316[%swap3A_317, %swap3A_318] {strides = array<i32>} : memref<80x128xf32, #tpu.memory_space<vmem>>, vector<16xf32>,
          tpu.vector_store %swap3A_316[%swap3A_317, %swap3A_318], %max3A_315 {strides = array<i32>} : memref<80x128xf32, #tpu.memory_space<vmem>>, vector<16xf32>,
          %add3A_320 = arith.addf %unpack3A_310, %unpack3A_299 : vector<16xf32>
          %max3A_321 = arith.constant 0.000000e+00 : f32
          %max3A_322 = vector.broadcast %max3A_321 : f32 to vector<16xf32>
          %max3A_323 = arith.maximumf %add3A_320, %max3A_322 : vector<16xf32>
          %swap3A_324 = tpu.memref_bitcast %arg12 : memref<80x128xi32, #tpu.memory_space<vmem>> -> memref<80x128xf32, #tpu.memory_space<vmem>>
          %swap3A_325 = arith.index_cast %scan3A_195 : i32 to index
          %swap3A_326 = arith.constant 112 : index
          %swap3A_327 = tpu.vector_load %swap3A_324[%swap3A_325, %swap3A_326] {strides = array<i32>} : memref<80x128xf32, #tpu.memory_space<vmem>>, vector<16xf32>,
          tpu.vector_store %swap3A_324[%swap3A_325, %swap3A_326], %max3A_323 {strides = array<i32>} : memref<80x128xf32, #tpu.memory_space<vmem>>, vector<16xf32>,
          %scan3A_328 = arith.constant 0 : i32
          scf.yield %scan3A_328 : i32
        }
        %scan3A_159 = arith.constant 80 : i32
        %run_scoped3A_160 = arith.constant 0 : i32
        "tpu.region"() ({
          %run_scoped3A_195 = tpu.sem_alloc : memref<!tpu.dma_semaphore, #tpu.memory_space<semaphore_mem>>
          %dma_start3A_196 = tpu.memref_bitcast %arg12 : memref<80x128xi32, #tpu.memory_space<vmem>> -> memref<80x128xf32, #tpu.memory_space<vmem>>
          %dma_start3A_197 = arith.constant 0 : i32
          %dma_start3A_198 = tpu.memref_slice %arg11[%run_scoped3A_160, %dma_start3A_197] : memref<2x80xi32, #tpu.memory_space<vmem>> -> memref<1x80xi32, #tpu.memory_space<vmem>>
          %dma_start3A_199 = tpu.memref_squeeze %dma_start3A_198 : memref<1x80xi32, #tpu.memory_space<vmem>> -> memref<80xi32, #tpu.memory_space<vmem>>
          %dma_start3A_200 = arith.constant 0 : i32
          %dma_start3A_201 = arith.constant 0 : i32
          %dma_start3A_202 = tpu.memref_slice %arg9[%dma_start3A_200, %dma_start3A_201] : memref<10000x128xf32, #tpu.memory_space<vmem_shared>> -> memref<10000x128xf32, #tpu.memory_space<vmem_shared>>
          tpu.enqueue_indirect_dma source(%dma_start3A_196 : memref<80x128xf32, #tpu.memory_space<vmem>>) target(%dma_start3A_202 : memref<10000x128xf32, #tpu.memory_space<vmem_shared>>) offsets(%dma_start3A_199 : memref<80xi32, #tpu.memory_space<vmem>>) semaphore(%run_scoped3A_195 : memref<!tpu.dma_semaphore, #tpu.memory_space<semaphore_mem>>) {add = true}
          %dma_wait3A_203 = tpu.memref_bitcast %arg12 : memref<80x128xi32, #tpu.memory_space<vmem>> -> memref<80x128xf32, #tpu.memory_space<vmem>>
          %dma_wait3A_204 = arith.constant 0 : i32
          %dma_wait3A_205 = tpu.memref_slice %arg11[%run_scoped3A_160, %dma_wait3A_204] : memref<2x80xi32, #tpu.memory_space<vmem>> -> memref<1x80xi32, #tpu.memory_space<vmem>>
          %dma_wait3A_206 = tpu.memref_squeeze %dma_wait3A_205 : memref<1x80xi32, #tpu.memory_space<vmem>> -> memref<80xi32, #tpu.memory_space<vmem>>
          %dma_wait3A_207 = arith.constant 0 : i32
          %dma_wait3A_208 = arith.constant 0 : i32
          %dma_wait3A_209 = tpu.memref_slice %arg9[%dma_wait3A_207, %dma_wait3A_208] : memref<10000x128xf32, #tpu.memory_space<vmem_shared>> -> memref<10000x128xf32, #tpu.memory_space<vmem_shared>>
          tpu.wait_indirect_dma semaphore(%run_scoped3A_195 : memref<!tpu.dma_semaphore, #tpu.memory_space<semaphore_mem>>) src(%dma_wait3A_203 : memref<80x128xf32, #tpu.memory_space<vmem>>) dst(%dma_wait3A_209 : memref<10000x128xf32, #tpu.memory_space<vmem_shared>>)
          tpu.yield
        }) : () -> ()
        %convert_element_type3A_161 = arith.extui %lt3A_98 : i1 to i32
        %cond3A_162 = arith.constant 0 : i32
        %cond3A_163 = arith.cmpi ne, %convert_element_type3A_161, %cond3A_162 : i32
        scf.if %cond3A_163 {
          %add3A_195 = arith.constant 2 : i32
          %add3A_196 = arith.addi %mul3A_100, %add3A_195 : i32
          %mul3A_197 = arith.constant 16 : i32
          %mul3A_198 = arith.muli %add3A_196, %mul3A_197 : i32
          %add3A_199 = arith.addi %arg1, %mul3A_198 : i32
          %mul3A_200 = arith.constant 80 : i32
          %mul3A_201 = arith.muli %add3A_199, %mul3A_200 : i32
          %dma_start3A_202 = arith.constant 0 : i32
          %dma_start3A_203 = arith.constant 0 : i32
          %dma_start3A_204 = tpu.memref_slice %arg10[%dma_start3A_202, %dma_start3A_203] : memref<2x80xi32, #tpu.memory_space<vmem>> -> memref<1x80xi32, #tpu.memory_space<vmem>>
          %dma_start3A_205 = tpu.memref_squeeze %dma_start3A_204 : memref<1x80xi32, #tpu.memory_space<vmem>> -> memref<80xi32, #tpu.memory_space<vmem>>
          %dma_start3A_206 = tpu.memref_slice %arg5[%mul3A_201] : memref<320000xi32, #tpu.memory_space<hbm>> -> memref<80xi32, #tpu.memory_space<hbm>>
          %dma_start3A_207 = arith.constant 0 : i32
          %dma_start3A_208 = tpu.memref_slice %arg10[%dma_start3A_202, %dma_start3A_207] : memref<2x80xi32, #tpu.memory_space<vmem>> -> memref<1x80xi32, #tpu.memory_space<vmem>>
          %dma_start3A_209 = tpu.memref_squeeze %dma_start3A_208 : memref<1x80xi32, #tpu.memory_space<vmem>> -> memref<80xi32, #tpu.memory_space<vmem>>
          %dma_start3A_210 = tpu.memref_slice %arg5[%mul3A_201] : memref<320000xi32, #tpu.memory_space<hbm>> -> memref<80xi32, #tpu.memory_space<hbm>>
          tpu.enqueue_dma source(%dma_start3A_210 : memref<80xi32, #tpu.memory_space<hbm>>) target(%dma_start3A_209 : memref<80xi32, #tpu.memory_space<vmem>>) target_semaphore(%arg20 : memref<!tpu.dma_semaphore, #tpu.memory_space<semaphore_mem>>)
          %mul3A_211 = arith.constant 16 : i32
          %mul3A_212 = arith.muli %add3A_196, %mul3A_211 : i32
          %add3A_213 = arith.addi %arg1, %mul3A_212 : i32
          %mul3A_214 = arith.constant 80 : i32
          %mul3A_215 = arith.muli %add3A_213, %mul3A_214 : i32
          %dma_start3A_216 = arith.constant 0 : i32
          %dma_start3A_217 = arith.constant 0 : i32
          %dma_start3A_218 = tpu.memref_slice %arg11[%dma_start3A_216, %dma_start3A_217] : memref<2x80xi32, #tpu.memory_space<vmem>> -> memref<1x80xi32, #tpu.memory_space<vmem>>
          %dma_start3A_219 = tpu.memref_squeeze %dma_start3A_218 : memref<1x80xi32, #tpu.memory_space<vmem>> -> memref<80xi32, #tpu.memory_space<vmem>>
          %dma_start3A_220 = tpu.memref_slice %arg6[%mul3A_215] : memref<320000xi32, #tpu.memory_space<hbm>> -> memref<80xi32, #tpu.memory_space<hbm>>
          %dma_start3A_221 = arith.constant 0 : i32
          %dma_start3A_222 = tpu.memref_slice %arg11[%dma_start3A_216, %dma_start3A_221] : memref<2x80xi32, #tpu.memory_space<vmem>> -> memref<1x80xi32, #tpu.memory_space<vmem>>
          %dma_start3A_223 = tpu.memref_squeeze %dma_start3A_222 : memref<1x80xi32, #tpu.memory_space<vmem>> -> memref<80xi32, #tpu.memory_space<vmem>>
          %dma_start3A_224 = tpu.memref_slice %arg6[%mul3A_215] : memref<320000xi32, #tpu.memory_space<hbm>> -> memref<80xi32, #tpu.memory_space<hbm>>
          tpu.enqueue_dma source(%dma_start3A_224 : memref<80xi32, #tpu.memory_space<hbm>>) target(%dma_start3A_223 : memref<80xi32, #tpu.memory_space<vmem>>) target_semaphore(%arg20 : memref<!tpu.dma_semaphore, #tpu.memory_space<semaphore_mem>>)
        } else {
        }
        %mul3A_164 = arith.constant 2 : i32
        %mul3A_165 = arith.muli %mul3A_164, %scan3A_96 : i32
        %add3A_166 = arith.constant 1 : i32
        %add3A_167 = arith.addi %mul3A_165, %add3A_166 : i32
        %convert_element_type3A_168 = arith.extui %lt3A_98 : i1 to i32
        %cond3A_169 = arith.constant 0 : i32
        %cond3A_170 = arith.cmpi ne, %convert_element_type3A_168, %cond3A_169 : i32
        scf.if %cond3A_170 {
          %dma_wait3A_195 = arith.constant 0 : i32
          %dma_wait3A_196 = arith.constant 0 : i32
          %dma_wait3A_197 = tpu.memref_slice %arg10[%dma_wait3A_195, %dma_wait3A_196] : memref<2x80xi32, #tpu.memory_space<vmem>> -> memref<1x80xi32, #tpu.memory_space<vmem>>
          %dma_wait3A_198 = tpu.memref_squeeze %dma_wait3A_197 : memref<1x80xi32, #tpu.memory_space<vmem>> -> memref<80xi32, #tpu.memory_space<vmem>>
          %dma_wait3A_199 = arith.constant 0 : i32
          %dma_wait3A_200 = tpu.memref_slice %arg5[%dma_wait3A_199] : memref<320000xi32, #tpu.memory_space<hbm>> -> memref<80xi32, #tpu.memory_space<hbm>>
          %dma_wait3A_201 = arith.constant 0 : i32
          %dma_wait3A_202 = tpu.memref_slice %arg10[%dma_wait3A_195, %dma_wait3A_201] : memref<2x80xi32, #tpu.memory_space<vmem>> -> memref<1x80xi32, #tpu.memory_space<vmem>>
          %dma_wait3A_203 = tpu.memref_squeeze %dma_wait3A_202 : memref<1x80xi32, #tpu.memory_space<vmem>> -> memref<80xi32, #tpu.memory_space<vmem>>
          %dma_wait3A_204 = arith.constant 0 : i32
          %dma_wait3A_205 = tpu.memref_slice %arg5[%dma_wait3A_204] : memref<320000xi32, #tpu.memory_space<hbm>> -> memref<80xi32, #tpu.memory_space<hbm>>
          tpu.wait_dma2 semaphore(%arg20 : memref<!tpu.dma_semaphore, #tpu.memory_space<semaphore_mem>>) src(%dma_wait3A_205 : memref<80xi32, #tpu.memory_space<hbm>>) dst(%dma_wait3A_203 : memref<80xi32, #tpu.memory_space<vmem>>)
          %dma_wait3A_206 = arith.constant 0 : i32
          %dma_wait3A_207 = arith.constant 0 : i32
          %dma_wait3A_208 = tpu.memref_slice %arg11[%dma_wait3A_206, %dma_wait3A_207] : memref<2x80xi32, #tpu.memory_space<vmem>> -> memref<1x80xi32, #tpu.memory_space<vmem>>
          %dma_wait3A_209 = tpu.memref_squeeze %dma_wait3A_208 : memref<1x80xi32, #tpu.memory_space<vmem>> -> memref<80xi32, #tpu.memory_space<vmem>>
          %dma_wait3A_210 = arith.constant 0 : i32
          %dma_wait3A_211 = tpu.memref_slice %arg6[%dma_wait3A_210] : memref<320000xi32, #tpu.memory_space<hbm>> -> memref<80xi32, #tpu.memory_space<hbm>>
          %dma_wait3A_212 = arith.constant 0 : i32
          %dma_wait3A_213 = tpu.memref_slice %arg11[%dma_wait3A_206, %dma_wait3A_212] : memref<2x80xi32, #tpu.memory_space<vmem>> -> memref<1x80xi32, #tpu.memory_space<vmem>>
          %dma_wait3A_214 = tpu.memref_squeeze %dma_wait3A_213 : memref<1x80xi32, #tpu.memory_space<vmem>> -> memref<80xi32, #tpu.memory_space<vmem>>
          %dma_wait3A_215 = arith.constant 0 : i32
          %dma_wait3A_216 = tpu.memref_slice %arg6[%dma_wait3A_215] : memref<320000xi32, #tpu.memory_space<hbm>> -> memref<80xi32, #tpu.memory_space<hbm>>
          tpu.wait_dma2 semaphore(%arg20 : memref<!tpu.dma_semaphore, #tpu.memory_space<semaphore_mem>>) src(%dma_wait3A_216 : memref<80xi32, #tpu.memory_space<hbm>>) dst(%dma_wait3A_214 : memref<80xi32, #tpu.memory_space<vmem>>)
          %add3A_217 = arith.constant 1 : i32
          %add3A_218 = arith.addi %add3A_167, %add3A_217 : i32
          %dma_start3A_219 = arith.constant 0 : i32
          %dma_start3A_220 = arith.constant 0 : i32
          %dma_start3A_221 = tpu.memref_slice %arg10[%dma_start3A_219, %dma_start3A_220] : memref<2x80xi32, #tpu.memory_space<vmem>> -> memref<1x80xi32, #tpu.memory_space<vmem>>
          %dma_start3A_222 = tpu.memref_squeeze %dma_start3A_221 : memref<1x80xi32, #tpu.memory_space<vmem>> -> memref<80xi32, #tpu.memory_space<vmem>>
          %dma_start3A_223 = arith.constant 0 : i32
          %dma_start3A_224 = arith.constant 0 : i32
          %dma_start3A_225 = tpu.memref_slice %arg2[%dma_start3A_223, %dma_start3A_224] : memref<10000x128xi32, #tpu.memory_space<hbm>> -> memref<10000x128xi32, #tpu.memory_space<hbm>>
          tpu.enqueue_indirect_dma source(%dma_start3A_225 : memref<10000x128xi32, #tpu.memory_space<hbm>>) target(%arg12 : memref<80x128xi32, #tpu.memory_space<vmem>>) offsets(%dma_start3A_222 : memref<80xi32, #tpu.memory_space<vmem>>) semaphore(%arg16 : memref<!tpu.dma_semaphore, #tpu.memory_space<semaphore_mem>>)
          %mul3A_226 = arith.constant 16 : i32
          %mul3A_227 = arith.muli %add3A_218, %mul3A_226 : i32
          %add3A_228 = arith.addi %arg1, %mul3A_227 : i32
          %mul3A_229 = arith.constant 80 : i32
          %mul3A_230 = arith.muli %add3A_228, %mul3A_229 : i32
          %dma_start3A_231 = arith.constant 0 : i32
          %dma_start3A_232 = tpu.memref_slice %arg3[%mul3A_230, %dma_start3A_231] : memref<320000x64xi32, #tpu.memory_space<hbm>> -> memref<80x64xi32, #tpu.memory_space<hbm>>
          %dma_start3A_233 = arith.constant 0 : i32
          %dma_start3A_234 = tpu.memref_slice %arg3[%mul3A_230, %dma_start3A_233] : memref<320000x64xi32, #tpu.memory_space<hbm>> -> memref<80x64xi32, #tpu.memory_space<hbm>>
          tpu.enqueue_dma source(%dma_start3A_234 : memref<80x64xi32, #tpu.memory_space<hbm>>) target(%arg14 : memref<80x64xi32, #tpu.memory_space<vmem>>) target_semaphore(%arg18 : memref<!tpu.dma_semaphore, #tpu.memory_space<semaphore_mem>>)
        } else {
        }
        %dma_wait3A_171 = arith.constant 0 : i32
        %dma_wait3A_172 = arith.constant 0 : i32
        %dma_wait3A_173 = tpu.memref_slice %arg2[%dma_wait3A_171, %dma_wait3A_172] : memref<10000x128xi32, #tpu.memory_space<hbm>> -> memref<80x128xi32, #tpu.memory_space<hbm>>
        %dma_wait3A_174 = arith.constant 0 : i32
        %dma_wait3A_175 = arith.constant 0 : i32
        %dma_wait3A_176 = tpu.memref_slice %arg2[%dma_wait3A_174, %dma_wait3A_175] : memref<10000x128xi32, #tpu.memory_space<hbm>> -> memref<80x128xi32, #tpu.memory_space<hbm>>
        tpu.wait_dma2 semaphore(%arg17 : memref<!tpu.dma_semaphore, #tpu.memory_space<semaphore_mem>>) src(%dma_wait3A_176 : memref<80x128xi32, #tpu.memory_space<hbm>>) dst(%arg13 : memref<80x128xi32, #tpu.memory_space<vmem>>)
        %dma_wait3A_177 = arith.constant 0 : i32
        %dma_wait3A_178 = arith.constant 0 : i32
        %dma_wait3A_179 = tpu.memref_slice %arg3[%dma_wait3A_177, %dma_wait3A_178] : memref<320000x64xi32, #tpu.memory_space<hbm>> -> memref<80x64xi32, #tpu.memory_space<hbm>>
        %dma_wait3A_180 = arith.constant 0 : i32
        %dma_wait3A_181 = arith.constant 0 : i32
        %dma_wait3A_182 = tpu.memref_slice %arg3[%dma_wait3A_180, %dma_wait3A_181] : memref<320000x64xi32, #tpu.memory_space<hbm>> -> memref<80x64xi32, #tpu.memory_space<hbm>>
        tpu.wait_dma2 semaphore(%arg19 : memref<!tpu.dma_semaphore, #tpu.memory_space<semaphore_mem>>) src(%dma_wait3A_182 : memref<80x64xi32, #tpu.memory_space<hbm>>) dst(%arg15 : memref<80x64xi32, #tpu.memory_space<vmem>>)
        %scan3A_183 = arith.constant 0 : i32
        %scan3A_184 = arith.constant 0 : i32
        %scan3A_185 = arith.constant 80 : i32
        %scan3A_186 = arith.addi %scan3A_184, %scan3A_185 : i32
        %scan3A_187 = arith.constant 1 : i32
        %scan3A_188 = scf.for %scan3A_195 = %scan3A_184 to %scan3A_186 step %scan3A_187 iter_args(%scan3A_196 = %scan3A_183) -> (i32)  : i32 {
          %get3A = arith.index_cast %scan3A_195 : i32 to index
          %get3A_197 = arith.constant 0 : index
          %get3A_198 = tpu.vector_load %arg15[%get3A, %get3A_197] {strides = array<i32>} : memref<80x64xi32, #tpu.memory_space<vmem>>, vector<16xi32>,
          %bitcast3A = vector.bitcast %get3A_198 : vector<16xi32> to vector<32xbf16>
          %unpack3A = tpu.unpack_subelements %bitcast3A, 0 {pack_format = #tpu.pack_format<interleaved>} : vector<32xbf16> -> vector<16xf32>
          %unpack3A_199 = tpu.unpack_subelements %bitcast3A, 1 {pack_format = #tpu.pack_format<interleaved>} : vector<32xbf16> -> vector<16xf32>
          %get3A_200 = arith.index_cast %scan3A_195 : i32 to index
          %get3A_201 = arith.constant 0 : index
          %get3A_202 = tpu.vector_load %arg13[%get3A_200, %get3A_201] {strides = array<i32>} : memref<80x128xi32, #tpu.memory_space<vmem>>, vector<16xi32>,
          %bitcast3A_203 = vector.bitcast %get3A_202 : vector<16xi32> to vector<32xbf16>
          %unpack3A_204 = tpu.unpack_subelements %bitcast3A_203, 0 {pack_format = #tpu.pack_format<interleaved>} : vector<32xbf16> -> vector<16xf32>
          %unpack3A_205 = tpu.unpack_subelements %bitcast3A_203, 1 {pack_format = #tpu.pack_format<interleaved>} : vector<32xbf16> -> vector<16xf32>
          %get3A_206 = arith.index_cast %scan3A_195 : i32 to index
          %get3A_207 = arith.constant 64 : index
          %get3A_208 = tpu.vector_load %arg13[%get3A_206, %get3A_207] {strides = array<i32>} : memref<80x128xi32, #tpu.memory_space<vmem>>, vector<16xi32>,
          %bitcast3A_209 = vector.bitcast %get3A_208 : vector<16xi32> to vector<32xbf16>
          %unpack3A_210 = tpu.unpack_subelements %bitcast3A_209, 0 {pack_format = #tpu.pack_format<interleaved>} : vector<32xbf16> -> vector<16xf32>
          %unpack3A_211 = tpu.unpack_subelements %bitcast3A_209, 1 {pack_format = #tpu.pack_format<interleaved>} : vector<32xbf16> -> vector<16xf32>
          %add3A_212 = arith.addf %unpack3A_204, %unpack3A : vector<16xf32>
          %max3A = arith.constant 0.000000e+00 : f32
          %max3A_213 = vector.broadcast %max3A : f32 to vector<16xf32>
          %max3A_214 = arith.maximumf %add3A_212, %max3A_213 : vector<16xf32>
          %swap3A = tpu.memref_bitcast %arg13 : memref<80x128xi32, #tpu.memory_space<vmem>> -> memref<80x128xf32, #tpu.memory_space<vmem>>
          %swap3A_215 = arith.index_cast %scan3A_195 : i32 to index
          %swap3A_216 = arith.constant 0 : index
          %swap3A_217 = tpu.vector_load %swap3A[%swap3A_215, %swap3A_216] {strides = array<i32>} : memref<80x128xf32, #tpu.memory_space<vmem>>, vector<16xf32>,
          tpu.vector_store %swap3A[%swap3A_215, %swap3A_216], %max3A_214 {strides = array<i32>} : memref<80x128xf32, #tpu.memory_space<vmem>>, vector<16xf32>,
          %add3A_218 = arith.addf %unpack3A_210, %unpack3A_199 : vector<16xf32>
          %max3A_219 = arith.constant 0.000000e+00 : f32
          %max3A_220 = vector.broadcast %max3A_219 : f32 to vector<16xf32>
          %max3A_221 = arith.maximumf %add3A_218, %max3A_220 : vector<16xf32>
          %swap3A_222 = tpu.memref_bitcast %arg13 : memref<80x128xi32, #tpu.memory_space<vmem>> -> memref<80x128xf32, #tpu.memory_space<vmem>>
          %swap3A_223 = arith.index_cast %scan3A_195 : i32 to index
          %swap3A_224 = arith.constant 64 : index
          %swap3A_225 = tpu.vector_load %swap3A_222[%swap3A_223, %swap3A_224] {strides = array<i32>} : memref<80x128xf32, #tpu.memory_space<vmem>>, vector<16xf32>,
          tpu.vector_store %swap3A_222[%swap3A_223, %swap3A_224], %max3A_221 {strides = array<i32>} : memref<80x128xf32, #tpu.memory_space<vmem>>, vector<16xf32>,
          %get3A_226 = arith.index_cast %scan3A_195 : i32 to index
          %get3A_227 = arith.constant 16 : index
          %get3A_228 = tpu.vector_load %arg15[%get3A_226, %get3A_227] {strides = array<i32>} : memref<80x64xi32, #tpu.memory_space<vmem>>, vector<16xi32>,
          %bitcast3A_229 = vector.bitcast %get3A_228 : vector<16xi32> to vector<32xbf16>
          %unpack3A_230 = tpu.unpack_subelements %bitcast3A_229, 0 {pack_format = #tpu.pack_format<interleaved>} : vector<32xbf16> -> vector<16xf32>
          %unpack3A_231 = tpu.unpack_subelements %bitcast3A_229, 1 {pack_format = #tpu.pack_format<interleaved>} : vector<32xbf16> -> vector<16xf32>
          %get3A_232 = arith.index_cast %scan3A_195 : i32 to index
          %get3A_233 = arith.constant 16 : index
          %get3A_234 = tpu.vector_load %arg13[%get3A_232, %get3A_233] {strides = array<i32>} : memref<80x128xi32, #tpu.memory_space<vmem>>, vector<16xi32>,
          %bitcast3A_235 = vector.bitcast %get3A_234 : vector<16xi32> to vector<32xbf16>
          %unpack3A_236 = tpu.unpack_subelements %bitcast3A_235, 0 {pack_format = #tpu.pack_format<interleaved>} : vector<32xbf16> -> vector<16xf32>
          %unpack3A_237 = tpu.unpack_subelements %bitcast3A_235, 1 {pack_format = #tpu.pack_format<interleaved>} : vector<32xbf16> -> vector<16xf32>
          %get3A_238 = arith.index_cast %scan3A_195 : i32 to index
          %get3A_239 = arith.constant 80 : index
          %get3A_240 = tpu.vector_load %arg13[%get3A_238, %get3A_239] {strides = array<i32>} : memref<80x128xi32, #tpu.memory_space<vmem>>, vector<16xi32>,
          %bitcast3A_241 = vector.bitcast %get3A_240 : vector<16xi32> to vector<32xbf16>
          %unpack3A_242 = tpu.unpack_subelements %bitcast3A_241, 0 {pack_format = #tpu.pack_format<interleaved>} : vector<32xbf16> -> vector<16xf32>
          %unpack3A_243 = tpu.unpack_subelements %bitcast3A_241, 1 {pack_format = #tpu.pack_format<interleaved>} : vector<32xbf16> -> vector<16xf32>
          %add3A_244 = arith.addf %unpack3A_236, %unpack3A_230 : vector<16xf32>
          %max3A_245 = arith.constant 0.000000e+00 : f32
          %max3A_246 = vector.broadcast %max3A_245 : f32 to vector<16xf32>
          %max3A_247 = arith.maximumf %add3A_244, %max3A_246 : vector<16xf32>
          %swap3A_248 = tpu.memref_bitcast %arg13 : memref<80x128xi32, #tpu.memory_space<vmem>> -> memref<80x128xf32, #tpu.memory_space<vmem>>
          %swap3A_249 = arith.index_cast %scan3A_195 : i32 to index
          %swap3A_250 = arith.constant 16 : index
          %swap3A_251 = tpu.vector_load %swap3A_248[%swap3A_249, %swap3A_250] {strides = array<i32>} : memref<80x128xf32, #tpu.memory_space<vmem>>, vector<16xf32>,
          tpu.vector_store %swap3A_248[%swap3A_249, %swap3A_250], %max3A_247 {strides = array<i32>} : memref<80x128xf32, #tpu.memory_space<vmem>>, vector<16xf32>,
          %add3A_252 = arith.addf %unpack3A_242, %unpack3A_231 : vector<16xf32>
          %max3A_253 = arith.constant 0.000000e+00 : f32
          %max3A_254 = vector.broadcast %max3A_253 : f32 to vector<16xf32>
          %max3A_255 = arith.maximumf %add3A_252, %max3A_254 : vector<16xf32>
          %swap3A_256 = tpu.memref_bitcast %arg13 : memref<80x128xi32, #tpu.memory_space<vmem>> -> memref<80x128xf32, #tpu.memory_space<vmem>>
          %swap3A_257 = arith.index_cast %scan3A_195 : i32 to index
          %swap3A_258 = arith.constant 80 : index
          %swap3A_259 = tpu.vector_load %swap3A_256[%swap3A_257, %swap3A_258] {strides = array<i32>} : memref<80x128xf32, #tpu.memory_space<vmem>>, vector<16xf32>,
          tpu.vector_store %swap3A_256[%swap3A_257, %swap3A_258], %max3A_255 {strides = array<i32>} : memref<80x128xf32, #tpu.memory_space<vmem>>, vector<16xf32>,
          %get3A_260 = arith.index_cast %scan3A_195 : i32 to index
          %get3A_261 = arith.constant 32 : index
          %get3A_262 = tpu.vector_load %arg15[%get3A_260, %get3A_261] {strides = array<i32>} : memref<80x64xi32, #tpu.memory_space<vmem>>, vector<16xi32>,
          %bitcast3A_263 = vector.bitcast %get3A_262 : vector<16xi32> to vector<32xbf16>
          %unpack3A_264 = tpu.unpack_subelements %bitcast3A_263, 0 {pack_format = #tpu.pack_format<interleaved>} : vector<32xbf16> -> vector<16xf32>
          %unpack3A_265 = tpu.unpack_subelements %bitcast3A_263, 1 {pack_format = #tpu.pack_format<interleaved>} : vector<32xbf16> -> vector<16xf32>
          %get3A_266 = arith.index_cast %scan3A_195 : i32 to index
          %get3A_267 = arith.constant 32 : index
          %get3A_268 = tpu.vector_load %arg13[%get3A_266, %get3A_267] {strides = array<i32>} : memref<80x128xi32, #tpu.memory_space<vmem>>, vector<16xi32>,
          %bitcast3A_269 = vector.bitcast %get3A_268 : vector<16xi32> to vector<32xbf16>
          %unpack3A_270 = tpu.unpack_subelements %bitcast3A_269, 0 {pack_format = #tpu.pack_format<interleaved>} : vector<32xbf16> -> vector<16xf32>
          %unpack3A_271 = tpu.unpack_subelements %bitcast3A_269, 1 {pack_format = #tpu.pack_format<interleaved>} : vector<32xbf16> -> vector<16xf32>
          %get3A_272 = arith.index_cast %scan3A_195 : i32 to index
          %get3A_273 = arith.constant 96 : index
          %get3A_274 = tpu.vector_load %arg13[%get3A_272, %get3A_273] {strides = array<i32>} : memref<80x128xi32, #tpu.memory_space<vmem>>, vector<16xi32>,
          %bitcast3A_275 = vector.bitcast %get3A_274 : vector<16xi32> to vector<32xbf16>
          %unpack3A_276 = tpu.unpack_subelements %bitcast3A_275, 0 {pack_format = #tpu.pack_format<interleaved>} : vector<32xbf16> -> vector<16xf32>
          %unpack3A_277 = tpu.unpack_subelements %bitcast3A_275, 1 {pack_format = #tpu.pack_format<interleaved>} : vector<32xbf16> -> vector<16xf32>
          %add3A_278 = arith.addf %unpack3A_270, %unpack3A_264 : vector<16xf32>
          %max3A_279 = arith.constant 0.000000e+00 : f32
          %max3A_280 = vector.broadcast %max3A_279 : f32 to vector<16xf32>
          %max3A_281 = arith.maximumf %add3A_278, %max3A_280 : vector<16xf32>
          %swap3A_282 = tpu.memref_bitcast %arg13 : memref<80x128xi32, #tpu.memory_space<vmem>> -> memref<80x128xf32, #tpu.memory_space<vmem>>
          %swap3A_283 = arith.index_cast %scan3A_195 : i32 to index
          %swap3A_284 = arith.constant 32 : index
          %swap3A_285 = tpu.vector_load %swap3A_282[%swap3A_283, %swap3A_284] {strides = array<i32>} : memref<80x128xf32, #tpu.memory_space<vmem>>, vector<16xf32>,
          tpu.vector_store %swap3A_282[%swap3A_283, %swap3A_284], %max3A_281 {strides = array<i32>} : memref<80x128xf32, #tpu.memory_space<vmem>>, vector<16xf32>,
          %add3A_286 = arith.addf %unpack3A_276, %unpack3A_265 : vector<16xf32>
          %max3A_287 = arith.constant 0.000000e+00 : f32
          %max3A_288 = vector.broadcast %max3A_287 : f32 to vector<16xf32>
          %max3A_289 = arith.maximumf %add3A_286, %max3A_288 : vector<16xf32>
          %swap3A_290 = tpu.memref_bitcast %arg13 : memref<80x128xi32, #tpu.memory_space<vmem>> -> memref<80x128xf32, #tpu.memory_space<vmem>>
          %swap3A_291 = arith.index_cast %scan3A_195 : i32 to index
          %swap3A_292 = arith.constant 96 : index
          %swap3A_293 = tpu.vector_load %swap3A_290[%swap3A_291, %swap3A_292] {strides = array<i32>} : memref<80x128xf32, #tpu.memory_space<vmem>>, vector<16xf32>,
          tpu.vector_store %swap3A_290[%swap3A_291, %swap3A_292], %max3A_289 {strides = array<i32>} : memref<80x128xf32, #tpu.memory_space<vmem>>, vector<16xf32>,
          %get3A_294 = arith.index_cast %scan3A_195 : i32 to index
          %get3A_295 = arith.constant 48 : index
          %get3A_296 = tpu.vector_load %arg15[%get3A_294, %get3A_295] {strides = array<i32>} : memref<80x64xi32, #tpu.memory_space<vmem>>, vector<16xi32>,
          %bitcast3A_297 = vector.bitcast %get3A_296 : vector<16xi32> to vector<32xbf16>
          %unpack3A_298 = tpu.unpack_subelements %bitcast3A_297, 0 {pack_format = #tpu.pack_format<interleaved>} : vector<32xbf16> -> vector<16xf32>
          %unpack3A_299 = tpu.unpack_subelements %bitcast3A_297, 1 {pack_format = #tpu.pack_format<interleaved>} : vector<32xbf16> -> vector<16xf32>
          %get3A_300 = arith.index_cast %scan3A_195 : i32 to index
          %get3A_301 = arith.constant 48 : index
          %get3A_302 = tpu.vector_load %arg13[%get3A_300, %get3A_301] {strides = array<i32>} : memref<80x128xi32, #tpu.memory_space<vmem>>, vector<16xi32>,
          %bitcast3A_303 = vector.bitcast %get3A_302 : vector<16xi32> to vector<32xbf16>
          %unpack3A_304 = tpu.unpack_subelements %bitcast3A_303, 0 {pack_format = #tpu.pack_format<interleaved>} : vector<32xbf16> -> vector<16xf32>
          %unpack3A_305 = tpu.unpack_subelements %bitcast3A_303, 1 {pack_format = #tpu.pack_format<interleaved>} : vector<32xbf16> -> vector<16xf32>
          %get3A_306 = arith.index_cast %scan3A_195 : i32 to index
          %get3A_307 = arith.constant 112 : index
          %get3A_308 = tpu.vector_load %arg13[%get3A_306, %get3A_307] {strides = array<i32>} : memref<80x128xi32, #tpu.memory_space<vmem>>, vector<16xi32>,
          %bitcast3A_309 = vector.bitcast %get3A_308 : vector<16xi32> to vector<32xbf16>
          %unpack3A_310 = tpu.unpack_subelements %bitcast3A_309, 0 {pack_format = #tpu.pack_format<interleaved>} : vector<32xbf16> -> vector<16xf32>
          %unpack3A_311 = tpu.unpack_subelements %bitcast3A_309, 1 {pack_format = #tpu.pack_format<interleaved>} : vector<32xbf16> -> vector<16xf32>
          %add3A_312 = arith.addf %unpack3A_304, %unpack3A_298 : vector<16xf32>
          %max3A_313 = arith.constant 0.000000e+00 : f32
          %max3A_314 = vector.broadcast %max3A_313 : f32 to vector<16xf32>
          %max3A_315 = arith.maximumf %add3A_312, %max3A_314 : vector<16xf32>
          %swap3A_316 = tpu.memref_bitcast %arg13 : memref<80x128xi32, #tpu.memory_space<vmem>> -> memref<80x128xf32, #tpu.memory_space<vmem>>
          %swap3A_317 = arith.index_cast %scan3A_195 : i32 to index
          %swap3A_318 = arith.constant 48 : index
          %swap3A_319 = tpu.vector_load %swap3A_316[%swap3A_317, %swap3A_318] {strides = array<i32>} : memref<80x128xf32, #tpu.memory_space<vmem>>, vector<16xf32>,
          tpu.vector_store %swap3A_316[%swap3A_317, %swap3A_318], %max3A_315 {strides = array<i32>} : memref<80x128xf32, #tpu.memory_space<vmem>>, vector<16xf32>,
          %add3A_320 = arith.addf %unpack3A_310, %unpack3A_299 : vector<16xf32>
          %max3A_321 = arith.constant 0.000000e+00 : f32
          %max3A_322 = vector.broadcast %max3A_321 : f32 to vector<16xf32>
          %max3A_323 = arith.maximumf %add3A_320, %max3A_322 : vector<16xf32>
          %swap3A_324 = tpu.memref_bitcast %arg13 : memref<80x128xi32, #tpu.memory_space<vmem>> -> memref<80x128xf32, #tpu.memory_space<vmem>>
          %swap3A_325 = arith.index_cast %scan3A_195 : i32 to index
          %swap3A_326 = arith.constant 112 : index
          %swap3A_327 = tpu.vector_load %swap3A_324[%swap3A_325, %swap3A_326] {strides = array<i32>} : memref<80x128xf32, #tpu.memory_space<vmem>>, vector<16xf32>,
          tpu.vector_store %swap3A_324[%swap3A_325, %swap3A_326], %max3A_323 {strides = array<i32>} : memref<80x128xf32, #tpu.memory_space<vmem>>, vector<16xf32>,
          %scan3A_328 = arith.constant 0 : i32
          scf.yield %scan3A_328 : i32
        }
        %scan3A_189 = arith.constant 80 : i32
        %run_scoped3A_190 = arith.constant 1 : i32
        "tpu.region"() ({
          %run_scoped3A_195 = tpu.sem_alloc : memref<!tpu.dma_semaphore, #tpu.memory_space<semaphore_mem>>
          %dma_start3A_196 = tpu.memref_bitcast %arg13 : memref<80x128xi32, #tpu.memory_space<vmem>> -> memref<80x128xf32, #tpu.memory_space<vmem>>
          %dma_start3A_197 = arith.constant 0 : i32
          %dma_start3A_198 = tpu.memref_slice %arg11[%run_scoped3A_190, %dma_start3A_197] : memref<2x80xi32, #tpu.memory_space<vmem>> -> memref<1x80xi32, #tpu.memory_space<vmem>>
          %dma_start3A_199 = tpu.memref_squeeze %dma_start3A_198 : memref<1x80xi32, #tpu.memory_space<vmem>> -> memref<80xi32, #tpu.memory_space<vmem>>
          %dma_start3A_200 = arith.constant 0 : i32
          %dma_start3A_201 = arith.constant 0 : i32
          %dma_start3A_202 = tpu.memref_slice %arg9[%dma_start3A_200, %dma_start3A_201] : memref<10000x128xf32, #tpu.memory_space<vmem_shared>> -> memref<10000x128xf32, #tpu.memory_space<vmem_shared>>
          tpu.enqueue_indirect_dma source(%dma_start3A_196 : memref<80x128xf32, #tpu.memory_space<vmem>>) target(%dma_start3A_202 : memref<10000x128xf32, #tpu.memory_space<vmem_shared>>) offsets(%dma_start3A_199 : memref<80xi32, #tpu.memory_space<vmem>>) semaphore(%run_scoped3A_195 : memref<!tpu.dma_semaphore, #tpu.memory_space<semaphore_mem>>) {add = true}
          %dma_wait3A_203 = tpu.memref_bitcast %arg13 : memref<80x128xi32, #tpu.memory_space<vmem>> -> memref<80x128xf32, #tpu.memory_space<vmem>>
          %dma_wait3A_204 = arith.constant 0 : i32
          %dma_wait3A_205 = tpu.memref_slice %arg11[%run_scoped3A_190, %dma_wait3A_204] : memref<2x80xi32, #tpu.memory_space<vmem>> -> memref<1x80xi32, #tpu.memory_space<vmem>>
          %dma_wait3A_206 = tpu.memref_squeeze %dma_wait3A_205 : memref<1x80xi32, #tpu.memory_space<vmem>> -> memref<80xi32, #tpu.memory_space<vmem>>
          %dma_wait3A_207 = arith.constant 0 : i32
          %dma_wait3A_208 = arith.constant 0 : i32
          %dma_wait3A_209 = tpu.memref_slice %arg9[%dma_wait3A_207, %dma_wait3A_208] : memref<10000x128xf32, #tpu.memory_space<vmem_shared>> -> memref<10000x128xf32, #tpu.memory_space<vmem_shared>>
          tpu.wait_indirect_dma semaphore(%run_scoped3A_195 : memref<!tpu.dma_semaphore, #tpu.memory_space<semaphore_mem>>) src(%dma_wait3A_203 : memref<80x128xf32, #tpu.memory_space<vmem>>) dst(%dma_wait3A_209 : memref<10000x128xf32, #tpu.memory_space<vmem_shared>>)
          tpu.yield
        }) : () -> ()
        %convert_element_type3A_191 = arith.extui %lt3A_98 : i1 to i32
        %cond3A_192 = arith.constant 0 : i32
        %cond3A_193 = arith.cmpi ne, %convert_element_type3A_191, %cond3A_192 : i32
        scf.if %cond3A_193 {
          %add3A_195 = arith.constant 2 : i32
          %add3A_196 = arith.addi %add3A_167, %add3A_195 : i32
          %mul3A_197 = arith.constant 16 : i32
          %mul3A_198 = arith.muli %add3A_196, %mul3A_197 : i32
          %add3A_199 = arith.addi %arg1, %mul3A_198 : i32
          %mul3A_200 = arith.constant 80 : i32
          %mul3A_201 = arith.muli %add3A_199, %mul3A_200 : i32
          %dma_start3A_202 = arith.constant 1 : i32
          %dma_start3A_203 = arith.constant 0 : i32
          %dma_start3A_204 = tpu.memref_slice %arg10[%dma_start3A_202, %dma_start3A_203] : memref<2x80xi32, #tpu.memory_space<vmem>> -> memref<1x80xi32, #tpu.memory_space<vmem>>
          %dma_start3A_205 = tpu.memref_squeeze %dma_start3A_204 : memref<1x80xi32, #tpu.memory_space<vmem>> -> memref<80xi32, #tpu.memory_space<vmem>>
          %dma_start3A_206 = tpu.memref_slice %arg5[%mul3A_201] : memref<320000xi32, #tpu.memory_space<hbm>> -> memref<80xi32, #tpu.memory_space<hbm>>
          %dma_start3A_207 = arith.constant 0 : i32
          %dma_start3A_208 = tpu.memref_slice %arg10[%dma_start3A_202, %dma_start3A_207] : memref<2x80xi32, #tpu.memory_space<vmem>> -> memref<1x80xi32, #tpu.memory_space<vmem>>
          %dma_start3A_209 = tpu.memref_squeeze %dma_start3A_208 : memref<1x80xi32, #tpu.memory_space<vmem>> -> memref<80xi32, #tpu.memory_space<vmem>>
          %dma_start3A_210 = tpu.memref_slice %arg5[%mul3A_201] : memref<320000xi32, #tpu.memory_space<hbm>> -> memref<80xi32, #tpu.memory_space<hbm>>
          tpu.enqueue_dma source(%dma_start3A_210 : memref<80xi32, #tpu.memory_space<hbm>>) target(%dma_start3A_209 : memref<80xi32, #tpu.memory_space<vmem>>) target_semaphore(%arg20 : memref<!tpu.dma_semaphore, #tpu.memory_space<semaphore_mem>>)
          %mul3A_211 = arith.constant 16 : i32
          %mul3A_212 = arith.muli %add3A_196, %mul3A_211 : i32
          %add3A_213 = arith.addi %arg1, %mul3A_212 : i32
          %mul3A_214 = arith.constant 80 : i32
          %mul3A_215 = arith.muli %add3A_213, %mul3A_214 : i32
          %dma_start3A_216 = arith.constant 1 : i32
          %dma_start3A_217 = arith.constant 0 : i32
          %dma_start3A_218 = tpu.memref_slice %arg11[%dma_start3A_216, %dma_start3A_217] : memref<2x80xi32, #tpu.memory_space<vmem>> -> memref<1x80xi32, #tpu.memory_space<vmem>>
          %dma_start3A_219 = tpu.memref_squeeze %dma_start3A_218 : memref<1x80xi32, #tpu.memory_space<vmem>> -> memref<80xi32, #tpu.memory_space<vmem>>
          %dma_start3A_220 = tpu.memref_slice %arg6[%mul3A_215] : memref<320000xi32, #tpu.memory_space<hbm>> -> memref<80xi32, #tpu.memory_space<hbm>>
          %dma_start3A_221 = arith.constant 0 : i32
          %dma_start3A_222 = tpu.memref_slice %arg11[%dma_start3A_216, %dma_start3A_221] : memref<2x80xi32, #tpu.memory_space<vmem>> -> memref<1x80xi32, #tpu.memory_space<vmem>>
          %dma_start3A_223 = tpu.memref_squeeze %dma_start3A_222 : memref<1x80xi32, #tpu.memory_space<vmem>> -> memref<80xi32, #tpu.memory_space<vmem>>
          %dma_start3A_224 = tpu.memref_slice %arg6[%mul3A_215] : memref<320000xi32, #tpu.memory_space<hbm>> -> memref<80xi32, #tpu.memory_space<hbm>>
          tpu.enqueue_dma source(%dma_start3A_224 : memref<80xi32, #tpu.memory_space<hbm>>) target(%dma_start3A_223 : memref<80xi32, #tpu.memory_space<vmem>>) target_semaphore(%arg20 : memref<!tpu.dma_semaphore, #tpu.memory_space<semaphore_mem>>)
        } else {
        }
        %scan3A_194 = arith.constant 0 : i32
        scf.yield %scan3A_194 : i32
      }
      %scan3A_89 = arith.constant 125 : i32
      %barrier3A_90 = arith.constant 0 : index
      tpu.barrier barrier_id(%barrier3A_90)
      "tpu.region"() ({
        %run_scoped3A_96 = tpu.sem_alloc : memref<!tpu.dma_semaphore, #tpu.memory_space<semaphore_mem>>
        %dma_start3A_97 = arith.constant 0 : i32
        %dma_start3A_98 = tpu.memref_slice %arg7[%mul3A_6, %dma_start3A_97] : memref<10000x128xf32, #tpu.memory_space<hbm>> -> memref<624x128xf32, #tpu.memory_space<hbm>>
        %dma_start3A_99 = arith.constant 0 : i32
        %dma_start3A_100 = tpu.memref_slice %arg9[%mul3A_6, %dma_start3A_99] : memref<10000x128xf32, #tpu.memory_space<vmem_shared>> -> memref<624x128xf32, #tpu.memory_space<vmem_shared>>
        tpu.enqueue_dma source(%dma_start3A_100 : memref<624x128xf32, #tpu.memory_space<vmem_shared>>) target(%dma_start3A_98 : memref<624x128xf32, #tpu.memory_space<hbm>>) target_semaphore(%run_scoped3A_96 : memref<!tpu.dma_semaphore, #tpu.memory_space<semaphore_mem>>)
        %dma_wait3A = arith.constant 0 : i32
        %dma_wait3A_101 = tpu.memref_slice %arg7[%mul3A_6, %dma_wait3A] : memref<10000x128xf32, #tpu.memory_space<hbm>> -> memref<624x128xf32, #tpu.memory_space<hbm>>
        %dma_wait3A_102 = arith.constant 0 : i32
        %dma_wait3A_103 = tpu.memref_slice %arg9[%mul3A_6, %dma_wait3A_102] : memref<10000x128xf32, #tpu.memory_space<vmem_shared>> -> memref<624x128xf32, #tpu.memory_space<vmem_shared>>
        tpu.wait_dma2 semaphore(%run_scoped3A_96 : memref<!tpu.dma_semaphore, #tpu.memory_space<semaphore_mem>>) src(%dma_wait3A_103 : memref<624x128xf32, #tpu.memory_space<vmem_shared>>) dst(%dma_wait3A_101 : memref<624x128xf32, #tpu.memory_space<hbm>>)
        tpu.yield
      }) : () -> ()
      %eq3A_91 = arith.constant 15 : i32
      %eq3A_92 = arith.cmpi eq, %arg1, %eq3A_91 : i32
      %convert_element_type3A_93 = arith.extui %eq3A_92 : i1 to i32
      %cond3A_94 = arith.constant 0 : i32
      %cond3A_95 = arith.cmpi ne, %convert_element_type3A_93, %cond3A_94 : i32
      scf.if %cond3A_95 {
        "tpu.region"() ({
          %run_scoped3A_96 = tpu.sem_alloc : memref<!tpu.dma_semaphore, #tpu.memory_space<semaphore_mem>>
          %dma_start3A_97 = arith.constant 9984 : i32
          %dma_start3A_98 = arith.constant 0 : i32
          %dma_start3A_99 = tpu.memref_slice %arg7[%dma_start3A_97, %dma_start3A_98] : memref<10000x128xf32, #tpu.memory_space<hbm>> -> memref<16x128xf32, #tpu.memory_space<hbm>>
          %dma_start3A_100 = arith.constant 9984 : i32
          %dma_start3A_101 = arith.constant 0 : i32
          %dma_start3A_102 = tpu.memref_slice %arg9[%dma_start3A_100, %dma_start3A_101] : memref<10000x128xf32, #tpu.memory_space<vmem_shared>> -> memref<16x128xf32, #tpu.memory_space<vmem_shared>>
          tpu.enqueue_dma source(%dma_start3A_102 : memref<16x128xf32, #tpu.memory_space<vmem_shared>>) target(%dma_start3A_99 : memref<16x128xf32, #tpu.memory_space<hbm>>) target_semaphore(%run_scoped3A_96 : memref<!tpu.dma_semaphore, #tpu.memory_space<semaphore_mem>>)
          %dma_wait3A = arith.constant 9984 : i32
          %dma_wait3A_103 = arith.constant 0 : i32
          %dma_wait3A_104 = tpu.memref_slice %arg7[%dma_wait3A, %dma_wait3A_103] : memref<10000x128xf32, #tpu.memory_space<hbm>> -> memref<16x128xf32, #tpu.memory_space<hbm>>
          %dma_wait3A_105 = arith.constant 9984 : i32
          %dma_wait3A_106 = arith.constant 0 : i32
          %dma_wait3A_107 = tpu.memref_slice %arg9[%dma_wait3A_105, %dma_wait3A_106] : memref<10000x128xf32, #tpu.memory_space<vmem_shared>> -> memref<16x128xf32, #tpu.memory_space<vmem_shared>>
          tpu.wait_dma2 semaphore(%run_scoped3A_96 : memref<!tpu.dma_semaphore, #tpu.memory_space<semaphore_mem>>) src(%dma_wait3A_107 : memref<16x128xf32, #tpu.memory_space<vmem_shared>>) dst(%dma_wait3A_104 : memref<16x128xf32, #tpu.memory_space<hbm>>)
          tpu.yield
        }) : () -> ()
      } else {
      }
    } else {
    }
    %eq3A_29 = arith.constant 1 : i32
    %eq3A_30 = arith.cmpi eq, %arg0, %eq3A_29 : i32
    %convert_element_type3A_31 = arith.extui %eq3A_30 : i1 to i32
    %cond3A_32 = arith.constant 0 : i32
    %cond3A_33 = arith.cmpi ne, %convert_element_type3A_31, %cond3A_32 : i32
    scf.if %cond3A_33 {
      %add3A_34 = arith.constant 0 : i32
      %add3A_35 = arith.addi %arg1, %add3A_34 : i32
      %mul3A_36 = arith.constant 80 : i32
      %mul3A_37 = arith.muli %add3A_35, %mul3A_36 : i32
      %run_scoped3A = arith.constant 0 : i32
      "tpu.region"() ({
        %run_scoped3A_96 = tpu.sem_alloc : memref<!tpu.dma_semaphore, #tpu.memory_space<semaphore_mem>>
        %dma_start3A_97 = arith.constant 0 : i32
        %dma_start3A_98 = tpu.memref_slice %arg10[%run_scoped3A, %dma_start3A_97] : memref<2x80xi32, #tpu.memory_space<vmem>> -> memref<1x80xi32, #tpu.memory_space<vmem>>
        %dma_start3A_99 = tpu.memref_squeeze %dma_start3A_98 : memref<1x80xi32, #tpu.memory_space<vmem>> -> memref<80xi32, #tpu.memory_space<vmem>>
        %dma_start3A_100 = tpu.memref_slice %arg5[%mul3A_37] : memref<320000xi32, #tpu.memory_space<hbm>> -> memref<80xi32, #tpu.memory_space<hbm>>
        %dma_start3A_101 = arith.constant 0 : i32
        %dma_start3A_102 = tpu.memref_slice %arg10[%run_scoped3A, %dma_start3A_101] : memref<2x80xi32, #tpu.memory_space<vmem>> -> memref<1x80xi32, #tpu.memory_space<vmem>>
        %dma_start3A_103 = tpu.memref_squeeze %dma_start3A_102 : memref<1x80xi32, #tpu.memory_space<vmem>> -> memref<80xi32, #tpu.memory_space<vmem>>
        %dma_start3A_104 = tpu.memref_slice %arg5[%mul3A_37] : memref<320000xi32, #tpu.memory_space<hbm>> -> memref<80xi32, #tpu.memory_space<hbm>>
        tpu.enqueue_dma source(%dma_start3A_104 : memref<80xi32, #tpu.memory_space<hbm>>) target(%dma_start3A_103 : memref<80xi32, #tpu.memory_space<vmem>>) target_semaphore(%run_scoped3A_96 : memref<!tpu.dma_semaphore, #tpu.memory_space<semaphore_mem>>)
        %dma_wait3A = arith.constant 0 : i32
        %dma_wait3A_105 = tpu.memref_slice %arg10[%run_scoped3A, %dma_wait3A] : memref<2x80xi32, #tpu.memory_space<vmem>> -> memref<1x80xi32, #tpu.memory_space<vmem>>
        %dma_wait3A_106 = tpu.memref_squeeze %dma_wait3A_105 : memref<1x80xi32, #tpu.memory_space<vmem>> -> memref<80xi32, #tpu.memory_space<vmem>>
        %dma_wait3A_107 = tpu.memref_slice %arg5[%mul3A_37] : memref<320000xi32, #tpu.memory_space<hbm>> -> memref<80xi32, #tpu.memory_space<hbm>>
        %dma_wait3A_108 = arith.constant 0 : i32
        %dma_wait3A_109 = tpu.memref_slice %arg10[%run_scoped3A, %dma_wait3A_108] : memref<2x80xi32, #tpu.memory_space<vmem>> -> memref<1x80xi32, #tpu.memory_space<vmem>>
        %dma_wait3A_110 = tpu.memref_squeeze %dma_wait3A_109 : memref<1x80xi32, #tpu.memory_space<vmem>> -> memref<80xi32, #tpu.memory_space<vmem>>
        %dma_wait3A_111 = tpu.memref_slice %arg5[%mul3A_37] : memref<320000xi32, #tpu.memory_space<hbm>> -> memref<80xi32, #tpu.memory_space<hbm>>
        tpu.wait_dma2 semaphore(%run_scoped3A_96 : memref<!tpu.dma_semaphore, #tpu.memory_space<semaphore_mem>>) src(%dma_wait3A_111 : memref<80xi32, #tpu.memory_space<hbm>>) dst(%dma_wait3A_110 : memref<80xi32, #tpu.memory_space<vmem>>)
        tpu.yield
      }) : () -> ()
      %add3A_38 = arith.constant 0 : i32
      %add3A_39 = arith.addi %arg1, %add3A_38 : i32
      %mul3A_40 = arith.constant 80 : i32
      %mul3A_41 = arith.muli %add3A_39, %mul3A_40 : i32
      %run_scoped3A_42 = arith.constant 0 : i32
      "tpu.region"() ({
        %run_scoped3A_96 = tpu.sem_alloc : memref<!tpu.dma_semaphore, #tpu.memory_space<semaphore_mem>>
        %dma_start3A_97 = arith.constant 0 : i32
        %dma_start3A_98 = tpu.memref_slice %arg11[%run_scoped3A_42, %dma_start3A_97] : memref<2x80xi32, #tpu.memory_space<vmem>> -> memref<1x80xi32, #tpu.memory_space<vmem>>
        %dma_start3A_99 = tpu.memref_squeeze %dma_start3A_98 : memref<1x80xi32, #tpu.memory_space<vmem>> -> memref<80xi32, #tpu.memory_space<vmem>>
        %dma_start3A_100 = tpu.memref_slice %arg6[%mul3A_41] : memref<320000xi32, #tpu.memory_space<hbm>> -> memref<80xi32, #tpu.memory_space<hbm>>
        %dma_start3A_101 = arith.constant 0 : i32
        %dma_start3A_102 = tpu.memref_slice %arg11[%run_scoped3A_42, %dma_start3A_101] : memref<2x80xi32, #tpu.memory_space<vmem>> -> memref<1x80xi32, #tpu.memory_space<vmem>>
        %dma_start3A_103 = tpu.memref_squeeze %dma_start3A_102 : memref<1x80xi32, #tpu.memory_space<vmem>> -> memref<80xi32, #tpu.memory_space<vmem>>
        %dma_start3A_104 = tpu.memref_slice %arg6[%mul3A_41] : memref<320000xi32, #tpu.memory_space<hbm>> -> memref<80xi32, #tpu.memory_space<hbm>>
        tpu.enqueue_dma source(%dma_start3A_104 : memref<80xi32, #tpu.memory_space<hbm>>) target(%dma_start3A_103 : memref<80xi32, #tpu.memory_space<vmem>>) target_semaphore(%run_scoped3A_96 : memref<!tpu.dma_semaphore, #tpu.memory_space<semaphore_mem>>)
        %dma_wait3A = arith.constant 0 : i32
        %dma_wait3A_105 = tpu.memref_slice %arg11[%run_scoped3A_42, %dma_wait3A] : memref<2x80xi32, #tpu.memory_space<vmem>> -> memref<1x80xi32, #tpu.memory_space<vmem>>
        %dma_wait3A_106 = tpu.memref_squeeze %dma_wait3A_105 : memref<1x80xi32, #tpu.memory_space<vmem>> -> memref<80xi32, #tpu.memory_space<vmem>>
        %dma_wait3A_107 = tpu.memref_slice %arg6[%mul3A_41] : memref<320000xi32, #tpu.memory_space<hbm>> -> memref<80xi32, #tpu.memory_space<hbm>>
        %dma_wait3A_108 = arith.constant 0 : i32
        %dma_wait3A_109 = tpu.memref_slice %arg11[%run_scoped3A_42, %dma_wait3A_108] : memref<2x80xi32, #tpu.memory_space<vmem>> -> memref<1x80xi32, #tpu.memory_space<vmem>>
        %dma_wait3A_110 = tpu.memref_squeeze %dma_wait3A_109 : memref<1x80xi32, #tpu.memory_space<vmem>> -> memref<80xi32, #tpu.memory_space<vmem>>
        %dma_wait3A_111 = tpu.memref_slice %arg6[%mul3A_41] : memref<320000xi32, #tpu.memory_space<hbm>> -> memref<80xi32, #tpu.memory_space<hbm>>
        tpu.wait_dma2 semaphore(%run_scoped3A_96 : memref<!tpu.dma_semaphore, #tpu.memory_space<semaphore_mem>>) src(%dma_wait3A_111 : memref<80xi32, #tpu.memory_space<hbm>>) dst(%dma_wait3A_110 : memref<80xi32, #tpu.memory_space<vmem>>)
        tpu.yield
      }) : () -> ()
      %dma_start3A = arith.constant 0 : i32
      %dma_start3A_43 = arith.constant 0 : i32
      %dma_start3A_44 = tpu.memref_slice %arg10[%dma_start3A, %dma_start3A_43] : memref<2x80xi32, #tpu.memory_space<vmem>> -> memref<1x80xi32, #tpu.memory_space<vmem>>
      %dma_start3A_45 = tpu.memref_squeeze %dma_start3A_44 : memref<1x80xi32, #tpu.memory_space<vmem>> -> memref<80xi32, #tpu.memory_space<vmem>>
      %dma_start3A_46 = arith.constant 0 : i32
      %dma_start3A_47 = arith.constant 0 : i32
      %dma_start3A_48 = tpu.memref_slice %arg2[%dma_start3A_46, %dma_start3A_47] : memref<10000x128xi32, #tpu.memory_space<hbm>> -> memref<10000x128xi32, #tpu.memory_space<hbm>>
      tpu.enqueue_indirect_dma source(%dma_start3A_48 : memref<10000x128xi32, #tpu.memory_space<hbm>>) target(%arg12 : memref<80x128xi32, #tpu.memory_space<vmem>>) offsets(%dma_start3A_45 : memref<80xi32, #tpu.memory_space<vmem>>) semaphore(%arg16 : memref<!tpu.dma_semaphore, #tpu.memory_space<semaphore_mem>>)
      %add3A_49 = arith.constant 0 : i32
      %add3A_50 = arith.addi %arg1, %add3A_49 : i32
      %mul3A_51 = arith.constant 80 : i32
      %mul3A_52 = arith.muli %add3A_50, %mul3A_51 : i32
      %dma_start3A_53 = arith.constant 0 : i32
      %dma_start3A_54 = tpu.memref_slice %arg4[%mul3A_52, %dma_start3A_53] : memref<320000x64xi32, #tpu.memory_space<hbm>> -> memref<80x64xi32, #tpu.memory_space<hbm>>
      %dma_start3A_55 = arith.constant 0 : i32
      %dma_start3A_56 = tpu.memref_slice %arg4[%mul3A_52, %dma_start3A_55] : memref<320000x64xi32, #tpu.memory_space<hbm>> -> memref<80x64xi32, #tpu.memory_space<hbm>>
      tpu.enqueue_dma source(%dma_start3A_56 : memref<80x64xi32, #tpu.memory_space<hbm>>) target(%arg14 : memref<80x64xi32, #tpu.memory_space<vmem>>) target_semaphore(%arg18 : memref<!tpu.dma_semaphore, #tpu.memory_space<semaphore_mem>>)
      %add3A_57 = arith.constant 16 : i32
      %add3A_58 = arith.addi %arg1, %add3A_57 : i32
      %mul3A_59 = arith.constant 80 : i32
      %mul3A_60 = arith.muli %add3A_58, %mul3A_59 : i32
      %dma_start3A_61 = arith.constant 1 : i32
      %dma_start3A_62 = arith.constant 0 : i32
      %dma_start3A_63 = tpu.memref_slice %arg10[%dma_start3A_61, %dma_start3A_62] : memref<2x80xi32, #tpu.memory_space<vmem>> -> memref<1x80xi32, #tpu.memory_space<vmem>>
      %dma_start3A_64 = tpu.memref_squeeze %dma_start3A_63 : memref<1x80xi32, #tpu.memory_space<vmem>> -> memref<80xi32, #tpu.memory_space<vmem>>
      %dma_start3A_65 = tpu.memref_slice %arg5[%mul3A_60] : memref<320000xi32, #tpu.memory_space<hbm>> -> memref<80xi32, #tpu.memory_space<hbm>>
      %dma_start3A_66 = arith.constant 0 : i32
      %dma_start3A_67 = tpu.memref_slice %arg10[%dma_start3A_61, %dma_start3A_66] : memref<2x80xi32, #tpu.memory_space<vmem>> -> memref<1x80xi32, #tpu.memory_space<vmem>>
      %dma_start3A_68 = tpu.memref_squeeze %dma_start3A_67 : memref<1x80xi32, #tpu.memory_space<vmem>> -> memref<80xi32, #tpu.memory_space<vmem>>
      %dma_start3A_69 = tpu.memref_slice %arg5[%mul3A_60] : memref<320000xi32, #tpu.memory_space<hbm>> -> memref<80xi32, #tpu.memory_space<hbm>>
      tpu.enqueue_dma source(%dma_start3A_69 : memref<80xi32, #tpu.memory_space<hbm>>) target(%dma_start3A_68 : memref<80xi32, #tpu.memory_space<vmem>>) target_semaphore(%arg20 : memref<!tpu.dma_semaphore, #tpu.memory_space<semaphore_mem>>)
      %add3A_70 = arith.constant 16 : i32
      %add3A_71 = arith.addi %arg1, %add3A_70 : i32
      %mul3A_72 = arith.constant 80 : i32
      %mul3A_73 = arith.muli %add3A_71, %mul3A_72 : i32
      %dma_start3A_74 = arith.constant 1 : i32
      %dma_start3A_75 = arith.constant 0 : i32
      %dma_start3A_76 = tpu.memref_slice %arg11[%dma_start3A_74, %dma_start3A_75] : memref<2x80xi32, #tpu.memory_space<vmem>> -> memref<1x80xi32, #tpu.memory_space<vmem>>
      %dma_start3A_77 = tpu.memref_squeeze %dma_start3A_76 : memref<1x80xi32, #tpu.memory_space<vmem>> -> memref<80xi32, #tpu.memory_space<vmem>>
      %dma_start3A_78 = tpu.memref_slice %arg6[%mul3A_73] : memref<320000xi32, #tpu.memory_space<hbm>> -> memref<80xi32, #tpu.memory_space<hbm>>
      %dma_start3A_79 = arith.constant 0 : i32
      %dma_start3A_80 = tpu.memref_slice %arg11[%dma_start3A_74, %dma_start3A_79] : memref<2x80xi32, #tpu.memory_space<vmem>> -> memref<1x80xi32, #tpu.memory_space<vmem>>
      %dma_start3A_81 = tpu.memref_squeeze %dma_start3A_80 : memref<1x80xi32, #tpu.memory_space<vmem>> -> memref<80xi32, #tpu.memory_space<vmem>>
      %dma_start3A_82 = tpu.memref_slice %arg6[%mul3A_73] : memref<320000xi32, #tpu.memory_space<hbm>> -> memref<80xi32, #tpu.memory_space<hbm>>
      tpu.enqueue_dma source(%dma_start3A_82 : memref<80xi32, #tpu.memory_space<hbm>>) target(%dma_start3A_81 : memref<80xi32, #tpu.memory_space<vmem>>) target_semaphore(%arg20 : memref<!tpu.dma_semaphore, #tpu.memory_space<semaphore_mem>>)
      %scan3A_83 = arith.constant 0 : i32
      %scan3A_84 = arith.constant 0 : i32
      %scan3A_85 = arith.constant 125 : i32
      %scan3A_86 = arith.addi %scan3A_84, %scan3A_85 : i32
      %scan3A_87 = arith.constant 1 : i32
      %scan3A_88 = scf.for %scan3A_96 = %scan3A_84 to %scan3A_86 step %scan3A_87 iter_args(%scan3A_97 = %scan3A_83) -> (i32)  : i32 {
        %lt3A = arith.constant 124 : i32
        %lt3A_98 = arith.cmpi slt, %scan3A_96, %lt3A : i32
        %mul3A_99 = arith.constant 2 : i32
        %mul3A_100 = arith.muli %mul3A_99, %scan3A_96 : i32
        %cond3A_101 = arith.constant 1 : i32
        %dma_wait3A = arith.constant 1 : i32
        %dma_wait3A_102 = arith.constant 0 : i32
        %dma_wait3A_103 = tpu.memref_slice %arg10[%dma_wait3A, %dma_wait3A_102] : memref<2x80xi32, #tpu.memory_space<vmem>> -> memref<1x80xi32, #tpu.memory_space<vmem>>
        %dma_wait3A_104 = tpu.memref_squeeze %dma_wait3A_103 : memref<1x80xi32, #tpu.memory_space<vmem>> -> memref<80xi32, #tpu.memory_space<vmem>>
        %dma_wait3A_105 = arith.constant 0 : i32
        %dma_wait3A_106 = tpu.memref_slice %arg5[%dma_wait3A_105] : memref<320000xi32, #tpu.memory_space<hbm>> -> memref<80xi32, #tpu.memory_space<hbm>>
        %dma_wait3A_107 = arith.constant 0 : i32
        %dma_wait3A_108 = tpu.memref_slice %arg10[%dma_wait3A, %dma_wait3A_107] : memref<2x80xi32, #tpu.memory_space<vmem>> -> memref<1x80xi32, #tpu.memory_space<vmem>>
        %dma_wait3A_109 = tpu.memref_squeeze %dma_wait3A_108 : memref<1x80xi32, #tpu.memory_space<vmem>> -> memref<80xi32, #tpu.memory_space<vmem>>
        %dma_wait3A_110 = arith.constant 0 : i32
        %dma_wait3A_111 = tpu.memref_slice %arg5[%dma_wait3A_110] : memref<320000xi32, #tpu.memory_space<hbm>> -> memref<80xi32, #tpu.memory_space<hbm>>
        tpu.wait_dma2 semaphore(%arg20 : memref<!tpu.dma_semaphore, #tpu.memory_space<semaphore_mem>>) src(%dma_wait3A_111 : memref<80xi32, #tpu.memory_space<hbm>>) dst(%dma_wait3A_109 : memref<80xi32, #tpu.memory_space<vmem>>)
        %dma_wait3A_112 = arith.constant 1 : i32
        %dma_wait3A_113 = arith.constant 0 : i32
        %dma_wait3A_114 = tpu.memref_slice %arg11[%dma_wait3A_112, %dma_wait3A_113] : memref<2x80xi32, #tpu.memory_space<vmem>> -> memref<1x80xi32, #tpu.memory_space<vmem>>
        %dma_wait3A_115 = tpu.memref_squeeze %dma_wait3A_114 : memref<1x80xi32, #tpu.memory_space<vmem>> -> memref<80xi32, #tpu.memory_space<vmem>>
        %dma_wait3A_116 = arith.constant 0 : i32
        %dma_wait3A_117 = tpu.memref_slice %arg6[%dma_wait3A_116] : memref<320000xi32, #tpu.memory_space<hbm>> -> memref<80xi32, #tpu.memory_space<hbm>>
        %dma_wait3A_118 = arith.constant 0 : i32
        %dma_wait3A_119 = tpu.memref_slice %arg11[%dma_wait3A_112, %dma_wait3A_118] : memref<2x80xi32, #tpu.memory_space<vmem>> -> memref<1x80xi32, #tpu.memory_space<vmem>>
        %dma_wait3A_120 = tpu.memref_squeeze %dma_wait3A_119 : memref<1x80xi32, #tpu.memory_space<vmem>> -> memref<80xi32, #tpu.memory_space<vmem>>
        %dma_wait3A_121 = arith.constant 0 : i32
        %dma_wait3A_122 = tpu.memref_slice %arg6[%dma_wait3A_121] : memref<320000xi32, #tpu.memory_space<hbm>> -> memref<80xi32, #tpu.memory_space<hbm>>
        tpu.wait_dma2 semaphore(%arg20 : memref<!tpu.dma_semaphore, #tpu.memory_space<semaphore_mem>>) src(%dma_wait3A_122 : memref<80xi32, #tpu.memory_space<hbm>>) dst(%dma_wait3A_120 : memref<80xi32, #tpu.memory_space<vmem>>)
        %add3A_123 = arith.constant 1 : i32
        %add3A_124 = arith.addi %mul3A_100, %add3A_123 : i32
        %dma_start3A_125 = arith.constant 1 : i32
        %dma_start3A_126 = arith.constant 0 : i32
        %dma_start3A_127 = tpu.memref_slice %arg10[%dma_start3A_125, %dma_start3A_126] : memref<2x80xi32, #tpu.memory_space<vmem>> -> memref<1x80xi32, #tpu.memory_space<vmem>>
        %dma_start3A_128 = tpu.memref_squeeze %dma_start3A_127 : memref<1x80xi32, #tpu.memory_space<vmem>> -> memref<80xi32, #tpu.memory_space<vmem>>
        %dma_start3A_129 = arith.constant 0 : i32
        %dma_start3A_130 = arith.constant 0 : i32
        %dma_start3A_131 = tpu.memref_slice %arg2[%dma_start3A_129, %dma_start3A_130] : memref<10000x128xi32, #tpu.memory_space<hbm>> -> memref<10000x128xi32, #tpu.memory_space<hbm>>
        tpu.enqueue_indirect_dma source(%dma_start3A_131 : memref<10000x128xi32, #tpu.memory_space<hbm>>) target(%arg13 : memref<80x128xi32, #tpu.memory_space<vmem>>) offsets(%dma_start3A_128 : memref<80xi32, #tpu.memory_space<vmem>>) semaphore(%arg17 : memref<!tpu.dma_semaphore, #tpu.memory_space<semaphore_mem>>)
        %mul3A_132 = arith.constant 16 : i32
        %mul3A_133 = arith.muli %add3A_124, %mul3A_132 : i32
        %add3A_134 = arith.addi %arg1, %mul3A_133 : i32
        %mul3A_135 = arith.constant 80 : i32
        %mul3A_136 = arith.muli %add3A_134, %mul3A_135 : i32
        %dma_start3A_137 = arith.constant 0 : i32
        %dma_start3A_138 = tpu.memref_slice %arg4[%mul3A_136, %dma_start3A_137] : memref<320000x64xi32, #tpu.memory_space<hbm>> -> memref<80x64xi32, #tpu.memory_space<hbm>>
        %dma_start3A_139 = arith.constant 0 : i32
        %dma_start3A_140 = tpu.memref_slice %arg4[%mul3A_136, %dma_start3A_139] : memref<320000x64xi32, #tpu.memory_space<hbm>> -> memref<80x64xi32, #tpu.memory_space<hbm>>
        tpu.enqueue_dma source(%dma_start3A_140 : memref<80x64xi32, #tpu.memory_space<hbm>>) target(%arg15 : memref<80x64xi32, #tpu.memory_space<vmem>>) target_semaphore(%arg19 : memref<!tpu.dma_semaphore, #tpu.memory_space<semaphore_mem>>)
        %dma_wait3A_141 = arith.constant 0 : i32
        %dma_wait3A_142 = arith.constant 0 : i32
        %dma_wait3A_143 = tpu.memref_slice %arg2[%dma_wait3A_141, %dma_wait3A_142] : memref<10000x128xi32, #tpu.memory_space<hbm>> -> memref<80x128xi32, #tpu.memory_space<hbm>>
        %dma_wait3A_144 = arith.constant 0 : i32
        %dma_wait3A_145 = arith.constant 0 : i32
        %dma_wait3A_146 = tpu.memref_slice %arg2[%dma_wait3A_144, %dma_wait3A_145] : memref<10000x128xi32, #tpu.memory_space<hbm>> -> memref<80x128xi32, #tpu.memory_space<hbm>>
        tpu.wait_dma2 semaphore(%arg16 : memref<!tpu.dma_semaphore, #tpu.memory_space<semaphore_mem>>) src(%dma_wait3A_146 : memref<80x128xi32, #tpu.memory_space<hbm>>) dst(%arg12 : memref<80x128xi32, #tpu.memory_space<vmem>>)
        %dma_wait3A_147 = arith.constant 0 : i32
        %dma_wait3A_148 = arith.constant 0 : i32
        %dma_wait3A_149 = tpu.memref_slice %arg4[%dma_wait3A_147, %dma_wait3A_148] : memref<320000x64xi32, #tpu.memory_space<hbm>> -> memref<80x64xi32, #tpu.memory_space<hbm>>
        %dma_wait3A_150 = arith.constant 0 : i32
        %dma_wait3A_151 = arith.constant 0 : i32
        %dma_wait3A_152 = tpu.memref_slice %arg4[%dma_wait3A_150, %dma_wait3A_151] : memref<320000x64xi32, #tpu.memory_space<hbm>> -> memref<80x64xi32, #tpu.memory_space<hbm>>
        tpu.wait_dma2 semaphore(%arg18 : memref<!tpu.dma_semaphore, #tpu.memory_space<semaphore_mem>>) src(%dma_wait3A_152 : memref<80x64xi32, #tpu.memory_space<hbm>>) dst(%arg14 : memref<80x64xi32, #tpu.memory_space<vmem>>)
        %scan3A_153 = arith.constant 0 : i32
        %scan3A_154 = arith.constant 0 : i32
        %scan3A_155 = arith.constant 80 : i32
        %scan3A_156 = arith.addi %scan3A_154, %scan3A_155 : i32
        %scan3A_157 = arith.constant 1 : i32
        %scan3A_158 = scf.for %scan3A_195 = %scan3A_154 to %scan3A_156 step %scan3A_157 iter_args(%scan3A_196 = %scan3A_153) -> (i32)  : i32 {
          %get3A = arith.index_cast %scan3A_195 : i32 to index
          %get3A_197 = arith.constant 0 : index
          %get3A_198 = tpu.vector_load %arg14[%get3A, %get3A_197] {strides = array<i32>} : memref<80x64xi32, #tpu.memory_space<vmem>>, vector<16xi32>,
          %bitcast3A = vector.bitcast %get3A_198 : vector<16xi32> to vector<32xbf16>
          %unpack3A = tpu.unpack_subelements %bitcast3A, 0 {pack_format = #tpu.pack_format<interleaved>} : vector<32xbf16> -> vector<16xf32>
          %unpack3A_199 = tpu.unpack_subelements %bitcast3A, 1 {pack_format = #tpu.pack_format<interleaved>} : vector<32xbf16> -> vector<16xf32>
          %get3A_200 = arith.index_cast %scan3A_195 : i32 to index
          %get3A_201 = arith.constant 0 : index
          %get3A_202 = tpu.vector_load %arg12[%get3A_200, %get3A_201] {strides = array<i32>} : memref<80x128xi32, #tpu.memory_space<vmem>>, vector<16xi32>,
          %bitcast3A_203 = vector.bitcast %get3A_202 : vector<16xi32> to vector<32xbf16>
          %unpack3A_204 = tpu.unpack_subelements %bitcast3A_203, 0 {pack_format = #tpu.pack_format<interleaved>} : vector<32xbf16> -> vector<16xf32>
          %unpack3A_205 = tpu.unpack_subelements %bitcast3A_203, 1 {pack_format = #tpu.pack_format<interleaved>} : vector<32xbf16> -> vector<16xf32>
          %get3A_206 = arith.index_cast %scan3A_195 : i32 to index
          %get3A_207 = arith.constant 64 : index
          %get3A_208 = tpu.vector_load %arg12[%get3A_206, %get3A_207] {strides = array<i32>} : memref<80x128xi32, #tpu.memory_space<vmem>>, vector<16xi32>,
          %bitcast3A_209 = vector.bitcast %get3A_208 : vector<16xi32> to vector<32xbf16>
          %unpack3A_210 = tpu.unpack_subelements %bitcast3A_209, 0 {pack_format = #tpu.pack_format<interleaved>} : vector<32xbf16> -> vector<16xf32>
          %unpack3A_211 = tpu.unpack_subelements %bitcast3A_209, 1 {pack_format = #tpu.pack_format<interleaved>} : vector<32xbf16> -> vector<16xf32>
          %add3A_212 = arith.addf %unpack3A_205, %unpack3A : vector<16xf32>
          %max3A = arith.constant 0.000000e+00 : f32
          %max3A_213 = vector.broadcast %max3A : f32 to vector<16xf32>
          %max3A_214 = arith.maximumf %add3A_212, %max3A_213 : vector<16xf32>
          %swap3A = tpu.memref_bitcast %arg12 : memref<80x128xi32, #tpu.memory_space<vmem>> -> memref<80x128xf32, #tpu.memory_space<vmem>>
          %swap3A_215 = arith.index_cast %scan3A_195 : i32 to index
          %swap3A_216 = arith.constant 0 : index
          %swap3A_217 = tpu.vector_load %swap3A[%swap3A_215, %swap3A_216] {strides = array<i32>} : memref<80x128xf32, #tpu.memory_space<vmem>>, vector<16xf32>,
          tpu.vector_store %swap3A[%swap3A_215, %swap3A_216], %max3A_214 {strides = array<i32>} : memref<80x128xf32, #tpu.memory_space<vmem>>, vector<16xf32>,
          %add3A_218 = arith.addf %unpack3A_211, %unpack3A_199 : vector<16xf32>
          %max3A_219 = arith.constant 0.000000e+00 : f32
          %max3A_220 = vector.broadcast %max3A_219 : f32 to vector<16xf32>
          %max3A_221 = arith.maximumf %add3A_218, %max3A_220 : vector<16xf32>
          %swap3A_222 = tpu.memref_bitcast %arg12 : memref<80x128xi32, #tpu.memory_space<vmem>> -> memref<80x128xf32, #tpu.memory_space<vmem>>
          %swap3A_223 = arith.index_cast %scan3A_195 : i32 to index
          %swap3A_224 = arith.constant 64 : index
          %swap3A_225 = tpu.vector_load %swap3A_222[%swap3A_223, %swap3A_224] {strides = array<i32>} : memref<80x128xf32, #tpu.memory_space<vmem>>, vector<16xf32>,
          tpu.vector_store %swap3A_222[%swap3A_223, %swap3A_224], %max3A_221 {strides = array<i32>} : memref<80x128xf32, #tpu.memory_space<vmem>>, vector<16xf32>,
          %get3A_226 = arith.index_cast %scan3A_195 : i32 to index
          %get3A_227 = arith.constant 16 : index
          %get3A_228 = tpu.vector_load %arg14[%get3A_226, %get3A_227] {strides = array<i32>} : memref<80x64xi32, #tpu.memory_space<vmem>>, vector<16xi32>,
          %bitcast3A_229 = vector.bitcast %get3A_228 : vector<16xi32> to vector<32xbf16>
          %unpack3A_230 = tpu.unpack_subelements %bitcast3A_229, 0 {pack_format = #tpu.pack_format<interleaved>} : vector<32xbf16> -> vector<16xf32>
          %unpack3A_231 = tpu.unpack_subelements %bitcast3A_229, 1 {pack_format = #tpu.pack_format<interleaved>} : vector<32xbf16> -> vector<16xf32>
          %get3A_232 = arith.index_cast %scan3A_195 : i32 to index
          %get3A_233 = arith.constant 16 : index
          %get3A_234 = tpu.vector_load %arg12[%get3A_232, %get3A_233] {strides = array<i32>} : memref<80x128xi32, #tpu.memory_space<vmem>>, vector<16xi32>,
          %bitcast3A_235 = vector.bitcast %get3A_234 : vector<16xi32> to vector<32xbf16>
          %unpack3A_236 = tpu.unpack_subelements %bitcast3A_235, 0 {pack_format = #tpu.pack_format<interleaved>} : vector<32xbf16> -> vector<16xf32>
          %unpack3A_237 = tpu.unpack_subelements %bitcast3A_235, 1 {pack_format = #tpu.pack_format<interleaved>} : vector<32xbf16> -> vector<16xf32>
          %get3A_238 = arith.index_cast %scan3A_195 : i32 to index
          %get3A_239 = arith.constant 80 : index
          %get3A_240 = tpu.vector_load %arg12[%get3A_238, %get3A_239] {strides = array<i32>} : memref<80x128xi32, #tpu.memory_space<vmem>>, vector<16xi32>,
          %bitcast3A_241 = vector.bitcast %get3A_240 : vector<16xi32> to vector<32xbf16>
          %unpack3A_242 = tpu.unpack_subelements %bitcast3A_241, 0 {pack_format = #tpu.pack_format<interleaved>} : vector<32xbf16> -> vector<16xf32>
          %unpack3A_243 = tpu.unpack_subelements %bitcast3A_241, 1 {pack_format = #tpu.pack_format<interleaved>} : vector<32xbf16> -> vector<16xf32>
          %add3A_244 = arith.addf %unpack3A_237, %unpack3A_230 : vector<16xf32>
          %max3A_245 = arith.constant 0.000000e+00 : f32
          %max3A_246 = vector.broadcast %max3A_245 : f32 to vector<16xf32>
          %max3A_247 = arith.maximumf %add3A_244, %max3A_246 : vector<16xf32>
          %swap3A_248 = tpu.memref_bitcast %arg12 : memref<80x128xi32, #tpu.memory_space<vmem>> -> memref<80x128xf32, #tpu.memory_space<vmem>>
          %swap3A_249 = arith.index_cast %scan3A_195 : i32 to index
          %swap3A_250 = arith.constant 16 : index
          %swap3A_251 = tpu.vector_load %swap3A_248[%swap3A_249, %swap3A_250] {strides = array<i32>} : memref<80x128xf32, #tpu.memory_space<vmem>>, vector<16xf32>,
          tpu.vector_store %swap3A_248[%swap3A_249, %swap3A_250], %max3A_247 {strides = array<i32>} : memref<80x128xf32, #tpu.memory_space<vmem>>, vector<16xf32>,
          %add3A_252 = arith.addf %unpack3A_243, %unpack3A_231 : vector<16xf32>
          %max3A_253 = arith.constant 0.000000e+00 : f32
          %max3A_254 = vector.broadcast %max3A_253 : f32 to vector<16xf32>
          %max3A_255 = arith.maximumf %add3A_252, %max3A_254 : vector<16xf32>
          %swap3A_256 = tpu.memref_bitcast %arg12 : memref<80x128xi32, #tpu.memory_space<vmem>> -> memref<80x128xf32, #tpu.memory_space<vmem>>
          %swap3A_257 = arith.index_cast %scan3A_195 : i32 to index
          %swap3A_258 = arith.constant 80 : index
          %swap3A_259 = tpu.vector_load %swap3A_256[%swap3A_257, %swap3A_258] {strides = array<i32>} : memref<80x128xf32, #tpu.memory_space<vmem>>, vector<16xf32>,
          tpu.vector_store %swap3A_256[%swap3A_257, %swap3A_258], %max3A_255 {strides = array<i32>} : memref<80x128xf32, #tpu.memory_space<vmem>>, vector<16xf32>,
          %get3A_260 = arith.index_cast %scan3A_195 : i32 to index
          %get3A_261 = arith.constant 32 : index
          %get3A_262 = tpu.vector_load %arg14[%get3A_260, %get3A_261] {strides = array<i32>} : memref<80x64xi32, #tpu.memory_space<vmem>>, vector<16xi32>,
          %bitcast3A_263 = vector.bitcast %get3A_262 : vector<16xi32> to vector<32xbf16>
          %unpack3A_264 = tpu.unpack_subelements %bitcast3A_263, 0 {pack_format = #tpu.pack_format<interleaved>} : vector<32xbf16> -> vector<16xf32>
          %unpack3A_265 = tpu.unpack_subelements %bitcast3A_263, 1 {pack_format = #tpu.pack_format<interleaved>} : vector<32xbf16> -> vector<16xf32>
          %get3A_266 = arith.index_cast %scan3A_195 : i32 to index
          %get3A_267 = arith.constant 32 : index
          %get3A_268 = tpu.vector_load %arg12[%get3A_266, %get3A_267] {strides = array<i32>} : memref<80x128xi32, #tpu.memory_space<vmem>>, vector<16xi32>,
          %bitcast3A_269 = vector.bitcast %get3A_268 : vector<16xi32> to vector<32xbf16>
          %unpack3A_270 = tpu.unpack_subelements %bitcast3A_269, 0 {pack_format = #tpu.pack_format<interleaved>} : vector<32xbf16> -> vector<16xf32>
          %unpack3A_271 = tpu.unpack_subelements %bitcast3A_269, 1 {pack_format = #tpu.pack_format<interleaved>} : vector<32xbf16> -> vector<16xf32>
          %get3A_272 = arith.index_cast %scan3A_195 : i32 to index
          %get3A_273 = arith.constant 96 : index
          %get3A_274 = tpu.vector_load %arg12[%get3A_272, %get3A_273] {strides = array<i32>} : memref<80x128xi32, #tpu.memory_space<vmem>>, vector<16xi32>,
          %bitcast3A_275 = vector.bitcast %get3A_274 : vector<16xi32> to vector<32xbf16>
          %unpack3A_276 = tpu.unpack_subelements %bitcast3A_275, 0 {pack_format = #tpu.pack_format<interleaved>} : vector<32xbf16> -> vector<16xf32>
          %unpack3A_277 = tpu.unpack_subelements %bitcast3A_275, 1 {pack_format = #tpu.pack_format<interleaved>} : vector<32xbf16> -> vector<16xf32>
          %add3A_278 = arith.addf %unpack3A_271, %unpack3A_264 : vector<16xf32>
          %max3A_279 = arith.constant 0.000000e+00 : f32
          %max3A_280 = vector.broadcast %max3A_279 : f32 to vector<16xf32>
          %max3A_281 = arith.maximumf %add3A_278, %max3A_280 : vector<16xf32>
          %swap3A_282 = tpu.memref_bitcast %arg12 : memref<80x128xi32, #tpu.memory_space<vmem>> -> memref<80x128xf32, #tpu.memory_space<vmem>>
          %swap3A_283 = arith.index_cast %scan3A_195 : i32 to index
          %swap3A_284 = arith.constant 32 : index
          %swap3A_285 = tpu.vector_load %swap3A_282[%swap3A_283, %swap3A_284] {strides = array<i32>} : memref<80x128xf32, #tpu.memory_space<vmem>>, vector<16xf32>,
          tpu.vector_store %swap3A_282[%swap3A_283, %swap3A_284], %max3A_281 {strides = array<i32>} : memref<80x128xf32, #tpu.memory_space<vmem>>, vector<16xf32>,
          %add3A_286 = arith.addf %unpack3A_277, %unpack3A_265 : vector<16xf32>
          %max3A_287 = arith.constant 0.000000e+00 : f32
          %max3A_288 = vector.broadcast %max3A_287 : f32 to vector<16xf32>
          %max3A_289 = arith.maximumf %add3A_286, %max3A_288 : vector<16xf32>
          %swap3A_290 = tpu.memref_bitcast %arg12 : memref<80x128xi32, #tpu.memory_space<vmem>> -> memref<80x128xf32, #tpu.memory_space<vmem>>
          %swap3A_291 = arith.index_cast %scan3A_195 : i32 to index
          %swap3A_292 = arith.constant 96 : index
          %swap3A_293 = tpu.vector_load %swap3A_290[%swap3A_291, %swap3A_292] {strides = array<i32>} : memref<80x128xf32, #tpu.memory_space<vmem>>, vector<16xf32>,
          tpu.vector_store %swap3A_290[%swap3A_291, %swap3A_292], %max3A_289 {strides = array<i32>} : memref<80x128xf32, #tpu.memory_space<vmem>>, vector<16xf32>,
          %get3A_294 = arith.index_cast %scan3A_195 : i32 to index
          %get3A_295 = arith.constant 48 : index
          %get3A_296 = tpu.vector_load %arg14[%get3A_294, %get3A_295] {strides = array<i32>} : memref<80x64xi32, #tpu.memory_space<vmem>>, vector<16xi32>,
          %bitcast3A_297 = vector.bitcast %get3A_296 : vector<16xi32> to vector<32xbf16>
          %unpack3A_298 = tpu.unpack_subelements %bitcast3A_297, 0 {pack_format = #tpu.pack_format<interleaved>} : vector<32xbf16> -> vector<16xf32>
          %unpack3A_299 = tpu.unpack_subelements %bitcast3A_297, 1 {pack_format = #tpu.pack_format<interleaved>} : vector<32xbf16> -> vector<16xf32>
          %get3A_300 = arith.index_cast %scan3A_195 : i32 to index
          %get3A_301 = arith.constant 48 : index
          %get3A_302 = tpu.vector_load %arg12[%get3A_300, %get3A_301] {strides = array<i32>} : memref<80x128xi32, #tpu.memory_space<vmem>>, vector<16xi32>,
          %bitcast3A_303 = vector.bitcast %get3A_302 : vector<16xi32> to vector<32xbf16>
          %unpack3A_304 = tpu.unpack_subelements %bitcast3A_303, 0 {pack_format = #tpu.pack_format<interleaved>} : vector<32xbf16> -> vector<16xf32>
          %unpack3A_305 = tpu.unpack_subelements %bitcast3A_303, 1 {pack_format = #tpu.pack_format<interleaved>} : vector<32xbf16> -> vector<16xf32>
          %get3A_306 = arith.index_cast %scan3A_195 : i32 to index
          %get3A_307 = arith.constant 112 : index
          %get3A_308 = tpu.vector_load %arg12[%get3A_306, %get3A_307] {strides = array<i32>} : memref<80x128xi32, #tpu.memory_space<vmem>>, vector<16xi32>,
          %bitcast3A_309 = vector.bitcast %get3A_308 : vector<16xi32> to vector<32xbf16>
          %unpack3A_310 = tpu.unpack_subelements %bitcast3A_309, 0 {pack_format = #tpu.pack_format<interleaved>} : vector<32xbf16> -> vector<16xf32>
          %unpack3A_311 = tpu.unpack_subelements %bitcast3A_309, 1 {pack_format = #tpu.pack_format<interleaved>} : vector<32xbf16> -> vector<16xf32>
          %add3A_312 = arith.addf %unpack3A_305, %unpack3A_298 : vector<16xf32>
          %max3A_313 = arith.constant 0.000000e+00 : f32
          %max3A_314 = vector.broadcast %max3A_313 : f32 to vector<16xf32>
          %max3A_315 = arith.maximumf %add3A_312, %max3A_314 : vector<16xf32>
          %swap3A_316 = tpu.memref_bitcast %arg12 : memref<80x128xi32, #tpu.memory_space<vmem>> -> memref<80x128xf32, #tpu.memory_space<vmem>>
          %swap3A_317 = arith.index_cast %scan3A_195 : i32 to index
          %swap3A_318 = arith.constant 48 : index
          %swap3A_319 = tpu.vector_load %swap3A_316[%swap3A_317, %swap3A_318] {strides = array<i32>} : memref<80x128xf32, #tpu.memory_space<vmem>>, vector<16xf32>,
          tpu.vector_store %swap3A_316[%swap3A_317, %swap3A_318], %max3A_315 {strides = array<i32>} : memref<80x128xf32, #tpu.memory_space<vmem>>, vector<16xf32>,
          %add3A_320 = arith.addf %unpack3A_311, %unpack3A_299 : vector<16xf32>
          %max3A_321 = arith.constant 0.000000e+00 : f32
          %max3A_322 = vector.broadcast %max3A_321 : f32 to vector<16xf32>
          %max3A_323 = arith.maximumf %add3A_320, %max3A_322 : vector<16xf32>
          %swap3A_324 = tpu.memref_bitcast %arg12 : memref<80x128xi32, #tpu.memory_space<vmem>> -> memref<80x128xf32, #tpu.memory_space<vmem>>
          %swap3A_325 = arith.index_cast %scan3A_195 : i32 to index
          %swap3A_326 = arith.constant 112 : index
          %swap3A_327 = tpu.vector_load %swap3A_324[%swap3A_325, %swap3A_326] {strides = array<i32>} : memref<80x128xf32, #tpu.memory_space<vmem>>, vector<16xf32>,
          tpu.vector_store %swap3A_324[%swap3A_325, %swap3A_326], %max3A_323 {strides = array<i32>} : memref<80x128xf32, #tpu.memory_space<vmem>>, vector<16xf32>,
          %scan3A_328 = arith.constant 0 : i32
          scf.yield %scan3A_328 : i32
        }
        %scan3A_159 = arith.constant 80 : i32
        %run_scoped3A_160 = arith.constant 0 : i32
        "tpu.region"() ({
          %run_scoped3A_195 = tpu.sem_alloc : memref<!tpu.dma_semaphore, #tpu.memory_space<semaphore_mem>>
          %dma_start3A_196 = tpu.memref_bitcast %arg12 : memref<80x128xi32, #tpu.memory_space<vmem>> -> memref<80x128xf32, #tpu.memory_space<vmem>>
          %dma_start3A_197 = arith.constant 0 : i32
          %dma_start3A_198 = tpu.memref_slice %arg11[%run_scoped3A_160, %dma_start3A_197] : memref<2x80xi32, #tpu.memory_space<vmem>> -> memref<1x80xi32, #tpu.memory_space<vmem>>
          %dma_start3A_199 = tpu.memref_squeeze %dma_start3A_198 : memref<1x80xi32, #tpu.memory_space<vmem>> -> memref<80xi32, #tpu.memory_space<vmem>>
          %dma_start3A_200 = arith.constant 0 : i32
          %dma_start3A_201 = arith.constant 0 : i32
          %dma_start3A_202 = tpu.memref_slice %arg9[%dma_start3A_200, %dma_start3A_201] : memref<10000x128xf32, #tpu.memory_space<vmem_shared>> -> memref<10000x128xf32, #tpu.memory_space<vmem_shared>>
          tpu.enqueue_indirect_dma source(%dma_start3A_196 : memref<80x128xf32, #tpu.memory_space<vmem>>) target(%dma_start3A_202 : memref<10000x128xf32, #tpu.memory_space<vmem_shared>>) offsets(%dma_start3A_199 : memref<80xi32, #tpu.memory_space<vmem>>) semaphore(%run_scoped3A_195 : memref<!tpu.dma_semaphore, #tpu.memory_space<semaphore_mem>>) {add = true}
          %dma_wait3A_203 = tpu.memref_bitcast %arg12 : memref<80x128xi32, #tpu.memory_space<vmem>> -> memref<80x128xf32, #tpu.memory_space<vmem>>
          %dma_wait3A_204 = arith.constant 0 : i32
          %dma_wait3A_205 = tpu.memref_slice %arg11[%run_scoped3A_160, %dma_wait3A_204] : memref<2x80xi32, #tpu.memory_space<vmem>> -> memref<1x80xi32, #tpu.memory_space<vmem>>
          %dma_wait3A_206 = tpu.memref_squeeze %dma_wait3A_205 : memref<1x80xi32, #tpu.memory_space<vmem>> -> memref<80xi32, #tpu.memory_space<vmem>>
          %dma_wait3A_207 = arith.constant 0 : i32
          %dma_wait3A_208 = arith.constant 0 : i32
          %dma_wait3A_209 = tpu.memref_slice %arg9[%dma_wait3A_207, %dma_wait3A_208] : memref<10000x128xf32, #tpu.memory_space<vmem_shared>> -> memref<10000x128xf32, #tpu.memory_space<vmem_shared>>
          tpu.wait_indirect_dma semaphore(%run_scoped3A_195 : memref<!tpu.dma_semaphore, #tpu.memory_space<semaphore_mem>>) src(%dma_wait3A_203 : memref<80x128xf32, #tpu.memory_space<vmem>>) dst(%dma_wait3A_209 : memref<10000x128xf32, #tpu.memory_space<vmem_shared>>)
          tpu.yield
        }) : () -> ()
        %convert_element_type3A_161 = arith.extui %lt3A_98 : i1 to i32
        %cond3A_162 = arith.constant 0 : i32
        %cond3A_163 = arith.cmpi ne, %convert_element_type3A_161, %cond3A_162 : i32
        scf.if %cond3A_163 {
          %add3A_195 = arith.constant 2 : i32
          %add3A_196 = arith.addi %mul3A_100, %add3A_195 : i32
          %mul3A_197 = arith.constant 16 : i32
          %mul3A_198 = arith.muli %add3A_196, %mul3A_197 : i32
          %add3A_199 = arith.addi %arg1, %mul3A_198 : i32
          %mul3A_200 = arith.constant 80 : i32
          %mul3A_201 = arith.muli %add3A_199, %mul3A_200 : i32
          %dma_start3A_202 = arith.constant 0 : i32
          %dma_start3A_203 = arith.constant 0 : i32
          %dma_start3A_204 = tpu.memref_slice %arg10[%dma_start3A_202, %dma_start3A_203] : memref<2x80xi32, #tpu.memory_space<vmem>> -> memref<1x80xi32, #tpu.memory_space<vmem>>
          %dma_start3A_205 = tpu.memref_squeeze %dma_start3A_204 : memref<1x80xi32, #tpu.memory_space<vmem>> -> memref<80xi32, #tpu.memory_space<vmem>>
          %dma_start3A_206 = tpu.memref_slice %arg5[%mul3A_201] : memref<320000xi32, #tpu.memory_space<hbm>> -> memref<80xi32, #tpu.memory_space<hbm>>
          %dma_start3A_207 = arith.constant 0 : i32
          %dma_start3A_208 = tpu.memref_slice %arg10[%dma_start3A_202, %dma_start3A_207] : memref<2x80xi32, #tpu.memory_space<vmem>> -> memref<1x80xi32, #tpu.memory_space<vmem>>
          %dma_start3A_209 = tpu.memref_squeeze %dma_start3A_208 : memref<1x80xi32, #tpu.memory_space<vmem>> -> memref<80xi32, #tpu.memory_space<vmem>>
          %dma_start3A_210 = tpu.memref_slice %arg5[%mul3A_201] : memref<320000xi32, #tpu.memory_space<hbm>> -> memref<80xi32, #tpu.memory_space<hbm>>
          tpu.enqueue_dma source(%dma_start3A_210 : memref<80xi32, #tpu.memory_space<hbm>>) target(%dma_start3A_209 : memref<80xi32, #tpu.memory_space<vmem>>) target_semaphore(%arg20 : memref<!tpu.dma_semaphore, #tpu.memory_space<semaphore_mem>>)
          %mul3A_211 = arith.constant 16 : i32
          %mul3A_212 = arith.muli %add3A_196, %mul3A_211 : i32
          %add3A_213 = arith.addi %arg1, %mul3A_212 : i32
          %mul3A_214 = arith.constant 80 : i32
          %mul3A_215 = arith.muli %add3A_213, %mul3A_214 : i32
          %dma_start3A_216 = arith.constant 0 : i32
          %dma_start3A_217 = arith.constant 0 : i32
          %dma_start3A_218 = tpu.memref_slice %arg11[%dma_start3A_216, %dma_start3A_217] : memref<2x80xi32, #tpu.memory_space<vmem>> -> memref<1x80xi32, #tpu.memory_space<vmem>>
          %dma_start3A_219 = tpu.memref_squeeze %dma_start3A_218 : memref<1x80xi32, #tpu.memory_space<vmem>> -> memref<80xi32, #tpu.memory_space<vmem>>
          %dma_start3A_220 = tpu.memref_slice %arg6[%mul3A_215] : memref<320000xi32, #tpu.memory_space<hbm>> -> memref<80xi32, #tpu.memory_space<hbm>>
          %dma_start3A_221 = arith.constant 0 : i32
          %dma_start3A_222 = tpu.memref_slice %arg11[%dma_start3A_216, %dma_start3A_221] : memref<2x80xi32, #tpu.memory_space<vmem>> -> memref<1x80xi32, #tpu.memory_space<vmem>>
          %dma_start3A_223 = tpu.memref_squeeze %dma_start3A_222 : memref<1x80xi32, #tpu.memory_space<vmem>> -> memref<80xi32, #tpu.memory_space<vmem>>
          %dma_start3A_224 = tpu.memref_slice %arg6[%mul3A_215] : memref<320000xi32, #tpu.memory_space<hbm>> -> memref<80xi32, #tpu.memory_space<hbm>>
          tpu.enqueue_dma source(%dma_start3A_224 : memref<80xi32, #tpu.memory_space<hbm>>) target(%dma_start3A_223 : memref<80xi32, #tpu.memory_space<vmem>>) target_semaphore(%arg20 : memref<!tpu.dma_semaphore, #tpu.memory_space<semaphore_mem>>)
        } else {
        }
        %mul3A_164 = arith.constant 2 : i32
        %mul3A_165 = arith.muli %mul3A_164, %scan3A_96 : i32
        %add3A_166 = arith.constant 1 : i32
        %add3A_167 = arith.addi %mul3A_165, %add3A_166 : i32
        %convert_element_type3A_168 = arith.extui %lt3A_98 : i1 to i32
        %cond3A_169 = arith.constant 0 : i32
        %cond3A_170 = arith.cmpi ne, %convert_element_type3A_168, %cond3A_169 : i32
        scf.if %cond3A_170 {
          %dma_wait3A_195 = arith.constant 0 : i32
          %dma_wait3A_196 = arith.constant 0 : i32
          %dma_wait3A_197 = tpu.memref_slice %arg10[%dma_wait3A_195, %dma_wait3A_196] : memref<2x80xi32, #tpu.memory_space<vmem>> -> memref<1x80xi32, #tpu.memory_space<vmem>>
          %dma_wait3A_198 = tpu.memref_squeeze %dma_wait3A_197 : memref<1x80xi32, #tpu.memory_space<vmem>> -> memref<80xi32, #tpu.memory_space<vmem>>
          %dma_wait3A_199 = arith.constant 0 : i32
          %dma_wait3A_200 = tpu.memref_slice %arg5[%dma_wait3A_199] : memref<320000xi32, #tpu.memory_space<hbm>> -> memref<80xi32, #tpu.memory_space<hbm>>
          %dma_wait3A_201 = arith.constant 0 : i32
          %dma_wait3A_202 = tpu.memref_slice %arg10[%dma_wait3A_195, %dma_wait3A_201] : memref<2x80xi32, #tpu.memory_space<vmem>> -> memref<1x80xi32, #tpu.memory_space<vmem>>
          %dma_wait3A_203 = tpu.memref_squeeze %dma_wait3A_202 : memref<1x80xi32, #tpu.memory_space<vmem>> -> memref<80xi32, #tpu.memory_space<vmem>>
          %dma_wait3A_204 = arith.constant 0 : i32
          %dma_wait3A_205 = tpu.memref_slice %arg5[%dma_wait3A_204] : memref<320000xi32, #tpu.memory_space<hbm>> -> memref<80xi32, #tpu.memory_space<hbm>>
          tpu.wait_dma2 semaphore(%arg20 : memref<!tpu.dma_semaphore, #tpu.memory_space<semaphore_mem>>) src(%dma_wait3A_205 : memref<80xi32, #tpu.memory_space<hbm>>) dst(%dma_wait3A_203 : memref<80xi32, #tpu.memory_space<vmem>>)
          %dma_wait3A_206 = arith.constant 0 : i32
          %dma_wait3A_207 = arith.constant 0 : i32
          %dma_wait3A_208 = tpu.memref_slice %arg11[%dma_wait3A_206, %dma_wait3A_207] : memref<2x80xi32, #tpu.memory_space<vmem>> -> memref<1x80xi32, #tpu.memory_space<vmem>>
          %dma_wait3A_209 = tpu.memref_squeeze %dma_wait3A_208 : memref<1x80xi32, #tpu.memory_space<vmem>> -> memref<80xi32, #tpu.memory_space<vmem>>
          %dma_wait3A_210 = arith.constant 0 : i32
          %dma_wait3A_211 = tpu.memref_slice %arg6[%dma_wait3A_210] : memref<320000xi32, #tpu.memory_space<hbm>> -> memref<80xi32, #tpu.memory_space<hbm>>
          %dma_wait3A_212 = arith.constant 0 : i32
          %dma_wait3A_213 = tpu.memref_slice %arg11[%dma_wait3A_206, %dma_wait3A_212] : memref<2x80xi32, #tpu.memory_space<vmem>> -> memref<1x80xi32, #tpu.memory_space<vmem>>
          %dma_wait3A_214 = tpu.memref_squeeze %dma_wait3A_213 : memref<1x80xi32, #tpu.memory_space<vmem>> -> memref<80xi32, #tpu.memory_space<vmem>>
          %dma_wait3A_215 = arith.constant 0 : i32
          %dma_wait3A_216 = tpu.memref_slice %arg6[%dma_wait3A_215] : memref<320000xi32, #tpu.memory_space<hbm>> -> memref<80xi32, #tpu.memory_space<hbm>>
          tpu.wait_dma2 semaphore(%arg20 : memref<!tpu.dma_semaphore, #tpu.memory_space<semaphore_mem>>) src(%dma_wait3A_216 : memref<80xi32, #tpu.memory_space<hbm>>) dst(%dma_wait3A_214 : memref<80xi32, #tpu.memory_space<vmem>>)
          %add3A_217 = arith.constant 1 : i32
          %add3A_218 = arith.addi %add3A_167, %add3A_217 : i32
          %dma_start3A_219 = arith.constant 0 : i32
          %dma_start3A_220 = arith.constant 0 : i32
          %dma_start3A_221 = tpu.memref_slice %arg10[%dma_start3A_219, %dma_start3A_220] : memref<2x80xi32, #tpu.memory_space<vmem>> -> memref<1x80xi32, #tpu.memory_space<vmem>>
          %dma_start3A_222 = tpu.memref_squeeze %dma_start3A_221 : memref<1x80xi32, #tpu.memory_space<vmem>> -> memref<80xi32, #tpu.memory_space<vmem>>
          %dma_start3A_223 = arith.constant 0 : i32
          %dma_start3A_224 = arith.constant 0 : i32
          %dma_start3A_225 = tpu.memref_slice %arg2[%dma_start3A_223, %dma_start3A_224] : memref<10000x128xi32, #tpu.memory_space<hbm>> -> memref<10000x128xi32, #tpu.memory_space<hbm>>
          tpu.enqueue_indirect_dma source(%dma_start3A_225 : memref<10000x128xi32, #tpu.memory_space<hbm>>) target(%arg12 : memref<80x128xi32, #tpu.memory_space<vmem>>) offsets(%dma_start3A_222 : memref<80xi32, #tpu.memory_space<vmem>>) semaphore(%arg16 : memref<!tpu.dma_semaphore, #tpu.memory_space<semaphore_mem>>)
          %mul3A_226 = arith.constant 16 : i32
          %mul3A_227 = arith.muli %add3A_218, %mul3A_226 : i32
          %add3A_228 = arith.addi %arg1, %mul3A_227 : i32
          %mul3A_229 = arith.constant 80 : i32
          %mul3A_230 = arith.muli %add3A_228, %mul3A_229 : i32
          %dma_start3A_231 = arith.constant 0 : i32
          %dma_start3A_232 = tpu.memref_slice %arg4[%mul3A_230, %dma_start3A_231] : memref<320000x64xi32, #tpu.memory_space<hbm>> -> memref<80x64xi32, #tpu.memory_space<hbm>>
          %dma_start3A_233 = arith.constant 0 : i32
          %dma_start3A_234 = tpu.memref_slice %arg4[%mul3A_230, %dma_start3A_233] : memref<320000x64xi32, #tpu.memory_space<hbm>> -> memref<80x64xi32, #tpu.memory_space<hbm>>
          tpu.enqueue_dma source(%dma_start3A_234 : memref<80x64xi32, #tpu.memory_space<hbm>>) target(%arg14 : memref<80x64xi32, #tpu.memory_space<vmem>>) target_semaphore(%arg18 : memref<!tpu.dma_semaphore, #tpu.memory_space<semaphore_mem>>)
        } else {
        }
        %dma_wait3A_171 = arith.constant 0 : i32
        %dma_wait3A_172 = arith.constant 0 : i32
        %dma_wait3A_173 = tpu.memref_slice %arg2[%dma_wait3A_171, %dma_wait3A_172] : memref<10000x128xi32, #tpu.memory_space<hbm>> -> memref<80x128xi32, #tpu.memory_space<hbm>>
        %dma_wait3A_174 = arith.constant 0 : i32
        %dma_wait3A_175 = arith.constant 0 : i32
        %dma_wait3A_176 = tpu.memref_slice %arg2[%dma_wait3A_174, %dma_wait3A_175] : memref<10000x128xi32, #tpu.memory_space<hbm>> -> memref<80x128xi32, #tpu.memory_space<hbm>>
        tpu.wait_dma2 semaphore(%arg17 : memref<!tpu.dma_semaphore, #tpu.memory_space<semaphore_mem>>) src(%dma_wait3A_176 : memref<80x128xi32, #tpu.memory_space<hbm>>) dst(%arg13 : memref<80x128xi32, #tpu.memory_space<vmem>>)
        %dma_wait3A_177 = arith.constant 0 : i32
        %dma_wait3A_178 = arith.constant 0 : i32
        %dma_wait3A_179 = tpu.memref_slice %arg4[%dma_wait3A_177, %dma_wait3A_178] : memref<320000x64xi32, #tpu.memory_space<hbm>> -> memref<80x64xi32, #tpu.memory_space<hbm>>
        %dma_wait3A_180 = arith.constant 0 : i32
        %dma_wait3A_181 = arith.constant 0 : i32
        %dma_wait3A_182 = tpu.memref_slice %arg4[%dma_wait3A_180, %dma_wait3A_181] : memref<320000x64xi32, #tpu.memory_space<hbm>> -> memref<80x64xi32, #tpu.memory_space<hbm>>
        tpu.wait_dma2 semaphore(%arg19 : memref<!tpu.dma_semaphore, #tpu.memory_space<semaphore_mem>>) src(%dma_wait3A_182 : memref<80x64xi32, #tpu.memory_space<hbm>>) dst(%arg15 : memref<80x64xi32, #tpu.memory_space<vmem>>)
        %scan3A_183 = arith.constant 0 : i32
        %scan3A_184 = arith.constant 0 : i32
        %scan3A_185 = arith.constant 80 : i32
        %scan3A_186 = arith.addi %scan3A_184, %scan3A_185 : i32
        %scan3A_187 = arith.constant 1 : i32
        %scan3A_188 = scf.for %scan3A_195 = %scan3A_184 to %scan3A_186 step %scan3A_187 iter_args(%scan3A_196 = %scan3A_183) -> (i32)  : i32 {
          %get3A = arith.index_cast %scan3A_195 : i32 to index
          %get3A_197 = arith.constant 0 : index
          %get3A_198 = tpu.vector_load %arg15[%get3A, %get3A_197] {strides = array<i32>} : memref<80x64xi32, #tpu.memory_space<vmem>>, vector<16xi32>,
          %bitcast3A = vector.bitcast %get3A_198 : vector<16xi32> to vector<32xbf16>
          %unpack3A = tpu.unpack_subelements %bitcast3A, 0 {pack_format = #tpu.pack_format<interleaved>} : vector<32xbf16> -> vector<16xf32>
          %unpack3A_199 = tpu.unpack_subelements %bitcast3A, 1 {pack_format = #tpu.pack_format<interleaved>} : vector<32xbf16> -> vector<16xf32>
          %get3A_200 = arith.index_cast %scan3A_195 : i32 to index
          %get3A_201 = arith.constant 0 : index
          %get3A_202 = tpu.vector_load %arg13[%get3A_200, %get3A_201] {strides = array<i32>} : memref<80x128xi32, #tpu.memory_space<vmem>>, vector<16xi32>,
          %bitcast3A_203 = vector.bitcast %get3A_202 : vector<16xi32> to vector<32xbf16>
          %unpack3A_204 = tpu.unpack_subelements %bitcast3A_203, 0 {pack_format = #tpu.pack_format<interleaved>} : vector<32xbf16> -> vector<16xf32>
          %unpack3A_205 = tpu.unpack_subelements %bitcast3A_203, 1 {pack_format = #tpu.pack_format<interleaved>} : vector<32xbf16> -> vector<16xf32>
          %get3A_206 = arith.index_cast %scan3A_195 : i32 to index
          %get3A_207 = arith.constant 64 : index
          %get3A_208 = tpu.vector_load %arg13[%get3A_206, %get3A_207] {strides = array<i32>} : memref<80x128xi32, #tpu.memory_space<vmem>>, vector<16xi32>,
          %bitcast3A_209 = vector.bitcast %get3A_208 : vector<16xi32> to vector<32xbf16>
          %unpack3A_210 = tpu.unpack_subelements %bitcast3A_209, 0 {pack_format = #tpu.pack_format<interleaved>} : vector<32xbf16> -> vector<16xf32>
          %unpack3A_211 = tpu.unpack_subelements %bitcast3A_209, 1 {pack_format = #tpu.pack_format<interleaved>} : vector<32xbf16> -> vector<16xf32>
          %add3A_212 = arith.addf %unpack3A_205, %unpack3A : vector<16xf32>
          %max3A = arith.constant 0.000000e+00 : f32
          %max3A_213 = vector.broadcast %max3A : f32 to vector<16xf32>
          %max3A_214 = arith.maximumf %add3A_212, %max3A_213 : vector<16xf32>
          %swap3A = tpu.memref_bitcast %arg13 : memref<80x128xi32, #tpu.memory_space<vmem>> -> memref<80x128xf32, #tpu.memory_space<vmem>>
          %swap3A_215 = arith.index_cast %scan3A_195 : i32 to index
          %swap3A_216 = arith.constant 0 : index
          %swap3A_217 = tpu.vector_load %swap3A[%swap3A_215, %swap3A_216] {strides = array<i32>} : memref<80x128xf32, #tpu.memory_space<vmem>>, vector<16xf32>,
          tpu.vector_store %swap3A[%swap3A_215, %swap3A_216], %max3A_214 {strides = array<i32>} : memref<80x128xf32, #tpu.memory_space<vmem>>, vector<16xf32>,
          %add3A_218 = arith.addf %unpack3A_211, %unpack3A_199 : vector<16xf32>
          %max3A_219 = arith.constant 0.000000e+00 : f32
          %max3A_220 = vector.broadcast %max3A_219 : f32 to vector<16xf32>
          %max3A_221 = arith.maximumf %add3A_218, %max3A_220 : vector<16xf32>
          %swap3A_222 = tpu.memref_bitcast %arg13 : memref<80x128xi32, #tpu.memory_space<vmem>> -> memref<80x128xf32, #tpu.memory_space<vmem>>
          %swap3A_223 = arith.index_cast %scan3A_195 : i32 to index
          %swap3A_224 = arith.constant 64 : index
          %swap3A_225 = tpu.vector_load %swap3A_222[%swap3A_223, %swap3A_224] {strides = array<i32>} : memref<80x128xf32, #tpu.memory_space<vmem>>, vector<16xf32>,
          tpu.vector_store %swap3A_222[%swap3A_223, %swap3A_224], %max3A_221 {strides = array<i32>} : memref<80x128xf32, #tpu.memory_space<vmem>>, vector<16xf32>,
          %get3A_226 = arith.index_cast %scan3A_195 : i32 to index
          %get3A_227 = arith.constant 16 : index
          %get3A_228 = tpu.vector_load %arg15[%get3A_226, %get3A_227] {strides = array<i32>} : memref<80x64xi32, #tpu.memory_space<vmem>>, vector<16xi32>,
          %bitcast3A_229 = vector.bitcast %get3A_228 : vector<16xi32> to vector<32xbf16>
          %unpack3A_230 = tpu.unpack_subelements %bitcast3A_229, 0 {pack_format = #tpu.pack_format<interleaved>} : vector<32xbf16> -> vector<16xf32>
          %unpack3A_231 = tpu.unpack_subelements %bitcast3A_229, 1 {pack_format = #tpu.pack_format<interleaved>} : vector<32xbf16> -> vector<16xf32>
          %get3A_232 = arith.index_cast %scan3A_195 : i32 to index
          %get3A_233 = arith.constant 16 : index
          %get3A_234 = tpu.vector_load %arg13[%get3A_232, %get3A_233] {strides = array<i32>} : memref<80x128xi32, #tpu.memory_space<vmem>>, vector<16xi32>,
          %bitcast3A_235 = vector.bitcast %get3A_234 : vector<16xi32> to vector<32xbf16>
          %unpack3A_236 = tpu.unpack_subelements %bitcast3A_235, 0 {pack_format = #tpu.pack_format<interleaved>} : vector<32xbf16> -> vector<16xf32>
          %unpack3A_237 = tpu.unpack_subelements %bitcast3A_235, 1 {pack_format = #tpu.pack_format<interleaved>} : vector<32xbf16> -> vector<16xf32>
          %get3A_238 = arith.index_cast %scan3A_195 : i32 to index
          %get3A_239 = arith.constant 80 : index
          %get3A_240 = tpu.vector_load %arg13[%get3A_238, %get3A_239] {strides = array<i32>} : memref<80x128xi32, #tpu.memory_space<vmem>>, vector<16xi32>,
          %bitcast3A_241 = vector.bitcast %get3A_240 : vector<16xi32> to vector<32xbf16>
          %unpack3A_242 = tpu.unpack_subelements %bitcast3A_241, 0 {pack_format = #tpu.pack_format<interleaved>} : vector<32xbf16> -> vector<16xf32>
          %unpack3A_243 = tpu.unpack_subelements %bitcast3A_241, 1 {pack_format = #tpu.pack_format<interleaved>} : vector<32xbf16> -> vector<16xf32>
          %add3A_244 = arith.addf %unpack3A_237, %unpack3A_230 : vector<16xf32>
          %max3A_245 = arith.constant 0.000000e+00 : f32
          %max3A_246 = vector.broadcast %max3A_245 : f32 to vector<16xf32>
          %max3A_247 = arith.maximumf %add3A_244, %max3A_246 : vector<16xf32>
          %swap3A_248 = tpu.memref_bitcast %arg13 : memref<80x128xi32, #tpu.memory_space<vmem>> -> memref<80x128xf32, #tpu.memory_space<vmem>>
          %swap3A_249 = arith.index_cast %scan3A_195 : i32 to index
          %swap3A_250 = arith.constant 16 : index
          %swap3A_251 = tpu.vector_load %swap3A_248[%swap3A_249, %swap3A_250] {strides = array<i32>} : memref<80x128xf32, #tpu.memory_space<vmem>>, vector<16xf32>,
          tpu.vector_store %swap3A_248[%swap3A_249, %swap3A_250], %max3A_247 {strides = array<i32>} : memref<80x128xf32, #tpu.memory_space<vmem>>, vector<16xf32>,
          %add3A_252 = arith.addf %unpack3A_243, %unpack3A_231 : vector<16xf32>
          %max3A_253 = arith.constant 0.000000e+00 : f32
          %max3A_254 = vector.broadcast %max3A_253 : f32 to vector<16xf32>
          %max3A_255 = arith.maximumf %add3A_252, %max3A_254 : vector<16xf32>
          %swap3A_256 = tpu.memref_bitcast %arg13 : memref<80x128xi32, #tpu.memory_space<vmem>> -> memref<80x128xf32, #tpu.memory_space<vmem>>
          %swap3A_257 = arith.index_cast %scan3A_195 : i32 to index
          %swap3A_258 = arith.constant 80 : index
          %swap3A_259 = tpu.vector_load %swap3A_256[%swap3A_257, %swap3A_258] {strides = array<i32>} : memref<80x128xf32, #tpu.memory_space<vmem>>, vector<16xf32>,
          tpu.vector_store %swap3A_256[%swap3A_257, %swap3A_258], %max3A_255 {strides = array<i32>} : memref<80x128xf32, #tpu.memory_space<vmem>>, vector<16xf32>,
          %get3A_260 = arith.index_cast %scan3A_195 : i32 to index
          %get3A_261 = arith.constant 32 : index
          %get3A_262 = tpu.vector_load %arg15[%get3A_260, %get3A_261] {strides = array<i32>} : memref<80x64xi32, #tpu.memory_space<vmem>>, vector<16xi32>,
          %bitcast3A_263 = vector.bitcast %get3A_262 : vector<16xi32> to vector<32xbf16>
          %unpack3A_264 = tpu.unpack_subelements %bitcast3A_263, 0 {pack_format = #tpu.pack_format<interleaved>} : vector<32xbf16> -> vector<16xf32>
          %unpack3A_265 = tpu.unpack_subelements %bitcast3A_263, 1 {pack_format = #tpu.pack_format<interleaved>} : vector<32xbf16> -> vector<16xf32>
          %get3A_266 = arith.index_cast %scan3A_195 : i32 to index
          %get3A_267 = arith.constant 32 : index
          %get3A_268 = tpu.vector_load %arg13[%get3A_266, %get3A_267] {strides = array<i32>} : memref<80x128xi32, #tpu.memory_space<vmem>>, vector<16xi32>,
          %bitcast3A_269 = vector.bitcast %get3A_268 : vector<16xi32> to vector<32xbf16>
          %unpack3A_270 = tpu.unpack_subelements %bitcast3A_269, 0 {pack_format = #tpu.pack_format<interleaved>} : vector<32xbf16> -> vector<16xf32>
          %unpack3A_271 = tpu.unpack_subelements %bitcast3A_269, 1 {pack_format = #tpu.pack_format<interleaved>} : vector<32xbf16> -> vector<16xf32>
          %get3A_272 = arith.index_cast %scan3A_195 : i32 to index
          %get3A_273 = arith.constant 96 : index
          %get3A_274 = tpu.vector_load %arg13[%get3A_272, %get3A_273] {strides = array<i32>} : memref<80x128xi32, #tpu.memory_space<vmem>>, vector<16xi32>,
          %bitcast3A_275 = vector.bitcast %get3A_274 : vector<16xi32> to vector<32xbf16>
          %unpack3A_276 = tpu.unpack_subelements %bitcast3A_275, 0 {pack_format = #tpu.pack_format<interleaved>} : vector<32xbf16> -> vector<16xf32>
          %unpack3A_277 = tpu.unpack_subelements %bitcast3A_275, 1 {pack_format = #tpu.pack_format<interleaved>} : vector<32xbf16> -> vector<16xf32>
          %add3A_278 = arith.addf %unpack3A_271, %unpack3A_264 : vector<16xf32>
          %max3A_279 = arith.constant 0.000000e+00 : f32
          %max3A_280 = vector.broadcast %max3A_279 : f32 to vector<16xf32>
          %max3A_281 = arith.maximumf %add3A_278, %max3A_280 : vector<16xf32>
          %swap3A_282 = tpu.memref_bitcast %arg13 : memref<80x128xi32, #tpu.memory_space<vmem>> -> memref<80x128xf32, #tpu.memory_space<vmem>>
          %swap3A_283 = arith.index_cast %scan3A_195 : i32 to index
          %swap3A_284 = arith.constant 32 : index
          %swap3A_285 = tpu.vector_load %swap3A_282[%swap3A_283, %swap3A_284] {strides = array<i32>} : memref<80x128xf32, #tpu.memory_space<vmem>>, vector<16xf32>,
          tpu.vector_store %swap3A_282[%swap3A_283, %swap3A_284], %max3A_281 {strides = array<i32>} : memref<80x128xf32, #tpu.memory_space<vmem>>, vector<16xf32>,
          %add3A_286 = arith.addf %unpack3A_277, %unpack3A_265 : vector<16xf32>
          %max3A_287 = arith.constant 0.000000e+00 : f32
          %max3A_288 = vector.broadcast %max3A_287 : f32 to vector<16xf32>
          %max3A_289 = arith.maximumf %add3A_286, %max3A_288 : vector<16xf32>
          %swap3A_290 = tpu.memref_bitcast %arg13 : memref<80x128xi32, #tpu.memory_space<vmem>> -> memref<80x128xf32, #tpu.memory_space<vmem>>
          %swap3A_291 = arith.index_cast %scan3A_195 : i32 to index
          %swap3A_292 = arith.constant 96 : index
          %swap3A_293 = tpu.vector_load %swap3A_290[%swap3A_291, %swap3A_292] {strides = array<i32>} : memref<80x128xf32, #tpu.memory_space<vmem>>, vector<16xf32>,
          tpu.vector_store %swap3A_290[%swap3A_291, %swap3A_292], %max3A_289 {strides = array<i32>} : memref<80x128xf32, #tpu.memory_space<vmem>>, vector<16xf32>,
          %get3A_294 = arith.index_cast %scan3A_195 : i32 to index
          %get3A_295 = arith.constant 48 : index
          %get3A_296 = tpu.vector_load %arg15[%get3A_294, %get3A_295] {strides = array<i32>} : memref<80x64xi32, #tpu.memory_space<vmem>>, vector<16xi32>,
          %bitcast3A_297 = vector.bitcast %get3A_296 : vector<16xi32> to vector<32xbf16>
          %unpack3A_298 = tpu.unpack_subelements %bitcast3A_297, 0 {pack_format = #tpu.pack_format<interleaved>} : vector<32xbf16> -> vector<16xf32>
          %unpack3A_299 = tpu.unpack_subelements %bitcast3A_297, 1 {pack_format = #tpu.pack_format<interleaved>} : vector<32xbf16> -> vector<16xf32>
          %get3A_300 = arith.index_cast %scan3A_195 : i32 to index
          %get3A_301 = arith.constant 48 : index
          %get3A_302 = tpu.vector_load %arg13[%get3A_300, %get3A_301] {strides = array<i32>} : memref<80x128xi32, #tpu.memory_space<vmem>>, vector<16xi32>,
          %bitcast3A_303 = vector.bitcast %get3A_302 : vector<16xi32> to vector<32xbf16>
          %unpack3A_304 = tpu.unpack_subelements %bitcast3A_303, 0 {pack_format = #tpu.pack_format<interleaved>} : vector<32xbf16> -> vector<16xf32>
          %unpack3A_305 = tpu.unpack_subelements %bitcast3A_303, 1 {pack_format = #tpu.pack_format<interleaved>} : vector<32xbf16> -> vector<16xf32>
          %get3A_306 = arith.index_cast %scan3A_195 : i32 to index
          %get3A_307 = arith.constant 112 : index
          %get3A_308 = tpu.vector_load %arg13[%get3A_306, %get3A_307] {strides = array<i32>} : memref<80x128xi32, #tpu.memory_space<vmem>>, vector<16xi32>,
          %bitcast3A_309 = vector.bitcast %get3A_308 : vector<16xi32> to vector<32xbf16>
          %unpack3A_310 = tpu.unpack_subelements %bitcast3A_309, 0 {pack_format = #tpu.pack_format<interleaved>} : vector<32xbf16> -> vector<16xf32>
          %unpack3A_311 = tpu.unpack_subelements %bitcast3A_309, 1 {pack_format = #tpu.pack_format<interleaved>} : vector<32xbf16> -> vector<16xf32>
          %add3A_312 = arith.addf %unpack3A_305, %unpack3A_298 : vector<16xf32>
          %max3A_313 = arith.constant 0.000000e+00 : f32
          %max3A_314 = vector.broadcast %max3A_313 : f32 to vector<16xf32>
          %max3A_315 = arith.maximumf %add3A_312, %max3A_314 : vector<16xf32>
          %swap3A_316 = tpu.memref_bitcast %arg13 : memref<80x128xi32, #tpu.memory_space<vmem>> -> memref<80x128xf32, #tpu.memory_space<vmem>>
          %swap3A_317 = arith.index_cast %scan3A_195 : i32 to index
          %swap3A_318 = arith.constant 48 : index
          %swap3A_319 = tpu.vector_load %swap3A_316[%swap3A_317, %swap3A_318] {strides = array<i32>} : memref<80x128xf32, #tpu.memory_space<vmem>>, vector<16xf32>,
          tpu.vector_store %swap3A_316[%swap3A_317, %swap3A_318], %max3A_315 {strides = array<i32>} : memref<80x128xf32, #tpu.memory_space<vmem>>, vector<16xf32>,
          %add3A_320 = arith.addf %unpack3A_311, %unpack3A_299 : vector<16xf32>
          %max3A_321 = arith.constant 0.000000e+00 : f32
          %max3A_322 = vector.broadcast %max3A_321 : f32 to vector<16xf32>
          %max3A_323 = arith.maximumf %add3A_320, %max3A_322 : vector<16xf32>
          %swap3A_324 = tpu.memref_bitcast %arg13 : memref<80x128xi32, #tpu.memory_space<vmem>> -> memref<80x128xf32, #tpu.memory_space<vmem>>
          %swap3A_325 = arith.index_cast %scan3A_195 : i32 to index
          %swap3A_326 = arith.constant 112 : index
          %swap3A_327 = tpu.vector_load %swap3A_324[%swap3A_325, %swap3A_326] {strides = array<i32>} : memref<80x128xf32, #tpu.memory_space<vmem>>, vector<16xf32>,
          tpu.vector_store %swap3A_324[%swap3A_325, %swap3A_326], %max3A_323 {strides = array<i32>} : memref<80x128xf32, #tpu.memory_space<vmem>>, vector<16xf32>,
          %scan3A_328 = arith.constant 0 : i32
          scf.yield %scan3A_328 : i32
        }
        %scan3A_189 = arith.constant 80 : i32
        %run_scoped3A_190 = arith.constant 1 : i32
        "tpu.region"() ({
          %run_scoped3A_195 = tpu.sem_alloc : memref<!tpu.dma_semaphore, #tpu.memory_space<semaphore_mem>>
          %dma_start3A_196 = tpu.memref_bitcast %arg13 : memref<80x128xi32, #tpu.memory_space<vmem>> -> memref<80x128xf32, #tpu.memory_space<vmem>>
          %dma_start3A_197 = arith.constant 0 : i32
          %dma_start3A_198 = tpu.memref_slice %arg11[%run_scoped3A_190, %dma_start3A_197] : memref<2x80xi32, #tpu.memory_space<vmem>> -> memref<1x80xi32, #tpu.memory_space<vmem>>
          %dma_start3A_199 = tpu.memref_squeeze %dma_start3A_198 : memref<1x80xi32, #tpu.memory_space<vmem>> -> memref<80xi32, #tpu.memory_space<vmem>>
          %dma_start3A_200 = arith.constant 0 : i32
          %dma_start3A_201 = arith.constant 0 : i32
          %dma_start3A_202 = tpu.memref_slice %arg9[%dma_start3A_200, %dma_start3A_201] : memref<10000x128xf32, #tpu.memory_space<vmem_shared>> -> memref<10000x128xf32, #tpu.memory_space<vmem_shared>>
          tpu.enqueue_indirect_dma source(%dma_start3A_196 : memref<80x128xf32, #tpu.memory_space<vmem>>) target(%dma_start3A_202 : memref<10000x128xf32, #tpu.memory_space<vmem_shared>>) offsets(%dma_start3A_199 : memref<80xi32, #tpu.memory_space<vmem>>) semaphore(%run_scoped3A_195 : memref<!tpu.dma_semaphore, #tpu.memory_space<semaphore_mem>>) {add = true}
          %dma_wait3A_203 = tpu.memref_bitcast %arg13 : memref<80x128xi32, #tpu.memory_space<vmem>> -> memref<80x128xf32, #tpu.memory_space<vmem>>
          %dma_wait3A_204 = arith.constant 0 : i32
          %dma_wait3A_205 = tpu.memref_slice %arg11[%run_scoped3A_190, %dma_wait3A_204] : memref<2x80xi32, #tpu.memory_space<vmem>> -> memref<1x80xi32, #tpu.memory_space<vmem>>
          %dma_wait3A_206 = tpu.memref_squeeze %dma_wait3A_205 : memref<1x80xi32, #tpu.memory_space<vmem>> -> memref<80xi32, #tpu.memory_space<vmem>>
          %dma_wait3A_207 = arith.constant 0 : i32
          %dma_wait3A_208 = arith.constant 0 : i32
          %dma_wait3A_209 = tpu.memref_slice %arg9[%dma_wait3A_207, %dma_wait3A_208] : memref<10000x128xf32, #tpu.memory_space<vmem_shared>> -> memref<10000x128xf32, #tpu.memory_space<vmem_shared>>
          tpu.wait_indirect_dma semaphore(%run_scoped3A_195 : memref<!tpu.dma_semaphore, #tpu.memory_space<semaphore_mem>>) src(%dma_wait3A_203 : memref<80x128xf32, #tpu.memory_space<vmem>>) dst(%dma_wait3A_209 : memref<10000x128xf32, #tpu.memory_space<vmem_shared>>)
          tpu.yield
        }) : () -> ()
        %convert_element_type3A_191 = arith.extui %lt3A_98 : i1 to i32
        %cond3A_192 = arith.constant 0 : i32
        %cond3A_193 = arith.cmpi ne, %convert_element_type3A_191, %cond3A_192 : i32
        scf.if %cond3A_193 {
          %add3A_195 = arith.constant 2 : i32
          %add3A_196 = arith.addi %add3A_167, %add3A_195 : i32
          %mul3A_197 = arith.constant 16 : i32
          %mul3A_198 = arith.muli %add3A_196, %mul3A_197 : i32
          %add3A_199 = arith.addi %arg1, %mul3A_198 : i32
          %mul3A_200 = arith.constant 80 : i32
          %mul3A_201 = arith.muli %add3A_199, %mul3A_200 : i32
          %dma_start3A_202 = arith.constant 1 : i32
          %dma_start3A_203 = arith.constant 0 : i32
          %dma_start3A_204 = tpu.memref_slice %arg10[%dma_start3A_202, %dma_start3A_203] : memref<2x80xi32, #tpu.memory_space<vmem>> -> memref<1x80xi32, #tpu.memory_space<vmem>>
          %dma_start3A_205 = tpu.memref_squeeze %dma_start3A_204 : memref<1x80xi32, #tpu.memory_space<vmem>> -> memref<80xi32, #tpu.memory_space<vmem>>
          %dma_start3A_206 = tpu.memref_slice %arg5[%mul3A_201] : memref<320000xi32, #tpu.memory_space<hbm>> -> memref<80xi32, #tpu.memory_space<hbm>>
          %dma_start3A_207 = arith.constant 0 : i32
          %dma_start3A_208 = tpu.memref_slice %arg10[%dma_start3A_202, %dma_start3A_207] : memref<2x80xi32, #tpu.memory_space<vmem>> -> memref<1x80xi32, #tpu.memory_space<vmem>>
          %dma_start3A_209 = tpu.memref_squeeze %dma_start3A_208 : memref<1x80xi32, #tpu.memory_space<vmem>> -> memref<80xi32, #tpu.memory_space<vmem>>
          %dma_start3A_210 = tpu.memref_slice %arg5[%mul3A_201] : memref<320000xi32, #tpu.memory_space<hbm>> -> memref<80xi32, #tpu.memory_space<hbm>>
          tpu.enqueue_dma source(%dma_start3A_210 : memref<80xi32, #tpu.memory_space<hbm>>) target(%dma_start3A_209 : memref<80xi32, #tpu.memory_space<vmem>>) target_semaphore(%arg20 : memref<!tpu.dma_semaphore, #tpu.memory_space<semaphore_mem>>)
          %mul3A_211 = arith.constant 16 : i32
          %mul3A_212 = arith.muli %add3A_196, %mul3A_211 : i32
          %add3A_213 = arith.addi %arg1, %mul3A_212 : i32
          %mul3A_214 = arith.constant 80 : i32
          %mul3A_215 = arith.muli %add3A_213, %mul3A_214 : i32
          %dma_start3A_216 = arith.constant 1 : i32
          %dma_start3A_217 = arith.constant 0 : i32
          %dma_start3A_218 = tpu.memref_slice %arg11[%dma_start3A_216, %dma_start3A_217] : memref<2x80xi32, #tpu.memory_space<vmem>> -> memref<1x80xi32, #tpu.memory_space<vmem>>
          %dma_start3A_219 = tpu.memref_squeeze %dma_start3A_218 : memref<1x80xi32, #tpu.memory_space<vmem>> -> memref<80xi32, #tpu.memory_space<vmem>>
          %dma_start3A_220 = tpu.memref_slice %arg6[%mul3A_215] : memref<320000xi32, #tpu.memory_space<hbm>> -> memref<80xi32, #tpu.memory_space<hbm>>
          %dma_start3A_221 = arith.constant 0 : i32
          %dma_start3A_222 = tpu.memref_slice %arg11[%dma_start3A_216, %dma_start3A_221] : memref<2x80xi32, #tpu.memory_space<vmem>> -> memref<1x80xi32, #tpu.memory_space<vmem>>
          %dma_start3A_223 = tpu.memref_squeeze %dma_start3A_222 : memref<1x80xi32, #tpu.memory_space<vmem>> -> memref<80xi32, #tpu.memory_space<vmem>>
          %dma_start3A_224 = tpu.memref_slice %arg6[%mul3A_215] : memref<320000xi32, #tpu.memory_space<hbm>> -> memref<80xi32, #tpu.memory_space<hbm>>
          tpu.enqueue_dma source(%dma_start3A_224 : memref<80xi32, #tpu.memory_space<hbm>>) target(%dma_start3A_223 : memref<80xi32, #tpu.memory_space<vmem>>) target_semaphore(%arg20 : memref<!tpu.dma_semaphore, #tpu.memory_space<semaphore_mem>>)
        } else {
        }
        %scan3A_194 = arith.constant 0 : i32
        scf.yield %scan3A_194 : i32
      }
      %scan3A_89 = arith.constant 125 : i32
      %barrier3A_90 = arith.constant 0 : index
      tpu.barrier barrier_id(%barrier3A_90)
      "tpu.region"() ({
        %run_scoped3A_96 = tpu.sem_alloc : memref<!tpu.dma_semaphore, #tpu.memory_space<semaphore_mem>>
        %dma_start3A_97 = arith.constant 0 : i32
        %dma_start3A_98 = tpu.memref_slice %arg8[%mul3A_6, %dma_start3A_97] : memref<10000x128xf32, #tpu.memory_space<hbm>> -> memref<624x128xf32, #tpu.memory_space<hbm>>
        %dma_start3A_99 = arith.constant 0 : i32
        %dma_start3A_100 = tpu.memref_slice %arg9[%mul3A_6, %dma_start3A_99] : memref<10000x128xf32, #tpu.memory_space<vmem_shared>> -> memref<624x128xf32, #tpu.memory_space<vmem_shared>>
        tpu.enqueue_dma source(%dma_start3A_100 : memref<624x128xf32, #tpu.memory_space<vmem_shared>>) target(%dma_start3A_98 : memref<624x128xf32, #tpu.memory_space<hbm>>) target_semaphore(%run_scoped3A_96 : memref<!tpu.dma_semaphore, #tpu.memory_space<semaphore_mem>>)
        %dma_wait3A = arith.constant 0 : i32
        %dma_wait3A_101 = tpu.memref_slice %arg8[%mul3A_6, %dma_wait3A] : memref<10000x128xf32, #tpu.memory_space<hbm>> -> memref<624x128xf32, #tpu.memory_space<hbm>>
        %dma_wait3A_102 = arith.constant 0 : i32
        %dma_wait3A_103 = tpu.memref_slice %arg9[%mul3A_6, %dma_wait3A_102] : memref<10000x128xf32, #tpu.memory_space<vmem_shared>> -> memref<624x128xf32, #tpu.memory_space<vmem_shared>>
        tpu.wait_dma2 semaphore(%run_scoped3A_96 : memref<!tpu.dma_semaphore, #tpu.memory_space<semaphore_mem>>) src(%dma_wait3A_103 : memref<624x128xf32, #tpu.memory_space<vmem_shared>>) dst(%dma_wait3A_101 : memref<624x128xf32, #tpu.memory_space<hbm>>)
        tpu.yield
      }) : () -> ()
      %eq3A_91 = arith.constant 15 : i32
      %eq3A_92 = arith.cmpi eq, %arg1, %eq3A_91 : i32
      %convert_element_type3A_93 = arith.extui %eq3A_92 : i1 to i32
      %cond3A_94 = arith.constant 0 : i32
      %cond3A_95 = arith.cmpi ne, %convert_element_type3A_93, %cond3A_94 : i32
      scf.if %cond3A_95 {
        "tpu.region"() ({
          %run_scoped3A_96 = tpu.sem_alloc : memref<!tpu.dma_semaphore, #tpu.memory_space<semaphore_mem>>
          %dma_start3A_97 = arith.constant 9984 : i32
          %dma_start3A_98 = arith.constant 0 : i32
          %dma_start3A_99 = tpu.memref_slice %arg8[%dma_start3A_97, %dma_start3A_98] : memref<10000x128xf32, #tpu.memory_space<hbm>> -> memref<16x128xf32, #tpu.memory_space<hbm>>
          %dma_start3A_100 = arith.constant 9984 : i32
          %dma_start3A_101 = arith.constant 0 : i32
          %dma_start3A_102 = tpu.memref_slice %arg9[%dma_start3A_100, %dma_start3A_101] : memref<10000x128xf32, #tpu.memory_space<vmem_shared>> -> memref<16x128xf32, #tpu.memory_space<vmem_shared>>
          tpu.enqueue_dma source(%dma_start3A_102 : memref<16x128xf32, #tpu.memory_space<vmem_shared>>) target(%dma_start3A_99 : memref<16x128xf32, #tpu.memory_space<hbm>>) target_semaphore(%run_scoped3A_96 : memref<!tpu.dma_semaphore, #tpu.memory_space<semaphore_mem>>)
          %dma_wait3A = arith.constant 9984 : i32
          %dma_wait3A_103 = arith.constant 0 : i32
          %dma_wait3A_104 = tpu.memref_slice %arg8[%dma_wait3A, %dma_wait3A_103] : memref<10000x128xf32, #tpu.memory_space<hbm>> -> memref<16x128xf32, #tpu.memory_space<hbm>>
          %dma_wait3A_105 = arith.constant 9984 : i32
          %dma_wait3A_106 = arith.constant 0 : i32
          %dma_wait3A_107 = tpu.memref_slice %arg9[%dma_wait3A_105, %dma_wait3A_106] : memref<10000x128xf32, #tpu.memory_space<vmem_shared>> -> memref<16x128xf32, #tpu.memory_space<vmem_shared>>
          tpu.wait_dma2 semaphore(%run_scoped3A_96 : memref<!tpu.dma_semaphore, #tpu.memory_space<semaphore_mem>>) src(%dma_wait3A_107 : memref<16x128xf32, #tpu.memory_space<vmem_shared>>) dst(%dma_wait3A_104 : memref<16x128xf32, #tpu.memory_space<hbm>>)
          tpu.yield
        }) : () -> ()
      } else {
      }
    } else {
    }
    return
  }
}

#map = affine_map<(d0, d1) -> (0, 0)>
#map1 = affine_map<(d0, d1) -> (0)>
module attributes {stable_mosaic.version = 14 : i64} {
  func.func @sc_aggr(%arg0: i32, %arg1: i32, %arg2: memref<10000x128xi32, #tpu.memory_space<hbm>>, %arg3: memref<320000x64xi32, #tpu.memory_space<hbm>>, %arg4: memref<320000x64xi32, #tpu.memory_space<hbm>>, %arg5: memref<320000xi32, #tpu.memory_space<hbm>>, %arg6: memref<320000xi32, #tpu.memory_space<hbm>>, %arg7: memref<10000x128xf32, #tpu.memory_space<hbm>>, %arg8: memref<10000x128xf32, #tpu.memory_space<hbm>>, %arg9: memref<10000x128xf32, #tpu.memory_space<vmem_shared>>, %arg10: memref<2x80xi32, #tpu.memory_space<vmem>>, %arg11: memref<2x80xi32, #tpu.memory_space<vmem>>, %arg12: memref<80x128xi32, #tpu.memory_space<vmem>>, %arg13: memref<80x128xi32, #tpu.memory_space<vmem>>, %arg14: memref<80x64xi32, #tpu.memory_space<vmem>>, %arg15: memref<80x64xi32, #tpu.memory_space<vmem>>, %arg16: memref<!tpu.dma_semaphore, #tpu.memory_space<semaphore_mem>>, %arg17: memref<!tpu.dma_semaphore, #tpu.memory_space<semaphore_mem>>, %arg18: memref<!tpu.dma_semaphore, #tpu.memory_space<semaphore_mem>>, %arg19: memref<!tpu.dma_semaphore, #tpu.memory_space<semaphore_mem>>, %arg20: memref<!tpu.dma_semaphore, #tpu.memory_space<semaphore_mem>>) attributes {dimension_semantics = [#tpu.dimension_semantics<core_parallel>, #tpu.dimension_semantics<subcore_parallel>], iteration_bounds = array<i64: 2, 16>, scalar_prefetch = 0 : i64, scratch_operands = 12 : i64, tpu.core_type = #tpu.core_type<sc_vector_subcore>, window_params = [{transform_indices = #map}, {transform_indices = #map}, {transform_indices = #map}, {transform_indices = #map1}, {transform_indices = #map1}, {transform_indices = #map}, {transform_indices = #map}]} {
    %scan3A = arith.constant 0 : i32
    %scan3A_0 = arith.constant 0 : i32
    %scan3A_1 = arith.constant 80 : i32
    %scan3A_2 = arith.addi %scan3A_0, %scan3A_1 : i32
    %scan3A_3 = arith.constant 1 : i32
    %scan3A_4 = scf.for %scan3A_34 = %scan3A_0 to %scan3A_2 step %scan3A_3 iter_args(%scan3A_35 = %scan3A) -> (i32)  : i32 {
      %broadcast_in_dim3A = arith.constant 0.000000e+00 : f32
      %broadcast_in_dim3A_36 = vector.broadcast %broadcast_in_dim3A : f32 to vector<16xf32>
      %swap3A = tpu.memref_bitcast %arg12 : memref<80x128xi32, #tpu.memory_space<vmem>> -> memref<80x128xf32, #tpu.memory_space<vmem>>
      %swap3A_37 = arith.index_cast %scan3A_34 : i32 to index
      %swap3A_38 = arith.constant 0 : index
      %swap3A_39 = tpu.vector_load %swap3A[%swap3A_37, %swap3A_38] {strides = array<i32>} : memref<80x128xf32, #tpu.memory_space<vmem>>, vector<16xf32>,
      tpu.vector_store %swap3A[%swap3A_37, %swap3A_38], %broadcast_in_dim3A_36 {strides = array<i32>} : memref<80x128xf32, #tpu.memory_space<vmem>>, vector<16xf32>,
      %broadcast_in_dim3A_40 = arith.constant 0.000000e+00 : f32
      %broadcast_in_dim3A_41 = vector.broadcast %broadcast_in_dim3A_40 : f32 to vector<16xf32>
      %swap3A_42 = tpu.memref_bitcast %arg12 : memref<80x128xi32, #tpu.memory_space<vmem>> -> memref<80x128xf32, #tpu.memory_space<vmem>>
      %swap3A_43 = arith.index_cast %scan3A_34 : i32 to index
      %swap3A_44 = arith.constant 16 : index
      %swap3A_45 = tpu.vector_load %swap3A_42[%swap3A_43, %swap3A_44] {strides = array<i32>} : memref<80x128xf32, #tpu.memory_space<vmem>>, vector<16xf32>,
      tpu.vector_store %swap3A_42[%swap3A_43, %swap3A_44], %broadcast_in_dim3A_41 {strides = array<i32>} : memref<80x128xf32, #tpu.memory_space<vmem>>, vector<16xf32>,
      %broadcast_in_dim3A_46 = arith.constant 0.000000e+00 : f32
      %broadcast_in_dim3A_47 = vector.broadcast %broadcast_in_dim3A_46 : f32 to vector<16xf32>
      %swap3A_48 = tpu.memref_bitcast %arg12 : memref<80x128xi32, #tpu.memory_space<vmem>> -> memref<80x128xf32, #tpu.memory_space<vmem>>
      %swap3A_49 = arith.index_cast %scan3A_34 : i32 to index
      %swap3A_50 = arith.constant 32 : index
      %swap3A_51 = tpu.vector_load %swap3A_48[%swap3A_49, %swap3A_50] {strides = array<i32>} : memref<80x128xf32, #tpu.memory_space<vmem>>, vector<16xf32>,
      tpu.vector_store %swap3A_48[%swap3A_49, %swap3A_50], %broadcast_in_dim3A_47 {strides = array<i32>} : memref<80x128xf32, #tpu.memory_space<vmem>>, vector<16xf32>,
      %broadcast_in_dim3A_52 = arith.constant 0.000000e+00 : f32
      %broadcast_in_dim3A_53 = vector.broadcast %broadcast_in_dim3A_52 : f32 to vector<16xf32>
      %swap3A_54 = tpu.memref_bitcast %arg12 : memref<80x128xi32, #tpu.memory_space<vmem>> -> memref<80x128xf32, #tpu.memory_space<vmem>>
      %swap3A_55 = arith.index_cast %scan3A_34 : i32 to index
      %swap3A_56 = arith.constant 48 : index
      %swap3A_57 = tpu.vector_load %swap3A_54[%swap3A_55, %swap3A_56] {strides = array<i32>} : memref<80x128xf32, #tpu.memory_space<vmem>>, vector<16xf32>,
      tpu.vector_store %swap3A_54[%swap3A_55, %swap3A_56], %broadcast_in_dim3A_53 {strides = array<i32>} : memref<80x128xf32, #tpu.memory_space<vmem>>, vector<16xf32>,
      %broadcast_in_dim3A_58 = arith.constant 0.000000e+00 : f32
      %broadcast_in_dim3A_59 = vector.broadcast %broadcast_in_dim3A_58 : f32 to vector<16xf32>
      %swap3A_60 = tpu.memref_bitcast %arg12 : memref<80x128xi32, #tpu.memory_space<vmem>> -> memref<80x128xf32, #tpu.memory_space<vmem>>
      %swap3A_61 = arith.index_cast %scan3A_34 : i32 to index
      %swap3A_62 = arith.constant 64 : index
      %swap3A_63 = tpu.vector_load %swap3A_60[%swap3A_61, %swap3A_62] {strides = array<i32>} : memref<80x128xf32, #tpu.memory_space<vmem>>, vector<16xf32>,
      tpu.vector_store %swap3A_60[%swap3A_61, %swap3A_62], %broadcast_in_dim3A_59 {strides = array<i32>} : memref<80x128xf32, #tpu.memory_space<vmem>>, vector<16xf32>,
      %broadcast_in_dim3A_64 = arith.constant 0.000000e+00 : f32
      %broadcast_in_dim3A_65 = vector.broadcast %broadcast_in_dim3A_64 : f32 to vector<16xf32>
      %swap3A_66 = tpu.memref_bitcast %arg12 : memref<80x128xi32, #tpu.memory_space<vmem>> -> memref<80x128xf32, #tpu.memory_space<vmem>>
      %swap3A_67 = arith.index_cast %scan3A_34 : i32 to index
      %swap3A_68 = arith.constant 80 : index
      %swap3A_69 = tpu.vector_load %swap3A_66[%swap3A_67, %swap3A_68] {strides = array<i32>} : memref<80x128xf32, #tpu.memory_space<vmem>>, vector<16xf32>,
      tpu.vector_store %swap3A_66[%swap3A_67, %swap3A_68], %broadcast_in_dim3A_65 {strides = array<i32>} : memref<80x128xf32, #tpu.memory_space<vmem>>, vector<16xf32>,
      %broadcast_in_dim3A_70 = arith.constant 0.000000e+00 : f32
      %broadcast_in_dim3A_71 = vector.broadcast %broadcast_in_dim3A_70 : f32 to vector<16xf32>
      %swap3A_72 = tpu.memref_bitcast %arg12 : memref<80x128xi32, #tpu.memory_space<vmem>> -> memref<80x128xf32, #tpu.memory_space<vmem>>
      %swap3A_73 = arith.index_cast %scan3A_34 : i32 to index
      %swap3A_74 = arith.constant 96 : index
      %swap3A_75 = tpu.vector_load %swap3A_72[%swap3A_73, %swap3A_74] {strides = array<i32>} : memref<80x128xf32, #tpu.memory_space<vmem>>, vector<16xf32>,
      tpu.vector_store %swap3A_72[%swap3A_73, %swap3A_74], %broadcast_in_dim3A_71 {strides = array<i32>} : memref<80x128xf32, #tpu.memory_space<vmem>>, vector<16xf32>,
      %broadcast_in_dim3A_76 = arith.constant 0.000000e+00 : f32
      %broadcast_in_dim3A_77 = vector.broadcast %broadcast_in_dim3A_76 : f32 to vector<16xf32>
      %swap3A_78 = tpu.memref_bitcast %arg12 : memref<80x128xi32, #tpu.memory_space<vmem>> -> memref<80x128xf32, #tpu.memory_space<vmem>>
      %swap3A_79 = arith.index_cast %scan3A_34 : i32 to index
      %swap3A_80 = arith.constant 112 : index
      %swap3A_81 = tpu.vector_load %swap3A_78[%swap3A_79, %swap3A_80] {strides = array<i32>} : memref<80x128xf32, #tpu.memory_space<vmem>>, vector<16xf32>,
      tpu.vector_store %swap3A_78[%swap3A_79, %swap3A_80], %broadcast_in_dim3A_77 {strides = array<i32>} : memref<80x128xf32, #tpu.memory_space<vmem>>, vector<16xf32>,
      %scan3A_82 = arith.constant 0 : i32
      scf.yield %scan3A_82 : i32
    }
    %scan3A_5 = arith.constant 80 : i32
    %mul3A = arith.constant 624 : i32
    %mul3A_6 = arith.muli %arg1, %mul3A : i32
    %add3A = arith.constant 0 : i32
    %add3A_7 = arith.addi %mul3A_6, %add3A : i32
    "tpu.region"() ({
      %run_scoped3A = tpu.sem_alloc : memref<!tpu.dma_semaphore, #tpu.memory_space<semaphore_mem>>
      %dma_start3A = tpu.memref_bitcast %arg12 : memref<80x128xi32, #tpu.memory_space<vmem>> -> memref<80x128xf32, #tpu.memory_space<vmem>>
      %dma_start3A_34 = arith.constant 0 : i32
      %dma_start3A_35 = tpu.memref_slice %arg9[%add3A_7, %dma_start3A_34] : memref<10000x128xf32, #tpu.memory_space<vmem_shared>> -> memref<80x128xf32, #tpu.memory_space<vmem_shared>>
      %dma_start3A_36 = arith.constant 0 : i32
      %dma_start3A_37 = tpu.memref_slice %arg9[%add3A_7, %dma_start3A_36] : memref<10000x128xf32, #tpu.memory_space<vmem_shared>> -> memref<80x128xf32, #tpu.memory_space<vmem_shared>>
      %dma_start3A_38 = tpu.memref_bitcast %arg12 : memref<80x128xi32, #tpu.memory_space<vmem>> -> memref<80x128xf32, #tpu.memory_space<vmem>>
      tpu.enqueue_dma source(%dma_start3A_38 : memref<80x128xf32, #tpu.memory_space<vmem>>) target(%dma_start3A_37 : memref<80x128xf32, #tpu.memory_space<vmem_shared>>) target_semaphore(%run_scoped3A : memref<!tpu.dma_semaphore, #tpu.memory_space<semaphore_mem>>)
      %dma_wait3A = tpu.memref_bitcast %arg12 : memref<80x128xi32, #tpu.memory_space<vmem>> -> memref<80x128xf32, #tpu.memory_space<vmem>>
      %dma_wait3A_39 = arith.constant 0 : i32
      %dma_wait3A_40 = tpu.memref_slice %arg9[%add3A_7, %dma_wait3A_39] : memref<10000x128xf32, #tpu.memory_space<vmem_shared>> -> memref<80x128xf32, #tpu.memory_space<vmem_shared>>
      %dma_wait3A_41 = arith.constant 0 : i32
      %dma_wait3A_42 = tpu.memref_slice %arg9[%add3A_7, %dma_wait3A_41] : memref<10000x128xf32, #tpu.memory_space<vmem_shared>> -> memref<80x128xf32, #tpu.memory_space<vmem_shared>>
      %dma_wait3A_43 = tpu.memref_bitcast %arg12 : memref<80x128xi32, #tpu.memory_space<vmem>> -> memref<80x128xf32, #tpu.memory_space<vmem>>
      tpu.wait_dma2 semaphore(%run_scoped3A : memref<!tpu.dma_semaphore, #tpu.memory_space<semaphore_mem>>) src(%dma_wait3A_43 : memref<80x128xf32, #tpu.memory_space<vmem>>) dst(%dma_wait3A_42 : memref<80x128xf32, #tpu.memory_space<vmem_shared>>)
      tpu.yield
    }) : () -> ()
    %add3A_8 = arith.constant 80 : i32
    %add3A_9 = arith.addi %mul3A_6, %add3A_8 : i32
    "tpu.region"() ({
      %run_scoped3A = tpu.sem_alloc : memref<!tpu.dma_semaphore, #tpu.memory_space<semaphore_mem>>
      %dma_start3A = tpu.memref_bitcast %arg12 : memref<80x128xi32, #tpu.memory_space<vmem>> -> memref<80x128xf32, #tpu.memory_space<vmem>>
      %dma_start3A_34 = arith.constant 0 : i32
      %dma_start3A_35 = tpu.memref_slice %arg9[%add3A_9, %dma_start3A_34] : memref<10000x128xf32, #tpu.memory_space<vmem_shared>> -> memref<80x128xf32, #tpu.memory_space<vmem_shared>>
      %dma_start3A_36 = arith.constant 0 : i32
      %dma_start3A_37 = tpu.memref_slice %arg9[%add3A_9, %dma_start3A_36] : memref<10000x128xf32, #tpu.memory_space<vmem_shared>> -> memref<80x128xf32, #tpu.memory_space<vmem_shared>>
      %dma_start3A_38 = tpu.memref_bitcast %arg12 : memref<80x128xi32, #tpu.memory_space<vmem>> -> memref<80x128xf32, #tpu.memory_space<vmem>>
      tpu.enqueue_dma source(%dma_start3A_38 : memref<80x128xf32, #tpu.memory_space<vmem>>) target(%dma_start3A_37 : memref<80x128xf32, #tpu.memory_space<vmem_shared>>) target_semaphore(%run_scoped3A : memref<!tpu.dma_semaphore, #tpu.memory_space<semaphore_mem>>)
      %dma_wait3A = tpu.memref_bitcast %arg12 : memref<80x128xi32, #tpu.memory_space<vmem>> -> memref<80x128xf32, #tpu.memory_space<vmem>>
      %dma_wait3A_39 = arith.constant 0 : i32
      %dma_wait3A_40 = tpu.memref_slice %arg9[%add3A_9, %dma_wait3A_39] : memref<10000x128xf32, #tpu.memory_space<vmem_shared>> -> memref<80x128xf32, #tpu.memory_space<vmem_shared>>
      %dma_wait3A_41 = arith.constant 0 : i32
      %dma_wait3A_42 = tpu.memref_slice %arg9[%add3A_9, %dma_wait3A_41] : memref<10000x128xf32, #tpu.memory_space<vmem_shared>> -> memref<80x128xf32, #tpu.memory_space<vmem_shared>>
      %dma_wait3A_43 = tpu.memref_bitcast %arg12 : memref<80x128xi32, #tpu.memory_space<vmem>> -> memref<80x128xf32, #tpu.memory_space<vmem>>
      tpu.wait_dma2 semaphore(%run_scoped3A : memref<!tpu.dma_semaphore, #tpu.memory_space<semaphore_mem>>) src(%dma_wait3A_43 : memref<80x128xf32, #tpu.memory_space<vmem>>) dst(%dma_wait3A_42 : memref<80x128xf32, #tpu.memory_space<vmem_shared>>)
      tpu.yield
    }) : () -> ()
    %add3A_10 = arith.constant 160 : i32
    %add3A_11 = arith.addi %mul3A_6, %add3A_10 : i32
    "tpu.region"() ({
      %run_scoped3A = tpu.sem_alloc : memref<!tpu.dma_semaphore, #tpu.memory_space<semaphore_mem>>
      %dma_start3A = tpu.memref_bitcast %arg12 : memref<80x128xi32, #tpu.memory_space<vmem>> -> memref<80x128xf32, #tpu.memory_space<vmem>>
      %dma_start3A_34 = arith.constant 0 : i32
      %dma_start3A_35 = tpu.memref_slice %arg9[%add3A_11, %dma_start3A_34] : memref<10000x128xf32, #tpu.memory_space<vmem_shared>> -> memref<80x128xf32, #tpu.memory_space<vmem_shared>>
      %dma_start3A_36 = arith.constant 0 : i32
      %dma_start3A_37 = tpu.memref_slice %arg9[%add3A_11, %dma_start3A_36] : memref<10000x128xf32, #tpu.memory_space<vmem_shared>> -> memref<80x128xf32, #tpu.memory_space<vmem_shared>>
      %dma_start3A_38 = tpu.memref_bitcast %arg12 : memref<80x128xi32, #tpu.memory_space<vmem>> -> memref<80x128xf32, #tpu.memory_space<vmem>>
      tpu.enqueue_dma source(%dma_start3A_38 : memref<80x128xf32, #tpu.memory_space<vmem>>) target(%dma_start3A_37 : memref<80x128xf32, #tpu.memory_space<vmem_shared>>) target_semaphore(%run_scoped3A : memref<!tpu.dma_semaphore, #tpu.memory_space<semaphore_mem>>)
      %dma_wait3A = tpu.memref_bitcast %arg12 : memref<80x128xi32, #tpu.memory_space<vmem>> -> memref<80x128xf32, #tpu.memory_space<vmem>>
      %dma_wait3A_39 = arith.constant 0 : i32
      %dma_wait3A_40 = tpu.memref_slice %arg9[%add3A_11, %dma_wait3A_39] : memref<10000x128xf32, #tpu.memory_space<vmem_shared>> -> memref<80x128xf32, #tpu.memory_space<vmem_shared>>
      %dma_wait3A_41 = arith.constant 0 : i32
      %dma_wait3A_42 = tpu.memref_slice %arg9[%add3A_11, %dma_wait3A_41] : memref<10000x128xf32, #tpu.memory_space<vmem_shared>> -> memref<80x128xf32, #tpu.memory_space<vmem_shared>>
      %dma_wait3A_43 = tpu.memref_bitcast %arg12 : memref<80x128xi32, #tpu.memory_space<vmem>> -> memref<80x128xf32, #tpu.memory_space<vmem>>
      tpu.wait_dma2 semaphore(%run_scoped3A : memref<!tpu.dma_semaphore, #tpu.memory_space<semaphore_mem>>) src(%dma_wait3A_43 : memref<80x128xf32, #tpu.memory_space<vmem>>) dst(%dma_wait3A_42 : memref<80x128xf32, #tpu.memory_space<vmem_shared>>)
      tpu.yield
    }) : () -> ()
    %add3A_12 = arith.constant 240 : i32
    %add3A_13 = arith.addi %mul3A_6, %add3A_12 : i32
    "tpu.region"() ({
      %run_scoped3A = tpu.sem_alloc : memref<!tpu.dma_semaphore, #tpu.memory_space<semaphore_mem>>
      %dma_start3A = tpu.memref_bitcast %arg12 : memref<80x128xi32, #tpu.memory_space<vmem>> -> memref<80x128xf32, #tpu.memory_space<vmem>>
      %dma_start3A_34 = arith.constant 0 : i32
      %dma_start3A_35 = tpu.memref_slice %arg9[%add3A_13, %dma_start3A_34] : memref<10000x128xf32, #tpu.memory_space<vmem_shared>> -> memref<80x128xf32, #tpu.memory_space<vmem_shared>>
      %dma_start3A_36 = arith.constant 0 : i32
      %dma_start3A_37 = tpu.memref_slice %arg9[%add3A_13, %dma_start3A_36] : memref<10000x128xf32, #tpu.memory_space<vmem_shared>> -> memref<80x128xf32, #tpu.memory_space<vmem_shared>>
      %dma_start3A_38 = tpu.memref_bitcast %arg12 : memref<80x128xi32, #tpu.memory_space<vmem>> -> memref<80x128xf32, #tpu.memory_space<vmem>>
      tpu.enqueue_dma source(%dma_start3A_38 : memref<80x128xf32, #tpu.memory_space<vmem>>) target(%dma_start3A_37 : memref<80x128xf32, #tpu.memory_space<vmem_shared>>) target_semaphore(%run_scoped3A : memref<!tpu.dma_semaphore, #tpu.memory_space<semaphore_mem>>)
      %dma_wait3A = tpu.memref_bitcast %arg12 : memref<80x128xi32, #tpu.memory_space<vmem>> -> memref<80x128xf32, #tpu.memory_space<vmem>>
      %dma_wait3A_39 = arith.constant 0 : i32
      %dma_wait3A_40 = tpu.memref_slice %arg9[%add3A_13, %dma_wait3A_39] : memref<10000x128xf32, #tpu.memory_space<vmem_shared>> -> memref<80x128xf32, #tpu.memory_space<vmem_shared>>
      %dma_wait3A_41 = arith.constant 0 : i32
      %dma_wait3A_42 = tpu.memref_slice %arg9[%add3A_13, %dma_wait3A_41] : memref<10000x128xf32, #tpu.memory_space<vmem_shared>> -> memref<80x128xf32, #tpu.memory_space<vmem_shared>>
      %dma_wait3A_43 = tpu.memref_bitcast %arg12 : memref<80x128xi32, #tpu.memory_space<vmem>> -> memref<80x128xf32, #tpu.memory_space<vmem>>
      tpu.wait_dma2 semaphore(%run_scoped3A : memref<!tpu.dma_semaphore, #tpu.memory_space<semaphore_mem>>) src(%dma_wait3A_43 : memref<80x128xf32, #tpu.memory_space<vmem>>) dst(%dma_wait3A_42 : memref<80x128xf32, #tpu.memory_space<vmem_shared>>)
      tpu.yield
    }) : () -> ()
    %add3A_14 = arith.constant 320 : i32
    %add3A_15 = arith.addi %mul3A_6, %add3A_14 : i32
    "tpu.region"() ({
      %run_scoped3A = tpu.sem_alloc : memref<!tpu.dma_semaphore, #tpu.memory_space<semaphore_mem>>
      %dma_start3A = tpu.memref_bitcast %arg12 : memref<80x128xi32, #tpu.memory_space<vmem>> -> memref<80x128xf32, #tpu.memory_space<vmem>>
      %dma_start3A_34 = arith.constant 0 : i32
      %dma_start3A_35 = tpu.memref_slice %arg9[%add3A_15, %dma_start3A_34] : memref<10000x128xf32, #tpu.memory_space<vmem_shared>> -> memref<80x128xf32, #tpu.memory_space<vmem_shared>>
      %dma_start3A_36 = arith.constant 0 : i32
      %dma_start3A_37 = tpu.memref_slice %arg9[%add3A_15, %dma_start3A_36] : memref<10000x128xf32, #tpu.memory_space<vmem_shared>> -> memref<80x128xf32, #tpu.memory_space<vmem_shared>>
      %dma_start3A_38 = tpu.memref_bitcast %arg12 : memref<80x128xi32, #tpu.memory_space<vmem>> -> memref<80x128xf32, #tpu.memory_space<vmem>>
      tpu.enqueue_dma source(%dma_start3A_38 : memref<80x128xf32, #tpu.memory_space<vmem>>) target(%dma_start3A_37 : memref<80x128xf32, #tpu.memory_space<vmem_shared>>) target_semaphore(%run_scoped3A : memref<!tpu.dma_semaphore, #tpu.memory_space<semaphore_mem>>)
      %dma_wait3A = tpu.memref_bitcast %arg12 : memref<80x128xi32, #tpu.memory_space<vmem>> -> memref<80x128xf32, #tpu.memory_space<vmem>>
      %dma_wait3A_39 = arith.constant 0 : i32
      %dma_wait3A_40 = tpu.memref_slice %arg9[%add3A_15, %dma_wait3A_39] : memref<10000x128xf32, #tpu.memory_space<vmem_shared>> -> memref<80x128xf32, #tpu.memory_space<vmem_shared>>
      %dma_wait3A_41 = arith.constant 0 : i32
      %dma_wait3A_42 = tpu.memref_slice %arg9[%add3A_15, %dma_wait3A_41] : memref<10000x128xf32, #tpu.memory_space<vmem_shared>> -> memref<80x128xf32, #tpu.memory_space<vmem_shared>>
      %dma_wait3A_43 = tpu.memref_bitcast %arg12 : memref<80x128xi32, #tpu.memory_space<vmem>> -> memref<80x128xf32, #tpu.memory_space<vmem>>
      tpu.wait_dma2 semaphore(%run_scoped3A : memref<!tpu.dma_semaphore, #tpu.memory_space<semaphore_mem>>) src(%dma_wait3A_43 : memref<80x128xf32, #tpu.memory_space<vmem>>) dst(%dma_wait3A_42 : memref<80x128xf32, #tpu.memory_space<vmem_shared>>)
      tpu.yield
    }) : () -> ()
    %add3A_16 = arith.constant 400 : i32
    %add3A_17 = arith.addi %mul3A_6, %add3A_16 : i32
    "tpu.region"() ({
      %run_scoped3A = tpu.sem_alloc : memref<!tpu.dma_semaphore, #tpu.memory_space<semaphore_mem>>
      %dma_start3A = tpu.memref_bitcast %arg12 : memref<80x128xi32, #tpu.memory_space<vmem>> -> memref<80x128xf32, #tpu.memory_space<vmem>>
      %dma_start3A_34 = arith.constant 0 : i32
      %dma_start3A_35 = tpu.memref_slice %arg9[%add3A_17, %dma_start3A_34] : memref<10000x128xf32, #tpu.memory_space<vmem_shared>> -> memref<80x128xf32, #tpu.memory_space<vmem_shared>>
      %dma_start3A_36 = arith.constant 0 : i32
      %dma_start3A_37 = tpu.memref_slice %arg9[%add3A_17, %dma_start3A_36] : memref<10000x128xf32, #tpu.memory_space<vmem_shared>> -> memref<80x128xf32, #tpu.memory_space<vmem_shared>>
      %dma_start3A_38 = tpu.memref_bitcast %arg12 : memref<80x128xi32, #tpu.memory_space<vmem>> -> memref<80x128xf32, #tpu.memory_space<vmem>>
      tpu.enqueue_dma source(%dma_start3A_38 : memref<80x128xf32, #tpu.memory_space<vmem>>) target(%dma_start3A_37 : memref<80x128xf32, #tpu.memory_space<vmem_shared>>) target_semaphore(%run_scoped3A : memref<!tpu.dma_semaphore, #tpu.memory_space<semaphore_mem>>)
      %dma_wait3A = tpu.memref_bitcast %arg12 : memref<80x128xi32, #tpu.memory_space<vmem>> -> memref<80x128xf32, #tpu.memory_space<vmem>>
      %dma_wait3A_39 = arith.constant 0 : i32
      %dma_wait3A_40 = tpu.memref_slice %arg9[%add3A_17, %dma_wait3A_39] : memref<10000x128xf32, #tpu.memory_space<vmem_shared>> -> memref<80x128xf32, #tpu.memory_space<vmem_shared>>
      %dma_wait3A_41 = arith.constant 0 : i32
      %dma_wait3A_42 = tpu.memref_slice %arg9[%add3A_17, %dma_wait3A_41] : memref<10000x128xf32, #tpu.memory_space<vmem_shared>> -> memref<80x128xf32, #tpu.memory_space<vmem_shared>>
      %dma_wait3A_43 = tpu.memref_bitcast %arg12 : memref<80x128xi32, #tpu.memory_space<vmem>> -> memref<80x128xf32, #tpu.memory_space<vmem>>
      tpu.wait_dma2 semaphore(%run_scoped3A : memref<!tpu.dma_semaphore, #tpu.memory_space<semaphore_mem>>) src(%dma_wait3A_43 : memref<80x128xf32, #tpu.memory_space<vmem>>) dst(%dma_wait3A_42 : memref<80x128xf32, #tpu.memory_space<vmem_shared>>)
      tpu.yield
    }) : () -> ()
    %add3A_18 = arith.constant 480 : i32
    %add3A_19 = arith.addi %mul3A_6, %add3A_18 : i32
    "tpu.region"() ({
      %run_scoped3A = tpu.sem_alloc : memref<!tpu.dma_semaphore, #tpu.memory_space<semaphore_mem>>
      %dma_start3A = tpu.memref_bitcast %arg12 : memref<80x128xi32, #tpu.memory_space<vmem>> -> memref<80x128xf32, #tpu.memory_space<vmem>>
      %dma_start3A_34 = arith.constant 0 : i32
      %dma_start3A_35 = tpu.memref_slice %arg9[%add3A_19, %dma_start3A_34] : memref<10000x128xf32, #tpu.memory_space<vmem_shared>> -> memref<80x128xf32, #tpu.memory_space<vmem_shared>>
      %dma_start3A_36 = arith.constant 0 : i32
      %dma_start3A_37 = tpu.memref_slice %arg9[%add3A_19, %dma_start3A_36] : memref<10000x128xf32, #tpu.memory_space<vmem_shared>> -> memref<80x128xf32, #tpu.memory_space<vmem_shared>>
      %dma_start3A_38 = tpu.memref_bitcast %arg12 : memref<80x128xi32, #tpu.memory_space<vmem>> -> memref<80x128xf32, #tpu.memory_space<vmem>>
      tpu.enqueue_dma source(%dma_start3A_38 : memref<80x128xf32, #tpu.memory_space<vmem>>) target(%dma_start3A_37 : memref<80x128xf32, #tpu.memory_space<vmem_shared>>) target_semaphore(%run_scoped3A : memref<!tpu.dma_semaphore, #tpu.memory_space<semaphore_mem>>)
      %dma_wait3A = tpu.memref_bitcast %arg12 : memref<80x128xi32, #tpu.memory_space<vmem>> -> memref<80x128xf32, #tpu.memory_space<vmem>>
      %dma_wait3A_39 = arith.constant 0 : i32
      %dma_wait3A_40 = tpu.memref_slice %arg9[%add3A_19, %dma_wait3A_39] : memref<10000x128xf32, #tpu.memory_space<vmem_shared>> -> memref<80x128xf32, #tpu.memory_space<vmem_shared>>
      %dma_wait3A_41 = arith.constant 0 : i32
      %dma_wait3A_42 = tpu.memref_slice %arg9[%add3A_19, %dma_wait3A_41] : memref<10000x128xf32, #tpu.memory_space<vmem_shared>> -> memref<80x128xf32, #tpu.memory_space<vmem_shared>>
      %dma_wait3A_43 = tpu.memref_bitcast %arg12 : memref<80x128xi32, #tpu.memory_space<vmem>> -> memref<80x128xf32, #tpu.memory_space<vmem>>
      tpu.wait_dma2 semaphore(%run_scoped3A : memref<!tpu.dma_semaphore, #tpu.memory_space<semaphore_mem>>) src(%dma_wait3A_43 : memref<80x128xf32, #tpu.memory_space<vmem>>) dst(%dma_wait3A_42 : memref<80x128xf32, #tpu.memory_space<vmem_shared>>)
      tpu.yield
    }) : () -> ()
    %add3A_20 = arith.constant 560 : i32
    %add3A_21 = arith.addi %mul3A_6, %add3A_20 : i32
    "tpu.region"() ({
      %run_scoped3A = tpu.sem_alloc : memref<!tpu.dma_semaphore, #tpu.memory_space<semaphore_mem>>
      %dma_start3A = tpu.memref_bitcast %arg12 : memref<80x128xi32, #tpu.memory_space<vmem>> -> memref<80x128xf32, #tpu.memory_space<vmem>>
      %dma_start3A_34 = arith.constant 0 : i32
      %dma_start3A_35 = arith.constant 0 : i32
      %dma_start3A_36 = tpu.memref_slice %dma_start3A[%dma_start3A_34, %dma_start3A_35] : memref<80x128xf32, #tpu.memory_space<vmem>> -> memref<64x128xf32, #tpu.memory_space<vmem>>
      %dma_start3A_37 = arith.constant 0 : i32
      %dma_start3A_38 = tpu.memref_slice %arg9[%add3A_21, %dma_start3A_37] : memref<10000x128xf32, #tpu.memory_space<vmem_shared>> -> memref<64x128xf32, #tpu.memory_space<vmem_shared>>
      %dma_start3A_39 = arith.constant 0 : i32
      %dma_start3A_40 = tpu.memref_slice %arg9[%add3A_21, %dma_start3A_39] : memref<10000x128xf32, #tpu.memory_space<vmem_shared>> -> memref<64x128xf32, #tpu.memory_space<vmem_shared>>
      %dma_start3A_41 = tpu.memref_bitcast %arg12 : memref<80x128xi32, #tpu.memory_space<vmem>> -> memref<80x128xf32, #tpu.memory_space<vmem>>
      %dma_start3A_42 = arith.constant 0 : i32
      %dma_start3A_43 = arith.constant 0 : i32
      %dma_start3A_44 = tpu.memref_slice %dma_start3A_41[%dma_start3A_42, %dma_start3A_43] : memref<80x128xf32, #tpu.memory_space<vmem>> -> memref<64x128xf32, #tpu.memory_space<vmem>>
      tpu.enqueue_dma source(%dma_start3A_44 : memref<64x128xf32, #tpu.memory_space<vmem>>) target(%dma_start3A_40 : memref<64x128xf32, #tpu.memory_space<vmem_shared>>) target_semaphore(%run_scoped3A : memref<!tpu.dma_semaphore, #tpu.memory_space<semaphore_mem>>)
      %dma_wait3A = tpu.memref_bitcast %arg12 : memref<80x128xi32, #tpu.memory_space<vmem>> -> memref<80x128xf32, #tpu.memory_space<vmem>>
      %dma_wait3A_45 = arith.constant 0 : i32
      %dma_wait3A_46 = arith.constant 0 : i32
      %dma_wait3A_47 = tpu.memref_slice %dma_wait3A[%dma_wait3A_45, %dma_wait3A_46] : memref<80x128xf32, #tpu.memory_space<vmem>> -> memref<64x128xf32, #tpu.memory_space<vmem>>
      %dma_wait3A_48 = arith.constant 0 : i32
      %dma_wait3A_49 = tpu.memref_slice %arg9[%add3A_21, %dma_wait3A_48] : memref<10000x128xf32, #tpu.memory_space<vmem_shared>> -> memref<64x128xf32, #tpu.memory_space<vmem_shared>>
      %dma_wait3A_50 = arith.constant 0 : i32
      %dma_wait3A_51 = tpu.memref_slice %arg9[%add3A_21, %dma_wait3A_50] : memref<10000x128xf32, #tpu.memory_space<vmem_shared>> -> memref<64x128xf32, #tpu.memory_space<vmem_shared>>
      %dma_wait3A_52 = tpu.memref_bitcast %arg12 : memref<80x128xi32, #tpu.memory_space<vmem>> -> memref<80x128xf32, #tpu.memory_space<vmem>>
      %dma_wait3A_53 = arith.constant 0 : i32
      %dma_wait3A_54 = arith.constant 0 : i32
      %dma_wait3A_55 = tpu.memref_slice %dma_wait3A_52[%dma_wait3A_53, %dma_wait3A_54] : memref<80x128xf32, #tpu.memory_space<vmem>> -> memref<64x128xf32, #tpu.memory_space<vmem>>
      tpu.wait_dma2 semaphore(%run_scoped3A : memref<!tpu.dma_semaphore, #tpu.memory_space<semaphore_mem>>) src(%dma_wait3A_55 : memref<64x128xf32, #tpu.memory_space<vmem>>) dst(%dma_wait3A_51 : memref<64x128xf32, #tpu.memory_space<vmem_shared>>)
      tpu.yield
    }) : () -> ()
    %eq3A = arith.constant 15 : i32
    %eq3A_22 = arith.cmpi eq, %arg1, %eq3A : i32
    %convert_element_type3A = arith.extui %eq3A_22 : i1 to i32
    %cond3A = arith.constant 0 : i32
    %cond3A_23 = arith.cmpi ne, %convert_element_type3A, %cond3A : i32
    scf.if %cond3A_23 {
      "tpu.region"() ({
        %run_scoped3A = tpu.sem_alloc : memref<!tpu.dma_semaphore, #tpu.memory_space<semaphore_mem>>
        %dma_start3A = tpu.memref_bitcast %arg12 : memref<80x128xi32, #tpu.memory_space<vmem>> -> memref<80x128xf32, #tpu.memory_space<vmem>>
        %dma_start3A_34 = arith.constant 0 : i32
        %dma_start3A_35 = arith.constant 0 : i32
        %dma_start3A_36 = tpu.memref_slice %dma_start3A[%dma_start3A_34, %dma_start3A_35] : memref<80x128xf32, #tpu.memory_space<vmem>> -> memref<16x128xf32, #tpu.memory_space<vmem>>
        %dma_start3A_37 = arith.constant 9984 : i32
        %dma_start3A_38 = arith.constant 0 : i32
        %dma_start3A_39 = tpu.memref_slice %arg9[%dma_start3A_37, %dma_start3A_38] : memref<10000x128xf32, #tpu.memory_space<vmem_shared>> -> memref<16x128xf32, #tpu.memory_space<vmem_shared>>
        %dma_start3A_40 = arith.constant 9984 : i32
        %dma_start3A_41 = arith.constant 0 : i32
        %dma_start3A_42 = tpu.memref_slice %arg9[%dma_start3A_40, %dma_start3A_41] : memref<10000x128xf32, #tpu.memory_space<vmem_shared>> -> memref<16x128xf32, #tpu.memory_space<vmem_shared>>
        %dma_start3A_43 = tpu.memref_bitcast %arg12 : memref<80x128xi32, #tpu.memory_space<vmem>> -> memref<80x128xf32, #tpu.memory_space<vmem>>
        %dma_start3A_44 = arith.constant 0 : i32
        %dma_start3A_45 = arith.constant 0 : i32
        %dma_start3A_46 = tpu.memref_slice %dma_start3A_43[%dma_start3A_44, %dma_start3A_45] : memref<80x128xf32, #tpu.memory_space<vmem>> -> memref<16x128xf32, #tpu.memory_space<vmem>>
        tpu.enqueue_dma source(%dma_start3A_46 : memref<16x128xf32, #tpu.memory_space<vmem>>) target(%dma_start3A_42 : memref<16x128xf32, #tpu.memory_space<vmem_shared>>) target_semaphore(%run_scoped3A : memref<!tpu.dma_semaphore, #tpu.memory_space<semaphore_mem>>)
        %dma_wait3A = tpu.memref_bitcast %arg12 : memref<80x128xi32, #tpu.memory_space<vmem>> -> memref<80x128xf32, #tpu.memory_space<vmem>>
        %dma_wait3A_47 = arith.constant 0 : i32
        %dma_wait3A_48 = arith.constant 0 : i32
        %dma_wait3A_49 = tpu.memref_slice %dma_wait3A[%dma_wait3A_47, %dma_wait3A_48] : memref<80x128xf32, #tpu.memory_space<vmem>> -> memref<16x128xf32, #tpu.memory_space<vmem>>
        %dma_wait3A_50 = arith.constant 9984 : i32
        %dma_wait3A_51 = arith.constant 0 : i32
        %dma_wait3A_52 = tpu.memref_slice %arg9[%dma_wait3A_50, %dma_wait3A_51] : memref<10000x128xf32, #tpu.memory_space<vmem_shared>> -> memref<16x128xf32, #tpu.memory_space<vmem_shared>>
        %dma_wait3A_53 = arith.constant 9984 : i32
        %dma_wait3A_54 = arith.constant 0 : i32
        %dma_wait3A_55 = tpu.memref_slice %arg9[%dma_wait3A_53, %dma_wait3A_54] : memref<10000x128xf32, #tpu.memory_space<vmem_shared>> -> memref<16x128xf32, #tpu.memory_space<vmem_shared>>
        %dma_wait3A_56 = tpu.memref_bitcast %arg12 : memref<80x128xi32, #tpu.memory_space<vmem>> -> memref<80x128xf32, #tpu.memory_space<vmem>>
        %dma_wait3A_57 = arith.constant 0 : i32
        %dma_wait3A_58 = arith.constant 0 : i32
        %dma_wait3A_59 = tpu.memref_slice %dma_wait3A_56[%dma_wait3A_57, %dma_wait3A_58] : memref<80x128xf32, #tpu.memory_space<vmem>> -> memref<16x128xf32, #tpu.memory_space<vmem>>
        tpu.wait_dma2 semaphore(%run_scoped3A : memref<!tpu.dma_semaphore, #tpu.memory_space<semaphore_mem>>) src(%dma_wait3A_59 : memref<16x128xf32, #tpu.memory_space<vmem>>) dst(%dma_wait3A_55 : memref<16x128xf32, #tpu.memory_space<vmem_shared>>)
        tpu.yield
      }) : () -> ()
    } else {
    }
    %barrier3A = arith.constant 0 : index
    tpu.barrier barrier_id(%barrier3A)
    %eq3A_24 = arith.constant 0 : i32
    %eq3A_25 = arith.cmpi eq, %arg0, %eq3A_24 : i32
    %convert_element_type3A_26 = arith.extui %eq3A_25 : i1 to i32
    %cond3A_27 = arith.constant 0 : i32
    %cond3A_28 = arith.cmpi ne, %convert_element_type3A_26, %cond3A_27 : i32
    scf.if %cond3A_28 {
      %add3A_34 = arith.constant 0 : i32
      %add3A_35 = arith.addi %arg1, %add3A_34 : i32
      %mul3A_36 = arith.constant 80 : i32
      %mul3A_37 = arith.muli %add3A_35, %mul3A_36 : i32
      %run_scoped3A = arith.constant 0 : i32
      "tpu.region"() ({
        %run_scoped3A_96 = tpu.sem_alloc : memref<!tpu.dma_semaphore, #tpu.memory_space<semaphore_mem>>
        %dma_start3A_97 = arith.constant 0 : i32
        %dma_start3A_98 = tpu.memref_slice %arg10[%run_scoped3A, %dma_start3A_97] : memref<2x80xi32, #tpu.memory_space<vmem>> -> memref<1x80xi32, #tpu.memory_space<vmem>>
        %dma_start3A_99 = tpu.memref_squeeze %dma_start3A_98 : memref<1x80xi32, #tpu.memory_space<vmem>> -> memref<80xi32, #tpu.memory_space<vmem>>
        %dma_start3A_100 = tpu.memref_slice %arg5[%mul3A_37] : memref<320000xi32, #tpu.memory_space<hbm>> -> memref<80xi32, #tpu.memory_space<hbm>>
        %dma_start3A_101 = arith.constant 0 : i32
        %dma_start3A_102 = tpu.memref_slice %arg10[%run_scoped3A, %dma_start3A_101] : memref<2x80xi32, #tpu.memory_space<vmem>> -> memref<1x80xi32, #tpu.memory_space<vmem>>
        %dma_start3A_103 = tpu.memref_squeeze %dma_start3A_102 : memref<1x80xi32, #tpu.memory_space<vmem>> -> memref<80xi32, #tpu.memory_space<vmem>>
        %dma_start3A_104 = tpu.memref_slice %arg5[%mul3A_37] : memref<320000xi32, #tpu.memory_space<hbm>> -> memref<80xi32, #tpu.memory_space<hbm>>
        tpu.enqueue_dma source(%dma_start3A_104 : memref<80xi32, #tpu.memory_space<hbm>>) target(%dma_start3A_103 : memref<80xi32, #tpu.memory_space<vmem>>) target_semaphore(%run_scoped3A_96 : memref<!tpu.dma_semaphore, #tpu.memory_space<semaphore_mem>>)
        %dma_wait3A = arith.constant 0 : i32
        %dma_wait3A_105 = tpu.memref_slice %arg10[%run_scoped3A, %dma_wait3A] : memref<2x80xi32, #tpu.memory_space<vmem>> -> memref<1x80xi32, #tpu.memory_space<vmem>>
        %dma_wait3A_106 = tpu.memref_squeeze %dma_wait3A_105 : memref<1x80xi32, #tpu.memory_space<vmem>> -> memref<80xi32, #tpu.memory_space<vmem>>
        %dma_wait3A_107 = tpu.memref_slice %arg5[%mul3A_37] : memref<320000xi32, #tpu.memory_space<hbm>> -> memref<80xi32, #tpu.memory_space<hbm>>
        %dma_wait3A_108 = arith.constant 0 : i32
        %dma_wait3A_109 = tpu.memref_slice %arg10[%run_scoped3A, %dma_wait3A_108] : memref<2x80xi32, #tpu.memory_space<vmem>> -> memref<1x80xi32, #tpu.memory_space<vmem>>
        %dma_wait3A_110 = tpu.memref_squeeze %dma_wait3A_109 : memref<1x80xi32, #tpu.memory_space<vmem>> -> memref<80xi32, #tpu.memory_space<vmem>>
        %dma_wait3A_111 = tpu.memref_slice %arg5[%mul3A_37] : memref<320000xi32, #tpu.memory_space<hbm>> -> memref<80xi32, #tpu.memory_space<hbm>>
        tpu.wait_dma2 semaphore(%run_scoped3A_96 : memref<!tpu.dma_semaphore, #tpu.memory_space<semaphore_mem>>) src(%dma_wait3A_111 : memref<80xi32, #tpu.memory_space<hbm>>) dst(%dma_wait3A_110 : memref<80xi32, #tpu.memory_space<vmem>>)
        tpu.yield
      }) : () -> ()
      %add3A_38 = arith.constant 0 : i32
      %add3A_39 = arith.addi %arg1, %add3A_38 : i32
      %mul3A_40 = arith.constant 80 : i32
      %mul3A_41 = arith.muli %add3A_39, %mul3A_40 : i32
      %run_scoped3A_42 = arith.constant 0 : i32
      "tpu.region"() ({
        %run_scoped3A_96 = tpu.sem_alloc : memref<!tpu.dma_semaphore, #tpu.memory_space<semaphore_mem>>
        %dma_start3A_97 = arith.constant 0 : i32
        %dma_start3A_98 = tpu.memref_slice %arg11[%run_scoped3A_42, %dma_start3A_97] : memref<2x80xi32, #tpu.memory_space<vmem>> -> memref<1x80xi32, #tpu.memory_space<vmem>>
        %dma_start3A_99 = tpu.memref_squeeze %dma_start3A_98 : memref<1x80xi32, #tpu.memory_space<vmem>> -> memref<80xi32, #tpu.memory_space<vmem>>
        %dma_start3A_100 = tpu.memref_slice %arg6[%mul3A_41] : memref<320000xi32, #tpu.memory_space<hbm>> -> memref<80xi32, #tpu.memory_space<hbm>>
        %dma_start3A_101 = arith.constant 0 : i32
        %dma_start3A_102 = tpu.memref_slice %arg11[%run_scoped3A_42, %dma_start3A_101] : memref<2x80xi32, #tpu.memory_space<vmem>> -> memref<1x80xi32, #tpu.memory_space<vmem>>
        %dma_start3A_103 = tpu.memref_squeeze %dma_start3A_102 : memref<1x80xi32, #tpu.memory_space<vmem>> -> memref<80xi32, #tpu.memory_space<vmem>>
        %dma_start3A_104 = tpu.memref_slice %arg6[%mul3A_41] : memref<320000xi32, #tpu.memory_space<hbm>> -> memref<80xi32, #tpu.memory_space<hbm>>
        tpu.enqueue_dma source(%dma_start3A_104 : memref<80xi32, #tpu.memory_space<hbm>>) target(%dma_start3A_103 : memref<80xi32, #tpu.memory_space<vmem>>) target_semaphore(%run_scoped3A_96 : memref<!tpu.dma_semaphore, #tpu.memory_space<semaphore_mem>>)
        %dma_wait3A = arith.constant 0 : i32
        %dma_wait3A_105 = tpu.memref_slice %arg11[%run_scoped3A_42, %dma_wait3A] : memref<2x80xi32, #tpu.memory_space<vmem>> -> memref<1x80xi32, #tpu.memory_space<vmem>>
        %dma_wait3A_106 = tpu.memref_squeeze %dma_wait3A_105 : memref<1x80xi32, #tpu.memory_space<vmem>> -> memref<80xi32, #tpu.memory_space<vmem>>
        %dma_wait3A_107 = tpu.memref_slice %arg6[%mul3A_41] : memref<320000xi32, #tpu.memory_space<hbm>> -> memref<80xi32, #tpu.memory_space<hbm>>
        %dma_wait3A_108 = arith.constant 0 : i32
        %dma_wait3A_109 = tpu.memref_slice %arg11[%run_scoped3A_42, %dma_wait3A_108] : memref<2x80xi32, #tpu.memory_space<vmem>> -> memref<1x80xi32, #tpu.memory_space<vmem>>
        %dma_wait3A_110 = tpu.memref_squeeze %dma_wait3A_109 : memref<1x80xi32, #tpu.memory_space<vmem>> -> memref<80xi32, #tpu.memory_space<vmem>>
        %dma_wait3A_111 = tpu.memref_slice %arg6[%mul3A_41] : memref<320000xi32, #tpu.memory_space<hbm>> -> memref<80xi32, #tpu.memory_space<hbm>>
        tpu.wait_dma2 semaphore(%run_scoped3A_96 : memref<!tpu.dma_semaphore, #tpu.memory_space<semaphore_mem>>) src(%dma_wait3A_111 : memref<80xi32, #tpu.memory_space<hbm>>) dst(%dma_wait3A_110 : memref<80xi32, #tpu.memory_space<vmem>>)
        tpu.yield
      }) : () -> ()
      %dma_start3A = arith.constant 0 : i32
      %dma_start3A_43 = arith.constant 0 : i32
      %dma_start3A_44 = tpu.memref_slice %arg10[%dma_start3A, %dma_start3A_43] : memref<2x80xi32, #tpu.memory_space<vmem>> -> memref<1x80xi32, #tpu.memory_space<vmem>>
      %dma_start3A_45 = tpu.memref_squeeze %dma_start3A_44 : memref<1x80xi32, #tpu.memory_space<vmem>> -> memref<80xi32, #tpu.memory_space<vmem>>
      %dma_start3A_46 = arith.constant 0 : i32
      %dma_start3A_47 = arith.constant 0 : i32
      %dma_start3A_48 = tpu.memref_slice %arg2[%dma_start3A_46, %dma_start3A_47] : memref<10000x128xi32, #tpu.memory_space<hbm>> -> memref<10000x128xi32, #tpu.memory_space<hbm>>
      tpu.enqueue_indirect_dma source(%dma_start3A_48 : memref<10000x128xi32, #tpu.memory_space<hbm>>) target(%arg12 : memref<80x128xi32, #tpu.memory_space<vmem>>) offsets(%dma_start3A_45 : memref<80xi32, #tpu.memory_space<vmem>>) semaphore(%arg16 : memref<!tpu.dma_semaphore, #tpu.memory_space<semaphore_mem>>)
      %add3A_49 = arith.constant 0 : i32
      %add3A_50 = arith.addi %arg1, %add3A_49 : i32
      %mul3A_51 = arith.constant 80 : i32
      %mul3A_52 = arith.muli %add3A_50, %mul3A_51 : i32
      %dma_start3A_53 = arith.constant 0 : i32
      %dma_start3A_54 = tpu.memref_slice %arg3[%mul3A_52, %dma_start3A_53] : memref<320000x64xi32, #tpu.memory_space<hbm>> -> memref<80x64xi32, #tpu.memory_space<hbm>>
      %dma_start3A_55 = arith.constant 0 : i32
      %dma_start3A_56 = tpu.memref_slice %arg3[%mul3A_52, %dma_start3A_55] : memref<320000x64xi32, #tpu.memory_space<hbm>> -> memref<80x64xi32, #tpu.memory_space<hbm>>
      tpu.enqueue_dma source(%dma_start3A_56 : memref<80x64xi32, #tpu.memory_space<hbm>>) target(%arg14 : memref<80x64xi32, #tpu.memory_space<vmem>>) target_semaphore(%arg18 : memref<!tpu.dma_semaphore, #tpu.memory_space<semaphore_mem>>)
      %add3A_57 = arith.constant 16 : i32
      %add3A_58 = arith.addi %arg1, %add3A_57 : i32
      %mul3A_59 = arith.constant 80 : i32
      %mul3A_60 = arith.muli %add3A_58, %mul3A_59 : i32
      %dma_start3A_61 = arith.constant 1 : i32
      %dma_start3A_62 = arith.constant 0 : i32
      %dma_start3A_63 = tpu.memref_slice %arg10[%dma_start3A_61, %dma_start3A_62] : memref<2x80xi32, #tpu.memory_space<vmem>> -> memref<1x80xi32, #tpu.memory_space<vmem>>
      %dma_start3A_64 = tpu.memref_squeeze %dma_start3A_63 : memref<1x80xi32, #tpu.memory_space<vmem>> -> memref<80xi32, #tpu.memory_space<vmem>>
      %dma_start3A_65 = tpu.memref_slice %arg5[%mul3A_60] : memref<320000xi32, #tpu.memory_space<hbm>> -> memref<80xi32, #tpu.memory_space<hbm>>
      %dma_start3A_66 = arith.constant 0 : i32
      %dma_start3A_67 = tpu.memref_slice %arg10[%dma_start3A_61, %dma_start3A_66] : memref<2x80xi32, #tpu.memory_space<vmem>> -> memref<1x80xi32, #tpu.memory_space<vmem>>
      %dma_start3A_68 = tpu.memref_squeeze %dma_start3A_67 : memref<1x80xi32, #tpu.memory_space<vmem>> -> memref<80xi32, #tpu.memory_space<vmem>>
      %dma_start3A_69 = tpu.memref_slice %arg5[%mul3A_60] : memref<320000xi32, #tpu.memory_space<hbm>> -> memref<80xi32, #tpu.memory_space<hbm>>
      tpu.enqueue_dma source(%dma_start3A_69 : memref<80xi32, #tpu.memory_space<hbm>>) target(%dma_start3A_68 : memref<80xi32, #tpu.memory_space<vmem>>) target_semaphore(%arg20 : memref<!tpu.dma_semaphore, #tpu.memory_space<semaphore_mem>>)
      %add3A_70 = arith.constant 16 : i32
      %add3A_71 = arith.addi %arg1, %add3A_70 : i32
      %mul3A_72 = arith.constant 80 : i32
      %mul3A_73 = arith.muli %add3A_71, %mul3A_72 : i32
      %dma_start3A_74 = arith.constant 1 : i32
      %dma_start3A_75 = arith.constant 0 : i32
      %dma_start3A_76 = tpu.memref_slice %arg11[%dma_start3A_74, %dma_start3A_75] : memref<2x80xi32, #tpu.memory_space<vmem>> -> memref<1x80xi32, #tpu.memory_space<vmem>>
      %dma_start3A_77 = tpu.memref_squeeze %dma_start3A_76 : memref<1x80xi32, #tpu.memory_space<vmem>> -> memref<80xi32, #tpu.memory_space<vmem>>
      %dma_start3A_78 = tpu.memref_slice %arg6[%mul3A_73] : memref<320000xi32, #tpu.memory_space<hbm>> -> memref<80xi32, #tpu.memory_space<hbm>>
      %dma_start3A_79 = arith.constant 0 : i32
      %dma_start3A_80 = tpu.memref_slice %arg11[%dma_start3A_74, %dma_start3A_79] : memref<2x80xi32, #tpu.memory_space<vmem>> -> memref<1x80xi32, #tpu.memory_space<vmem>>
      %dma_start3A_81 = tpu.memref_squeeze %dma_start3A_80 : memref<1x80xi32, #tpu.memory_space<vmem>> -> memref<80xi32, #tpu.memory_space<vmem>>
      %dma_start3A_82 = tpu.memref_slice %arg6[%mul3A_73] : memref<320000xi32, #tpu.memory_space<hbm>> -> memref<80xi32, #tpu.memory_space<hbm>>
      tpu.enqueue_dma source(%dma_start3A_82 : memref<80xi32, #tpu.memory_space<hbm>>) target(%dma_start3A_81 : memref<80xi32, #tpu.memory_space<vmem>>) target_semaphore(%arg20 : memref<!tpu.dma_semaphore, #tpu.memory_space<semaphore_mem>>)
      %scan3A_83 = arith.constant 0 : i32
      %scan3A_84 = arith.constant 0 : i32
      %scan3A_85 = arith.constant 125 : i32
      %scan3A_86 = arith.addi %scan3A_84, %scan3A_85 : i32
      %scan3A_87 = arith.constant 1 : i32
      %scan3A_88 = scf.for %scan3A_96 = %scan3A_84 to %scan3A_86 step %scan3A_87 iter_args(%scan3A_97 = %scan3A_83) -> (i32)  : i32 {
        %lt3A = arith.constant 124 : i32
        %lt3A_98 = arith.cmpi slt, %scan3A_96, %lt3A : i32
        %mul3A_99 = arith.constant 2 : i32
        %mul3A_100 = arith.muli %mul3A_99, %scan3A_96 : i32
        %cond3A_101 = arith.constant 1 : i32
        %dma_wait3A = arith.constant 1 : i32
        %dma_wait3A_102 = arith.constant 0 : i32
        %dma_wait3A_103 = tpu.memref_slice %arg10[%dma_wait3A, %dma_wait3A_102] : memref<2x80xi32, #tpu.memory_space<vmem>> -> memref<1x80xi32, #tpu.memory_space<vmem>>
        %dma_wait3A_104 = tpu.memref_squeeze %dma_wait3A_103 : memref<1x80xi32, #tpu.memory_space<vmem>> -> memref<80xi32, #tpu.memory_space<vmem>>
        %dma_wait3A_105 = arith.constant 0 : i32
        %dma_wait3A_106 = tpu.memref_slice %arg5[%dma_wait3A_105] : memref<320000xi32, #tpu.memory_space<hbm>> -> memref<80xi32, #tpu.memory_space<hbm>>
        %dma_wait3A_107 = arith.constant 0 : i32
        %dma_wait3A_108 = tpu.memref_slice %arg10[%dma_wait3A, %dma_wait3A_107] : memref<2x80xi32, #tpu.memory_space<vmem>> -> memref<1x80xi32, #tpu.memory_space<vmem>>
        %dma_wait3A_109 = tpu.memref_squeeze %dma_wait3A_108 : memref<1x80xi32, #tpu.memory_space<vmem>> -> memref<80xi32, #tpu.memory_space<vmem>>
        %dma_wait3A_110 = arith.constant 0 : i32
        %dma_wait3A_111 = tpu.memref_slice %arg5[%dma_wait3A_110] : memref<320000xi32, #tpu.memory_space<hbm>> -> memref<80xi32, #tpu.memory_space<hbm>>
        tpu.wait_dma2 semaphore(%arg20 : memref<!tpu.dma_semaphore, #tpu.memory_space<semaphore_mem>>) src(%dma_wait3A_111 : memref<80xi32, #tpu.memory_space<hbm>>) dst(%dma_wait3A_109 : memref<80xi32, #tpu.memory_space<vmem>>)
        %dma_wait3A_112 = arith.constant 1 : i32
        %dma_wait3A_113 = arith.constant 0 : i32
        %dma_wait3A_114 = tpu.memref_slice %arg11[%dma_wait3A_112, %dma_wait3A_113] : memref<2x80xi32, #tpu.memory_space<vmem>> -> memref<1x80xi32, #tpu.memory_space<vmem>>
        %dma_wait3A_115 = tpu.memref_squeeze %dma_wait3A_114 : memref<1x80xi32, #tpu.memory_space<vmem>> -> memref<80xi32, #tpu.memory_space<vmem>>
        %dma_wait3A_116 = arith.constant 0 : i32
        %dma_wait3A_117 = tpu.memref_slice %arg6[%dma_wait3A_116] : memref<320000xi32, #tpu.memory_space<hbm>> -> memref<80xi32, #tpu.memory_space<hbm>>
        %dma_wait3A_118 = arith.constant 0 : i32
        %dma_wait3A_119 = tpu.memref_slice %arg11[%dma_wait3A_112, %dma_wait3A_118] : memref<2x80xi32, #tpu.memory_space<vmem>> -> memref<1x80xi32, #tpu.memory_space<vmem>>
        %dma_wait3A_120 = tpu.memref_squeeze %dma_wait3A_119 : memref<1x80xi32, #tpu.memory_space<vmem>> -> memref<80xi32, #tpu.memory_space<vmem>>
        %dma_wait3A_121 = arith.constant 0 : i32
        %dma_wait3A_122 = tpu.memref_slice %arg6[%dma_wait3A_121] : memref<320000xi32, #tpu.memory_space<hbm>> -> memref<80xi32, #tpu.memory_space<hbm>>
        tpu.wait_dma2 semaphore(%arg20 : memref<!tpu.dma_semaphore, #tpu.memory_space<semaphore_mem>>) src(%dma_wait3A_122 : memref<80xi32, #tpu.memory_space<hbm>>) dst(%dma_wait3A_120 : memref<80xi32, #tpu.memory_space<vmem>>)
        %add3A_123 = arith.constant 1 : i32
        %add3A_124 = arith.addi %mul3A_100, %add3A_123 : i32
        %dma_start3A_125 = arith.constant 1 : i32
        %dma_start3A_126 = arith.constant 0 : i32
        %dma_start3A_127 = tpu.memref_slice %arg10[%dma_start3A_125, %dma_start3A_126] : memref<2x80xi32, #tpu.memory_space<vmem>> -> memref<1x80xi32, #tpu.memory_space<vmem>>
        %dma_start3A_128 = tpu.memref_squeeze %dma_start3A_127 : memref<1x80xi32, #tpu.memory_space<vmem>> -> memref<80xi32, #tpu.memory_space<vmem>>
        %dma_start3A_129 = arith.constant 0 : i32
        %dma_start3A_130 = arith.constant 0 : i32
        %dma_start3A_131 = tpu.memref_slice %arg2[%dma_start3A_129, %dma_start3A_130] : memref<10000x128xi32, #tpu.memory_space<hbm>> -> memref<10000x128xi32, #tpu.memory_space<hbm>>
        tpu.enqueue_indirect_dma source(%dma_start3A_131 : memref<10000x128xi32, #tpu.memory_space<hbm>>) target(%arg13 : memref<80x128xi32, #tpu.memory_space<vmem>>) offsets(%dma_start3A_128 : memref<80xi32, #tpu.memory_space<vmem>>) semaphore(%arg17 : memref<!tpu.dma_semaphore, #tpu.memory_space<semaphore_mem>>)
        %mul3A_132 = arith.constant 16 : i32
        %mul3A_133 = arith.muli %add3A_124, %mul3A_132 : i32
        %add3A_134 = arith.addi %arg1, %mul3A_133 : i32
        %mul3A_135 = arith.constant 80 : i32
        %mul3A_136 = arith.muli %add3A_134, %mul3A_135 : i32
        %dma_start3A_137 = arith.constant 0 : i32
        %dma_start3A_138 = tpu.memref_slice %arg3[%mul3A_136, %dma_start3A_137] : memref<320000x64xi32, #tpu.memory_space<hbm>> -> memref<80x64xi32, #tpu.memory_space<hbm>>
        %dma_start3A_139 = arith.constant 0 : i32
        %dma_start3A_140 = tpu.memref_slice %arg3[%mul3A_136, %dma_start3A_139] : memref<320000x64xi32, #tpu.memory_space<hbm>> -> memref<80x64xi32, #tpu.memory_space<hbm>>
        tpu.enqueue_dma source(%dma_start3A_140 : memref<80x64xi32, #tpu.memory_space<hbm>>) target(%arg15 : memref<80x64xi32, #tpu.memory_space<vmem>>) target_semaphore(%arg19 : memref<!tpu.dma_semaphore, #tpu.memory_space<semaphore_mem>>)
        %dma_wait3A_141 = arith.constant 0 : i32
        %dma_wait3A_142 = arith.constant 0 : i32
        %dma_wait3A_143 = tpu.memref_slice %arg2[%dma_wait3A_141, %dma_wait3A_142] : memref<10000x128xi32, #tpu.memory_space<hbm>> -> memref<80x128xi32, #tpu.memory_space<hbm>>
        %dma_wait3A_144 = arith.constant 0 : i32
        %dma_wait3A_145 = arith.constant 0 : i32
        %dma_wait3A_146 = tpu.memref_slice %arg2[%dma_wait3A_144, %dma_wait3A_145] : memref<10000x128xi32, #tpu.memory_space<hbm>> -> memref<80x128xi32, #tpu.memory_space<hbm>>
        tpu.wait_dma2 semaphore(%arg16 : memref<!tpu.dma_semaphore, #tpu.memory_space<semaphore_mem>>) src(%dma_wait3A_146 : memref<80x128xi32, #tpu.memory_space<hbm>>) dst(%arg12 : memref<80x128xi32, #tpu.memory_space<vmem>>)
        %dma_wait3A_147 = arith.constant 0 : i32
        %dma_wait3A_148 = arith.constant 0 : i32
        %dma_wait3A_149 = tpu.memref_slice %arg3[%dma_wait3A_147, %dma_wait3A_148] : memref<320000x64xi32, #tpu.memory_space<hbm>> -> memref<80x64xi32, #tpu.memory_space<hbm>>
        %dma_wait3A_150 = arith.constant 0 : i32
        %dma_wait3A_151 = arith.constant 0 : i32
        %dma_wait3A_152 = tpu.memref_slice %arg3[%dma_wait3A_150, %dma_wait3A_151] : memref<320000x64xi32, #tpu.memory_space<hbm>> -> memref<80x64xi32, #tpu.memory_space<hbm>>
        tpu.wait_dma2 semaphore(%arg18 : memref<!tpu.dma_semaphore, #tpu.memory_space<semaphore_mem>>) src(%dma_wait3A_152 : memref<80x64xi32, #tpu.memory_space<hbm>>) dst(%arg14 : memref<80x64xi32, #tpu.memory_space<vmem>>)
        %scan3A_153 = arith.constant 0 : i32
        %scan3A_154 = arith.constant 0 : i32
        %scan3A_155 = arith.constant 80 : i32
        %scan3A_156 = arith.addi %scan3A_154, %scan3A_155 : i32
        %scan3A_157 = arith.constant 1 : i32
        %scan3A_158 = scf.for %scan3A_195 = %scan3A_154 to %scan3A_156 step %scan3A_157 iter_args(%scan3A_196 = %scan3A_153) -> (i32)  : i32 {
          %get3A = arith.index_cast %scan3A_195 : i32 to index
          %get3A_197 = arith.constant 0 : index
          %get3A_198 = tpu.vector_load %arg14[%get3A, %get3A_197] {strides = array<i32>} : memref<80x64xi32, #tpu.memory_space<vmem>>, vector<16xi32>,
          %bitcast3A = vector.bitcast %get3A_198 : vector<16xi32> to vector<32xbf16>
          %unpack3A = tpu.unpack_subelements %bitcast3A, 0 {pack_format = #tpu.pack_format<interleaved>} : vector<32xbf16> -> vector<16xf32>
          %unpack3A_199 = tpu.unpack_subelements %bitcast3A, 1 {pack_format = #tpu.pack_format<interleaved>} : vector<32xbf16> -> vector<16xf32>
          %get3A_200 = arith.index_cast %scan3A_195 : i32 to index
          %get3A_201 = arith.constant 0 : index
          %get3A_202 = tpu.vector_load %arg12[%get3A_200, %get3A_201] {strides = array<i32>} : memref<80x128xi32, #tpu.memory_space<vmem>>, vector<16xi32>,
          %bitcast3A_203 = vector.bitcast %get3A_202 : vector<16xi32> to vector<32xbf16>
          %unpack3A_204 = tpu.unpack_subelements %bitcast3A_203, 0 {pack_format = #tpu.pack_format<interleaved>} : vector<32xbf16> -> vector<16xf32>
          %unpack3A_205 = tpu.unpack_subelements %bitcast3A_203, 1 {pack_format = #tpu.pack_format<interleaved>} : vector<32xbf16> -> vector<16xf32>
          %get3A_206 = arith.index_cast %scan3A_195 : i32 to index
          %get3A_207 = arith.constant 64 : index
          %get3A_208 = tpu.vector_load %arg12[%get3A_206, %get3A_207] {strides = array<i32>} : memref<80x128xi32, #tpu.memory_space<vmem>>, vector<16xi32>,
          %bitcast3A_209 = vector.bitcast %get3A_208 : vector<16xi32> to vector<32xbf16>
          %unpack3A_210 = tpu.unpack_subelements %bitcast3A_209, 0 {pack_format = #tpu.pack_format<interleaved>} : vector<32xbf16> -> vector<16xf32>
          %unpack3A_211 = tpu.unpack_subelements %bitcast3A_209, 1 {pack_format = #tpu.pack_format<interleaved>} : vector<32xbf16> -> vector<16xf32>
          %add3A_212 = arith.addf %unpack3A_204, %unpack3A : vector<16xf32>
          %max3A = arith.constant 0.000000e+00 : f32
          %max3A_213 = vector.broadcast %max3A : f32 to vector<16xf32>
          %max3A_214 = arith.maximumf %add3A_212, %max3A_213 : vector<16xf32>
          %swap3A = tpu.memref_bitcast %arg12 : memref<80x128xi32, #tpu.memory_space<vmem>> -> memref<80x128xf32, #tpu.memory_space<vmem>>
          %swap3A_215 = arith.index_cast %scan3A_195 : i32 to index
          %swap3A_216 = arith.constant 0 : index
          %swap3A_217 = tpu.vector_load %swap3A[%swap3A_215, %swap3A_216] {strides = array<i32>} : memref<80x128xf32, #tpu.memory_space<vmem>>, vector<16xf32>,
          tpu.vector_store %swap3A[%swap3A_215, %swap3A_216], %max3A_214 {strides = array<i32>} : memref<80x128xf32, #tpu.memory_space<vmem>>, vector<16xf32>,
          %add3A_218 = arith.addf %unpack3A_210, %unpack3A_199 : vector<16xf32>
          %max3A_219 = arith.constant 0.000000e+00 : f32
          %max3A_220 = vector.broadcast %max3A_219 : f32 to vector<16xf32>
          %max3A_221 = arith.maximumf %add3A_218, %max3A_220 : vector<16xf32>
          %swap3A_222 = tpu.memref_bitcast %arg12 : memref<80x128xi32, #tpu.memory_space<vmem>> -> memref<80x128xf32, #tpu.memory_space<vmem>>
          %swap3A_223 = arith.index_cast %scan3A_195 : i32 to index
          %swap3A_224 = arith.constant 64 : index
          %swap3A_225 = tpu.vector_load %swap3A_222[%swap3A_223, %swap3A_224] {strides = array<i32>} : memref<80x128xf32, #tpu.memory_space<vmem>>, vector<16xf32>,
          tpu.vector_store %swap3A_222[%swap3A_223, %swap3A_224], %max3A_221 {strides = array<i32>} : memref<80x128xf32, #tpu.memory_space<vmem>>, vector<16xf32>,
          %get3A_226 = arith.index_cast %scan3A_195 : i32 to index
          %get3A_227 = arith.constant 16 : index
          %get3A_228 = tpu.vector_load %arg14[%get3A_226, %get3A_227] {strides = array<i32>} : memref<80x64xi32, #tpu.memory_space<vmem>>, vector<16xi32>,
          %bitcast3A_229 = vector.bitcast %get3A_228 : vector<16xi32> to vector<32xbf16>
          %unpack3A_230 = tpu.unpack_subelements %bitcast3A_229, 0 {pack_format = #tpu.pack_format<interleaved>} : vector<32xbf16> -> vector<16xf32>
          %unpack3A_231 = tpu.unpack_subelements %bitcast3A_229, 1 {pack_format = #tpu.pack_format<interleaved>} : vector<32xbf16> -> vector<16xf32>
          %get3A_232 = arith.index_cast %scan3A_195 : i32 to index
          %get3A_233 = arith.constant 16 : index
          %get3A_234 = tpu.vector_load %arg12[%get3A_232, %get3A_233] {strides = array<i32>} : memref<80x128xi32, #tpu.memory_space<vmem>>, vector<16xi32>,
          %bitcast3A_235 = vector.bitcast %get3A_234 : vector<16xi32> to vector<32xbf16>
          %unpack3A_236 = tpu.unpack_subelements %bitcast3A_235, 0 {pack_format = #tpu.pack_format<interleaved>} : vector<32xbf16> -> vector<16xf32>
          %unpack3A_237 = tpu.unpack_subelements %bitcast3A_235, 1 {pack_format = #tpu.pack_format<interleaved>} : vector<32xbf16> -> vector<16xf32>
          %get3A_238 = arith.index_cast %scan3A_195 : i32 to index
          %get3A_239 = arith.constant 80 : index
          %get3A_240 = tpu.vector_load %arg12[%get3A_238, %get3A_239] {strides = array<i32>} : memref<80x128xi32, #tpu.memory_space<vmem>>, vector<16xi32>,
          %bitcast3A_241 = vector.bitcast %get3A_240 : vector<16xi32> to vector<32xbf16>
          %unpack3A_242 = tpu.unpack_subelements %bitcast3A_241, 0 {pack_format = #tpu.pack_format<interleaved>} : vector<32xbf16> -> vector<16xf32>
          %unpack3A_243 = tpu.unpack_subelements %bitcast3A_241, 1 {pack_format = #tpu.pack_format<interleaved>} : vector<32xbf16> -> vector<16xf32>
          %add3A_244 = arith.addf %unpack3A_236, %unpack3A_230 : vector<16xf32>
          %max3A_245 = arith.constant 0.000000e+00 : f32
          %max3A_246 = vector.broadcast %max3A_245 : f32 to vector<16xf32>
          %max3A_247 = arith.maximumf %add3A_244, %max3A_246 : vector<16xf32>
          %swap3A_248 = tpu.memref_bitcast %arg12 : memref<80x128xi32, #tpu.memory_space<vmem>> -> memref<80x128xf32, #tpu.memory_space<vmem>>
          %swap3A_249 = arith.index_cast %scan3A_195 : i32 to index
          %swap3A_250 = arith.constant 16 : index
          %swap3A_251 = tpu.vector_load %swap3A_248[%swap3A_249, %swap3A_250] {strides = array<i32>} : memref<80x128xf32, #tpu.memory_space<vmem>>, vector<16xf32>,
          tpu.vector_store %swap3A_248[%swap3A_249, %swap3A_250], %max3A_247 {strides = array<i32>} : memref<80x128xf32, #tpu.memory_space<vmem>>, vector<16xf32>,
          %add3A_252 = arith.addf %unpack3A_242, %unpack3A_231 : vector<16xf32>
          %max3A_253 = arith.constant 0.000000e+00 : f32
          %max3A_254 = vector.broadcast %max3A_253 : f32 to vector<16xf32>
          %max3A_255 = arith.maximumf %add3A_252, %max3A_254 : vector<16xf32>
          %swap3A_256 = tpu.memref_bitcast %arg12 : memref<80x128xi32, #tpu.memory_space<vmem>> -> memref<80x128xf32, #tpu.memory_space<vmem>>
          %swap3A_257 = arith.index_cast %scan3A_195 : i32 to index
          %swap3A_258 = arith.constant 80 : index
          %swap3A_259 = tpu.vector_load %swap3A_256[%swap3A_257, %swap3A_258] {strides = array<i32>} : memref<80x128xf32, #tpu.memory_space<vmem>>, vector<16xf32>,
          tpu.vector_store %swap3A_256[%swap3A_257, %swap3A_258], %max3A_255 {strides = array<i32>} : memref<80x128xf32, #tpu.memory_space<vmem>>, vector<16xf32>,
          %get3A_260 = arith.index_cast %scan3A_195 : i32 to index
          %get3A_261 = arith.constant 32 : index
          %get3A_262 = tpu.vector_load %arg14[%get3A_260, %get3A_261] {strides = array<i32>} : memref<80x64xi32, #tpu.memory_space<vmem>>, vector<16xi32>,
          %bitcast3A_263 = vector.bitcast %get3A_262 : vector<16xi32> to vector<32xbf16>
          %unpack3A_264 = tpu.unpack_subelements %bitcast3A_263, 0 {pack_format = #tpu.pack_format<interleaved>} : vector<32xbf16> -> vector<16xf32>
          %unpack3A_265 = tpu.unpack_subelements %bitcast3A_263, 1 {pack_format = #tpu.pack_format<interleaved>} : vector<32xbf16> -> vector<16xf32>
          %get3A_266 = arith.index_cast %scan3A_195 : i32 to index
          %get3A_267 = arith.constant 32 : index
          %get3A_268 = tpu.vector_load %arg12[%get3A_266, %get3A_267] {strides = array<i32>} : memref<80x128xi32, #tpu.memory_space<vmem>>, vector<16xi32>,
          %bitcast3A_269 = vector.bitcast %get3A_268 : vector<16xi32> to vector<32xbf16>
          %unpack3A_270 = tpu.unpack_subelements %bitcast3A_269, 0 {pack_format = #tpu.pack_format<interleaved>} : vector<32xbf16> -> vector<16xf32>
          %unpack3A_271 = tpu.unpack_subelements %bitcast3A_269, 1 {pack_format = #tpu.pack_format<interleaved>} : vector<32xbf16> -> vector<16xf32>
          %get3A_272 = arith.index_cast %scan3A_195 : i32 to index
          %get3A_273 = arith.constant 96 : index
          %get3A_274 = tpu.vector_load %arg12[%get3A_272, %get3A_273] {strides = array<i32>} : memref<80x128xi32, #tpu.memory_space<vmem>>, vector<16xi32>,
          %bitcast3A_275 = vector.bitcast %get3A_274 : vector<16xi32> to vector<32xbf16>
          %unpack3A_276 = tpu.unpack_subelements %bitcast3A_275, 0 {pack_format = #tpu.pack_format<interleaved>} : vector<32xbf16> -> vector<16xf32>
          %unpack3A_277 = tpu.unpack_subelements %bitcast3A_275, 1 {pack_format = #tpu.pack_format<interleaved>} : vector<32xbf16> -> vector<16xf32>
          %add3A_278 = arith.addf %unpack3A_270, %unpack3A_264 : vector<16xf32>
          %max3A_279 = arith.constant 0.000000e+00 : f32
          %max3A_280 = vector.broadcast %max3A_279 : f32 to vector<16xf32>
          %max3A_281 = arith.maximumf %add3A_278, %max3A_280 : vector<16xf32>
          %swap3A_282 = tpu.memref_bitcast %arg12 : memref<80x128xi32, #tpu.memory_space<vmem>> -> memref<80x128xf32, #tpu.memory_space<vmem>>
          %swap3A_283 = arith.index_cast %scan3A_195 : i32 to index
          %swap3A_284 = arith.constant 32 : index
          %swap3A_285 = tpu.vector_load %swap3A_282[%swap3A_283, %swap3A_284] {strides = array<i32>} : memref<80x128xf32, #tpu.memory_space<vmem>>, vector<16xf32>,
          tpu.vector_store %swap3A_282[%swap3A_283, %swap3A_284], %max3A_281 {strides = array<i32>} : memref<80x128xf32, #tpu.memory_space<vmem>>, vector<16xf32>,
          %add3A_286 = arith.addf %unpack3A_276, %unpack3A_265 : vector<16xf32>
          %max3A_287 = arith.constant 0.000000e+00 : f32
          %max3A_288 = vector.broadcast %max3A_287 : f32 to vector<16xf32>
          %max3A_289 = arith.maximumf %add3A_286, %max3A_288 : vector<16xf32>
          %swap3A_290 = tpu.memref_bitcast %arg12 : memref<80x128xi32, #tpu.memory_space<vmem>> -> memref<80x128xf32, #tpu.memory_space<vmem>>
          %swap3A_291 = arith.index_cast %scan3A_195 : i32 to index
          %swap3A_292 = arith.constant 96 : index
          %swap3A_293 = tpu.vector_load %swap3A_290[%swap3A_291, %swap3A_292] {strides = array<i32>} : memref<80x128xf32, #tpu.memory_space<vmem>>, vector<16xf32>,
          tpu.vector_store %swap3A_290[%swap3A_291, %swap3A_292], %max3A_289 {strides = array<i32>} : memref<80x128xf32, #tpu.memory_space<vmem>>, vector<16xf32>,
          %get3A_294 = arith.index_cast %scan3A_195 : i32 to index
          %get3A_295 = arith.constant 48 : index
          %get3A_296 = tpu.vector_load %arg14[%get3A_294, %get3A_295] {strides = array<i32>} : memref<80x64xi32, #tpu.memory_space<vmem>>, vector<16xi32>,
          %bitcast3A_297 = vector.bitcast %get3A_296 : vector<16xi32> to vector<32xbf16>
          %unpack3A_298 = tpu.unpack_subelements %bitcast3A_297, 0 {pack_format = #tpu.pack_format<interleaved>} : vector<32xbf16> -> vector<16xf32>
          %unpack3A_299 = tpu.unpack_subelements %bitcast3A_297, 1 {pack_format = #tpu.pack_format<interleaved>} : vector<32xbf16> -> vector<16xf32>
          %get3A_300 = arith.index_cast %scan3A_195 : i32 to index
          %get3A_301 = arith.constant 48 : index
          %get3A_302 = tpu.vector_load %arg12[%get3A_300, %get3A_301] {strides = array<i32>} : memref<80x128xi32, #tpu.memory_space<vmem>>, vector<16xi32>,
          %bitcast3A_303 = vector.bitcast %get3A_302 : vector<16xi32> to vector<32xbf16>
          %unpack3A_304 = tpu.unpack_subelements %bitcast3A_303, 0 {pack_format = #tpu.pack_format<interleaved>} : vector<32xbf16> -> vector<16xf32>
          %unpack3A_305 = tpu.unpack_subelements %bitcast3A_303, 1 {pack_format = #tpu.pack_format<interleaved>} : vector<32xbf16> -> vector<16xf32>
          %get3A_306 = arith.index_cast %scan3A_195 : i32 to index
          %get3A_307 = arith.constant 112 : index
          %get3A_308 = tpu.vector_load %arg12[%get3A_306, %get3A_307] {strides = array<i32>} : memref<80x128xi32, #tpu.memory_space<vmem>>, vector<16xi32>,
          %bitcast3A_309 = vector.bitcast %get3A_308 : vector<16xi32> to vector<32xbf16>
          %unpack3A_310 = tpu.unpack_subelements %bitcast3A_309, 0 {pack_format = #tpu.pack_format<interleaved>} : vector<32xbf16> -> vector<16xf32>
          %unpack3A_311 = tpu.unpack_subelements %bitcast3A_309, 1 {pack_format = #tpu.pack_format<interleaved>} : vector<32xbf16> -> vector<16xf32>
          %add3A_312 = arith.addf %unpack3A_304, %unpack3A_298 : vector<16xf32>
          %max3A_313 = arith.constant 0.000000e+00 : f32
          %max3A_314 = vector.broadcast %max3A_313 : f32 to vector<16xf32>
          %max3A_315 = arith.maximumf %add3A_312, %max3A_314 : vector<16xf32>
          %swap3A_316 = tpu.memref_bitcast %arg12 : memref<80x128xi32, #tpu.memory_space<vmem>> -> memref<80x128xf32, #tpu.memory_space<vmem>>
          %swap3A_317 = arith.index_cast %scan3A_195 : i32 to index
          %swap3A_318 = arith.constant 48 : index
          %swap3A_319 = tpu.vector_load %swap3A_316[%swap3A_317, %swap3A_318] {strides = array<i32>} : memref<80x128xf32, #tpu.memory_space<vmem>>, vector<16xf32>,
          tpu.vector_store %swap3A_316[%swap3A_317, %swap3A_318], %max3A_315 {strides = array<i32>} : memref<80x128xf32, #tpu.memory_space<vmem>>, vector<16xf32>,
          %add3A_320 = arith.addf %unpack3A_310, %unpack3A_299 : vector<16xf32>
          %max3A_321 = arith.constant 0.000000e+00 : f32
          %max3A_322 = vector.broadcast %max3A_321 : f32 to vector<16xf32>
          %max3A_323 = arith.maximumf %add3A_320, %max3A_322 : vector<16xf32>
          %swap3A_324 = tpu.memref_bitcast %arg12 : memref<80x128xi32, #tpu.memory_space<vmem>> -> memref<80x128xf32, #tpu.memory_space<vmem>>
          %swap3A_325 = arith.index_cast %scan3A_195 : i32 to index
          %swap3A_326 = arith.constant 112 : index
          %swap3A_327 = tpu.vector_load %swap3A_324[%swap3A_325, %swap3A_326] {strides = array<i32>} : memref<80x128xf32, #tpu.memory_space<vmem>>, vector<16xf32>,
          tpu.vector_store %swap3A_324[%swap3A_325, %swap3A_326], %max3A_323 {strides = array<i32>} : memref<80x128xf32, #tpu.memory_space<vmem>>, vector<16xf32>,
          %scan3A_328 = arith.constant 0 : i32
          scf.yield %scan3A_328 : i32
        }
        %scan3A_159 = arith.constant 80 : i32
        %run_scoped3A_160 = arith.constant 0 : i32
        "tpu.region"() ({
          %run_scoped3A_195 = tpu.sem_alloc : memref<!tpu.dma_semaphore, #tpu.memory_space<semaphore_mem>>
          %dma_start3A_196 = tpu.memref_bitcast %arg12 : memref<80x128xi32, #tpu.memory_space<vmem>> -> memref<80x128xf32, #tpu.memory_space<vmem>>
          %dma_start3A_197 = arith.constant 0 : i32
          %dma_start3A_198 = tpu.memref_slice %arg11[%run_scoped3A_160, %dma_start3A_197] : memref<2x80xi32, #tpu.memory_space<vmem>> -> memref<1x80xi32, #tpu.memory_space<vmem>>
          %dma_start3A_199 = tpu.memref_squeeze %dma_start3A_198 : memref<1x80xi32, #tpu.memory_space<vmem>> -> memref<80xi32, #tpu.memory_space<vmem>>
          %dma_start3A_200 = arith.constant 0 : i32
          %dma_start3A_201 = arith.constant 0 : i32
          %dma_start3A_202 = tpu.memref_slice %arg9[%dma_start3A_200, %dma_start3A_201] : memref<10000x128xf32, #tpu.memory_space<vmem_shared>> -> memref<10000x128xf32, #tpu.memory_space<vmem_shared>>
          tpu.enqueue_indirect_dma source(%dma_start3A_196 : memref<80x128xf32, #tpu.memory_space<vmem>>) target(%dma_start3A_202 : memref<10000x128xf32, #tpu.memory_space<vmem_shared>>) offsets(%dma_start3A_199 : memref<80xi32, #tpu.memory_space<vmem>>) semaphore(%run_scoped3A_195 : memref<!tpu.dma_semaphore, #tpu.memory_space<semaphore_mem>>) {add = true}
          %dma_wait3A_203 = tpu.memref_bitcast %arg12 : memref<80x128xi32, #tpu.memory_space<vmem>> -> memref<80x128xf32, #tpu.memory_space<vmem>>
          %dma_wait3A_204 = arith.constant 0 : i32
          %dma_wait3A_205 = tpu.memref_slice %arg11[%run_scoped3A_160, %dma_wait3A_204] : memref<2x80xi32, #tpu.memory_space<vmem>> -> memref<1x80xi32, #tpu.memory_space<vmem>>
          %dma_wait3A_206 = tpu.memref_squeeze %dma_wait3A_205 : memref<1x80xi32, #tpu.memory_space<vmem>> -> memref<80xi32, #tpu.memory_space<vmem>>
          %dma_wait3A_207 = arith.constant 0 : i32
          %dma_wait3A_208 = arith.constant 0 : i32
          %dma_wait3A_209 = tpu.memref_slice %arg9[%dma_wait3A_207, %dma_wait3A_208] : memref<10000x128xf32, #tpu.memory_space<vmem_shared>> -> memref<10000x128xf32, #tpu.memory_space<vmem_shared>>
          tpu.wait_indirect_dma semaphore(%run_scoped3A_195 : memref<!tpu.dma_semaphore, #tpu.memory_space<semaphore_mem>>) src(%dma_wait3A_203 : memref<80x128xf32, #tpu.memory_space<vmem>>) dst(%dma_wait3A_209 : memref<10000x128xf32, #tpu.memory_space<vmem_shared>>)
          tpu.yield
        }) : () -> ()
        %convert_element_type3A_161 = arith.extui %lt3A_98 : i1 to i32
        %cond3A_162 = arith.constant 0 : i32
        %cond3A_163 = arith.cmpi ne, %convert_element_type3A_161, %cond3A_162 : i32
        scf.if %cond3A_163 {
          %add3A_195 = arith.constant 2 : i32
          %add3A_196 = arith.addi %mul3A_100, %add3A_195 : i32
          %mul3A_197 = arith.constant 16 : i32
          %mul3A_198 = arith.muli %add3A_196, %mul3A_197 : i32
          %add3A_199 = arith.addi %arg1, %mul3A_198 : i32
          %mul3A_200 = arith.constant 80 : i32
          %mul3A_201 = arith.muli %add3A_199, %mul3A_200 : i32
          %dma_start3A_202 = arith.constant 0 : i32
          %dma_start3A_203 = arith.constant 0 : i32
          %dma_start3A_204 = tpu.memref_slice %arg10[%dma_start3A_202, %dma_start3A_203] : memref<2x80xi32, #tpu.memory_space<vmem>> -> memref<1x80xi32, #tpu.memory_space<vmem>>
          %dma_start3A_205 = tpu.memref_squeeze %dma_start3A_204 : memref<1x80xi32, #tpu.memory_space<vmem>> -> memref<80xi32, #tpu.memory_space<vmem>>
          %dma_start3A_206 = tpu.memref_slice %arg5[%mul3A_201] : memref<320000xi32, #tpu.memory_space<hbm>> -> memref<80xi32, #tpu.memory_space<hbm>>
          %dma_start3A_207 = arith.constant 0 : i32
          %dma_start3A_208 = tpu.memref_slice %arg10[%dma_start3A_202, %dma_start3A_207] : memref<2x80xi32, #tpu.memory_space<vmem>> -> memref<1x80xi32, #tpu.memory_space<vmem>>
          %dma_start3A_209 = tpu.memref_squeeze %dma_start3A_208 : memref<1x80xi32, #tpu.memory_space<vmem>> -> memref<80xi32, #tpu.memory_space<vmem>>
          %dma_start3A_210 = tpu.memref_slice %arg5[%mul3A_201] : memref<320000xi32, #tpu.memory_space<hbm>> -> memref<80xi32, #tpu.memory_space<hbm>>
          tpu.enqueue_dma source(%dma_start3A_210 : memref<80xi32, #tpu.memory_space<hbm>>) target(%dma_start3A_209 : memref<80xi32, #tpu.memory_space<vmem>>) target_semaphore(%arg20 : memref<!tpu.dma_semaphore, #tpu.memory_space<semaphore_mem>>)
          %mul3A_211 = arith.constant 16 : i32
          %mul3A_212 = arith.muli %add3A_196, %mul3A_211 : i32
          %add3A_213 = arith.addi %arg1, %mul3A_212 : i32
          %mul3A_214 = arith.constant 80 : i32
          %mul3A_215 = arith.muli %add3A_213, %mul3A_214 : i32
          %dma_start3A_216 = arith.constant 0 : i32
          %dma_start3A_217 = arith.constant 0 : i32
          %dma_start3A_218 = tpu.memref_slice %arg11[%dma_start3A_216, %dma_start3A_217] : memref<2x80xi32, #tpu.memory_space<vmem>> -> memref<1x80xi32, #tpu.memory_space<vmem>>
          %dma_start3A_219 = tpu.memref_squeeze %dma_start3A_218 : memref<1x80xi32, #tpu.memory_space<vmem>> -> memref<80xi32, #tpu.memory_space<vmem>>
          %dma_start3A_220 = tpu.memref_slice %arg6[%mul3A_215] : memref<320000xi32, #tpu.memory_space<hbm>> -> memref<80xi32, #tpu.memory_space<hbm>>
          %dma_start3A_221 = arith.constant 0 : i32
          %dma_start3A_222 = tpu.memref_slice %arg11[%dma_start3A_216, %dma_start3A_221] : memref<2x80xi32, #tpu.memory_space<vmem>> -> memref<1x80xi32, #tpu.memory_space<vmem>>
          %dma_start3A_223 = tpu.memref_squeeze %dma_start3A_222 : memref<1x80xi32, #tpu.memory_space<vmem>> -> memref<80xi32, #tpu.memory_space<vmem>>
          %dma_start3A_224 = tpu.memref_slice %arg6[%mul3A_215] : memref<320000xi32, #tpu.memory_space<hbm>> -> memref<80xi32, #tpu.memory_space<hbm>>
          tpu.enqueue_dma source(%dma_start3A_224 : memref<80xi32, #tpu.memory_space<hbm>>) target(%dma_start3A_223 : memref<80xi32, #tpu.memory_space<vmem>>) target_semaphore(%arg20 : memref<!tpu.dma_semaphore, #tpu.memory_space<semaphore_mem>>)
        } else {
        }
        %mul3A_164 = arith.constant 2 : i32
        %mul3A_165 = arith.muli %mul3A_164, %scan3A_96 : i32
        %add3A_166 = arith.constant 1 : i32
        %add3A_167 = arith.addi %mul3A_165, %add3A_166 : i32
        %convert_element_type3A_168 = arith.extui %lt3A_98 : i1 to i32
        %cond3A_169 = arith.constant 0 : i32
        %cond3A_170 = arith.cmpi ne, %convert_element_type3A_168, %cond3A_169 : i32
        scf.if %cond3A_170 {
          %dma_wait3A_195 = arith.constant 0 : i32
          %dma_wait3A_196 = arith.constant 0 : i32
          %dma_wait3A_197 = tpu.memref_slice %arg10[%dma_wait3A_195, %dma_wait3A_196] : memref<2x80xi32, #tpu.memory_space<vmem>> -> memref<1x80xi32, #tpu.memory_space<vmem>>
          %dma_wait3A_198 = tpu.memref_squeeze %dma_wait3A_197 : memref<1x80xi32, #tpu.memory_space<vmem>> -> memref<80xi32, #tpu.memory_space<vmem>>
          %dma_wait3A_199 = arith.constant 0 : i32
          %dma_wait3A_200 = tpu.memref_slice %arg5[%dma_wait3A_199] : memref<320000xi32, #tpu.memory_space<hbm>> -> memref<80xi32, #tpu.memory_space<hbm>>
          %dma_wait3A_201 = arith.constant 0 : i32
          %dma_wait3A_202 = tpu.memref_slice %arg10[%dma_wait3A_195, %dma_wait3A_201] : memref<2x80xi32, #tpu.memory_space<vmem>> -> memref<1x80xi32, #tpu.memory_space<vmem>>
          %dma_wait3A_203 = tpu.memref_squeeze %dma_wait3A_202 : memref<1x80xi32, #tpu.memory_space<vmem>> -> memref<80xi32, #tpu.memory_space<vmem>>
          %dma_wait3A_204 = arith.constant 0 : i32
          %dma_wait3A_205 = tpu.memref_slice %arg5[%dma_wait3A_204] : memref<320000xi32, #tpu.memory_space<hbm>> -> memref<80xi32, #tpu.memory_space<hbm>>
          tpu.wait_dma2 semaphore(%arg20 : memref<!tpu.dma_semaphore, #tpu.memory_space<semaphore_mem>>) src(%dma_wait3A_205 : memref<80xi32, #tpu.memory_space<hbm>>) dst(%dma_wait3A_203 : memref<80xi32, #tpu.memory_space<vmem>>)
          %dma_wait3A_206 = arith.constant 0 : i32
          %dma_wait3A_207 = arith.constant 0 : i32
          %dma_wait3A_208 = tpu.memref_slice %arg11[%dma_wait3A_206, %dma_wait3A_207] : memref<2x80xi32, #tpu.memory_space<vmem>> -> memref<1x80xi32, #tpu.memory_space<vmem>>
          %dma_wait3A_209 = tpu.memref_squeeze %dma_wait3A_208 : memref<1x80xi32, #tpu.memory_space<vmem>> -> memref<80xi32, #tpu.memory_space<vmem>>
          %dma_wait3A_210 = arith.constant 0 : i32
          %dma_wait3A_211 = tpu.memref_slice %arg6[%dma_wait3A_210] : memref<320000xi32, #tpu.memory_space<hbm>> -> memref<80xi32, #tpu.memory_space<hbm>>
          %dma_wait3A_212 = arith.constant 0 : i32
          %dma_wait3A_213 = tpu.memref_slice %arg11[%dma_wait3A_206, %dma_wait3A_212] : memref<2x80xi32, #tpu.memory_space<vmem>> -> memref<1x80xi32, #tpu.memory_space<vmem>>
          %dma_wait3A_214 = tpu.memref_squeeze %dma_wait3A_213 : memref<1x80xi32, #tpu.memory_space<vmem>> -> memref<80xi32, #tpu.memory_space<vmem>>
          %dma_wait3A_215 = arith.constant 0 : i32
          %dma_wait3A_216 = tpu.memref_slice %arg6[%dma_wait3A_215] : memref<320000xi32, #tpu.memory_space<hbm>> -> memref<80xi32, #tpu.memory_space<hbm>>
          tpu.wait_dma2 semaphore(%arg20 : memref<!tpu.dma_semaphore, #tpu.memory_space<semaphore_mem>>) src(%dma_wait3A_216 : memref<80xi32, #tpu.memory_space<hbm>>) dst(%dma_wait3A_214 : memref<80xi32, #tpu.memory_space<vmem>>)
          %add3A_217 = arith.constant 1 : i32
          %add3A_218 = arith.addi %add3A_167, %add3A_217 : i32
          %dma_start3A_219 = arith.constant 0 : i32
          %dma_start3A_220 = arith.constant 0 : i32
          %dma_start3A_221 = tpu.memref_slice %arg10[%dma_start3A_219, %dma_start3A_220] : memref<2x80xi32, #tpu.memory_space<vmem>> -> memref<1x80xi32, #tpu.memory_space<vmem>>
          %dma_start3A_222 = tpu.memref_squeeze %dma_start3A_221 : memref<1x80xi32, #tpu.memory_space<vmem>> -> memref<80xi32, #tpu.memory_space<vmem>>
          %dma_start3A_223 = arith.constant 0 : i32
          %dma_start3A_224 = arith.constant 0 : i32
          %dma_start3A_225 = tpu.memref_slice %arg2[%dma_start3A_223, %dma_start3A_224] : memref<10000x128xi32, #tpu.memory_space<hbm>> -> memref<10000x128xi32, #tpu.memory_space<hbm>>
          tpu.enqueue_indirect_dma source(%dma_start3A_225 : memref<10000x128xi32, #tpu.memory_space<hbm>>) target(%arg12 : memref<80x128xi32, #tpu.memory_space<vmem>>) offsets(%dma_start3A_222 : memref<80xi32, #tpu.memory_space<vmem>>) semaphore(%arg16 : memref<!tpu.dma_semaphore, #tpu.memory_space<semaphore_mem>>)
          %mul3A_226 = arith.constant 16 : i32
          %mul3A_227 = arith.muli %add3A_218, %mul3A_226 : i32
          %add3A_228 = arith.addi %arg1, %mul3A_227 : i32
          %mul3A_229 = arith.constant 80 : i32
          %mul3A_230 = arith.muli %add3A_228, %mul3A_229 : i32
          %dma_start3A_231 = arith.constant 0 : i32
          %dma_start3A_232 = tpu.memref_slice %arg3[%mul3A_230, %dma_start3A_231] : memref<320000x64xi32, #tpu.memory_space<hbm>> -> memref<80x64xi32, #tpu.memory_space<hbm>>
          %dma_start3A_233 = arith.constant 0 : i32
          %dma_start3A_234 = tpu.memref_slice %arg3[%mul3A_230, %dma_start3A_233] : memref<320000x64xi32, #tpu.memory_space<hbm>> -> memref<80x64xi32, #tpu.memory_space<hbm>>
          tpu.enqueue_dma source(%dma_start3A_234 : memref<80x64xi32, #tpu.memory_space<hbm>>) target(%arg14 : memref<80x64xi32, #tpu.memory_space<vmem>>) target_semaphore(%arg18 : memref<!tpu.dma_semaphore, #tpu.memory_space<semaphore_mem>>)
        } else {
        }
        %dma_wait3A_171 = arith.constant 0 : i32
        %dma_wait3A_172 = arith.constant 0 : i32
        %dma_wait3A_173 = tpu.memref_slice %arg2[%dma_wait3A_171, %dma_wait3A_172] : memref<10000x128xi32, #tpu.memory_space<hbm>> -> memref<80x128xi32, #tpu.memory_space<hbm>>
        %dma_wait3A_174 = arith.constant 0 : i32
        %dma_wait3A_175 = arith.constant 0 : i32
        %dma_wait3A_176 = tpu.memref_slice %arg2[%dma_wait3A_174, %dma_wait3A_175] : memref<10000x128xi32, #tpu.memory_space<hbm>> -> memref<80x128xi32, #tpu.memory_space<hbm>>
        tpu.wait_dma2 semaphore(%arg17 : memref<!tpu.dma_semaphore, #tpu.memory_space<semaphore_mem>>) src(%dma_wait3A_176 : memref<80x128xi32, #tpu.memory_space<hbm>>) dst(%arg13 : memref<80x128xi32, #tpu.memory_space<vmem>>)
        %dma_wait3A_177 = arith.constant 0 : i32
        %dma_wait3A_178 = arith.constant 0 : i32
        %dma_wait3A_179 = tpu.memref_slice %arg3[%dma_wait3A_177, %dma_wait3A_178] : memref<320000x64xi32, #tpu.memory_space<hbm>> -> memref<80x64xi32, #tpu.memory_space<hbm>>
        %dma_wait3A_180 = arith.constant 0 : i32
        %dma_wait3A_181 = arith.constant 0 : i32
        %dma_wait3A_182 = tpu.memref_slice %arg3[%dma_wait3A_180, %dma_wait3A_181] : memref<320000x64xi32, #tpu.memory_space<hbm>> -> memref<80x64xi32, #tpu.memory_space<hbm>>
        tpu.wait_dma2 semaphore(%arg19 : memref<!tpu.dma_semaphore, #tpu.memory_space<semaphore_mem>>) src(%dma_wait3A_182 : memref<80x64xi32, #tpu.memory_space<hbm>>) dst(%arg15 : memref<80x64xi32, #tpu.memory_space<vmem>>)
        %scan3A_183 = arith.constant 0 : i32
        %scan3A_184 = arith.constant 0 : i32
        %scan3A_185 = arith.constant 80 : i32
        %scan3A_186 = arith.addi %scan3A_184, %scan3A_185 : i32
        %scan3A_187 = arith.constant 1 : i32
        %scan3A_188 = scf.for %scan3A_195 = %scan3A_184 to %scan3A_186 step %scan3A_187 iter_args(%scan3A_196 = %scan3A_183) -> (i32)  : i32 {
          %get3A = arith.index_cast %scan3A_195 : i32 to index
          %get3A_197 = arith.constant 0 : index
          %get3A_198 = tpu.vector_load %arg15[%get3A, %get3A_197] {strides = array<i32>} : memref<80x64xi32, #tpu.memory_space<vmem>>, vector<16xi32>,
          %bitcast3A = vector.bitcast %get3A_198 : vector<16xi32> to vector<32xbf16>
          %unpack3A = tpu.unpack_subelements %bitcast3A, 0 {pack_format = #tpu.pack_format<interleaved>} : vector<32xbf16> -> vector<16xf32>
          %unpack3A_199 = tpu.unpack_subelements %bitcast3A, 1 {pack_format = #tpu.pack_format<interleaved>} : vector<32xbf16> -> vector<16xf32>
          %get3A_200 = arith.index_cast %scan3A_195 : i32 to index
          %get3A_201 = arith.constant 0 : index
          %get3A_202 = tpu.vector_load %arg13[%get3A_200, %get3A_201] {strides = array<i32>} : memref<80x128xi32, #tpu.memory_space<vmem>>, vector<16xi32>,
          %bitcast3A_203 = vector.bitcast %get3A_202 : vector<16xi32> to vector<32xbf16>
          %unpack3A_204 = tpu.unpack_subelements %bitcast3A_203, 0 {pack_format = #tpu.pack_format<interleaved>} : vector<32xbf16> -> vector<16xf32>
          %unpack3A_205 = tpu.unpack_subelements %bitcast3A_203, 1 {pack_format = #tpu.pack_format<interleaved>} : vector<32xbf16> -> vector<16xf32>
          %get3A_206 = arith.index_cast %scan3A_195 : i32 to index
          %get3A_207 = arith.constant 64 : index
          %get3A_208 = tpu.vector_load %arg13[%get3A_206, %get3A_207] {strides = array<i32>} : memref<80x128xi32, #tpu.memory_space<vmem>>, vector<16xi32>,
          %bitcast3A_209 = vector.bitcast %get3A_208 : vector<16xi32> to vector<32xbf16>
          %unpack3A_210 = tpu.unpack_subelements %bitcast3A_209, 0 {pack_format = #tpu.pack_format<interleaved>} : vector<32xbf16> -> vector<16xf32>
          %unpack3A_211 = tpu.unpack_subelements %bitcast3A_209, 1 {pack_format = #tpu.pack_format<interleaved>} : vector<32xbf16> -> vector<16xf32>
          %add3A_212 = arith.addf %unpack3A_204, %unpack3A : vector<16xf32>
          %max3A = arith.constant 0.000000e+00 : f32
          %max3A_213 = vector.broadcast %max3A : f32 to vector<16xf32>
          %max3A_214 = arith.maximumf %add3A_212, %max3A_213 : vector<16xf32>
          %swap3A = tpu.memref_bitcast %arg13 : memref<80x128xi32, #tpu.memory_space<vmem>> -> memref<80x128xf32, #tpu.memory_space<vmem>>
          %swap3A_215 = arith.index_cast %scan3A_195 : i32 to index
          %swap3A_216 = arith.constant 0 : index
          %swap3A_217 = tpu.vector_load %swap3A[%swap3A_215, %swap3A_216] {strides = array<i32>} : memref<80x128xf32, #tpu.memory_space<vmem>>, vector<16xf32>,
          tpu.vector_store %swap3A[%swap3A_215, %swap3A_216], %max3A_214 {strides = array<i32>} : memref<80x128xf32, #tpu.memory_space<vmem>>, vector<16xf32>,
          %add3A_218 = arith.addf %unpack3A_210, %unpack3A_199 : vector<16xf32>
          %max3A_219 = arith.constant 0.000000e+00 : f32
          %max3A_220 = vector.broadcast %max3A_219 : f32 to vector<16xf32>
          %max3A_221 = arith.maximumf %add3A_218, %max3A_220 : vector<16xf32>
          %swap3A_222 = tpu.memref_bitcast %arg13 : memref<80x128xi32, #tpu.memory_space<vmem>> -> memref<80x128xf32, #tpu.memory_space<vmem>>
          %swap3A_223 = arith.index_cast %scan3A_195 : i32 to index
          %swap3A_224 = arith.constant 64 : index
          %swap3A_225 = tpu.vector_load %swap3A_222[%swap3A_223, %swap3A_224] {strides = array<i32>} : memref<80x128xf32, #tpu.memory_space<vmem>>, vector<16xf32>,
          tpu.vector_store %swap3A_222[%swap3A_223, %swap3A_224], %max3A_221 {strides = array<i32>} : memref<80x128xf32, #tpu.memory_space<vmem>>, vector<16xf32>,
          %get3A_226 = arith.index_cast %scan3A_195 : i32 to index
          %get3A_227 = arith.constant 16 : index
          %get3A_228 = tpu.vector_load %arg15[%get3A_226, %get3A_227] {strides = array<i32>} : memref<80x64xi32, #tpu.memory_space<vmem>>, vector<16xi32>,
          %bitcast3A_229 = vector.bitcast %get3A_228 : vector<16xi32> to vector<32xbf16>
          %unpack3A_230 = tpu.unpack_subelements %bitcast3A_229, 0 {pack_format = #tpu.pack_format<interleaved>} : vector<32xbf16> -> vector<16xf32>
          %unpack3A_231 = tpu.unpack_subelements %bitcast3A_229, 1 {pack_format = #tpu.pack_format<interleaved>} : vector<32xbf16> -> vector<16xf32>
          %get3A_232 = arith.index_cast %scan3A_195 : i32 to index
          %get3A_233 = arith.constant 16 : index
          %get3A_234 = tpu.vector_load %arg13[%get3A_232, %get3A_233] {strides = array<i32>} : memref<80x128xi32, #tpu.memory_space<vmem>>, vector<16xi32>,
          %bitcast3A_235 = vector.bitcast %get3A_234 : vector<16xi32> to vector<32xbf16>
          %unpack3A_236 = tpu.unpack_subelements %bitcast3A_235, 0 {pack_format = #tpu.pack_format<interleaved>} : vector<32xbf16> -> vector<16xf32>
          %unpack3A_237 = tpu.unpack_subelements %bitcast3A_235, 1 {pack_format = #tpu.pack_format<interleaved>} : vector<32xbf16> -> vector<16xf32>
          %get3A_238 = arith.index_cast %scan3A_195 : i32 to index
          %get3A_239 = arith.constant 80 : index
          %get3A_240 = tpu.vector_load %arg13[%get3A_238, %get3A_239] {strides = array<i32>} : memref<80x128xi32, #tpu.memory_space<vmem>>, vector<16xi32>,
          %bitcast3A_241 = vector.bitcast %get3A_240 : vector<16xi32> to vector<32xbf16>
          %unpack3A_242 = tpu.unpack_subelements %bitcast3A_241, 0 {pack_format = #tpu.pack_format<interleaved>} : vector<32xbf16> -> vector<16xf32>
          %unpack3A_243 = tpu.unpack_subelements %bitcast3A_241, 1 {pack_format = #tpu.pack_format<interleaved>} : vector<32xbf16> -> vector<16xf32>
          %add3A_244 = arith.addf %unpack3A_236, %unpack3A_230 : vector<16xf32>
          %max3A_245 = arith.constant 0.000000e+00 : f32
          %max3A_246 = vector.broadcast %max3A_245 : f32 to vector<16xf32>
          %max3A_247 = arith.maximumf %add3A_244, %max3A_246 : vector<16xf32>
          %swap3A_248 = tpu.memref_bitcast %arg13 : memref<80x128xi32, #tpu.memory_space<vmem>> -> memref<80x128xf32, #tpu.memory_space<vmem>>
          %swap3A_249 = arith.index_cast %scan3A_195 : i32 to index
          %swap3A_250 = arith.constant 16 : index
          %swap3A_251 = tpu.vector_load %swap3A_248[%swap3A_249, %swap3A_250] {strides = array<i32>} : memref<80x128xf32, #tpu.memory_space<vmem>>, vector<16xf32>,
          tpu.vector_store %swap3A_248[%swap3A_249, %swap3A_250], %max3A_247 {strides = array<i32>} : memref<80x128xf32, #tpu.memory_space<vmem>>, vector<16xf32>,
          %add3A_252 = arith.addf %unpack3A_242, %unpack3A_231 : vector<16xf32>
          %max3A_253 = arith.constant 0.000000e+00 : f32
          %max3A_254 = vector.broadcast %max3A_253 : f32 to vector<16xf32>
          %max3A_255 = arith.maximumf %add3A_252, %max3A_254 : vector<16xf32>
          %swap3A_256 = tpu.memref_bitcast %arg13 : memref<80x128xi32, #tpu.memory_space<vmem>> -> memref<80x128xf32, #tpu.memory_space<vmem>>
          %swap3A_257 = arith.index_cast %scan3A_195 : i32 to index
          %swap3A_258 = arith.constant 80 : index
          %swap3A_259 = tpu.vector_load %swap3A_256[%swap3A_257, %swap3A_258] {strides = array<i32>} : memref<80x128xf32, #tpu.memory_space<vmem>>, vector<16xf32>,
          tpu.vector_store %swap3A_256[%swap3A_257, %swap3A_258], %max3A_255 {strides = array<i32>} : memref<80x128xf32, #tpu.memory_space<vmem>>, vector<16xf32>,
          %get3A_260 = arith.index_cast %scan3A_195 : i32 to index
          %get3A_261 = arith.constant 32 : index
          %get3A_262 = tpu.vector_load %arg15[%get3A_260, %get3A_261] {strides = array<i32>} : memref<80x64xi32, #tpu.memory_space<vmem>>, vector<16xi32>,
          %bitcast3A_263 = vector.bitcast %get3A_262 : vector<16xi32> to vector<32xbf16>
          %unpack3A_264 = tpu.unpack_subelements %bitcast3A_263, 0 {pack_format = #tpu.pack_format<interleaved>} : vector<32xbf16> -> vector<16xf32>
          %unpack3A_265 = tpu.unpack_subelements %bitcast3A_263, 1 {pack_format = #tpu.pack_format<interleaved>} : vector<32xbf16> -> vector<16xf32>
          %get3A_266 = arith.index_cast %scan3A_195 : i32 to index
          %get3A_267 = arith.constant 32 : index
          %get3A_268 = tpu.vector_load %arg13[%get3A_266, %get3A_267] {strides = array<i32>} : memref<80x128xi32, #tpu.memory_space<vmem>>, vector<16xi32>,
          %bitcast3A_269 = vector.bitcast %get3A_268 : vector<16xi32> to vector<32xbf16>
          %unpack3A_270 = tpu.unpack_subelements %bitcast3A_269, 0 {pack_format = #tpu.pack_format<interleaved>} : vector<32xbf16> -> vector<16xf32>
          %unpack3A_271 = tpu.unpack_subelements %bitcast3A_269, 1 {pack_format = #tpu.pack_format<interleaved>} : vector<32xbf16> -> vector<16xf32>
          %get3A_272 = arith.index_cast %scan3A_195 : i32 to index
          %get3A_273 = arith.constant 96 : index
          %get3A_274 = tpu.vector_load %arg13[%get3A_272, %get3A_273] {strides = array<i32>} : memref<80x128xi32, #tpu.memory_space<vmem>>, vector<16xi32>,
          %bitcast3A_275 = vector.bitcast %get3A_274 : vector<16xi32> to vector<32xbf16>
          %unpack3A_276 = tpu.unpack_subelements %bitcast3A_275, 0 {pack_format = #tpu.pack_format<interleaved>} : vector<32xbf16> -> vector<16xf32>
          %unpack3A_277 = tpu.unpack_subelements %bitcast3A_275, 1 {pack_format = #tpu.pack_format<interleaved>} : vector<32xbf16> -> vector<16xf32>
          %add3A_278 = arith.addf %unpack3A_270, %unpack3A_264 : vector<16xf32>
          %max3A_279 = arith.constant 0.000000e+00 : f32
          %max3A_280 = vector.broadcast %max3A_279 : f32 to vector<16xf32>
          %max3A_281 = arith.maximumf %add3A_278, %max3A_280 : vector<16xf32>
          %swap3A_282 = tpu.memref_bitcast %arg13 : memref<80x128xi32, #tpu.memory_space<vmem>> -> memref<80x128xf32, #tpu.memory_space<vmem>>
          %swap3A_283 = arith.index_cast %scan3A_195 : i32 to index
          %swap3A_284 = arith.constant 32 : index
          %swap3A_285 = tpu.vector_load %swap3A_282[%swap3A_283, %swap3A_284] {strides = array<i32>} : memref<80x128xf32, #tpu.memory_space<vmem>>, vector<16xf32>,
          tpu.vector_store %swap3A_282[%swap3A_283, %swap3A_284], %max3A_281 {strides = array<i32>} : memref<80x128xf32, #tpu.memory_space<vmem>>, vector<16xf32>,
          %add3A_286 = arith.addf %unpack3A_276, %unpack3A_265 : vector<16xf32>
          %max3A_287 = arith.constant 0.000000e+00 : f32
          %max3A_288 = vector.broadcast %max3A_287 : f32 to vector<16xf32>
          %max3A_289 = arith.maximumf %add3A_286, %max3A_288 : vector<16xf32>
          %swap3A_290 = tpu.memref_bitcast %arg13 : memref<80x128xi32, #tpu.memory_space<vmem>> -> memref<80x128xf32, #tpu.memory_space<vmem>>
          %swap3A_291 = arith.index_cast %scan3A_195 : i32 to index
          %swap3A_292 = arith.constant 96 : index
          %swap3A_293 = tpu.vector_load %swap3A_290[%swap3A_291, %swap3A_292] {strides = array<i32>} : memref<80x128xf32, #tpu.memory_space<vmem>>, vector<16xf32>,
          tpu.vector_store %swap3A_290[%swap3A_291, %swap3A_292], %max3A_289 {strides = array<i32>} : memref<80x128xf32, #tpu.memory_space<vmem>>, vector<16xf32>,
          %get3A_294 = arith.index_cast %scan3A_195 : i32 to index
          %get3A_295 = arith.constant 48 : index
          %get3A_296 = tpu.vector_load %arg15[%get3A_294, %get3A_295] {strides = array<i32>} : memref<80x64xi32, #tpu.memory_space<vmem>>, vector<16xi32>,
          %bitcast3A_297 = vector.bitcast %get3A_296 : vector<16xi32> to vector<32xbf16>
          %unpack3A_298 = tpu.unpack_subelements %bitcast3A_297, 0 {pack_format = #tpu.pack_format<interleaved>} : vector<32xbf16> -> vector<16xf32>
          %unpack3A_299 = tpu.unpack_subelements %bitcast3A_297, 1 {pack_format = #tpu.pack_format<interleaved>} : vector<32xbf16> -> vector<16xf32>
          %get3A_300 = arith.index_cast %scan3A_195 : i32 to index
          %get3A_301 = arith.constant 48 : index
          %get3A_302 = tpu.vector_load %arg13[%get3A_300, %get3A_301] {strides = array<i32>} : memref<80x128xi32, #tpu.memory_space<vmem>>, vector<16xi32>,
          %bitcast3A_303 = vector.bitcast %get3A_302 : vector<16xi32> to vector<32xbf16>
          %unpack3A_304 = tpu.unpack_subelements %bitcast3A_303, 0 {pack_format = #tpu.pack_format<interleaved>} : vector<32xbf16> -> vector<16xf32>
          %unpack3A_305 = tpu.unpack_subelements %bitcast3A_303, 1 {pack_format = #tpu.pack_format<interleaved>} : vector<32xbf16> -> vector<16xf32>
          %get3A_306 = arith.index_cast %scan3A_195 : i32 to index
          %get3A_307 = arith.constant 112 : index
          %get3A_308 = tpu.vector_load %arg13[%get3A_306, %get3A_307] {strides = array<i32>} : memref<80x128xi32, #tpu.memory_space<vmem>>, vector<16xi32>,
          %bitcast3A_309 = vector.bitcast %get3A_308 : vector<16xi32> to vector<32xbf16>
          %unpack3A_310 = tpu.unpack_subelements %bitcast3A_309, 0 {pack_format = #tpu.pack_format<interleaved>} : vector<32xbf16> -> vector<16xf32>
          %unpack3A_311 = tpu.unpack_subelements %bitcast3A_309, 1 {pack_format = #tpu.pack_format<interleaved>} : vector<32xbf16> -> vector<16xf32>
          %add3A_312 = arith.addf %unpack3A_304, %unpack3A_298 : vector<16xf32>
          %max3A_313 = arith.constant 0.000000e+00 : f32
          %max3A_314 = vector.broadcast %max3A_313 : f32 to vector<16xf32>
          %max3A_315 = arith.maximumf %add3A_312, %max3A_314 : vector<16xf32>
          %swap3A_316 = tpu.memref_bitcast %arg13 : memref<80x128xi32, #tpu.memory_space<vmem>> -> memref<80x128xf32, #tpu.memory_space<vmem>>
          %swap3A_317 = arith.index_cast %scan3A_195 : i32 to index
          %swap3A_318 = arith.constant 48 : index
          %swap3A_319 = tpu.vector_load %swap3A_316[%swap3A_317, %swap3A_318] {strides = array<i32>} : memref<80x128xf32, #tpu.memory_space<vmem>>, vector<16xf32>,
          tpu.vector_store %swap3A_316[%swap3A_317, %swap3A_318], %max3A_315 {strides = array<i32>} : memref<80x128xf32, #tpu.memory_space<vmem>>, vector<16xf32>,
          %add3A_320 = arith.addf %unpack3A_310, %unpack3A_299 : vector<16xf32>
          %max3A_321 = arith.constant 0.000000e+00 : f32
          %max3A_322 = vector.broadcast %max3A_321 : f32 to vector<16xf32>
          %max3A_323 = arith.maximumf %add3A_320, %max3A_322 : vector<16xf32>
          %swap3A_324 = tpu.memref_bitcast %arg13 : memref<80x128xi32, #tpu.memory_space<vmem>> -> memref<80x128xf32, #tpu.memory_space<vmem>>
          %swap3A_325 = arith.index_cast %scan3A_195 : i32 to index
          %swap3A_326 = arith.constant 112 : index
          %swap3A_327 = tpu.vector_load %swap3A_324[%swap3A_325, %swap3A_326] {strides = array<i32>} : memref<80x128xf32, #tpu.memory_space<vmem>>, vector<16xf32>,
          tpu.vector_store %swap3A_324[%swap3A_325, %swap3A_326], %max3A_323 {strides = array<i32>} : memref<80x128xf32, #tpu.memory_space<vmem>>, vector<16xf32>,
          %scan3A_328 = arith.constant 0 : i32
          scf.yield %scan3A_328 : i32
        }
        %scan3A_189 = arith.constant 80 : i32
        %run_scoped3A_190 = arith.constant 1 : i32
        "tpu.region"() ({
          %run_scoped3A_195 = tpu.sem_alloc : memref<!tpu.dma_semaphore, #tpu.memory_space<semaphore_mem>>
          %dma_start3A_196 = tpu.memref_bitcast %arg13 : memref<80x128xi32, #tpu.memory_space<vmem>> -> memref<80x128xf32, #tpu.memory_space<vmem>>
          %dma_start3A_197 = arith.constant 0 : i32
          %dma_start3A_198 = tpu.memref_slice %arg11[%run_scoped3A_190, %dma_start3A_197] : memref<2x80xi32, #tpu.memory_space<vmem>> -> memref<1x80xi32, #tpu.memory_space<vmem>>
          %dma_start3A_199 = tpu.memref_squeeze %dma_start3A_198 : memref<1x80xi32, #tpu.memory_space<vmem>> -> memref<80xi32, #tpu.memory_space<vmem>>
          %dma_start3A_200 = arith.constant 0 : i32
          %dma_start3A_201 = arith.constant 0 : i32
          %dma_start3A_202 = tpu.memref_slice %arg9[%dma_start3A_200, %dma_start3A_201] : memref<10000x128xf32, #tpu.memory_space<vmem_shared>> -> memref<10000x128xf32, #tpu.memory_space<vmem_shared>>
          tpu.enqueue_indirect_dma source(%dma_start3A_196 : memref<80x128xf32, #tpu.memory_space<vmem>>) target(%dma_start3A_202 : memref<10000x128xf32, #tpu.memory_space<vmem_shared>>) offsets(%dma_start3A_199 : memref<80xi32, #tpu.memory_space<vmem>>) semaphore(%run_scoped3A_195 : memref<!tpu.dma_semaphore, #tpu.memory_space<semaphore_mem>>) {add = true}
          %dma_wait3A_203 = tpu.memref_bitcast %arg13 : memref<80x128xi32, #tpu.memory_space<vmem>> -> memref<80x128xf32, #tpu.memory_space<vmem>>
          %dma_wait3A_204 = arith.constant 0 : i32
          %dma_wait3A_205 = tpu.memref_slice %arg11[%run_scoped3A_190, %dma_wait3A_204] : memref<2x80xi32, #tpu.memory_space<vmem>> -> memref<1x80xi32, #tpu.memory_space<vmem>>
          %dma_wait3A_206 = tpu.memref_squeeze %dma_wait3A_205 : memref<1x80xi32, #tpu.memory_space<vmem>> -> memref<80xi32, #tpu.memory_space<vmem>>
          %dma_wait3A_207 = arith.constant 0 : i32
          %dma_wait3A_208 = arith.constant 0 : i32
          %dma_wait3A_209 = tpu.memref_slice %arg9[%dma_wait3A_207, %dma_wait3A_208] : memref<10000x128xf32, #tpu.memory_space<vmem_shared>> -> memref<10000x128xf32, #tpu.memory_space<vmem_shared>>
          tpu.wait_indirect_dma semaphore(%run_scoped3A_195 : memref<!tpu.dma_semaphore, #tpu.memory_space<semaphore_mem>>) src(%dma_wait3A_203 : memref<80x128xf32, #tpu.memory_space<vmem>>) dst(%dma_wait3A_209 : memref<10000x128xf32, #tpu.memory_space<vmem_shared>>)
          tpu.yield
        }) : () -> ()
        %convert_element_type3A_191 = arith.extui %lt3A_98 : i1 to i32
        %cond3A_192 = arith.constant 0 : i32
        %cond3A_193 = arith.cmpi ne, %convert_element_type3A_191, %cond3A_192 : i32
        scf.if %cond3A_193 {
          %add3A_195 = arith.constant 2 : i32
          %add3A_196 = arith.addi %add3A_167, %add3A_195 : i32
          %mul3A_197 = arith.constant 16 : i32
          %mul3A_198 = arith.muli %add3A_196, %mul3A_197 : i32
          %add3A_199 = arith.addi %arg1, %mul3A_198 : i32
          %mul3A_200 = arith.constant 80 : i32
          %mul3A_201 = arith.muli %add3A_199, %mul3A_200 : i32
          %dma_start3A_202 = arith.constant 1 : i32
          %dma_start3A_203 = arith.constant 0 : i32
          %dma_start3A_204 = tpu.memref_slice %arg10[%dma_start3A_202, %dma_start3A_203] : memref<2x80xi32, #tpu.memory_space<vmem>> -> memref<1x80xi32, #tpu.memory_space<vmem>>
          %dma_start3A_205 = tpu.memref_squeeze %dma_start3A_204 : memref<1x80xi32, #tpu.memory_space<vmem>> -> memref<80xi32, #tpu.memory_space<vmem>>
          %dma_start3A_206 = tpu.memref_slice %arg5[%mul3A_201] : memref<320000xi32, #tpu.memory_space<hbm>> -> memref<80xi32, #tpu.memory_space<hbm>>
          %dma_start3A_207 = arith.constant 0 : i32
          %dma_start3A_208 = tpu.memref_slice %arg10[%dma_start3A_202, %dma_start3A_207] : memref<2x80xi32, #tpu.memory_space<vmem>> -> memref<1x80xi32, #tpu.memory_space<vmem>>
          %dma_start3A_209 = tpu.memref_squeeze %dma_start3A_208 : memref<1x80xi32, #tpu.memory_space<vmem>> -> memref<80xi32, #tpu.memory_space<vmem>>
          %dma_start3A_210 = tpu.memref_slice %arg5[%mul3A_201] : memref<320000xi32, #tpu.memory_space<hbm>> -> memref<80xi32, #tpu.memory_space<hbm>>
          tpu.enqueue_dma source(%dma_start3A_210 : memref<80xi32, #tpu.memory_space<hbm>>) target(%dma_start3A_209 : memref<80xi32, #tpu.memory_space<vmem>>) target_semaphore(%arg20 : memref<!tpu.dma_semaphore, #tpu.memory_space<semaphore_mem>>)
          %mul3A_211 = arith.constant 16 : i32
          %mul3A_212 = arith.muli %add3A_196, %mul3A_211 : i32
          %add3A_213 = arith.addi %arg1, %mul3A_212 : i32
          %mul3A_214 = arith.constant 80 : i32
          %mul3A_215 = arith.muli %add3A_213, %mul3A_214 : i32
          %dma_start3A_216 = arith.constant 1 : i32
          %dma_start3A_217 = arith.constant 0 : i32
          %dma_start3A_218 = tpu.memref_slice %arg11[%dma_start3A_216, %dma_start3A_217] : memref<2x80xi32, #tpu.memory_space<vmem>> -> memref<1x80xi32, #tpu.memory_space<vmem>>
          %dma_start3A_219 = tpu.memref_squeeze %dma_start3A_218 : memref<1x80xi32, #tpu.memory_space<vmem>> -> memref<80xi32, #tpu.memory_space<vmem>>
          %dma_start3A_220 = tpu.memref_slice %arg6[%mul3A_215] : memref<320000xi32, #tpu.memory_space<hbm>> -> memref<80xi32, #tpu.memory_space<hbm>>
          %dma_start3A_221 = arith.constant 0 : i32
          %dma_start3A_222 = tpu.memref_slice %arg11[%dma_start3A_216, %dma_start3A_221] : memref<2x80xi32, #tpu.memory_space<vmem>> -> memref<1x80xi32, #tpu.memory_space<vmem>>
          %dma_start3A_223 = tpu.memref_squeeze %dma_start3A_222 : memref<1x80xi32, #tpu.memory_space<vmem>> -> memref<80xi32, #tpu.memory_space<vmem>>
          %dma_start3A_224 = tpu.memref_slice %arg6[%mul3A_215] : memref<320000xi32, #tpu.memory_space<hbm>> -> memref<80xi32, #tpu.memory_space<hbm>>
          tpu.enqueue_dma source(%dma_start3A_224 : memref<80xi32, #tpu.memory_space<hbm>>) target(%dma_start3A_223 : memref<80xi32, #tpu.memory_space<vmem>>) target_semaphore(%arg20 : memref<!tpu.dma_semaphore, #tpu.memory_space<semaphore_mem>>)
        } else {
        }
        %scan3A_194 = arith.constant 0 : i32
        scf.yield %scan3A_194 : i32
      }
      %scan3A_89 = arith.constant 125 : i32
      %barrier3A_90 = arith.constant 0 : index
      tpu.barrier barrier_id(%barrier3A_90)
      "tpu.region"() ({
        %run_scoped3A_96 = tpu.sem_alloc : memref<!tpu.dma_semaphore, #tpu.memory_space<semaphore_mem>>
        %dma_start3A_97 = arith.constant 0 : i32
        %dma_start3A_98 = tpu.memref_slice %arg7[%mul3A_6, %dma_start3A_97] : memref<10000x128xf32, #tpu.memory_space<hbm>> -> memref<624x128xf32, #tpu.memory_space<hbm>>
        %dma_start3A_99 = arith.constant 0 : i32
        %dma_start3A_100 = tpu.memref_slice %arg9[%mul3A_6, %dma_start3A_99] : memref<10000x128xf32, #tpu.memory_space<vmem_shared>> -> memref<624x128xf32, #tpu.memory_space<vmem_shared>>
        tpu.enqueue_dma source(%dma_start3A_100 : memref<624x128xf32, #tpu.memory_space<vmem_shared>>) target(%dma_start3A_98 : memref<624x128xf32, #tpu.memory_space<hbm>>) target_semaphore(%run_scoped3A_96 : memref<!tpu.dma_semaphore, #tpu.memory_space<semaphore_mem>>)
        %dma_wait3A = arith.constant 0 : i32
        %dma_wait3A_101 = tpu.memref_slice %arg7[%mul3A_6, %dma_wait3A] : memref<10000x128xf32, #tpu.memory_space<hbm>> -> memref<624x128xf32, #tpu.memory_space<hbm>>
        %dma_wait3A_102 = arith.constant 0 : i32
        %dma_wait3A_103 = tpu.memref_slice %arg9[%mul3A_6, %dma_wait3A_102] : memref<10000x128xf32, #tpu.memory_space<vmem_shared>> -> memref<624x128xf32, #tpu.memory_space<vmem_shared>>
        tpu.wait_dma2 semaphore(%run_scoped3A_96 : memref<!tpu.dma_semaphore, #tpu.memory_space<semaphore_mem>>) src(%dma_wait3A_103 : memref<624x128xf32, #tpu.memory_space<vmem_shared>>) dst(%dma_wait3A_101 : memref<624x128xf32, #tpu.memory_space<hbm>>)
        tpu.yield
      }) : () -> ()
      %eq3A_91 = arith.constant 15 : i32
      %eq3A_92 = arith.cmpi eq, %arg1, %eq3A_91 : i32
      %convert_element_type3A_93 = arith.extui %eq3A_92 : i1 to i32
      %cond3A_94 = arith.constant 0 : i32
      %cond3A_95 = arith.cmpi ne, %convert_element_type3A_93, %cond3A_94 : i32
      scf.if %cond3A_95 {
        "tpu.region"() ({
          %run_scoped3A_96 = tpu.sem_alloc : memref<!tpu.dma_semaphore, #tpu.memory_space<semaphore_mem>>
          %dma_start3A_97 = arith.constant 9984 : i32
          %dma_start3A_98 = arith.constant 0 : i32
          %dma_start3A_99 = tpu.memref_slice %arg7[%dma_start3A_97, %dma_start3A_98] : memref<10000x128xf32, #tpu.memory_space<hbm>> -> memref<16x128xf32, #tpu.memory_space<hbm>>
          %dma_start3A_100 = arith.constant 9984 : i32
          %dma_start3A_101 = arith.constant 0 : i32
          %dma_start3A_102 = tpu.memref_slice %arg9[%dma_start3A_100, %dma_start3A_101] : memref<10000x128xf32, #tpu.memory_space<vmem_shared>> -> memref<16x128xf32, #tpu.memory_space<vmem_shared>>
          tpu.enqueue_dma source(%dma_start3A_102 : memref<16x128xf32, #tpu.memory_space<vmem_shared>>) target(%dma_start3A_99 : memref<16x128xf32, #tpu.memory_space<hbm>>) target_semaphore(%run_scoped3A_96 : memref<!tpu.dma_semaphore, #tpu.memory_space<semaphore_mem>>)
          %dma_wait3A = arith.constant 9984 : i32
          %dma_wait3A_103 = arith.constant 0 : i32
          %dma_wait3A_104 = tpu.memref_slice %arg7[%dma_wait3A, %dma_wait3A_103] : memref<10000x128xf32, #tpu.memory_space<hbm>> -> memref<16x128xf32, #tpu.memory_space<hbm>>
          %dma_wait3A_105 = arith.constant 9984 : i32
          %dma_wait3A_106 = arith.constant 0 : i32
          %dma_wait3A_107 = tpu.memref_slice %arg9[%dma_wait3A_105, %dma_wait3A_106] : memref<10000x128xf32, #tpu.memory_space<vmem_shared>> -> memref<16x128xf32, #tpu.memory_space<vmem_shared>>
          tpu.wait_dma2 semaphore(%run_scoped3A_96 : memref<!tpu.dma_semaphore, #tpu.memory_space<semaphore_mem>>) src(%dma_wait3A_107 : memref<16x128xf32, #tpu.memory_space<vmem_shared>>) dst(%dma_wait3A_104 : memref<16x128xf32, #tpu.memory_space<hbm>>)
          tpu.yield
        }) : () -> ()
      } else {
      }
    } else {
    }
    %eq3A_29 = arith.constant 1 : i32
    %eq3A_30 = arith.cmpi eq, %arg0, %eq3A_29 : i32
    %convert_element_type3A_31 = arith.extui %eq3A_30 : i1 to i32
    %cond3A_32 = arith.constant 0 : i32
    %cond3A_33 = arith.cmpi ne, %convert_element_type3A_31, %cond3A_32 : i32
    scf.if %cond3A_33 {
      %add3A_34 = arith.constant 0 : i32
      %add3A_35 = arith.addi %arg1, %add3A_34 : i32
      %mul3A_36 = arith.constant 80 : i32
      %mul3A_37 = arith.muli %add3A_35, %mul3A_36 : i32
      %run_scoped3A = arith.constant 0 : i32
      "tpu.region"() ({
        %run_scoped3A_96 = tpu.sem_alloc : memref<!tpu.dma_semaphore, #tpu.memory_space<semaphore_mem>>
        %dma_start3A_97 = arith.constant 0 : i32
        %dma_start3A_98 = tpu.memref_slice %arg10[%run_scoped3A, %dma_start3A_97] : memref<2x80xi32, #tpu.memory_space<vmem>> -> memref<1x80xi32, #tpu.memory_space<vmem>>
        %dma_start3A_99 = tpu.memref_squeeze %dma_start3A_98 : memref<1x80xi32, #tpu.memory_space<vmem>> -> memref<80xi32, #tpu.memory_space<vmem>>
        %dma_start3A_100 = tpu.memref_slice %arg5[%mul3A_37] : memref<320000xi32, #tpu.memory_space<hbm>> -> memref<80xi32, #tpu.memory_space<hbm>>
        %dma_start3A_101 = arith.constant 0 : i32
        %dma_start3A_102 = tpu.memref_slice %arg10[%run_scoped3A, %dma_start3A_101] : memref<2x80xi32, #tpu.memory_space<vmem>> -> memref<1x80xi32, #tpu.memory_space<vmem>>
        %dma_start3A_103 = tpu.memref_squeeze %dma_start3A_102 : memref<1x80xi32, #tpu.memory_space<vmem>> -> memref<80xi32, #tpu.memory_space<vmem>>
        %dma_start3A_104 = tpu.memref_slice %arg5[%mul3A_37] : memref<320000xi32, #tpu.memory_space<hbm>> -> memref<80xi32, #tpu.memory_space<hbm>>
        tpu.enqueue_dma source(%dma_start3A_104 : memref<80xi32, #tpu.memory_space<hbm>>) target(%dma_start3A_103 : memref<80xi32, #tpu.memory_space<vmem>>) target_semaphore(%run_scoped3A_96 : memref<!tpu.dma_semaphore, #tpu.memory_space<semaphore_mem>>)
        %dma_wait3A = arith.constant 0 : i32
        %dma_wait3A_105 = tpu.memref_slice %arg10[%run_scoped3A, %dma_wait3A] : memref<2x80xi32, #tpu.memory_space<vmem>> -> memref<1x80xi32, #tpu.memory_space<vmem>>
        %dma_wait3A_106 = tpu.memref_squeeze %dma_wait3A_105 : memref<1x80xi32, #tpu.memory_space<vmem>> -> memref<80xi32, #tpu.memory_space<vmem>>
        %dma_wait3A_107 = tpu.memref_slice %arg5[%mul3A_37] : memref<320000xi32, #tpu.memory_space<hbm>> -> memref<80xi32, #tpu.memory_space<hbm>>
        %dma_wait3A_108 = arith.constant 0 : i32
        %dma_wait3A_109 = tpu.memref_slice %arg10[%run_scoped3A, %dma_wait3A_108] : memref<2x80xi32, #tpu.memory_space<vmem>> -> memref<1x80xi32, #tpu.memory_space<vmem>>
        %dma_wait3A_110 = tpu.memref_squeeze %dma_wait3A_109 : memref<1x80xi32, #tpu.memory_space<vmem>> -> memref<80xi32, #tpu.memory_space<vmem>>
        %dma_wait3A_111 = tpu.memref_slice %arg5[%mul3A_37] : memref<320000xi32, #tpu.memory_space<hbm>> -> memref<80xi32, #tpu.memory_space<hbm>>
        tpu.wait_dma2 semaphore(%run_scoped3A_96 : memref<!tpu.dma_semaphore, #tpu.memory_space<semaphore_mem>>) src(%dma_wait3A_111 : memref<80xi32, #tpu.memory_space<hbm>>) dst(%dma_wait3A_110 : memref<80xi32, #tpu.memory_space<vmem>>)
        tpu.yield
      }) : () -> ()
      %add3A_38 = arith.constant 0 : i32
      %add3A_39 = arith.addi %arg1, %add3A_38 : i32
      %mul3A_40 = arith.constant 80 : i32
      %mul3A_41 = arith.muli %add3A_39, %mul3A_40 : i32
      %run_scoped3A_42 = arith.constant 0 : i32
      "tpu.region"() ({
        %run_scoped3A_96 = tpu.sem_alloc : memref<!tpu.dma_semaphore, #tpu.memory_space<semaphore_mem>>
        %dma_start3A_97 = arith.constant 0 : i32
        %dma_start3A_98 = tpu.memref_slice %arg11[%run_scoped3A_42, %dma_start3A_97] : memref<2x80xi32, #tpu.memory_space<vmem>> -> memref<1x80xi32, #tpu.memory_space<vmem>>
        %dma_start3A_99 = tpu.memref_squeeze %dma_start3A_98 : memref<1x80xi32, #tpu.memory_space<vmem>> -> memref<80xi32, #tpu.memory_space<vmem>>
        %dma_start3A_100 = tpu.memref_slice %arg6[%mul3A_41] : memref<320000xi32, #tpu.memory_space<hbm>> -> memref<80xi32, #tpu.memory_space<hbm>>
        %dma_start3A_101 = arith.constant 0 : i32
        %dma_start3A_102 = tpu.memref_slice %arg11[%run_scoped3A_42, %dma_start3A_101] : memref<2x80xi32, #tpu.memory_space<vmem>> -> memref<1x80xi32, #tpu.memory_space<vmem>>
        %dma_start3A_103 = tpu.memref_squeeze %dma_start3A_102 : memref<1x80xi32, #tpu.memory_space<vmem>> -> memref<80xi32, #tpu.memory_space<vmem>>
        %dma_start3A_104 = tpu.memref_slice %arg6[%mul3A_41] : memref<320000xi32, #tpu.memory_space<hbm>> -> memref<80xi32, #tpu.memory_space<hbm>>
        tpu.enqueue_dma source(%dma_start3A_104 : memref<80xi32, #tpu.memory_space<hbm>>) target(%dma_start3A_103 : memref<80xi32, #tpu.memory_space<vmem>>) target_semaphore(%run_scoped3A_96 : memref<!tpu.dma_semaphore, #tpu.memory_space<semaphore_mem>>)
        %dma_wait3A = arith.constant 0 : i32
        %dma_wait3A_105 = tpu.memref_slice %arg11[%run_scoped3A_42, %dma_wait3A] : memref<2x80xi32, #tpu.memory_space<vmem>> -> memref<1x80xi32, #tpu.memory_space<vmem>>
        %dma_wait3A_106 = tpu.memref_squeeze %dma_wait3A_105 : memref<1x80xi32, #tpu.memory_space<vmem>> -> memref<80xi32, #tpu.memory_space<vmem>>
        %dma_wait3A_107 = tpu.memref_slice %arg6[%mul3A_41] : memref<320000xi32, #tpu.memory_space<hbm>> -> memref<80xi32, #tpu.memory_space<hbm>>
        %dma_wait3A_108 = arith.constant 0 : i32
        %dma_wait3A_109 = tpu.memref_slice %arg11[%run_scoped3A_42, %dma_wait3A_108] : memref<2x80xi32, #tpu.memory_space<vmem>> -> memref<1x80xi32, #tpu.memory_space<vmem>>
        %dma_wait3A_110 = tpu.memref_squeeze %dma_wait3A_109 : memref<1x80xi32, #tpu.memory_space<vmem>> -> memref<80xi32, #tpu.memory_space<vmem>>
        %dma_wait3A_111 = tpu.memref_slice %arg6[%mul3A_41] : memref<320000xi32, #tpu.memory_space<hbm>> -> memref<80xi32, #tpu.memory_space<hbm>>
        tpu.wait_dma2 semaphore(%run_scoped3A_96 : memref<!tpu.dma_semaphore, #tpu.memory_space<semaphore_mem>>) src(%dma_wait3A_111 : memref<80xi32, #tpu.memory_space<hbm>>) dst(%dma_wait3A_110 : memref<80xi32, #tpu.memory_space<vmem>>)
        tpu.yield
      }) : () -> ()
      %dma_start3A = arith.constant 0 : i32
      %dma_start3A_43 = arith.constant 0 : i32
      %dma_start3A_44 = tpu.memref_slice %arg10[%dma_start3A, %dma_start3A_43] : memref<2x80xi32, #tpu.memory_space<vmem>> -> memref<1x80xi32, #tpu.memory_space<vmem>>
      %dma_start3A_45 = tpu.memref_squeeze %dma_start3A_44 : memref<1x80xi32, #tpu.memory_space<vmem>> -> memref<80xi32, #tpu.memory_space<vmem>>
      %dma_start3A_46 = arith.constant 0 : i32
      %dma_start3A_47 = arith.constant 0 : i32
      %dma_start3A_48 = tpu.memref_slice %arg2[%dma_start3A_46, %dma_start3A_47] : memref<10000x128xi32, #tpu.memory_space<hbm>> -> memref<10000x128xi32, #tpu.memory_space<hbm>>
      tpu.enqueue_indirect_dma source(%dma_start3A_48 : memref<10000x128xi32, #tpu.memory_space<hbm>>) target(%arg12 : memref<80x128xi32, #tpu.memory_space<vmem>>) offsets(%dma_start3A_45 : memref<80xi32, #tpu.memory_space<vmem>>) semaphore(%arg16 : memref<!tpu.dma_semaphore, #tpu.memory_space<semaphore_mem>>)
      %add3A_49 = arith.constant 0 : i32
      %add3A_50 = arith.addi %arg1, %add3A_49 : i32
      %mul3A_51 = arith.constant 80 : i32
      %mul3A_52 = arith.muli %add3A_50, %mul3A_51 : i32
      %dma_start3A_53 = arith.constant 0 : i32
      %dma_start3A_54 = tpu.memref_slice %arg4[%mul3A_52, %dma_start3A_53] : memref<320000x64xi32, #tpu.memory_space<hbm>> -> memref<80x64xi32, #tpu.memory_space<hbm>>
      %dma_start3A_55 = arith.constant 0 : i32
      %dma_start3A_56 = tpu.memref_slice %arg4[%mul3A_52, %dma_start3A_55] : memref<320000x64xi32, #tpu.memory_space<hbm>> -> memref<80x64xi32, #tpu.memory_space<hbm>>
      tpu.enqueue_dma source(%dma_start3A_56 : memref<80x64xi32, #tpu.memory_space<hbm>>) target(%arg14 : memref<80x64xi32, #tpu.memory_space<vmem>>) target_semaphore(%arg18 : memref<!tpu.dma_semaphore, #tpu.memory_space<semaphore_mem>>)
      %add3A_57 = arith.constant 16 : i32
      %add3A_58 = arith.addi %arg1, %add3A_57 : i32
      %mul3A_59 = arith.constant 80 : i32
      %mul3A_60 = arith.muli %add3A_58, %mul3A_59 : i32
      %dma_start3A_61 = arith.constant 1 : i32
      %dma_start3A_62 = arith.constant 0 : i32
      %dma_start3A_63 = tpu.memref_slice %arg10[%dma_start3A_61, %dma_start3A_62] : memref<2x80xi32, #tpu.memory_space<vmem>> -> memref<1x80xi32, #tpu.memory_space<vmem>>
      %dma_start3A_64 = tpu.memref_squeeze %dma_start3A_63 : memref<1x80xi32, #tpu.memory_space<vmem>> -> memref<80xi32, #tpu.memory_space<vmem>>
      %dma_start3A_65 = tpu.memref_slice %arg5[%mul3A_60] : memref<320000xi32, #tpu.memory_space<hbm>> -> memref<80xi32, #tpu.memory_space<hbm>>
      %dma_start3A_66 = arith.constant 0 : i32
      %dma_start3A_67 = tpu.memref_slice %arg10[%dma_start3A_61, %dma_start3A_66] : memref<2x80xi32, #tpu.memory_space<vmem>> -> memref<1x80xi32, #tpu.memory_space<vmem>>
      %dma_start3A_68 = tpu.memref_squeeze %dma_start3A_67 : memref<1x80xi32, #tpu.memory_space<vmem>> -> memref<80xi32, #tpu.memory_space<vmem>>
      %dma_start3A_69 = tpu.memref_slice %arg5[%mul3A_60] : memref<320000xi32, #tpu.memory_space<hbm>> -> memref<80xi32, #tpu.memory_space<hbm>>
      tpu.enqueue_dma source(%dma_start3A_69 : memref<80xi32, #tpu.memory_space<hbm>>) target(%dma_start3A_68 : memref<80xi32, #tpu.memory_space<vmem>>) target_semaphore(%arg20 : memref<!tpu.dma_semaphore, #tpu.memory_space<semaphore_mem>>)
      %add3A_70 = arith.constant 16 : i32
      %add3A_71 = arith.addi %arg1, %add3A_70 : i32
      %mul3A_72 = arith.constant 80 : i32
      %mul3A_73 = arith.muli %add3A_71, %mul3A_72 : i32
      %dma_start3A_74 = arith.constant 1 : i32
      %dma_start3A_75 = arith.constant 0 : i32
      %dma_start3A_76 = tpu.memref_slice %arg11[%dma_start3A_74, %dma_start3A_75] : memref<2x80xi32, #tpu.memory_space<vmem>> -> memref<1x80xi32, #tpu.memory_space<vmem>>
      %dma_start3A_77 = tpu.memref_squeeze %dma_start3A_76 : memref<1x80xi32, #tpu.memory_space<vmem>> -> memref<80xi32, #tpu.memory_space<vmem>>
      %dma_start3A_78 = tpu.memref_slice %arg6[%mul3A_73] : memref<320000xi32, #tpu.memory_space<hbm>> -> memref<80xi32, #tpu.memory_space<hbm>>
      %dma_start3A_79 = arith.constant 0 : i32
      %dma_start3A_80 = tpu.memref_slice %arg11[%dma_start3A_74, %dma_start3A_79] : memref<2x80xi32, #tpu.memory_space<vmem>> -> memref<1x80xi32, #tpu.memory_space<vmem>>
      %dma_start3A_81 = tpu.memref_squeeze %dma_start3A_80 : memref<1x80xi32, #tpu.memory_space<vmem>> -> memref<80xi32, #tpu.memory_space<vmem>>
      %dma_start3A_82 = tpu.memref_slice %arg6[%mul3A_73] : memref<320000xi32, #tpu.memory_space<hbm>> -> memref<80xi32, #tpu.memory_space<hbm>>
      tpu.enqueue_dma source(%dma_start3A_82 : memref<80xi32, #tpu.memory_space<hbm>>) target(%dma_start3A_81 : memref<80xi32, #tpu.memory_space<vmem>>) target_semaphore(%arg20 : memref<!tpu.dma_semaphore, #tpu.memory_space<semaphore_mem>>)
      %scan3A_83 = arith.constant 0 : i32
      %scan3A_84 = arith.constant 0 : i32
      %scan3A_85 = arith.constant 125 : i32
      %scan3A_86 = arith.addi %scan3A_84, %scan3A_85 : i32
      %scan3A_87 = arith.constant 1 : i32
      %scan3A_88 = scf.for %scan3A_96 = %scan3A_84 to %scan3A_86 step %scan3A_87 iter_args(%scan3A_97 = %scan3A_83) -> (i32)  : i32 {
        %lt3A = arith.constant 124 : i32
        %lt3A_98 = arith.cmpi slt, %scan3A_96, %lt3A : i32
        %mul3A_99 = arith.constant 2 : i32
        %mul3A_100 = arith.muli %mul3A_99, %scan3A_96 : i32
        %cond3A_101 = arith.constant 1 : i32
        %dma_wait3A = arith.constant 1 : i32
        %dma_wait3A_102 = arith.constant 0 : i32
        %dma_wait3A_103 = tpu.memref_slice %arg10[%dma_wait3A, %dma_wait3A_102] : memref<2x80xi32, #tpu.memory_space<vmem>> -> memref<1x80xi32, #tpu.memory_space<vmem>>
        %dma_wait3A_104 = tpu.memref_squeeze %dma_wait3A_103 : memref<1x80xi32, #tpu.memory_space<vmem>> -> memref<80xi32, #tpu.memory_space<vmem>>
        %dma_wait3A_105 = arith.constant 0 : i32
        %dma_wait3A_106 = tpu.memref_slice %arg5[%dma_wait3A_105] : memref<320000xi32, #tpu.memory_space<hbm>> -> memref<80xi32, #tpu.memory_space<hbm>>
        %dma_wait3A_107 = arith.constant 0 : i32
        %dma_wait3A_108 = tpu.memref_slice %arg10[%dma_wait3A, %dma_wait3A_107] : memref<2x80xi32, #tpu.memory_space<vmem>> -> memref<1x80xi32, #tpu.memory_space<vmem>>
        %dma_wait3A_109 = tpu.memref_squeeze %dma_wait3A_108 : memref<1x80xi32, #tpu.memory_space<vmem>> -> memref<80xi32, #tpu.memory_space<vmem>>
        %dma_wait3A_110 = arith.constant 0 : i32
        %dma_wait3A_111 = tpu.memref_slice %arg5[%dma_wait3A_110] : memref<320000xi32, #tpu.memory_space<hbm>> -> memref<80xi32, #tpu.memory_space<hbm>>
        tpu.wait_dma2 semaphore(%arg20 : memref<!tpu.dma_semaphore, #tpu.memory_space<semaphore_mem>>) src(%dma_wait3A_111 : memref<80xi32, #tpu.memory_space<hbm>>) dst(%dma_wait3A_109 : memref<80xi32, #tpu.memory_space<vmem>>)
        %dma_wait3A_112 = arith.constant 1 : i32
        %dma_wait3A_113 = arith.constant 0 : i32
        %dma_wait3A_114 = tpu.memref_slice %arg11[%dma_wait3A_112, %dma_wait3A_113] : memref<2x80xi32, #tpu.memory_space<vmem>> -> memref<1x80xi32, #tpu.memory_space<vmem>>
        %dma_wait3A_115 = tpu.memref_squeeze %dma_wait3A_114 : memref<1x80xi32, #tpu.memory_space<vmem>> -> memref<80xi32, #tpu.memory_space<vmem>>
        %dma_wait3A_116 = arith.constant 0 : i32
        %dma_wait3A_117 = tpu.memref_slice %arg6[%dma_wait3A_116] : memref<320000xi32, #tpu.memory_space<hbm>> -> memref<80xi32, #tpu.memory_space<hbm>>
        %dma_wait3A_118 = arith.constant 0 : i32
        %dma_wait3A_119 = tpu.memref_slice %arg11[%dma_wait3A_112, %dma_wait3A_118] : memref<2x80xi32, #tpu.memory_space<vmem>> -> memref<1x80xi32, #tpu.memory_space<vmem>>
        %dma_wait3A_120 = tpu.memref_squeeze %dma_wait3A_119 : memref<1x80xi32, #tpu.memory_space<vmem>> -> memref<80xi32, #tpu.memory_space<vmem>>
        %dma_wait3A_121 = arith.constant 0 : i32
        %dma_wait3A_122 = tpu.memref_slice %arg6[%dma_wait3A_121] : memref<320000xi32, #tpu.memory_space<hbm>> -> memref<80xi32, #tpu.memory_space<hbm>>
        tpu.wait_dma2 semaphore(%arg20 : memref<!tpu.dma_semaphore, #tpu.memory_space<semaphore_mem>>) src(%dma_wait3A_122 : memref<80xi32, #tpu.memory_space<hbm>>) dst(%dma_wait3A_120 : memref<80xi32, #tpu.memory_space<vmem>>)
        %add3A_123 = arith.constant 1 : i32
        %add3A_124 = arith.addi %mul3A_100, %add3A_123 : i32
        %dma_start3A_125 = arith.constant 1 : i32
        %dma_start3A_126 = arith.constant 0 : i32
        %dma_start3A_127 = tpu.memref_slice %arg10[%dma_start3A_125, %dma_start3A_126] : memref<2x80xi32, #tpu.memory_space<vmem>> -> memref<1x80xi32, #tpu.memory_space<vmem>>
        %dma_start3A_128 = tpu.memref_squeeze %dma_start3A_127 : memref<1x80xi32, #tpu.memory_space<vmem>> -> memref<80xi32, #tpu.memory_space<vmem>>
        %dma_start3A_129 = arith.constant 0 : i32
        %dma_start3A_130 = arith.constant 0 : i32
        %dma_start3A_131 = tpu.memref_slice %arg2[%dma_start3A_129, %dma_start3A_130] : memref<10000x128xi32, #tpu.memory_space<hbm>> -> memref<10000x128xi32, #tpu.memory_space<hbm>>
        tpu.enqueue_indirect_dma source(%dma_start3A_131 : memref<10000x128xi32, #tpu.memory_space<hbm>>) target(%arg13 : memref<80x128xi32, #tpu.memory_space<vmem>>) offsets(%dma_start3A_128 : memref<80xi32, #tpu.memory_space<vmem>>) semaphore(%arg17 : memref<!tpu.dma_semaphore, #tpu.memory_space<semaphore_mem>>)
        %mul3A_132 = arith.constant 16 : i32
        %mul3A_133 = arith.muli %add3A_124, %mul3A_132 : i32
        %add3A_134 = arith.addi %arg1, %mul3A_133 : i32
        %mul3A_135 = arith.constant 80 : i32
        %mul3A_136 = arith.muli %add3A_134, %mul3A_135 : i32
        %dma_start3A_137 = arith.constant 0 : i32
        %dma_start3A_138 = tpu.memref_slice %arg4[%mul3A_136, %dma_start3A_137] : memref<320000x64xi32, #tpu.memory_space<hbm>> -> memref<80x64xi32, #tpu.memory_space<hbm>>
        %dma_start3A_139 = arith.constant 0 : i32
        %dma_start3A_140 = tpu.memref_slice %arg4[%mul3A_136, %dma_start3A_139] : memref<320000x64xi32, #tpu.memory_space<hbm>> -> memref<80x64xi32, #tpu.memory_space<hbm>>
        tpu.enqueue_dma source(%dma_start3A_140 : memref<80x64xi32, #tpu.memory_space<hbm>>) target(%arg15 : memref<80x64xi32, #tpu.memory_space<vmem>>) target_semaphore(%arg19 : memref<!tpu.dma_semaphore, #tpu.memory_space<semaphore_mem>>)
        %dma_wait3A_141 = arith.constant 0 : i32
        %dma_wait3A_142 = arith.constant 0 : i32
        %dma_wait3A_143 = tpu.memref_slice %arg2[%dma_wait3A_141, %dma_wait3A_142] : memref<10000x128xi32, #tpu.memory_space<hbm>> -> memref<80x128xi32, #tpu.memory_space<hbm>>
        %dma_wait3A_144 = arith.constant 0 : i32
        %dma_wait3A_145 = arith.constant 0 : i32
        %dma_wait3A_146 = tpu.memref_slice %arg2[%dma_wait3A_144, %dma_wait3A_145] : memref<10000x128xi32, #tpu.memory_space<hbm>> -> memref<80x128xi32, #tpu.memory_space<hbm>>
        tpu.wait_dma2 semaphore(%arg16 : memref<!tpu.dma_semaphore, #tpu.memory_space<semaphore_mem>>) src(%dma_wait3A_146 : memref<80x128xi32, #tpu.memory_space<hbm>>) dst(%arg12 : memref<80x128xi32, #tpu.memory_space<vmem>>)
        %dma_wait3A_147 = arith.constant 0 : i32
        %dma_wait3A_148 = arith.constant 0 : i32
        %dma_wait3A_149 = tpu.memref_slice %arg4[%dma_wait3A_147, %dma_wait3A_148] : memref<320000x64xi32, #tpu.memory_space<hbm>> -> memref<80x64xi32, #tpu.memory_space<hbm>>
        %dma_wait3A_150 = arith.constant 0 : i32
        %dma_wait3A_151 = arith.constant 0 : i32
        %dma_wait3A_152 = tpu.memref_slice %arg4[%dma_wait3A_150, %dma_wait3A_151] : memref<320000x64xi32, #tpu.memory_space<hbm>> -> memref<80x64xi32, #tpu.memory_space<hbm>>
        tpu.wait_dma2 semaphore(%arg18 : memref<!tpu.dma_semaphore, #tpu.memory_space<semaphore_mem>>) src(%dma_wait3A_152 : memref<80x64xi32, #tpu.memory_space<hbm>>) dst(%arg14 : memref<80x64xi32, #tpu.memory_space<vmem>>)
        %scan3A_153 = arith.constant 0 : i32
        %scan3A_154 = arith.constant 0 : i32
        %scan3A_155 = arith.constant 80 : i32
        %scan3A_156 = arith.addi %scan3A_154, %scan3A_155 : i32
        %scan3A_157 = arith.constant 1 : i32
        %scan3A_158 = scf.for %scan3A_195 = %scan3A_154 to %scan3A_156 step %scan3A_157 iter_args(%scan3A_196 = %scan3A_153) -> (i32)  : i32 {
          %get3A = arith.index_cast %scan3A_195 : i32 to index
          %get3A_197 = arith.constant 0 : index
          %get3A_198 = tpu.vector_load %arg14[%get3A, %get3A_197] {strides = array<i32>} : memref<80x64xi32, #tpu.memory_space<vmem>>, vector<16xi32>,
          %bitcast3A = vector.bitcast %get3A_198 : vector<16xi32> to vector<32xbf16>
          %unpack3A = tpu.unpack_subelements %bitcast3A, 0 {pack_format = #tpu.pack_format<interleaved>} : vector<32xbf16> -> vector<16xf32>
          %unpack3A_199 = tpu.unpack_subelements %bitcast3A, 1 {pack_format = #tpu.pack_format<interleaved>} : vector<32xbf16> -> vector<16xf32>
          %get3A_200 = arith.index_cast %scan3A_195 : i32 to index
          %get3A_201 = arith.constant 0 : index
          %get3A_202 = tpu.vector_load %arg12[%get3A_200, %get3A_201] {strides = array<i32>} : memref<80x128xi32, #tpu.memory_space<vmem>>, vector<16xi32>,
          %bitcast3A_203 = vector.bitcast %get3A_202 : vector<16xi32> to vector<32xbf16>
          %unpack3A_204 = tpu.unpack_subelements %bitcast3A_203, 0 {pack_format = #tpu.pack_format<interleaved>} : vector<32xbf16> -> vector<16xf32>
          %unpack3A_205 = tpu.unpack_subelements %bitcast3A_203, 1 {pack_format = #tpu.pack_format<interleaved>} : vector<32xbf16> -> vector<16xf32>
          %get3A_206 = arith.index_cast %scan3A_195 : i32 to index
          %get3A_207 = arith.constant 64 : index
          %get3A_208 = tpu.vector_load %arg12[%get3A_206, %get3A_207] {strides = array<i32>} : memref<80x128xi32, #tpu.memory_space<vmem>>, vector<16xi32>,
          %bitcast3A_209 = vector.bitcast %get3A_208 : vector<16xi32> to vector<32xbf16>
          %unpack3A_210 = tpu.unpack_subelements %bitcast3A_209, 0 {pack_format = #tpu.pack_format<interleaved>} : vector<32xbf16> -> vector<16xf32>
          %unpack3A_211 = tpu.unpack_subelements %bitcast3A_209, 1 {pack_format = #tpu.pack_format<interleaved>} : vector<32xbf16> -> vector<16xf32>
          %add3A_212 = arith.addf %unpack3A_205, %unpack3A : vector<16xf32>
          %max3A = arith.constant 0.000000e+00 : f32
          %max3A_213 = vector.broadcast %max3A : f32 to vector<16xf32>
          %max3A_214 = arith.maximumf %add3A_212, %max3A_213 : vector<16xf32>
          %swap3A = tpu.memref_bitcast %arg12 : memref<80x128xi32, #tpu.memory_space<vmem>> -> memref<80x128xf32, #tpu.memory_space<vmem>>
          %swap3A_215 = arith.index_cast %scan3A_195 : i32 to index
          %swap3A_216 = arith.constant 0 : index
          %swap3A_217 = tpu.vector_load %swap3A[%swap3A_215, %swap3A_216] {strides = array<i32>} : memref<80x128xf32, #tpu.memory_space<vmem>>, vector<16xf32>,
          tpu.vector_store %swap3A[%swap3A_215, %swap3A_216], %max3A_214 {strides = array<i32>} : memref<80x128xf32, #tpu.memory_space<vmem>>, vector<16xf32>,
          %add3A_218 = arith.addf %unpack3A_211, %unpack3A_199 : vector<16xf32>
          %max3A_219 = arith.constant 0.000000e+00 : f32
          %max3A_220 = vector.broadcast %max3A_219 : f32 to vector<16xf32>
          %max3A_221 = arith.maximumf %add3A_218, %max3A_220 : vector<16xf32>
          %swap3A_222 = tpu.memref_bitcast %arg12 : memref<80x128xi32, #tpu.memory_space<vmem>> -> memref<80x128xf32, #tpu.memory_space<vmem>>
          %swap3A_223 = arith.index_cast %scan3A_195 : i32 to index
          %swap3A_224 = arith.constant 64 : index
          %swap3A_225 = tpu.vector_load %swap3A_222[%swap3A_223, %swap3A_224] {strides = array<i32>} : memref<80x128xf32, #tpu.memory_space<vmem>>, vector<16xf32>,
          tpu.vector_store %swap3A_222[%swap3A_223, %swap3A_224], %max3A_221 {strides = array<i32>} : memref<80x128xf32, #tpu.memory_space<vmem>>, vector<16xf32>,
          %get3A_226 = arith.index_cast %scan3A_195 : i32 to index
          %get3A_227 = arith.constant 16 : index
          %get3A_228 = tpu.vector_load %arg14[%get3A_226, %get3A_227] {strides = array<i32>} : memref<80x64xi32, #tpu.memory_space<vmem>>, vector<16xi32>,
          %bitcast3A_229 = vector.bitcast %get3A_228 : vector<16xi32> to vector<32xbf16>
          %unpack3A_230 = tpu.unpack_subelements %bitcast3A_229, 0 {pack_format = #tpu.pack_format<interleaved>} : vector<32xbf16> -> vector<16xf32>
          %unpack3A_231 = tpu.unpack_subelements %bitcast3A_229, 1 {pack_format = #tpu.pack_format<interleaved>} : vector<32xbf16> -> vector<16xf32>
          %get3A_232 = arith.index_cast %scan3A_195 : i32 to index
          %get3A_233 = arith.constant 16 : index
          %get3A_234 = tpu.vector_load %arg12[%get3A_232, %get3A_233] {strides = array<i32>} : memref<80x128xi32, #tpu.memory_space<vmem>>, vector<16xi32>,
          %bitcast3A_235 = vector.bitcast %get3A_234 : vector<16xi32> to vector<32xbf16>
          %unpack3A_236 = tpu.unpack_subelements %bitcast3A_235, 0 {pack_format = #tpu.pack_format<interleaved>} : vector<32xbf16> -> vector<16xf32>
          %unpack3A_237 = tpu.unpack_subelements %bitcast3A_235, 1 {pack_format = #tpu.pack_format<interleaved>} : vector<32xbf16> -> vector<16xf32>
          %get3A_238 = arith.index_cast %scan3A_195 : i32 to index
          %get3A_239 = arith.constant 80 : index
          %get3A_240 = tpu.vector_load %arg12[%get3A_238, %get3A_239] {strides = array<i32>} : memref<80x128xi32, #tpu.memory_space<vmem>>, vector<16xi32>,
          %bitcast3A_241 = vector.bitcast %get3A_240 : vector<16xi32> to vector<32xbf16>
          %unpack3A_242 = tpu.unpack_subelements %bitcast3A_241, 0 {pack_format = #tpu.pack_format<interleaved>} : vector<32xbf16> -> vector<16xf32>
          %unpack3A_243 = tpu.unpack_subelements %bitcast3A_241, 1 {pack_format = #tpu.pack_format<interleaved>} : vector<32xbf16> -> vector<16xf32>
          %add3A_244 = arith.addf %unpack3A_237, %unpack3A_230 : vector<16xf32>
          %max3A_245 = arith.constant 0.000000e+00 : f32
          %max3A_246 = vector.broadcast %max3A_245 : f32 to vector<16xf32>
          %max3A_247 = arith.maximumf %add3A_244, %max3A_246 : vector<16xf32>
          %swap3A_248 = tpu.memref_bitcast %arg12 : memref<80x128xi32, #tpu.memory_space<vmem>> -> memref<80x128xf32, #tpu.memory_space<vmem>>
          %swap3A_249 = arith.index_cast %scan3A_195 : i32 to index
          %swap3A_250 = arith.constant 16 : index
          %swap3A_251 = tpu.vector_load %swap3A_248[%swap3A_249, %swap3A_250] {strides = array<i32>} : memref<80x128xf32, #tpu.memory_space<vmem>>, vector<16xf32>,
          tpu.vector_store %swap3A_248[%swap3A_249, %swap3A_250], %max3A_247 {strides = array<i32>} : memref<80x128xf32, #tpu.memory_space<vmem>>, vector<16xf32>,
          %add3A_252 = arith.addf %unpack3A_243, %unpack3A_231 : vector<16xf32>
          %max3A_253 = arith.constant 0.000000e+00 : f32
          %max3A_254 = vector.broadcast %max3A_253 : f32 to vector<16xf32>
          %max3A_255 = arith.maximumf %add3A_252, %max3A_254 : vector<16xf32>
          %swap3A_256 = tpu.memref_bitcast %arg12 : memref<80x128xi32, #tpu.memory_space<vmem>> -> memref<80x128xf32, #tpu.memory_space<vmem>>
          %swap3A_257 = arith.index_cast %scan3A_195 : i32 to index
          %swap3A_258 = arith.constant 80 : index
          %swap3A_259 = tpu.vector_load %swap3A_256[%swap3A_257, %swap3A_258] {strides = array<i32>} : memref<80x128xf32, #tpu.memory_space<vmem>>, vector<16xf32>,
          tpu.vector_store %swap3A_256[%swap3A_257, %swap3A_258], %max3A_255 {strides = array<i32>} : memref<80x128xf32, #tpu.memory_space<vmem>>, vector<16xf32>,
          %get3A_260 = arith.index_cast %scan3A_195 : i32 to index
          %get3A_261 = arith.constant 32 : index
          %get3A_262 = tpu.vector_load %arg14[%get3A_260, %get3A_261] {strides = array<i32>} : memref<80x64xi32, #tpu.memory_space<vmem>>, vector<16xi32>,
          %bitcast3A_263 = vector.bitcast %get3A_262 : vector<16xi32> to vector<32xbf16>
          %unpack3A_264 = tpu.unpack_subelements %bitcast3A_263, 0 {pack_format = #tpu.pack_format<interleaved>} : vector<32xbf16> -> vector<16xf32>
          %unpack3A_265 = tpu.unpack_subelements %bitcast3A_263, 1 {pack_format = #tpu.pack_format<interleaved>} : vector<32xbf16> -> vector<16xf32>
          %get3A_266 = arith.index_cast %scan3A_195 : i32 to index
          %get3A_267 = arith.constant 32 : index
          %get3A_268 = tpu.vector_load %arg12[%get3A_266, %get3A_267] {strides = array<i32>} : memref<80x128xi32, #tpu.memory_space<vmem>>, vector<16xi32>,
          %bitcast3A_269 = vector.bitcast %get3A_268 : vector<16xi32> to vector<32xbf16>
          %unpack3A_270 = tpu.unpack_subelements %bitcast3A_269, 0 {pack_format = #tpu.pack_format<interleaved>} : vector<32xbf16> -> vector<16xf32>
          %unpack3A_271 = tpu.unpack_subelements %bitcast3A_269, 1 {pack_format = #tpu.pack_format<interleaved>} : vector<32xbf16> -> vector<16xf32>
          %get3A_272 = arith.index_cast %scan3A_195 : i32 to index
          %get3A_273 = arith.constant 96 : index
          %get3A_274 = tpu.vector_load %arg12[%get3A_272, %get3A_273] {strides = array<i32>} : memref<80x128xi32, #tpu.memory_space<vmem>>, vector<16xi32>,
          %bitcast3A_275 = vector.bitcast %get3A_274 : vector<16xi32> to vector<32xbf16>
          %unpack3A_276 = tpu.unpack_subelements %bitcast3A_275, 0 {pack_format = #tpu.pack_format<interleaved>} : vector<32xbf16> -> vector<16xf32>
          %unpack3A_277 = tpu.unpack_subelements %bitcast3A_275, 1 {pack_format = #tpu.pack_format<interleaved>} : vector<32xbf16> -> vector<16xf32>
          %add3A_278 = arith.addf %unpack3A_271, %unpack3A_264 : vector<16xf32>
          %max3A_279 = arith.constant 0.000000e+00 : f32
          %max3A_280 = vector.broadcast %max3A_279 : f32 to vector<16xf32>
          %max3A_281 = arith.maximumf %add3A_278, %max3A_280 : vector<16xf32>
          %swap3A_282 = tpu.memref_bitcast %arg12 : memref<80x128xi32, #tpu.memory_space<vmem>> -> memref<80x128xf32, #tpu.memory_space<vmem>>
          %swap3A_283 = arith.index_cast %scan3A_195 : i32 to index
          %swap3A_284 = arith.constant 32 : index
          %swap3A_285 = tpu.vector_load %swap3A_282[%swap3A_283, %swap3A_284] {strides = array<i32>} : memref<80x128xf32, #tpu.memory_space<vmem>>, vector<16xf32>,
          tpu.vector_store %swap3A_282[%swap3A_283, %swap3A_284], %max3A_281 {strides = array<i32>} : memref<80x128xf32, #tpu.memory_space<vmem>>, vector<16xf32>,
          %add3A_286 = arith.addf %unpack3A_277, %unpack3A_265 : vector<16xf32>
          %max3A_287 = arith.constant 0.000000e+00 : f32
          %max3A_288 = vector.broadcast %max3A_287 : f32 to vector<16xf32>
          %max3A_289 = arith.maximumf %add3A_286, %max3A_288 : vector<16xf32>
          %swap3A_290 = tpu.memref_bitcast %arg12 : memref<80x128xi32, #tpu.memory_space<vmem>> -> memref<80x128xf32, #tpu.memory_space<vmem>>
          %swap3A_291 = arith.index_cast %scan3A_195 : i32 to index
          %swap3A_292 = arith.constant 96 : index
          %swap3A_293 = tpu.vector_load %swap3A_290[%swap3A_291, %swap3A_292] {strides = array<i32>} : memref<80x128xf32, #tpu.memory_space<vmem>>, vector<16xf32>,
          tpu.vector_store %swap3A_290[%swap3A_291, %swap3A_292], %max3A_289 {strides = array<i32>} : memref<80x128xf32, #tpu.memory_space<vmem>>, vector<16xf32>,
          %get3A_294 = arith.index_cast %scan3A_195 : i32 to index
          %get3A_295 = arith.constant 48 : index
          %get3A_296 = tpu.vector_load %arg14[%get3A_294, %get3A_295] {strides = array<i32>} : memref<80x64xi32, #tpu.memory_space<vmem>>, vector<16xi32>,
          %bitcast3A_297 = vector.bitcast %get3A_296 : vector<16xi32> to vector<32xbf16>
          %unpack3A_298 = tpu.unpack_subelements %bitcast3A_297, 0 {pack_format = #tpu.pack_format<interleaved>} : vector<32xbf16> -> vector<16xf32>
          %unpack3A_299 = tpu.unpack_subelements %bitcast3A_297, 1 {pack_format = #tpu.pack_format<interleaved>} : vector<32xbf16> -> vector<16xf32>
          %get3A_300 = arith.index_cast %scan3A_195 : i32 to index
          %get3A_301 = arith.constant 48 : index
          %get3A_302 = tpu.vector_load %arg12[%get3A_300, %get3A_301] {strides = array<i32>} : memref<80x128xi32, #tpu.memory_space<vmem>>, vector<16xi32>,
          %bitcast3A_303 = vector.bitcast %get3A_302 : vector<16xi32> to vector<32xbf16>
          %unpack3A_304 = tpu.unpack_subelements %bitcast3A_303, 0 {pack_format = #tpu.pack_format<interleaved>} : vector<32xbf16> -> vector<16xf32>
          %unpack3A_305 = tpu.unpack_subelements %bitcast3A_303, 1 {pack_format = #tpu.pack_format<interleaved>} : vector<32xbf16> -> vector<16xf32>
          %get3A_306 = arith.index_cast %scan3A_195 : i32 to index
          %get3A_307 = arith.constant 112 : index
          %get3A_308 = tpu.vector_load %arg12[%get3A_306, %get3A_307] {strides = array<i32>} : memref<80x128xi32, #tpu.memory_space<vmem>>, vector<16xi32>,
          %bitcast3A_309 = vector.bitcast %get3A_308 : vector<16xi32> to vector<32xbf16>
          %unpack3A_310 = tpu.unpack_subelements %bitcast3A_309, 0 {pack_format = #tpu.pack_format<interleaved>} : vector<32xbf16> -> vector<16xf32>
          %unpack3A_311 = tpu.unpack_subelements %bitcast3A_309, 1 {pack_format = #tpu.pack_format<interleaved>} : vector<32xbf16> -> vector<16xf32>
          %add3A_312 = arith.addf %unpack3A_305, %unpack3A_298 : vector<16xf32>
          %max3A_313 = arith.constant 0.000000e+00 : f32
          %max3A_314 = vector.broadcast %max3A_313 : f32 to vector<16xf32>
          %max3A_315 = arith.maximumf %add3A_312, %max3A_314 : vector<16xf32>
          %swap3A_316 = tpu.memref_bitcast %arg12 : memref<80x128xi32, #tpu.memory_space<vmem>> -> memref<80x128xf32, #tpu.memory_space<vmem>>
          %swap3A_317 = arith.index_cast %scan3A_195 : i32 to index
          %swap3A_318 = arith.constant 48 : index
          %swap3A_319 = tpu.vector_load %swap3A_316[%swap3A_317, %swap3A_318] {strides = array<i32>} : memref<80x128xf32, #tpu.memory_space<vmem>>, vector<16xf32>,
          tpu.vector_store %swap3A_316[%swap3A_317, %swap3A_318], %max3A_315 {strides = array<i32>} : memref<80x128xf32, #tpu.memory_space<vmem>>, vector<16xf32>,
          %add3A_320 = arith.addf %unpack3A_311, %unpack3A_299 : vector<16xf32>
          %max3A_321 = arith.constant 0.000000e+00 : f32
          %max3A_322 = vector.broadcast %max3A_321 : f32 to vector<16xf32>
          %max3A_323 = arith.maximumf %add3A_320, %max3A_322 : vector<16xf32>
          %swap3A_324 = tpu.memref_bitcast %arg12 : memref<80x128xi32, #tpu.memory_space<vmem>> -> memref<80x128xf32, #tpu.memory_space<vmem>>
          %swap3A_325 = arith.index_cast %scan3A_195 : i32 to index
          %swap3A_326 = arith.constant 112 : index
          %swap3A_327 = tpu.vector_load %swap3A_324[%swap3A_325, %swap3A_326] {strides = array<i32>} : memref<80x128xf32, #tpu.memory_space<vmem>>, vector<16xf32>,
          tpu.vector_store %swap3A_324[%swap3A_325, %swap3A_326], %max3A_323 {strides = array<i32>} : memref<80x128xf32, #tpu.memory_space<vmem>>, vector<16xf32>,
          %scan3A_328 = arith.constant 0 : i32
          scf.yield %scan3A_328 : i32
        }
        %scan3A_159 = arith.constant 80 : i32
        %run_scoped3A_160 = arith.constant 0 : i32
        "tpu.region"() ({
          %run_scoped3A_195 = tpu.sem_alloc : memref<!tpu.dma_semaphore, #tpu.memory_space<semaphore_mem>>
          %dma_start3A_196 = tpu.memref_bitcast %arg12 : memref<80x128xi32, #tpu.memory_space<vmem>> -> memref<80x128xf32, #tpu.memory_space<vmem>>
          %dma_start3A_197 = arith.constant 0 : i32
          %dma_start3A_198 = tpu.memref_slice %arg11[%run_scoped3A_160, %dma_start3A_197] : memref<2x80xi32, #tpu.memory_space<vmem>> -> memref<1x80xi32, #tpu.memory_space<vmem>>
          %dma_start3A_199 = tpu.memref_squeeze %dma_start3A_198 : memref<1x80xi32, #tpu.memory_space<vmem>> -> memref<80xi32, #tpu.memory_space<vmem>>
          %dma_start3A_200 = arith.constant 0 : i32
          %dma_start3A_201 = arith.constant 0 : i32
          %dma_start3A_202 = tpu.memref_slice %arg9[%dma_start3A_200, %dma_start3A_201] : memref<10000x128xf32, #tpu.memory_space<vmem_shared>> -> memref<10000x128xf32, #tpu.memory_space<vmem_shared>>
          tpu.enqueue_indirect_dma source(%dma_start3A_196 : memref<80x128xf32, #tpu.memory_space<vmem>>) target(%dma_start3A_202 : memref<10000x128xf32, #tpu.memory_space<vmem_shared>>) offsets(%dma_start3A_199 : memref<80xi32, #tpu.memory_space<vmem>>) semaphore(%run_scoped3A_195 : memref<!tpu.dma_semaphore, #tpu.memory_space<semaphore_mem>>) {add = true}
          %dma_wait3A_203 = tpu.memref_bitcast %arg12 : memref<80x128xi32, #tpu.memory_space<vmem>> -> memref<80x128xf32, #tpu.memory_space<vmem>>
          %dma_wait3A_204 = arith.constant 0 : i32
          %dma_wait3A_205 = tpu.memref_slice %arg11[%run_scoped3A_160, %dma_wait3A_204] : memref<2x80xi32, #tpu.memory_space<vmem>> -> memref<1x80xi32, #tpu.memory_space<vmem>>
          %dma_wait3A_206 = tpu.memref_squeeze %dma_wait3A_205 : memref<1x80xi32, #tpu.memory_space<vmem>> -> memref<80xi32, #tpu.memory_space<vmem>>
          %dma_wait3A_207 = arith.constant 0 : i32
          %dma_wait3A_208 = arith.constant 0 : i32
          %dma_wait3A_209 = tpu.memref_slice %arg9[%dma_wait3A_207, %dma_wait3A_208] : memref<10000x128xf32, #tpu.memory_space<vmem_shared>> -> memref<10000x128xf32, #tpu.memory_space<vmem_shared>>
          tpu.wait_indirect_dma semaphore(%run_scoped3A_195 : memref<!tpu.dma_semaphore, #tpu.memory_space<semaphore_mem>>) src(%dma_wait3A_203 : memref<80x128xf32, #tpu.memory_space<vmem>>) dst(%dma_wait3A_209 : memref<10000x128xf32, #tpu.memory_space<vmem_shared>>)
          tpu.yield
        }) : () -> ()
        %convert_element_type3A_161 = arith.extui %lt3A_98 : i1 to i32
        %cond3A_162 = arith.constant 0 : i32
        %cond3A_163 = arith.cmpi ne, %convert_element_type3A_161, %cond3A_162 : i32
        scf.if %cond3A_163 {
          %add3A_195 = arith.constant 2 : i32
          %add3A_196 = arith.addi %mul3A_100, %add3A_195 : i32
          %mul3A_197 = arith.constant 16 : i32
          %mul3A_198 = arith.muli %add3A_196, %mul3A_197 : i32
          %add3A_199 = arith.addi %arg1, %mul3A_198 : i32
          %mul3A_200 = arith.constant 80 : i32
          %mul3A_201 = arith.muli %add3A_199, %mul3A_200 : i32
          %dma_start3A_202 = arith.constant 0 : i32
          %dma_start3A_203 = arith.constant 0 : i32
          %dma_start3A_204 = tpu.memref_slice %arg10[%dma_start3A_202, %dma_start3A_203] : memref<2x80xi32, #tpu.memory_space<vmem>> -> memref<1x80xi32, #tpu.memory_space<vmem>>
          %dma_start3A_205 = tpu.memref_squeeze %dma_start3A_204 : memref<1x80xi32, #tpu.memory_space<vmem>> -> memref<80xi32, #tpu.memory_space<vmem>>
          %dma_start3A_206 = tpu.memref_slice %arg5[%mul3A_201] : memref<320000xi32, #tpu.memory_space<hbm>> -> memref<80xi32, #tpu.memory_space<hbm>>
          %dma_start3A_207 = arith.constant 0 : i32
          %dma_start3A_208 = tpu.memref_slice %arg10[%dma_start3A_202, %dma_start3A_207] : memref<2x80xi32, #tpu.memory_space<vmem>> -> memref<1x80xi32, #tpu.memory_space<vmem>>
          %dma_start3A_209 = tpu.memref_squeeze %dma_start3A_208 : memref<1x80xi32, #tpu.memory_space<vmem>> -> memref<80xi32, #tpu.memory_space<vmem>>
          %dma_start3A_210 = tpu.memref_slice %arg5[%mul3A_201] : memref<320000xi32, #tpu.memory_space<hbm>> -> memref<80xi32, #tpu.memory_space<hbm>>
          tpu.enqueue_dma source(%dma_start3A_210 : memref<80xi32, #tpu.memory_space<hbm>>) target(%dma_start3A_209 : memref<80xi32, #tpu.memory_space<vmem>>) target_semaphore(%arg20 : memref<!tpu.dma_semaphore, #tpu.memory_space<semaphore_mem>>)
          %mul3A_211 = arith.constant 16 : i32
          %mul3A_212 = arith.muli %add3A_196, %mul3A_211 : i32
          %add3A_213 = arith.addi %arg1, %mul3A_212 : i32
          %mul3A_214 = arith.constant 80 : i32
          %mul3A_215 = arith.muli %add3A_213, %mul3A_214 : i32
          %dma_start3A_216 = arith.constant 0 : i32
          %dma_start3A_217 = arith.constant 0 : i32
          %dma_start3A_218 = tpu.memref_slice %arg11[%dma_start3A_216, %dma_start3A_217] : memref<2x80xi32, #tpu.memory_space<vmem>> -> memref<1x80xi32, #tpu.memory_space<vmem>>
          %dma_start3A_219 = tpu.memref_squeeze %dma_start3A_218 : memref<1x80xi32, #tpu.memory_space<vmem>> -> memref<80xi32, #tpu.memory_space<vmem>>
          %dma_start3A_220 = tpu.memref_slice %arg6[%mul3A_215] : memref<320000xi32, #tpu.memory_space<hbm>> -> memref<80xi32, #tpu.memory_space<hbm>>
          %dma_start3A_221 = arith.constant 0 : i32
          %dma_start3A_222 = tpu.memref_slice %arg11[%dma_start3A_216, %dma_start3A_221] : memref<2x80xi32, #tpu.memory_space<vmem>> -> memref<1x80xi32, #tpu.memory_space<vmem>>
          %dma_start3A_223 = tpu.memref_squeeze %dma_start3A_222 : memref<1x80xi32, #tpu.memory_space<vmem>> -> memref<80xi32, #tpu.memory_space<vmem>>
          %dma_start3A_224 = tpu.memref_slice %arg6[%mul3A_215] : memref<320000xi32, #tpu.memory_space<hbm>> -> memref<80xi32, #tpu.memory_space<hbm>>
          tpu.enqueue_dma source(%dma_start3A_224 : memref<80xi32, #tpu.memory_space<hbm>>) target(%dma_start3A_223 : memref<80xi32, #tpu.memory_space<vmem>>) target_semaphore(%arg20 : memref<!tpu.dma_semaphore, #tpu.memory_space<semaphore_mem>>)
        } else {
        }
        %mul3A_164 = arith.constant 2 : i32
        %mul3A_165 = arith.muli %mul3A_164, %scan3A_96 : i32
        %add3A_166 = arith.constant 1 : i32
        %add3A_167 = arith.addi %mul3A_165, %add3A_166 : i32
        %convert_element_type3A_168 = arith.extui %lt3A_98 : i1 to i32
        %cond3A_169 = arith.constant 0 : i32
        %cond3A_170 = arith.cmpi ne, %convert_element_type3A_168, %cond3A_169 : i32
        scf.if %cond3A_170 {
          %dma_wait3A_195 = arith.constant 0 : i32
          %dma_wait3A_196 = arith.constant 0 : i32
          %dma_wait3A_197 = tpu.memref_slice %arg10[%dma_wait3A_195, %dma_wait3A_196] : memref<2x80xi32, #tpu.memory_space<vmem>> -> memref<1x80xi32, #tpu.memory_space<vmem>>
          %dma_wait3A_198 = tpu.memref_squeeze %dma_wait3A_197 : memref<1x80xi32, #tpu.memory_space<vmem>> -> memref<80xi32, #tpu.memory_space<vmem>>
          %dma_wait3A_199 = arith.constant 0 : i32
          %dma_wait3A_200 = tpu.memref_slice %arg5[%dma_wait3A_199] : memref<320000xi32, #tpu.memory_space<hbm>> -> memref<80xi32, #tpu.memory_space<hbm>>
          %dma_wait3A_201 = arith.constant 0 : i32
          %dma_wait3A_202 = tpu.memref_slice %arg10[%dma_wait3A_195, %dma_wait3A_201] : memref<2x80xi32, #tpu.memory_space<vmem>> -> memref<1x80xi32, #tpu.memory_space<vmem>>
          %dma_wait3A_203 = tpu.memref_squeeze %dma_wait3A_202 : memref<1x80xi32, #tpu.memory_space<vmem>> -> memref<80xi32, #tpu.memory_space<vmem>>
          %dma_wait3A_204 = arith.constant 0 : i32
          %dma_wait3A_205 = tpu.memref_slice %arg5[%dma_wait3A_204] : memref<320000xi32, #tpu.memory_space<hbm>> -> memref<80xi32, #tpu.memory_space<hbm>>
          tpu.wait_dma2 semaphore(%arg20 : memref<!tpu.dma_semaphore, #tpu.memory_space<semaphore_mem>>) src(%dma_wait3A_205 : memref<80xi32, #tpu.memory_space<hbm>>) dst(%dma_wait3A_203 : memref<80xi32, #tpu.memory_space<vmem>>)
          %dma_wait3A_206 = arith.constant 0 : i32
          %dma_wait3A_207 = arith.constant 0 : i32
          %dma_wait3A_208 = tpu.memref_slice %arg11[%dma_wait3A_206, %dma_wait3A_207] : memref<2x80xi32, #tpu.memory_space<vmem>> -> memref<1x80xi32, #tpu.memory_space<vmem>>
          %dma_wait3A_209 = tpu.memref_squeeze %dma_wait3A_208 : memref<1x80xi32, #tpu.memory_space<vmem>> -> memref<80xi32, #tpu.memory_space<vmem>>
          %dma_wait3A_210 = arith.constant 0 : i32
          %dma_wait3A_211 = tpu.memref_slice %arg6[%dma_wait3A_210] : memref<320000xi32, #tpu.memory_space<hbm>> -> memref<80xi32, #tpu.memory_space<hbm>>
          %dma_wait3A_212 = arith.constant 0 : i32
          %dma_wait3A_213 = tpu.memref_slice %arg11[%dma_wait3A_206, %dma_wait3A_212] : memref<2x80xi32, #tpu.memory_space<vmem>> -> memref<1x80xi32, #tpu.memory_space<vmem>>
          %dma_wait3A_214 = tpu.memref_squeeze %dma_wait3A_213 : memref<1x80xi32, #tpu.memory_space<vmem>> -> memref<80xi32, #tpu.memory_space<vmem>>
          %dma_wait3A_215 = arith.constant 0 : i32
          %dma_wait3A_216 = tpu.memref_slice %arg6[%dma_wait3A_215] : memref<320000xi32, #tpu.memory_space<hbm>> -> memref<80xi32, #tpu.memory_space<hbm>>
          tpu.wait_dma2 semaphore(%arg20 : memref<!tpu.dma_semaphore, #tpu.memory_space<semaphore_mem>>) src(%dma_wait3A_216 : memref<80xi32, #tpu.memory_space<hbm>>) dst(%dma_wait3A_214 : memref<80xi32, #tpu.memory_space<vmem>>)
          %add3A_217 = arith.constant 1 : i32
          %add3A_218 = arith.addi %add3A_167, %add3A_217 : i32
          %dma_start3A_219 = arith.constant 0 : i32
          %dma_start3A_220 = arith.constant 0 : i32
          %dma_start3A_221 = tpu.memref_slice %arg10[%dma_start3A_219, %dma_start3A_220] : memref<2x80xi32, #tpu.memory_space<vmem>> -> memref<1x80xi32, #tpu.memory_space<vmem>>
          %dma_start3A_222 = tpu.memref_squeeze %dma_start3A_221 : memref<1x80xi32, #tpu.memory_space<vmem>> -> memref<80xi32, #tpu.memory_space<vmem>>
          %dma_start3A_223 = arith.constant 0 : i32
          %dma_start3A_224 = arith.constant 0 : i32
          %dma_start3A_225 = tpu.memref_slice %arg2[%dma_start3A_223, %dma_start3A_224] : memref<10000x128xi32, #tpu.memory_space<hbm>> -> memref<10000x128xi32, #tpu.memory_space<hbm>>
          tpu.enqueue_indirect_dma source(%dma_start3A_225 : memref<10000x128xi32, #tpu.memory_space<hbm>>) target(%arg12 : memref<80x128xi32, #tpu.memory_space<vmem>>) offsets(%dma_start3A_222 : memref<80xi32, #tpu.memory_space<vmem>>) semaphore(%arg16 : memref<!tpu.dma_semaphore, #tpu.memory_space<semaphore_mem>>)
          %mul3A_226 = arith.constant 16 : i32
          %mul3A_227 = arith.muli %add3A_218, %mul3A_226 : i32
          %add3A_228 = arith.addi %arg1, %mul3A_227 : i32
          %mul3A_229 = arith.constant 80 : i32
          %mul3A_230 = arith.muli %add3A_228, %mul3A_229 : i32
          %dma_start3A_231 = arith.constant 0 : i32
          %dma_start3A_232 = tpu.memref_slice %arg4[%mul3A_230, %dma_start3A_231] : memref<320000x64xi32, #tpu.memory_space<hbm>> -> memref<80x64xi32, #tpu.memory_space<hbm>>
          %dma_start3A_233 = arith.constant 0 : i32
          %dma_start3A_234 = tpu.memref_slice %arg4[%mul3A_230, %dma_start3A_233] : memref<320000x64xi32, #tpu.memory_space<hbm>> -> memref<80x64xi32, #tpu.memory_space<hbm>>
          tpu.enqueue_dma source(%dma_start3A_234 : memref<80x64xi32, #tpu.memory_space<hbm>>) target(%arg14 : memref<80x64xi32, #tpu.memory_space<vmem>>) target_semaphore(%arg18 : memref<!tpu.dma_semaphore, #tpu.memory_space<semaphore_mem>>)
        } else {
        }
        %dma_wait3A_171 = arith.constant 0 : i32
        %dma_wait3A_172 = arith.constant 0 : i32
        %dma_wait3A_173 = tpu.memref_slice %arg2[%dma_wait3A_171, %dma_wait3A_172] : memref<10000x128xi32, #tpu.memory_space<hbm>> -> memref<80x128xi32, #tpu.memory_space<hbm>>
        %dma_wait3A_174 = arith.constant 0 : i32
        %dma_wait3A_175 = arith.constant 0 : i32
        %dma_wait3A_176 = tpu.memref_slice %arg2[%dma_wait3A_174, %dma_wait3A_175] : memref<10000x128xi32, #tpu.memory_space<hbm>> -> memref<80x128xi32, #tpu.memory_space<hbm>>
        tpu.wait_dma2 semaphore(%arg17 : memref<!tpu.dma_semaphore, #tpu.memory_space<semaphore_mem>>) src(%dma_wait3A_176 : memref<80x128xi32, #tpu.memory_space<hbm>>) dst(%arg13 : memref<80x128xi32, #tpu.memory_space<vmem>>)
        %dma_wait3A_177 = arith.constant 0 : i32
        %dma_wait3A_178 = arith.constant 0 : i32
        %dma_wait3A_179 = tpu.memref_slice %arg4[%dma_wait3A_177, %dma_wait3A_178] : memref<320000x64xi32, #tpu.memory_space<hbm>> -> memref<80x64xi32, #tpu.memory_space<hbm>>
        %dma_wait3A_180 = arith.constant 0 : i32
        %dma_wait3A_181 = arith.constant 0 : i32
        %dma_wait3A_182 = tpu.memref_slice %arg4[%dma_wait3A_180, %dma_wait3A_181] : memref<320000x64xi32, #tpu.memory_space<hbm>> -> memref<80x64xi32, #tpu.memory_space<hbm>>
        tpu.wait_dma2 semaphore(%arg19 : memref<!tpu.dma_semaphore, #tpu.memory_space<semaphore_mem>>) src(%dma_wait3A_182 : memref<80x64xi32, #tpu.memory_space<hbm>>) dst(%arg15 : memref<80x64xi32, #tpu.memory_space<vmem>>)
        %scan3A_183 = arith.constant 0 : i32
        %scan3A_184 = arith.constant 0 : i32
        %scan3A_185 = arith.constant 80 : i32
        %scan3A_186 = arith.addi %scan3A_184, %scan3A_185 : i32
        %scan3A_187 = arith.constant 1 : i32
        %scan3A_188 = scf.for %scan3A_195 = %scan3A_184 to %scan3A_186 step %scan3A_187 iter_args(%scan3A_196 = %scan3A_183) -> (i32)  : i32 {
          %get3A = arith.index_cast %scan3A_195 : i32 to index
          %get3A_197 = arith.constant 0 : index
          %get3A_198 = tpu.vector_load %arg15[%get3A, %get3A_197] {strides = array<i32>} : memref<80x64xi32, #tpu.memory_space<vmem>>, vector<16xi32>,
          %bitcast3A = vector.bitcast %get3A_198 : vector<16xi32> to vector<32xbf16>
          %unpack3A = tpu.unpack_subelements %bitcast3A, 0 {pack_format = #tpu.pack_format<interleaved>} : vector<32xbf16> -> vector<16xf32>
          %unpack3A_199 = tpu.unpack_subelements %bitcast3A, 1 {pack_format = #tpu.pack_format<interleaved>} : vector<32xbf16> -> vector<16xf32>
          %get3A_200 = arith.index_cast %scan3A_195 : i32 to index
          %get3A_201 = arith.constant 0 : index
          %get3A_202 = tpu.vector_load %arg13[%get3A_200, %get3A_201] {strides = array<i32>} : memref<80x128xi32, #tpu.memory_space<vmem>>, vector<16xi32>,
          %bitcast3A_203 = vector.bitcast %get3A_202 : vector<16xi32> to vector<32xbf16>
          %unpack3A_204 = tpu.unpack_subelements %bitcast3A_203, 0 {pack_format = #tpu.pack_format<interleaved>} : vector<32xbf16> -> vector<16xf32>
          %unpack3A_205 = tpu.unpack_subelements %bitcast3A_203, 1 {pack_format = #tpu.pack_format<interleaved>} : vector<32xbf16> -> vector<16xf32>
          %get3A_206 = arith.index_cast %scan3A_195 : i32 to index
          %get3A_207 = arith.constant 64 : index
          %get3A_208 = tpu.vector_load %arg13[%get3A_206, %get3A_207] {strides = array<i32>} : memref<80x128xi32, #tpu.memory_space<vmem>>, vector<16xi32>,
          %bitcast3A_209 = vector.bitcast %get3A_208 : vector<16xi32> to vector<32xbf16>
          %unpack3A_210 = tpu.unpack_subelements %bitcast3A_209, 0 {pack_format = #tpu.pack_format<interleaved>} : vector<32xbf16> -> vector<16xf32>
          %unpack3A_211 = tpu.unpack_subelements %bitcast3A_209, 1 {pack_format = #tpu.pack_format<interleaved>} : vector<32xbf16> -> vector<16xf32>
          %add3A_212 = arith.addf %unpack3A_205, %unpack3A : vector<16xf32>
          %max3A = arith.constant 0.000000e+00 : f32
          %max3A_213 = vector.broadcast %max3A : f32 to vector<16xf32>
          %max3A_214 = arith.maximumf %add3A_212, %max3A_213 : vector<16xf32>
          %swap3A = tpu.memref_bitcast %arg13 : memref<80x128xi32, #tpu.memory_space<vmem>> -> memref<80x128xf32, #tpu.memory_space<vmem>>
          %swap3A_215 = arith.index_cast %scan3A_195 : i32 to index
          %swap3A_216 = arith.constant 0 : index
          %swap3A_217 = tpu.vector_load %swap3A[%swap3A_215, %swap3A_216] {strides = array<i32>} : memref<80x128xf32, #tpu.memory_space<vmem>>, vector<16xf32>,
          tpu.vector_store %swap3A[%swap3A_215, %swap3A_216], %max3A_214 {strides = array<i32>} : memref<80x128xf32, #tpu.memory_space<vmem>>, vector<16xf32>,
          %add3A_218 = arith.addf %unpack3A_211, %unpack3A_199 : vector<16xf32>
          %max3A_219 = arith.constant 0.000000e+00 : f32
          %max3A_220 = vector.broadcast %max3A_219 : f32 to vector<16xf32>
          %max3A_221 = arith.maximumf %add3A_218, %max3A_220 : vector<16xf32>
          %swap3A_222 = tpu.memref_bitcast %arg13 : memref<80x128xi32, #tpu.memory_space<vmem>> -> memref<80x128xf32, #tpu.memory_space<vmem>>
          %swap3A_223 = arith.index_cast %scan3A_195 : i32 to index
          %swap3A_224 = arith.constant 64 : index
          %swap3A_225 = tpu.vector_load %swap3A_222[%swap3A_223, %swap3A_224] {strides = array<i32>} : memref<80x128xf32, #tpu.memory_space<vmem>>, vector<16xf32>,
          tpu.vector_store %swap3A_222[%swap3A_223, %swap3A_224], %max3A_221 {strides = array<i32>} : memref<80x128xf32, #tpu.memory_space<vmem>>, vector<16xf32>,
          %get3A_226 = arith.index_cast %scan3A_195 : i32 to index
          %get3A_227 = arith.constant 16 : index
          %get3A_228 = tpu.vector_load %arg15[%get3A_226, %get3A_227] {strides = array<i32>} : memref<80x64xi32, #tpu.memory_space<vmem>>, vector<16xi32>,
          %bitcast3A_229 = vector.bitcast %get3A_228 : vector<16xi32> to vector<32xbf16>
          %unpack3A_230 = tpu.unpack_subelements %bitcast3A_229, 0 {pack_format = #tpu.pack_format<interleaved>} : vector<32xbf16> -> vector<16xf32>
          %unpack3A_231 = tpu.unpack_subelements %bitcast3A_229, 1 {pack_format = #tpu.pack_format<interleaved>} : vector<32xbf16> -> vector<16xf32>
          %get3A_232 = arith.index_cast %scan3A_195 : i32 to index
          %get3A_233 = arith.constant 16 : index
          %get3A_234 = tpu.vector_load %arg13[%get3A_232, %get3A_233] {strides = array<i32>} : memref<80x128xi32, #tpu.memory_space<vmem>>, vector<16xi32>,
          %bitcast3A_235 = vector.bitcast %get3A_234 : vector<16xi32> to vector<32xbf16>
          %unpack3A_236 = tpu.unpack_subelements %bitcast3A_235, 0 {pack_format = #tpu.pack_format<interleaved>} : vector<32xbf16> -> vector<16xf32>
          %unpack3A_237 = tpu.unpack_subelements %bitcast3A_235, 1 {pack_format = #tpu.pack_format<interleaved>} : vector<32xbf16> -> vector<16xf32>
          %get3A_238 = arith.index_cast %scan3A_195 : i32 to index
          %get3A_239 = arith.constant 80 : index
          %get3A_240 = tpu.vector_load %arg13[%get3A_238, %get3A_239] {strides = array<i32>} : memref<80x128xi32, #tpu.memory_space<vmem>>, vector<16xi32>,
          %bitcast3A_241 = vector.bitcast %get3A_240 : vector<16xi32> to vector<32xbf16>
          %unpack3A_242 = tpu.unpack_subelements %bitcast3A_241, 0 {pack_format = #tpu.pack_format<interleaved>} : vector<32xbf16> -> vector<16xf32>
          %unpack3A_243 = tpu.unpack_subelements %bitcast3A_241, 1 {pack_format = #tpu.pack_format<interleaved>} : vector<32xbf16> -> vector<16xf32>
          %add3A_244 = arith.addf %unpack3A_237, %unpack3A_230 : vector<16xf32>
          %max3A_245 = arith.constant 0.000000e+00 : f32
          %max3A_246 = vector.broadcast %max3A_245 : f32 to vector<16xf32>
          %max3A_247 = arith.maximumf %add3A_244, %max3A_246 : vector<16xf32>
          %swap3A_248 = tpu.memref_bitcast %arg13 : memref<80x128xi32, #tpu.memory_space<vmem>> -> memref<80x128xf32, #tpu.memory_space<vmem>>
          %swap3A_249 = arith.index_cast %scan3A_195 : i32 to index
          %swap3A_250 = arith.constant 16 : index
          %swap3A_251 = tpu.vector_load %swap3A_248[%swap3A_249, %swap3A_250] {strides = array<i32>} : memref<80x128xf32, #tpu.memory_space<vmem>>, vector<16xf32>,
          tpu.vector_store %swap3A_248[%swap3A_249, %swap3A_250], %max3A_247 {strides = array<i32>} : memref<80x128xf32, #tpu.memory_space<vmem>>, vector<16xf32>,
          %add3A_252 = arith.addf %unpack3A_243, %unpack3A_231 : vector<16xf32>
          %max3A_253 = arith.constant 0.000000e+00 : f32
          %max3A_254 = vector.broadcast %max3A_253 : f32 to vector<16xf32>
          %max3A_255 = arith.maximumf %add3A_252, %max3A_254 : vector<16xf32>
          %swap3A_256 = tpu.memref_bitcast %arg13 : memref<80x128xi32, #tpu.memory_space<vmem>> -> memref<80x128xf32, #tpu.memory_space<vmem>>
          %swap3A_257 = arith.index_cast %scan3A_195 : i32 to index
          %swap3A_258 = arith.constant 80 : index
          %swap3A_259 = tpu.vector_load %swap3A_256[%swap3A_257, %swap3A_258] {strides = array<i32>} : memref<80x128xf32, #tpu.memory_space<vmem>>, vector<16xf32>,
          tpu.vector_store %swap3A_256[%swap3A_257, %swap3A_258], %max3A_255 {strides = array<i32>} : memref<80x128xf32, #tpu.memory_space<vmem>>, vector<16xf32>,
          %get3A_260 = arith.index_cast %scan3A_195 : i32 to index
          %get3A_261 = arith.constant 32 : index
          %get3A_262 = tpu.vector_load %arg15[%get3A_260, %get3A_261] {strides = array<i32>} : memref<80x64xi32, #tpu.memory_space<vmem>>, vector<16xi32>,
          %bitcast3A_263 = vector.bitcast %get3A_262 : vector<16xi32> to vector<32xbf16>
          %unpack3A_264 = tpu.unpack_subelements %bitcast3A_263, 0 {pack_format = #tpu.pack_format<interleaved>} : vector<32xbf16> -> vector<16xf32>
          %unpack3A_265 = tpu.unpack_subelements %bitcast3A_263, 1 {pack_format = #tpu.pack_format<interleaved>} : vector<32xbf16> -> vector<16xf32>
          %get3A_266 = arith.index_cast %scan3A_195 : i32 to index
          %get3A_267 = arith.constant 32 : index
          %get3A_268 = tpu.vector_load %arg13[%get3A_266, %get3A_267] {strides = array<i32>} : memref<80x128xi32, #tpu.memory_space<vmem>>, vector<16xi32>,
          %bitcast3A_269 = vector.bitcast %get3A_268 : vector<16xi32> to vector<32xbf16>
          %unpack3A_270 = tpu.unpack_subelements %bitcast3A_269, 0 {pack_format = #tpu.pack_format<interleaved>} : vector<32xbf16> -> vector<16xf32>
          %unpack3A_271 = tpu.unpack_subelements %bitcast3A_269, 1 {pack_format = #tpu.pack_format<interleaved>} : vector<32xbf16> -> vector<16xf32>
          %get3A_272 = arith.index_cast %scan3A_195 : i32 to index
          %get3A_273 = arith.constant 96 : index
          %get3A_274 = tpu.vector_load %arg13[%get3A_272, %get3A_273] {strides = array<i32>} : memref<80x128xi32, #tpu.memory_space<vmem>>, vector<16xi32>,
          %bitcast3A_275 = vector.bitcast %get3A_274 : vector<16xi32> to vector<32xbf16>
          %unpack3A_276 = tpu.unpack_subelements %bitcast3A_275, 0 {pack_format = #tpu.pack_format<interleaved>} : vector<32xbf16> -> vector<16xf32>
          %unpack3A_277 = tpu.unpack_subelements %bitcast3A_275, 1 {pack_format = #tpu.pack_format<interleaved>} : vector<32xbf16> -> vector<16xf32>
          %add3A_278 = arith.addf %unpack3A_271, %unpack3A_264 : vector<16xf32>
          %max3A_279 = arith.constant 0.000000e+00 : f32
          %max3A_280 = vector.broadcast %max3A_279 : f32 to vector<16xf32>
          %max3A_281 = arith.maximumf %add3A_278, %max3A_280 : vector<16xf32>
          %swap3A_282 = tpu.memref_bitcast %arg13 : memref<80x128xi32, #tpu.memory_space<vmem>> -> memref<80x128xf32, #tpu.memory_space<vmem>>
          %swap3A_283 = arith.index_cast %scan3A_195 : i32 to index
          %swap3A_284 = arith.constant 32 : index
          %swap3A_285 = tpu.vector_load %swap3A_282[%swap3A_283, %swap3A_284] {strides = array<i32>} : memref<80x128xf32, #tpu.memory_space<vmem>>, vector<16xf32>,
          tpu.vector_store %swap3A_282[%swap3A_283, %swap3A_284], %max3A_281 {strides = array<i32>} : memref<80x128xf32, #tpu.memory_space<vmem>>, vector<16xf32>,
          %add3A_286 = arith.addf %unpack3A_277, %unpack3A_265 : vector<16xf32>
          %max3A_287 = arith.constant 0.000000e+00 : f32
          %max3A_288 = vector.broadcast %max3A_287 : f32 to vector<16xf32>
          %max3A_289 = arith.maximumf %add3A_286, %max3A_288 : vector<16xf32>
          %swap3A_290 = tpu.memref_bitcast %arg13 : memref<80x128xi32, #tpu.memory_space<vmem>> -> memref<80x128xf32, #tpu.memory_space<vmem>>
          %swap3A_291 = arith.index_cast %scan3A_195 : i32 to index
          %swap3A_292 = arith.constant 96 : index
          %swap3A_293 = tpu.vector_load %swap3A_290[%swap3A_291, %swap3A_292] {strides = array<i32>} : memref<80x128xf32, #tpu.memory_space<vmem>>, vector<16xf32>,
          tpu.vector_store %swap3A_290[%swap3A_291, %swap3A_292], %max3A_289 {strides = array<i32>} : memref<80x128xf32, #tpu.memory_space<vmem>>, vector<16xf32>,
          %get3A_294 = arith.index_cast %scan3A_195 : i32 to index
          %get3A_295 = arith.constant 48 : index
          %get3A_296 = tpu.vector_load %arg15[%get3A_294, %get3A_295] {strides = array<i32>} : memref<80x64xi32, #tpu.memory_space<vmem>>, vector<16xi32>,
          %bitcast3A_297 = vector.bitcast %get3A_296 : vector<16xi32> to vector<32xbf16>
          %unpack3A_298 = tpu.unpack_subelements %bitcast3A_297, 0 {pack_format = #tpu.pack_format<interleaved>} : vector<32xbf16> -> vector<16xf32>
          %unpack3A_299 = tpu.unpack_subelements %bitcast3A_297, 1 {pack_format = #tpu.pack_format<interleaved>} : vector<32xbf16> -> vector<16xf32>
          %get3A_300 = arith.index_cast %scan3A_195 : i32 to index
          %get3A_301 = arith.constant 48 : index
          %get3A_302 = tpu.vector_load %arg13[%get3A_300, %get3A_301] {strides = array<i32>} : memref<80x128xi32, #tpu.memory_space<vmem>>, vector<16xi32>,
          %bitcast3A_303 = vector.bitcast %get3A_302 : vector<16xi32> to vector<32xbf16>
          %unpack3A_304 = tpu.unpack_subelements %bitcast3A_303, 0 {pack_format = #tpu.pack_format<interleaved>} : vector<32xbf16> -> vector<16xf32>
          %unpack3A_305 = tpu.unpack_subelements %bitcast3A_303, 1 {pack_format = #tpu.pack_format<interleaved>} : vector<32xbf16> -> vector<16xf32>
          %get3A_306 = arith.index_cast %scan3A_195 : i32 to index
          %get3A_307 = arith.constant 112 : index
          %get3A_308 = tpu.vector_load %arg13[%get3A_306, %get3A_307] {strides = array<i32>} : memref<80x128xi32, #tpu.memory_space<vmem>>, vector<16xi32>,
          %bitcast3A_309 = vector.bitcast %get3A_308 : vector<16xi32> to vector<32xbf16>
          %unpack3A_310 = tpu.unpack_subelements %bitcast3A_309, 0 {pack_format = #tpu.pack_format<interleaved>} : vector<32xbf16> -> vector<16xf32>
          %unpack3A_311 = tpu.unpack_subelements %bitcast3A_309, 1 {pack_format = #tpu.pack_format<interleaved>} : vector<32xbf16> -> vector<16xf32>
          %add3A_312 = arith.addf %unpack3A_305, %unpack3A_298 : vector<16xf32>
          %max3A_313 = arith.constant 0.000000e+00 : f32
          %max3A_314 = vector.broadcast %max3A_313 : f32 to vector<16xf32>
          %max3A_315 = arith.maximumf %add3A_312, %max3A_314 : vector<16xf32>
          %swap3A_316 = tpu.memref_bitcast %arg13 : memref<80x128xi32, #tpu.memory_space<vmem>> -> memref<80x128xf32, #tpu.memory_space<vmem>>
          %swap3A_317 = arith.index_cast %scan3A_195 : i32 to index
          %swap3A_318 = arith.constant 48 : index
          %swap3A_319 = tpu.vector_load %swap3A_316[%swap3A_317, %swap3A_318] {strides = array<i32>} : memref<80x128xf32, #tpu.memory_space<vmem>>, vector<16xf32>,
          tpu.vector_store %swap3A_316[%swap3A_317, %swap3A_318], %max3A_315 {strides = array<i32>} : memref<80x128xf32, #tpu.memory_space<vmem>>, vector<16xf32>,
          %add3A_320 = arith.addf %unpack3A_311, %unpack3A_299 : vector<16xf32>
          %max3A_321 = arith.constant 0.000000e+00 : f32
          %max3A_322 = vector.broadcast %max3A_321 : f32 to vector<16xf32>
          %max3A_323 = arith.maximumf %add3A_320, %max3A_322 : vector<16xf32>
          %swap3A_324 = tpu.memref_bitcast %arg13 : memref<80x128xi32, #tpu.memory_space<vmem>> -> memref<80x128xf32, #tpu.memory_space<vmem>>
          %swap3A_325 = arith.index_cast %scan3A_195 : i32 to index
          %swap3A_326 = arith.constant 112 : index
          %swap3A_327 = tpu.vector_load %swap3A_324[%swap3A_325, %swap3A_326] {strides = array<i32>} : memref<80x128xf32, #tpu.memory_space<vmem>>, vector<16xf32>,
          tpu.vector_store %swap3A_324[%swap3A_325, %swap3A_326], %max3A_323 {strides = array<i32>} : memref<80x128xf32, #tpu.memory_space<vmem>>, vector<16xf32>,
          %scan3A_328 = arith.constant 0 : i32
          scf.yield %scan3A_328 : i32
        }
        %scan3A_189 = arith.constant 80 : i32
        %run_scoped3A_190 = arith.constant 1 : i32
        "tpu.region"() ({
          %run_scoped3A_195 = tpu.sem_alloc : memref<!tpu.dma_semaphore, #tpu.memory_space<semaphore_mem>>
          %dma_start3A_196 = tpu.memref_bitcast %arg13 : memref<80x128xi32, #tpu.memory_space<vmem>> -> memref<80x128xf32, #tpu.memory_space<vmem>>
          %dma_start3A_197 = arith.constant 0 : i32
          %dma_start3A_198 = tpu.memref_slice %arg11[%run_scoped3A_190, %dma_start3A_197] : memref<2x80xi32, #tpu.memory_space<vmem>> -> memref<1x80xi32, #tpu.memory_space<vmem>>
          %dma_start3A_199 = tpu.memref_squeeze %dma_start3A_198 : memref<1x80xi32, #tpu.memory_space<vmem>> -> memref<80xi32, #tpu.memory_space<vmem>>
          %dma_start3A_200 = arith.constant 0 : i32
          %dma_start3A_201 = arith.constant 0 : i32
          %dma_start3A_202 = tpu.memref_slice %arg9[%dma_start3A_200, %dma_start3A_201] : memref<10000x128xf32, #tpu.memory_space<vmem_shared>> -> memref<10000x128xf32, #tpu.memory_space<vmem_shared>>
          tpu.enqueue_indirect_dma source(%dma_start3A_196 : memref<80x128xf32, #tpu.memory_space<vmem>>) target(%dma_start3A_202 : memref<10000x128xf32, #tpu.memory_space<vmem_shared>>) offsets(%dma_start3A_199 : memref<80xi32, #tpu.memory_space<vmem>>) semaphore(%run_scoped3A_195 : memref<!tpu.dma_semaphore, #tpu.memory_space<semaphore_mem>>) {add = true}
          %dma_wait3A_203 = tpu.memref_bitcast %arg13 : memref<80x128xi32, #tpu.memory_space<vmem>> -> memref<80x128xf32, #tpu.memory_space<vmem>>
          %dma_wait3A_204 = arith.constant 0 : i32
          %dma_wait3A_205 = tpu.memref_slice %arg11[%run_scoped3A_190, %dma_wait3A_204] : memref<2x80xi32, #tpu.memory_space<vmem>> -> memref<1x80xi32, #tpu.memory_space<vmem>>
          %dma_wait3A_206 = tpu.memref_squeeze %dma_wait3A_205 : memref<1x80xi32, #tpu.memory_space<vmem>> -> memref<80xi32, #tpu.memory_space<vmem>>
          %dma_wait3A_207 = arith.constant 0 : i32
          %dma_wait3A_208 = arith.constant 0 : i32
          %dma_wait3A_209 = tpu.memref_slice %arg9[%dma_wait3A_207, %dma_wait3A_208] : memref<10000x128xf32, #tpu.memory_space<vmem_shared>> -> memref<10000x128xf32, #tpu.memory_space<vmem_shared>>
          tpu.wait_indirect_dma semaphore(%run_scoped3A_195 : memref<!tpu.dma_semaphore, #tpu.memory_space<semaphore_mem>>) src(%dma_wait3A_203 : memref<80x128xf32, #tpu.memory_space<vmem>>) dst(%dma_wait3A_209 : memref<10000x128xf32, #tpu.memory_space<vmem_shared>>)
          tpu.yield
        }) : () -> ()
        %convert_element_type3A_191 = arith.extui %lt3A_98 : i1 to i32
        %cond3A_192 = arith.constant 0 : i32
        %cond3A_193 = arith.cmpi ne, %convert_element_type3A_191, %cond3A_192 : i32
        scf.if %cond3A_193 {
          %add3A_195 = arith.constant 2 : i32
          %add3A_196 = arith.addi %add3A_167, %add3A_195 : i32
          %mul3A_197 = arith.constant 16 : i32
          %mul3A_198 = arith.muli %add3A_196, %mul3A_197 : i32
          %add3A_199 = arith.addi %arg1, %mul3A_198 : i32
          %mul3A_200 = arith.constant 80 : i32
          %mul3A_201 = arith.muli %add3A_199, %mul3A_200 : i32
          %dma_start3A_202 = arith.constant 1 : i32
          %dma_start3A_203 = arith.constant 0 : i32
          %dma_start3A_204 = tpu.memref_slice %arg10[%dma_start3A_202, %dma_start3A_203] : memref<2x80xi32, #tpu.memory_space<vmem>> -> memref<1x80xi32, #tpu.memory_space<vmem>>
          %dma_start3A_205 = tpu.memref_squeeze %dma_start3A_204 : memref<1x80xi32, #tpu.memory_space<vmem>> -> memref<80xi32, #tpu.memory_space<vmem>>
          %dma_start3A_206 = tpu.memref_slice %arg5[%mul3A_201] : memref<320000xi32, #tpu.memory_space<hbm>> -> memref<80xi32, #tpu.memory_space<hbm>>
          %dma_start3A_207 = arith.constant 0 : i32
          %dma_start3A_208 = tpu.memref_slice %arg10[%dma_start3A_202, %dma_start3A_207] : memref<2x80xi32, #tpu.memory_space<vmem>> -> memref<1x80xi32, #tpu.memory_space<vmem>>
          %dma_start3A_209 = tpu.memref_squeeze %dma_start3A_208 : memref<1x80xi32, #tpu.memory_space<vmem>> -> memref<80xi32, #tpu.memory_space<vmem>>
          %dma_start3A_210 = tpu.memref_slice %arg5[%mul3A_201] : memref<320000xi32, #tpu.memory_space<hbm>> -> memref<80xi32, #tpu.memory_space<hbm>>
          tpu.enqueue_dma source(%dma_start3A_210 : memref<80xi32, #tpu.memory_space<hbm>>) target(%dma_start3A_209 : memref<80xi32, #tpu.memory_space<vmem>>) target_semaphore(%arg20 : memref<!tpu.dma_semaphore, #tpu.memory_space<semaphore_mem>>)
          %mul3A_211 = arith.constant 16 : i32
          %mul3A_212 = arith.muli %add3A_196, %mul3A_211 : i32
          %add3A_213 = arith.addi %arg1, %mul3A_212 : i32
          %mul3A_214 = arith.constant 80 : i32
          %mul3A_215 = arith.muli %add3A_213, %mul3A_214 : i32
          %dma_start3A_216 = arith.constant 1 : i32
          %dma_start3A_217 = arith.constant 0 : i32
          %dma_start3A_218 = tpu.memref_slice %arg11[%dma_start3A_216, %dma_start3A_217] : memref<2x80xi32, #tpu.memory_space<vmem>> -> memref<1x80xi32, #tpu.memory_space<vmem>>
          %dma_start3A_219 = tpu.memref_squeeze %dma_start3A_218 : memref<1x80xi32, #tpu.memory_space<vmem>> -> memref<80xi32, #tpu.memory_space<vmem>>
          %dma_start3A_220 = tpu.memref_slice %arg6[%mul3A_215] : memref<320000xi32, #tpu.memory_space<hbm>> -> memref<80xi32, #tpu.memory_space<hbm>>
          %dma_start3A_221 = arith.constant 0 : i32
          %dma_start3A_222 = tpu.memref_slice %arg11[%dma_start3A_216, %dma_start3A_221] : memref<2x80xi32, #tpu.memory_space<vmem>> -> memref<1x80xi32, #tpu.memory_space<vmem>>
          %dma_start3A_223 = tpu.memref_squeeze %dma_start3A_222 : memref<1x80xi32, #tpu.memory_space<vmem>> -> memref<80xi32, #tpu.memory_space<vmem>>
          %dma_start3A_224 = tpu.memref_slice %arg6[%mul3A_215] : memref<320000xi32, #tpu.memory_space<hbm>> -> memref<80xi32, #tpu.memory_space<hbm>>
          tpu.enqueue_dma source(%dma_start3A_224 : memref<80xi32, #tpu.memory_space<hbm>>) target(%dma_start3A_223 : memref<80xi32, #tpu.memory_space<vmem>>) target_semaphore(%arg20 : memref<!tpu.dma_semaphore, #tpu.memory_space<semaphore_mem>>)
        } else {
        }
        %scan3A_194 = arith.constant 0 : i32
        scf.yield %scan3A_194 : i32
      }
      %scan3A_89 = arith.constant 125 : i32
      %barrier3A_90 = arith.constant 0 : index
      tpu.barrier barrier_id(%barrier3A_90)
      "tpu.region"() ({
        %run_scoped3A_96 = tpu.sem_alloc : memref<!tpu.dma_semaphore, #tpu.memory_space<semaphore_mem>>
        %dma_start3A_97 = arith.constant 0 : i32
        %dma_start3A_98 = tpu.memref_slice %arg8[%mul3A_6, %dma_start3A_97] : memref<10000x128xf32, #tpu.memory_space<hbm>> -> memref<624x128xf32, #tpu.memory_space<hbm>>
        %dma_start3A_99 = arith.constant 0 : i32
        %dma_start3A_100 = tpu.memref_slice %arg9[%mul3A_6, %dma_start3A_99] : memref<10000x128xf32, #tpu.memory_space<vmem_shared>> -> memref<624x128xf32, #tpu.memory_space<vmem_shared>>
        tpu.enqueue_dma source(%dma_start3A_100 : memref<624x128xf32, #tpu.memory_space<vmem_shared>>) target(%dma_start3A_98 : memref<624x128xf32, #tpu.memory_space<hbm>>) target_semaphore(%run_scoped3A_96 : memref<!tpu.dma_semaphore, #tpu.memory_space<semaphore_mem>>)
        %dma_wait3A = arith.constant 0 : i32
        %dma_wait3A_101 = tpu.memref_slice %arg8[%mul3A_6, %dma_wait3A] : memref<10000x128xf32, #tpu.memory_space<hbm>> -> memref<624x128xf32, #tpu.memory_space<hbm>>
        %dma_wait3A_102 = arith.constant 0 : i32
        %dma_wait3A_103 = tpu.memref_slice %arg9[%mul3A_6, %dma_wait3A_102] : memref<10000x128xf32, #tpu.memory_space<vmem_shared>> -> memref<624x128xf32, #tpu.memory_space<vmem_shared>>
        tpu.wait_dma2 semaphore(%run_scoped3A_96 : memref<!tpu.dma_semaphore, #tpu.memory_space<semaphore_mem>>) src(%dma_wait3A_103 : memref<624x128xf32, #tpu.memory_space<vmem_shared>>) dst(%dma_wait3A_101 : memref<624x128xf32, #tpu.memory_space<hbm>>)
        tpu.yield
      }) : () -> ()
      %eq3A_91 = arith.constant 15 : i32
      %eq3A_92 = arith.cmpi eq, %arg1, %eq3A_91 : i32
      %convert_element_type3A_93 = arith.extui %eq3A_92 : i1 to i32
      %cond3A_94 = arith.constant 0 : i32
      %cond3A_95 = arith.cmpi ne, %convert_element_type3A_93, %cond3A_94 : i32
      scf.if %cond3A_95 {
        "tpu.region"() ({
          %run_scoped3A_96 = tpu.sem_alloc : memref<!tpu.dma_semaphore, #tpu.memory_space<semaphore_mem>>
          %dma_start3A_97 = arith.constant 9984 : i32
          %dma_start3A_98 = arith.constant 0 : i32
          %dma_start3A_99 = tpu.memref_slice %arg8[%dma_start3A_97, %dma_start3A_98] : memref<10000x128xf32, #tpu.memory_space<hbm>> -> memref<16x128xf32, #tpu.memory_space<hbm>>
          %dma_start3A_100 = arith.constant 9984 : i32
          %dma_start3A_101 = arith.constant 0 : i32
          %dma_start3A_102 = tpu.memref_slice %arg9[%dma_start3A_100, %dma_start3A_101] : memref<10000x128xf32, #tpu.memory_space<vmem_shared>> -> memref<16x128xf32, #tpu.memory_space<vmem_shared>>
          tpu.enqueue_dma source(%dma_start3A_102 : memref<16x128xf32, #tpu.memory_space<vmem_shared>>) target(%dma_start3A_99 : memref<16x128xf32, #tpu.memory_space<hbm>>) target_semaphore(%run_scoped3A_96 : memref<!tpu.dma_semaphore, #tpu.memory_space<semaphore_mem>>)
          %dma_wait3A = arith.constant 9984 : i32
          %dma_wait3A_103 = arith.constant 0 : i32
          %dma_wait3A_104 = tpu.memref_slice %arg8[%dma_wait3A, %dma_wait3A_103] : memref<10000x128xf32, #tpu.memory_space<hbm>> -> memref<16x128xf32, #tpu.memory_space<hbm>>
          %dma_wait3A_105 = arith.constant 9984 : i32
          %dma_wait3A_106 = arith.constant 0 : i32
          %dma_wait3A_107 = tpu.memref_slice %arg9[%dma_wait3A_105, %dma_wait3A_106] : memref<10000x128xf32, #tpu.memory_space<vmem_shared>> -> memref<16x128xf32, #tpu.memory_space<vmem_shared>>
          tpu.wait_dma2 semaphore(%run_scoped3A_96 : memref<!tpu.dma_semaphore, #tpu.memory_space<semaphore_mem>>) src(%dma_wait3A_107 : memref<16x128xf32, #tpu.memory_space<vmem_shared>>) dst(%dma_wait3A_104 : memref<16x128xf32, #tpu.memory_space<hbm>>)
          tpu.yield
        }) : () -> ()
      } else {
      }
    } else {
    }
    return
  }
}

module attributes {stable_mosaic.version = 14 : i64} {
  func.func @_eproj_body(%arg0: i32, %arg1: memref<2000x128xf32, #tpu.memory_space<vmem>>, %arg2: memref<128x128xf32, #tpu.memory_space<vmem>>, %arg3: memref<128x128xf32, #tpu.memory_space<vmem>>, %arg4: memref<1x128xf32, #tpu.memory_space<vmem>>, %arg5: memref<1x128xf32, #tpu.memory_space<vmem>>, %arg6: memref<2000x64xi32, #tpu.memory_space<vmem>>, %arg7: memref<2000x64xi32, #tpu.memory_space<vmem>>) attributes {dimension_semantics = [#tpu.dimension_semantics<arbitrary>], iteration_bounds = array<i64: 160>, scalar_prefetch = 0 : i64, scratch_operands = 0 : i64, tpu.core_type = #tpu.core_type<tc>, window_params = [{transform_indices = @transform_0, window_bounds = array<i64: 2000, 128>}, {pipeline_mode = #tpu.pipeline_mode<synchronous>, transform_indices = @transform_1, window_bounds = array<i64: 128, 128>}, {pipeline_mode = #tpu.pipeline_mode<synchronous>, transform_indices = @transform_2, window_bounds = array<i64: 128, 128>}, {pipeline_mode = #tpu.pipeline_mode<synchronous>, transform_indices = @transform_3, window_bounds = array<i64: 1, 128>}, {pipeline_mode = #tpu.pipeline_mode<synchronous>, transform_indices = @transform_4, window_bounds = array<i64: 1, 128>}, {transform_indices = @transform_5, window_bounds = array<i64: 2000, 64>}, {transform_indices = @transform_6, window_bounds = array<i64: 2000, 64>}]} {
    %get3A = arith.constant 0 : index
    %get3A_0 = arith.constant 0 : index
    %get3A_1 = vector.load %arg1[%get3A, %get3A_0] : memref<2000x128xf32, #tpu.memory_space<vmem>>, vector<2000x128xf32>
    %get3A_2 = arith.constant 0 : index
    %get3A_3 = arith.constant 0 : index
    %get3A_4 = vector.load %arg2[%get3A_2, %get3A_3] : memref<128x128xf32, #tpu.memory_space<vmem>>, vector<128x128xf32>
    %dot_general3A = arith.constant dense<0.000000e+00> : vector<2000x128xf32>
    %dot_general3A_5 = tpu.matmul %get3A_1, %get3A_4, %dot_general3A {dimension_numbers = #tpu.dot_dimension_numbers<[1], [0], [0], [1], [0, 0, 1, 1], [], []>, transpose_lhs_hint = false} : vector<2000x128xf32>, vector<128x128xf32>, vector<2000x128xf32> -> vector<2000x128xf32>
    %get3A_6 = arith.constant 0 : index
    %get3A_7 = arith.constant 0 : index
    %get3A_8 = vector.load %arg4[%get3A_6, %get3A_7] : memref<1x128xf32, #tpu.memory_space<vmem>>, vector<1x128xf32>
    %add3A = vector.broadcast %get3A_8 : vector<1x128xf32> to vector<2000x128xf32>
    %add3A_9 = arith.addf %dot_general3A_5, %add3A : vector<2000x128xf32>
    %get3A_10 = arith.constant 0 : index
    %get3A_11 = arith.constant 0 : index
    %get3A_12 = vector.load %arg3[%get3A_10, %get3A_11] : memref<128x128xf32, #tpu.memory_space<vmem>>, vector<128x128xf32>
    %dot_general3A_13 = arith.constant dense<0.000000e+00> : vector<2000x128xf32>
    %dot_general3A_14 = tpu.matmul %get3A_1, %get3A_12, %dot_general3A_13 {dimension_numbers = #tpu.dot_dimension_numbers<[1], [0], [0], [1], [0, 0, 1, 1], [], []>, transpose_lhs_hint = false} : vector<2000x128xf32>, vector<128x128xf32>, vector<2000x128xf32> -> vector<2000x128xf32>
    %get3A_15 = arith.constant 0 : index
    %get3A_16 = arith.constant 0 : index
    %get3A_17 = vector.load %arg5[%get3A_15, %get3A_16] : memref<1x128xf32, #tpu.memory_space<vmem>>, vector<1x128xf32>
    %add3A_18 = vector.broadcast %get3A_17 : vector<1x128xf32> to vector<2000x128xf32>
    %add3A_19 = arith.addf %dot_general3A_14, %add3A_18 : vector<2000x128xf32>
    %slice3A = vector.extract_strided_slice %add3A_9 {offsets = [0, 0], sizes = [2000, 64], strides = [1, 1]} : vector<2000x128xf32> to vector<2000x64xf32>
    %slice3A_20 = vector.extract_strided_slice %add3A_9 {offsets = [0, 64], sizes = [2000, 64], strides = [1, 1]} : vector<2000x128xf32> to vector<2000x64xf32>
    %convert_element_type3A = arith.truncf %slice3A : vector<2000x64xf32> to vector<2000x64xbf16>
    %convert_element_type3A_21 = arith.extf %convert_element_type3A : vector<2000x64xbf16> to vector<2000x64xf32>
    %convert_element_type3A_22 = arith.truncf %slice3A_20 : vector<2000x64xf32> to vector<2000x64xbf16>
    %convert_element_type3A_23 = arith.extf %convert_element_type3A_22 : vector<2000x64xbf16> to vector<2000x64xf32>
    %bitcast_convert_type3A = tpu.bitcast %convert_element_type3A_21 : vector<2000x64xf32> -> vector<2000x64xi32>
    %bitcast_convert_type3A_24 = tpu.bitcast %convert_element_type3A_23 : vector<2000x64xf32> -> vector<2000x64xi32>
    %shift_right_logical3A = arith.constant 16 : i32
    %shift_right_logical3A_25 = vector.broadcast %shift_right_logical3A : i32 to vector<2000x64xi32>
    %shift_right_logical3A_26 = arith.shrui %bitcast_convert_type3A, %shift_right_logical3A_25 : vector<2000x64xi32>
    %and3A = arith.constant -65536 : i32
    %and3A_27 = vector.broadcast %and3A : i32 to vector<2000x64xi32>
    %and3A_28 = arith.andi %bitcast_convert_type3A_24, %and3A_27 : vector<2000x64xi32>
    %or3A = arith.ori %shift_right_logical3A_26, %and3A_28 : vector<2000x64xi32>
    %swap3A = arith.constant 0 : index
    %swap3A_29 = arith.constant 0 : index
    %swap3A_30 = vector.load %arg6[%swap3A, %swap3A_29] : memref<2000x64xi32, #tpu.memory_space<vmem>>, vector<2000x64xi32>
    tpu.vector_store %arg6[%swap3A, %swap3A_29], %or3A {strides = array<i32>} : memref<2000x64xi32, #tpu.memory_space<vmem>>, vector<2000x64xi32>,
    %slice3A_31 = vector.extract_strided_slice %add3A_19 {offsets = [0, 0], sizes = [2000, 64], strides = [1, 1]} : vector<2000x128xf32> to vector<2000x64xf32>
    %slice3A_32 = vector.extract_strided_slice %add3A_19 {offsets = [0, 64], sizes = [2000, 64], strides = [1, 1]} : vector<2000x128xf32> to vector<2000x64xf32>
    %convert_element_type3A_33 = arith.truncf %slice3A_31 : vector<2000x64xf32> to vector<2000x64xbf16>
    %convert_element_type3A_34 = arith.extf %convert_element_type3A_33 : vector<2000x64xbf16> to vector<2000x64xf32>
    %convert_element_type3A_35 = arith.truncf %slice3A_32 : vector<2000x64xf32> to vector<2000x64xbf16>
    %convert_element_type3A_36 = arith.extf %convert_element_type3A_35 : vector<2000x64xbf16> to vector<2000x64xf32>
    %bitcast_convert_type3A_37 = tpu.bitcast %convert_element_type3A_34 : vector<2000x64xf32> -> vector<2000x64xi32>
    %bitcast_convert_type3A_38 = tpu.bitcast %convert_element_type3A_36 : vector<2000x64xf32> -> vector<2000x64xi32>
    %shift_right_logical3A_39 = arith.constant 16 : i32
    %shift_right_logical3A_40 = vector.broadcast %shift_right_logical3A_39 : i32 to vector<2000x64xi32>
    %shift_right_logical3A_41 = arith.shrui %bitcast_convert_type3A_37, %shift_right_logical3A_40 : vector<2000x64xi32>
    %and3A_42 = arith.constant -65536 : i32
    %and3A_43 = vector.broadcast %and3A_42 : i32 to vector<2000x64xi32>
    %and3A_44 = arith.andi %bitcast_convert_type3A_38, %and3A_43 : vector<2000x64xi32>
    %or3A_45 = arith.ori %shift_right_logical3A_41, %and3A_44 : vector<2000x64xi32>
    %swap3A_46 = arith.constant 0 : index
    %swap3A_47 = arith.constant 0 : index
    %swap3A_48 = vector.load %arg7[%swap3A_46, %swap3A_47] : memref<2000x64xi32, #tpu.memory_space<vmem>>, vector<2000x64xi32>
    tpu.vector_store %arg7[%swap3A_46, %swap3A_47], %or3A_45 {strides = array<i32>} : memref<2000x64xi32, #tpu.memory_space<vmem>>, vector<2000x64xi32>,
    return
  }
  func.func @transform_0(%arg0: i32) -> (i32, i32) {
    %c0_i32 = arith.constant 0 : i32
    %c0_i32_0 = arith.constant 0 : i32
    return %arg0, %c0_i32 : i32, i32
  }
  func.func @transform_1(%arg0: i32) -> (i32, i32) {
    %c0_i32 = arith.constant 0 : i32
    %c0_i32_0 = arith.constant 0 : i32
    %c0_i32_1 = arith.constant 0 : i32
    return %c0_i32, %c0_i32_0 : i32, i32
  }
  func.func @transform_2(%arg0: i32) -> (i32, i32) {
    %c0_i32 = arith.constant 0 : i32
    %c0_i32_0 = arith.constant 0 : i32
    %c0_i32_1 = arith.constant 0 : i32
    return %c0_i32, %c0_i32_0 : i32, i32
  }
  func.func @transform_3(%arg0: i32) -> (i32, i32) {
    %c0_i32 = arith.constant 0 : i32
    %c0_i32_0 = arith.constant 0 : i32
    %c0_i32_1 = arith.constant 0 : i32
    return %c0_i32, %c0_i32_0 : i32, i32
  }
  func.func @transform_4(%arg0: i32) -> (i32, i32) {
    %c0_i32 = arith.constant 0 : i32
    %c0_i32_0 = arith.constant 0 : i32
    %c0_i32_1 = arith.constant 0 : i32
    return %c0_i32, %c0_i32_0 : i32, i32
  }
  func.func @transform_5(%arg0: i32) -> (i32, i32) {
    %c0_i32 = arith.constant 0 : i32
    %c0_i32_0 = arith.constant 0 : i32
    return %arg0, %c0_i32 : i32, i32
  }
  func.func @transform_6(%arg0: i32) -> (i32, i32) {
    %c0_i32 = arith.constant 0 : i32
    %c0_i32_0 = arith.constant 0 : i32
    return %arg0, %c0_i32 : i32, i32
  }
}

module attributes {stable_mosaic.version = 14 : i64} {
  func.func @_nproj_body(%arg0: i32, %arg1: memref<1000x128xf32, #tpu.memory_space<vmem>>, %arg2: memref<128x128xf32, #tpu.memory_space<vmem>>, %arg3: memref<128x128xf32, #tpu.memory_space<vmem>>, %arg4: memref<1x128xf32, #tpu.memory_space<vmem>>, %arg5: memref<1x128xf32, #tpu.memory_space<vmem>>, %arg6: memref<1000x128xf32, #tpu.memory_space<vmem>>, %arg7: memref<1000x128xf32, #tpu.memory_space<vmem>>, %arg8: memref<1000x128xi32, #tpu.memory_space<vmem>>) attributes {dimension_semantics = [#tpu.dimension_semantics<arbitrary>], iteration_bounds = array<i64: 10>, scalar_prefetch = 0 : i64, scratch_operands = 0 : i64, tpu.core_type = #tpu.core_type<tc>, window_params = [{transform_indices = @transform_0, window_bounds = array<i64: 1000, 128>}, {pipeline_mode = #tpu.pipeline_mode<synchronous>, transform_indices = @transform_1, window_bounds = array<i64: 128, 128>}, {pipeline_mode = #tpu.pipeline_mode<synchronous>, transform_indices = @transform_2, window_bounds = array<i64: 128, 128>}, {pipeline_mode = #tpu.pipeline_mode<synchronous>, transform_indices = @transform_3, window_bounds = array<i64: 1, 128>}, {pipeline_mode = #tpu.pipeline_mode<synchronous>, transform_indices = @transform_4, window_bounds = array<i64: 1, 128>}, {transform_indices = @transform_5, window_bounds = array<i64: 1000, 128>}, {transform_indices = @transform_6, window_bounds = array<i64: 1000, 128>}, {transform_indices = @transform_7, window_bounds = array<i64: 1000, 128>}]} {
    %get3A = arith.constant 0 : index
    %get3A_0 = arith.constant 0 : index
    %get3A_1 = vector.load %arg1[%get3A, %get3A_0] : memref<1000x128xf32, #tpu.memory_space<vmem>>, vector<1000x128xf32>
    %get3A_2 = arith.constant 0 : index
    %get3A_3 = arith.constant 0 : index
    %get3A_4 = vector.load %arg2[%get3A_2, %get3A_3] : memref<128x128xf32, #tpu.memory_space<vmem>>, vector<128x128xf32>
    %dot_general3A = arith.constant dense<0.000000e+00> : vector<1000x128xf32>
    %dot_general3A_5 = tpu.matmul %get3A_1, %get3A_4, %dot_general3A {dimension_numbers = #tpu.dot_dimension_numbers<[1], [0], [0], [1], [0, 0, 1, 1], [], []>, transpose_lhs_hint = false} : vector<1000x128xf32>, vector<128x128xf32>, vector<1000x128xf32> -> vector<1000x128xf32>
    %get3A_6 = arith.constant 0 : index
    %get3A_7 = arith.constant 0 : index
    %get3A_8 = vector.load %arg4[%get3A_6, %get3A_7] : memref<1x128xf32, #tpu.memory_space<vmem>>, vector<1x128xf32>
    %add3A = vector.broadcast %get3A_8 : vector<1x128xf32> to vector<1000x128xf32>
    %add3A_9 = arith.addf %dot_general3A_5, %add3A : vector<1000x128xf32>
    %get3A_10 = arith.constant 0 : index
    %get3A_11 = arith.constant 0 : index
    %get3A_12 = vector.load %arg3[%get3A_10, %get3A_11] : memref<128x128xf32, #tpu.memory_space<vmem>>, vector<128x128xf32>
    %dot_general3A_13 = arith.constant dense<0.000000e+00> : vector<1000x128xf32>
    %dot_general3A_14 = tpu.matmul %get3A_1, %get3A_12, %dot_general3A_13 {dimension_numbers = #tpu.dot_dimension_numbers<[1], [0], [0], [1], [0, 0, 1, 1], [], []>, transpose_lhs_hint = false} : vector<1000x128xf32>, vector<128x128xf32>, vector<1000x128xf32> -> vector<1000x128xf32>
    %get3A_15 = arith.constant 0 : index
    %get3A_16 = arith.constant 0 : index
    %get3A_17 = vector.load %arg5[%get3A_15, %get3A_16] : memref<1x128xf32, #tpu.memory_space<vmem>>, vector<1x128xf32>
    %add3A_18 = vector.broadcast %get3A_17 : vector<1x128xf32> to vector<1000x128xf32>
    %add3A_19 = arith.addf %dot_general3A_14, %add3A_18 : vector<1000x128xf32>
    %swap3A = arith.constant 0 : index
    %swap3A_20 = arith.constant 0 : index
    %swap3A_21 = vector.load %arg6[%swap3A, %swap3A_20] : memref<1000x128xf32, #tpu.memory_space<vmem>>, vector<1000x128xf32>
    tpu.vector_store %arg6[%swap3A, %swap3A_20], %add3A_9 {strides = array<i32>} : memref<1000x128xf32, #tpu.memory_space<vmem>>, vector<1000x128xf32>,
    %swap3A_22 = arith.constant 0 : index
    %swap3A_23 = arith.constant 0 : index
    %swap3A_24 = vector.load %arg7[%swap3A_22, %swap3A_23] : memref<1000x128xf32, #tpu.memory_space<vmem>>, vector<1000x128xf32>
    tpu.vector_store %arg7[%swap3A_22, %swap3A_23], %add3A_19 {strides = array<i32>} : memref<1000x128xf32, #tpu.memory_space<vmem>>, vector<1000x128xf32>,
    %convert_element_type3A = arith.truncf %add3A_9 : vector<1000x128xf32> to vector<1000x128xbf16>
    %convert_element_type3A_25 = arith.extf %convert_element_type3A : vector<1000x128xbf16> to vector<1000x128xf32>
    %convert_element_type3A_26 = arith.truncf %add3A_19 : vector<1000x128xf32> to vector<1000x128xbf16>
    %convert_element_type3A_27 = arith.extf %convert_element_type3A_26 : vector<1000x128xbf16> to vector<1000x128xf32>
    %bitcast_convert_type3A = tpu.bitcast %convert_element_type3A_25 : vector<1000x128xf32> -> vector<1000x128xi32>
    %bitcast_convert_type3A_28 = tpu.bitcast %convert_element_type3A_27 : vector<1000x128xf32> -> vector<1000x128xi32>
    %shift_right_logical3A = arith.constant 16 : i32
    %shift_right_logical3A_29 = vector.broadcast %shift_right_logical3A : i32 to vector<1000x128xi32>
    %shift_right_logical3A_30 = arith.shrui %bitcast_convert_type3A, %shift_right_logical3A_29 : vector<1000x128xi32>
    %and3A = arith.constant -65536 : i32
    %and3A_31 = vector.broadcast %and3A : i32 to vector<1000x128xi32>
    %and3A_32 = arith.andi %bitcast_convert_type3A_28, %and3A_31 : vector<1000x128xi32>
    %or3A = arith.ori %shift_right_logical3A_30, %and3A_32 : vector<1000x128xi32>
    %swap3A_33 = arith.constant 0 : index
    %swap3A_34 = arith.constant 0 : index
    %swap3A_35 = vector.load %arg8[%swap3A_33, %swap3A_34] : memref<1000x128xi32, #tpu.memory_space<vmem>>, vector<1000x128xi32>
    tpu.vector_store %arg8[%swap3A_33, %swap3A_34], %or3A {strides = array<i32>} : memref<1000x128xi32, #tpu.memory_space<vmem>>, vector<1000x128xi32>,
    return
  }
  func.func @transform_0(%arg0: i32) -> (i32, i32) {
    %c0_i32 = arith.constant 0 : i32
    %c0_i32_0 = arith.constant 0 : i32
    return %arg0, %c0_i32 : i32, i32
  }
  func.func @transform_1(%arg0: i32) -> (i32, i32) {
    %c0_i32 = arith.constant 0 : i32
    %c0_i32_0 = arith.constant 0 : i32
    %c0_i32_1 = arith.constant 0 : i32
    return %c0_i32, %c0_i32_0 : i32, i32
  }
  func.func @transform_2(%arg0: i32) -> (i32, i32) {
    %c0_i32 = arith.constant 0 : i32
    %c0_i32_0 = arith.constant 0 : i32
    %c0_i32_1 = arith.constant 0 : i32
    return %c0_i32, %c0_i32_0 : i32, i32
  }
  func.func @transform_3(%arg0: i32) -> (i32, i32) {
    %c0_i32 = arith.constant 0 : i32
    %c0_i32_0 = arith.constant 0 : i32
    %c0_i32_1 = arith.constant 0 : i32
    return %c0_i32, %c0_i32_0 : i32, i32
  }
  func.func @transform_4(%arg0: i32) -> (i32, i32) {
    %c0_i32 = arith.constant 0 : i32
    %c0_i32_0 = arith.constant 0 : i32
    %c0_i32_1 = arith.constant 0 : i32
    return %c0_i32, %c0_i32_0 : i32, i32
  }
  func.func @transform_5(%arg0: i32) -> (i32, i32) {
    %c0_i32 = arith.constant 0 : i32
    %c0_i32_0 = arith.constant 0 : i32
    return %arg0, %c0_i32 : i32, i32
  }
  func.func @transform_6(%arg0: i32) -> (i32, i32) {
    %c0_i32 = arith.constant 0 : i32
    %c0_i32_0 = arith.constant 0 : i32
    return %arg0, %c0_i32 : i32, i32
  }
  func.func @transform_7(%arg0: i32) -> (i32, i32) {
    %c0_i32 = arith.constant 0 : i32
    %c0_i32_0 = arith.constant 0 : i32
    return %arg0, %c0_i32 : i32, i32
  }
}

module attributes {stable_mosaic.version = 14 : i64} {
  func.func @_mlp_body(%arg0: i32, %arg1: memref<1x1xf32, #tpu.memory_space<smem>>, %arg2: memref<1000x128xf32, #tpu.memory_space<vmem>>, %arg3: memref<1000x128xf32, #tpu.memory_space<vmem>>, %arg4: memref<1000x128xf32, #tpu.memory_space<vmem>>, %arg5: memref<1000x128xf32, #tpu.memory_space<vmem>>, %arg6: memref<128x256xf32, #tpu.memory_space<vmem>>, %arg7: memref<128x256xf32, #tpu.memory_space<vmem>>, %arg8: memref<1x256xf32, #tpu.memory_space<vmem>>, %arg9: memref<256x128xf32, #tpu.memory_space<vmem>>, %arg10: memref<256x128xf32, #tpu.memory_space<vmem>>, %arg11: memref<1x128xf32, #tpu.memory_space<vmem>>, %arg12: memref<1x128xf32, #tpu.memory_space<vmem>>, %arg13: memref<1000x128xf32, #tpu.memory_space<vmem>>, %arg14: memref<1000x128xf32, #tpu.memory_space<vmem>>, %arg15: memref<1000x128xi32, #tpu.memory_space<vmem>>) attributes {dimension_semantics = [#tpu.dimension_semantics<arbitrary>], iteration_bounds = array<i64: 10>, scalar_prefetch = 0 : i64, scratch_operands = 0 : i64, tpu.core_type = #tpu.core_type<tc>, window_params = [{transform_indices = @transform_0, window_bounds = array<i64: 1, 1>}, {transform_indices = @transform_1, window_bounds = array<i64: 1000, 128>}, {transform_indices = @transform_2, window_bounds = array<i64: 1000, 128>}, {transform_indices = @transform_3, window_bounds = array<i64: 1000, 128>}, {transform_indices = @transform_4, window_bounds = array<i64: 1000, 128>}, {pipeline_mode = #tpu.pipeline_mode<synchronous>, transform_indices = @transform_5, window_bounds = array<i64: 128, 256>}, {pipeline_mode = #tpu.pipeline_mode<synchronous>, transform_indices = @transform_6, window_bounds = array<i64: 128, 256>}, {pipeline_mode = #tpu.pipeline_mode<synchronous>, transform_indices = @transform_7, window_bounds = array<i64: 1, 256>}, {pipeline_mode = #tpu.pipeline_mode<synchronous>, transform_indices = @transform_8, window_bounds = array<i64: 256, 128>}, {pipeline_mode = #tpu.pipeline_mode<synchronous>, transform_indices = @transform_9, window_bounds = array<i64: 256, 128>}, {pipeline_mode = #tpu.pipeline_mode<synchronous>, transform_indices = @transform_10, window_bounds = array<i64: 1, 128>}, {pipeline_mode = #tpu.pipeline_mode<synchronous>, transform_indices = @transform_11, window_bounds = array<i64: 1, 128>}, {transform_indices = @transform_12, window_bounds = array<i64: 1000, 128>}, {transform_indices = @transform_13, window_bounds = array<i64: 1000, 128>}, {transform_indices = @transform_14, window_bounds = array<i64: 1000, 128>}]} {
    %get3A = arith.constant 0 : index
    %get3A_0 = arith.constant 0 : index
    %get3A_1 = memref.load %arg1[%get3A, %get3A_0] : memref<1x1xf32, #tpu.memory_space<smem>>
    %get3A_2 = arith.constant 0 : index
    %get3A_3 = arith.constant 0 : index
    %get3A_4 = vector.load %arg2[%get3A_2, %get3A_3] : memref<1000x128xf32, #tpu.memory_space<vmem>>, vector<1000x128xf32>
    %get3A_5 = arith.constant 0 : index
    %get3A_6 = arith.constant 0 : index
    %get3A_7 = vector.load %arg3[%get3A_5, %get3A_6] : memref<1000x128xf32, #tpu.memory_space<vmem>>, vector<1000x128xf32>
    %mul3A = vector.broadcast %get3A_1 : f32 to vector<1000x128xf32>
    %mul3A_8 = arith.mulf %mul3A, %get3A_4 : vector<1000x128xf32>
    %get3A_9 = arith.constant 0 : index
    %get3A_10 = arith.constant 0 : index
    %get3A_11 = vector.load %arg4[%get3A_9, %get3A_10] : memref<1000x128xf32, #tpu.memory_space<vmem>>, vector<1000x128xf32>
    %add3A = arith.addf %mul3A_8, %get3A_11 : vector<1000x128xf32>
    %mul3A_12 = vector.broadcast %get3A_1 : f32 to vector<1000x128xf32>
    %mul3A_13 = arith.mulf %mul3A_12, %get3A_7 : vector<1000x128xf32>
    %get3A_14 = arith.constant 0 : index
    %get3A_15 = arith.constant 0 : index
    %get3A_16 = vector.load %arg5[%get3A_14, %get3A_15] : memref<1000x128xf32, #tpu.memory_space<vmem>>, vector<1000x128xf32>
    %add3A_17 = arith.addf %mul3A_13, %get3A_16 : vector<1000x128xf32>
    %get3A_18 = arith.constant 0 : index
    %get3A_19 = arith.constant 0 : index
    %get3A_20 = vector.load %arg6[%get3A_18, %get3A_19] : memref<128x256xf32, #tpu.memory_space<vmem>>, vector<128x256xf32>
    %dot_general3A = arith.constant dense<0.000000e+00> : vector<1000x256xf32>
    %dot_general3A_21 = tpu.matmul %add3A, %get3A_20, %dot_general3A {dimension_numbers = #tpu.dot_dimension_numbers<[1], [0], [0], [1], [0, 0, 1, 1], [], []>, transpose_lhs_hint = false} : vector<1000x128xf32>, vector<128x256xf32>, vector<1000x256xf32> -> vector<1000x256xf32>
    %get3A_22 = arith.constant 0 : index
    %get3A_23 = arith.constant 0 : index
    %get3A_24 = vector.load %arg7[%get3A_22, %get3A_23] : memref<128x256xf32, #tpu.memory_space<vmem>>, vector<128x256xf32>
    %dot_general3A_25 = arith.constant dense<0.000000e+00> : vector<1000x256xf32>
    %dot_general3A_26 = tpu.matmul %add3A_17, %get3A_24, %dot_general3A_25 {dimension_numbers = #tpu.dot_dimension_numbers<[1], [0], [0], [1], [0, 0, 1, 1], [], []>, transpose_lhs_hint = false} : vector<1000x128xf32>, vector<128x256xf32>, vector<1000x256xf32> -> vector<1000x256xf32>
    %add3A_27 = arith.addf %dot_general3A_21, %dot_general3A_26 : vector<1000x256xf32>
    %get3A_28 = arith.constant 0 : index
    %get3A_29 = arith.constant 0 : index
    %get3A_30 = vector.load %arg8[%get3A_28, %get3A_29] : memref<1x256xf32, #tpu.memory_space<vmem>>, vector<1x256xf32>
    %add3A_31 = vector.broadcast %get3A_30 : vector<1x256xf32> to vector<1000x256xf32>
    %add3A_32 = arith.addf %add3A_27, %add3A_31 : vector<1000x256xf32>
    %max3A = arith.constant 0.000000e+00 : f32
    %max3A_33 = vector.broadcast %max3A : f32 to vector<1000x256xf32>
    %max3A_34 = arith.maximumf %add3A_32, %max3A_33 : vector<1000x256xf32>
    %get3A_35 = arith.constant 0 : index
    %get3A_36 = arith.constant 0 : index
    %get3A_37 = vector.load %arg9[%get3A_35, %get3A_36] : memref<256x128xf32, #tpu.memory_space<vmem>>, vector<256x128xf32>
    %dot_general3A_38 = arith.constant dense<0.000000e+00> : vector<1000x128xf32>
    %dot_general3A_39 = tpu.matmul %max3A_34, %get3A_37, %dot_general3A_38 {dimension_numbers = #tpu.dot_dimension_numbers<[1], [0], [0], [1], [0, 0, 1, 1], [], []>, transpose_lhs_hint = false} : vector<1000x256xf32>, vector<256x128xf32>, vector<1000x128xf32> -> vector<1000x128xf32>
    %get3A_40 = arith.constant 0 : index
    %get3A_41 = arith.constant 0 : index
    %get3A_42 = vector.load %arg11[%get3A_40, %get3A_41] : memref<1x128xf32, #tpu.memory_space<vmem>>, vector<1x128xf32>
    %add3A_43 = vector.broadcast %get3A_42 : vector<1x128xf32> to vector<1000x128xf32>
    %add3A_44 = arith.addf %dot_general3A_39, %add3A_43 : vector<1000x128xf32>
    %add3A_45 = arith.addf %add3A_44, %get3A_4 : vector<1000x128xf32>
    %get3A_46 = arith.constant 0 : index
    %get3A_47 = arith.constant 0 : index
    %get3A_48 = vector.load %arg10[%get3A_46, %get3A_47] : memref<256x128xf32, #tpu.memory_space<vmem>>, vector<256x128xf32>
    %dot_general3A_49 = arith.constant dense<0.000000e+00> : vector<1000x128xf32>
    %dot_general3A_50 = tpu.matmul %max3A_34, %get3A_48, %dot_general3A_49 {dimension_numbers = #tpu.dot_dimension_numbers<[1], [0], [0], [1], [0, 0, 1, 1], [], []>, transpose_lhs_hint = false} : vector<1000x256xf32>, vector<256x128xf32>, vector<1000x128xf32> -> vector<1000x128xf32>
    %get3A_51 = arith.constant 0 : index
    %get3A_52 = arith.constant 0 : index
    %get3A_53 = vector.load %arg12[%get3A_51, %get3A_52] : memref<1x128xf32, #tpu.memory_space<vmem>>, vector<1x128xf32>
    %add3A_54 = vector.broadcast %get3A_53 : vector<1x128xf32> to vector<1000x128xf32>
    %add3A_55 = arith.addf %dot_general3A_50, %add3A_54 : vector<1000x128xf32>
    %add3A_56 = arith.addf %add3A_55, %get3A_7 : vector<1000x128xf32>
    %max3A_57 = arith.constant 0.000000e+00 : f32
    %max3A_58 = vector.broadcast %max3A_57 : f32 to vector<1000x128xf32>
    %max3A_59 = arith.maximumf %add3A_45, %max3A_58 : vector<1000x128xf32>
    %max3A_60 = arith.constant 0.000000e+00 : f32
    %max3A_61 = vector.broadcast %max3A_60 : f32 to vector<1000x128xf32>
    %max3A_62 = arith.maximumf %add3A_56, %max3A_61 : vector<1000x128xf32>
    %swap3A = arith.constant 0 : index
    %swap3A_63 = arith.constant 0 : index
    %swap3A_64 = vector.load %arg13[%swap3A, %swap3A_63] : memref<1000x128xf32, #tpu.memory_space<vmem>>, vector<1000x128xf32>
    tpu.vector_store %arg13[%swap3A, %swap3A_63], %max3A_59 {strides = array<i32>} : memref<1000x128xf32, #tpu.memory_space<vmem>>, vector<1000x128xf32>,
    %swap3A_65 = arith.constant 0 : index
    %swap3A_66 = arith.constant 0 : index
    %swap3A_67 = vector.load %arg14[%swap3A_65, %swap3A_66] : memref<1000x128xf32, #tpu.memory_space<vmem>>, vector<1000x128xf32>
    tpu.vector_store %arg14[%swap3A_65, %swap3A_66], %max3A_62 {strides = array<i32>} : memref<1000x128xf32, #tpu.memory_space<vmem>>, vector<1000x128xf32>,
    %convert_element_type3A = arith.truncf %max3A_59 : vector<1000x128xf32> to vector<1000x128xbf16>
    %convert_element_type3A_68 = arith.extf %convert_element_type3A : vector<1000x128xbf16> to vector<1000x128xf32>
    %convert_element_type3A_69 = arith.truncf %max3A_62 : vector<1000x128xf32> to vector<1000x128xbf16>
    %convert_element_type3A_70 = arith.extf %convert_element_type3A_69 : vector<1000x128xbf16> to vector<1000x128xf32>
    %bitcast_convert_type3A = tpu.bitcast %convert_element_type3A_68 : vector<1000x128xf32> -> vector<1000x128xi32>
    %bitcast_convert_type3A_71 = tpu.bitcast %convert_element_type3A_70 : vector<1000x128xf32> -> vector<1000x128xi32>
    %shift_right_logical3A = arith.constant 16 : i32
    %shift_right_logical3A_72 = vector.broadcast %shift_right_logical3A : i32 to vector<1000x128xi32>
    %shift_right_logical3A_73 = arith.shrui %bitcast_convert_type3A, %shift_right_logical3A_72 : vector<1000x128xi32>
    %and3A = arith.constant -65536 : i32
    %and3A_74 = vector.broadcast %and3A : i32 to vector<1000x128xi32>
    %and3A_75 = arith.andi %bitcast_convert_type3A_71, %and3A_74 : vector<1000x128xi32>
    %or3A = arith.ori %shift_right_logical3A_73, %and3A_75 : vector<1000x128xi32>
    %swap3A_76 = arith.constant 0 : index
    %swap3A_77 = arith.constant 0 : index
    %swap3A_78 = vector.load %arg15[%swap3A_76, %swap3A_77] : memref<1000x128xi32, #tpu.memory_space<vmem>>, vector<1000x128xi32>
    tpu.vector_store %arg15[%swap3A_76, %swap3A_77], %or3A {strides = array<i32>} : memref<1000x128xi32, #tpu.memory_space<vmem>>, vector<1000x128xi32>,
    return
  }
  func.func @transform_0(%arg0: i32) -> (i32, i32) {
    %c0_i32 = arith.constant 0 : i32
    %c0_i32_0 = arith.constant 0 : i32
    %c0_i32_1 = arith.constant 0 : i32
    return %c0_i32, %c0_i32_0 : i32, i32
  }
  func.func @transform_1(%arg0: i32) -> (i32, i32) {
    %c0_i32 = arith.constant 0 : i32
    %c0_i32_0 = arith.constant 0 : i32
    return %arg0, %c0_i32 : i32, i32
  }
  func.func @transform_2(%arg0: i32) -> (i32, i32) {
    %c0_i32 = arith.constant 0 : i32
    %c0_i32_0 = arith.constant 0 : i32
    return %arg0, %c0_i32 : i32, i32
  }
  func.func @transform_3(%arg0: i32) -> (i32, i32) {
    %c0_i32 = arith.constant 0 : i32
    %c0_i32_0 = arith.constant 0 : i32
    return %arg0, %c0_i32 : i32, i32
  }
  func.func @transform_4(%arg0: i32) -> (i32, i32) {
    %c0_i32 = arith.constant 0 : i32
    %c0_i32_0 = arith.constant 0 : i32
    return %arg0, %c0_i32 : i32, i32
  }
  func.func @transform_5(%arg0: i32) -> (i32, i32) {
    %c0_i32 = arith.constant 0 : i32
    %c0_i32_0 = arith.constant 0 : i32
    %c0_i32_1 = arith.constant 0 : i32
    return %c0_i32, %c0_i32_0 : i32, i32
  }
  func.func @transform_6(%arg0: i32) -> (i32, i32) {
    %c0_i32 = arith.constant 0 : i32
    %c0_i32_0 = arith.constant 0 : i32
    %c0_i32_1 = arith.constant 0 : i32
    return %c0_i32, %c0_i32_0 : i32, i32
  }
  func.func @transform_7(%arg0: i32) -> (i32, i32) {
    %c0_i32 = arith.constant 0 : i32
    %c0_i32_0 = arith.constant 0 : i32
    %c0_i32_1 = arith.constant 0 : i32
    return %c0_i32, %c0_i32_0 : i32, i32
  }
  func.func @transform_8(%arg0: i32) -> (i32, i32) {
    %c0_i32 = arith.constant 0 : i32
    %c0_i32_0 = arith.constant 0 : i32
    %c0_i32_1 = arith.constant 0 : i32
    return %c0_i32, %c0_i32_0 : i32, i32
  }
  func.func @transform_9(%arg0: i32) -> (i32, i32) {
    %c0_i32 = arith.constant 0 : i32
    %c0_i32_0 = arith.constant 0 : i32
    %c0_i32_1 = arith.constant 0 : i32
    return %c0_i32, %c0_i32_0 : i32, i32
  }
  func.func @transform_10(%arg0: i32) -> (i32, i32) {
    %c0_i32 = arith.constant 0 : i32
    %c0_i32_0 = arith.constant 0 : i32
    %c0_i32_1 = arith.constant 0 : i32
    return %c0_i32, %c0_i32_0 : i32, i32
  }
  func.func @transform_11(%arg0: i32) -> (i32, i32) {
    %c0_i32 = arith.constant 0 : i32
    %c0_i32_0 = arith.constant 0 : i32
    %c0_i32_1 = arith.constant 0 : i32
    return %c0_i32, %c0_i32_0 : i32, i32
  }
  func.func @transform_12(%arg0: i32) -> (i32, i32) {
    %c0_i32 = arith.constant 0 : i32
    %c0_i32_0 = arith.constant 0 : i32
    return %arg0, %c0_i32 : i32, i32
  }
  func.func @transform_13(%arg0: i32) -> (i32, i32) {
    %c0_i32 = arith.constant 0 : i32
    %c0_i32_0 = arith.constant 0 : i32
    return %arg0, %c0_i32 : i32, i32
  }
  func.func @transform_14(%arg0: i32) -> (i32, i32) {
    %c0_i32 = arith.constant 0 : i32
    %c0_i32_0 = arith.constant 0 : i32
    return %arg0, %c0_i32 : i32, i32
  }
}

module attributes {stable_mosaic.version = 14 : i64} {
  func.func @_mlp_body(%arg0: i32, %arg1: memref<1x1xf32, #tpu.memory_space<smem>>, %arg2: memref<1000x128xf32, #tpu.memory_space<vmem>>, %arg3: memref<1000x128xf32, #tpu.memory_space<vmem>>, %arg4: memref<1000x128xf32, #tpu.memory_space<vmem>>, %arg5: memref<1000x128xf32, #tpu.memory_space<vmem>>, %arg6: memref<128x256xf32, #tpu.memory_space<vmem>>, %arg7: memref<128x256xf32, #tpu.memory_space<vmem>>, %arg8: memref<1x256xf32, #tpu.memory_space<vmem>>, %arg9: memref<256x128xf32, #tpu.memory_space<vmem>>, %arg10: memref<256x128xf32, #tpu.memory_space<vmem>>, %arg11: memref<1x128xf32, #tpu.memory_space<vmem>>, %arg12: memref<1x128xf32, #tpu.memory_space<vmem>>, %arg13: memref<1000x128xf32, #tpu.memory_space<vmem>>, %arg14: memref<1000x128xf32, #tpu.memory_space<vmem>>, %arg15: memref<1000x128xi32, #tpu.memory_space<vmem>>) attributes {dimension_semantics = [#tpu.dimension_semantics<arbitrary>], iteration_bounds = array<i64: 10>, scalar_prefetch = 0 : i64, scratch_operands = 0 : i64, tpu.core_type = #tpu.core_type<tc>, window_params = [{transform_indices = @transform_0, window_bounds = array<i64: 1, 1>}, {transform_indices = @transform_1, window_bounds = array<i64: 1000, 128>}, {transform_indices = @transform_2, window_bounds = array<i64: 1000, 128>}, {transform_indices = @transform_3, window_bounds = array<i64: 1000, 128>}, {transform_indices = @transform_4, window_bounds = array<i64: 1000, 128>}, {pipeline_mode = #tpu.pipeline_mode<synchronous>, transform_indices = @transform_5, window_bounds = array<i64: 128, 256>}, {pipeline_mode = #tpu.pipeline_mode<synchronous>, transform_indices = @transform_6, window_bounds = array<i64: 128, 256>}, {pipeline_mode = #tpu.pipeline_mode<synchronous>, transform_indices = @transform_7, window_bounds = array<i64: 1, 256>}, {pipeline_mode = #tpu.pipeline_mode<synchronous>, transform_indices = @transform_8, window_bounds = array<i64: 256, 128>}, {pipeline_mode = #tpu.pipeline_mode<synchronous>, transform_indices = @transform_9, window_bounds = array<i64: 256, 128>}, {pipeline_mode = #tpu.pipeline_mode<synchronous>, transform_indices = @transform_10, window_bounds = array<i64: 1, 128>}, {pipeline_mode = #tpu.pipeline_mode<synchronous>, transform_indices = @transform_11, window_bounds = array<i64: 1, 128>}, {transform_indices = @transform_12, window_bounds = array<i64: 1000, 128>}, {transform_indices = @transform_13, window_bounds = array<i64: 1000, 128>}, {transform_indices = @transform_14, window_bounds = array<i64: 1000, 128>}]} {
    %get3A = arith.constant 0 : index
    %get3A_0 = arith.constant 0 : index
    %get3A_1 = memref.load %arg1[%get3A, %get3A_0] : memref<1x1xf32, #tpu.memory_space<smem>>
    %get3A_2 = arith.constant 0 : index
    %get3A_3 = arith.constant 0 : index
    %get3A_4 = vector.load %arg2[%get3A_2, %get3A_3] : memref<1000x128xf32, #tpu.memory_space<vmem>>, vector<1000x128xf32>
    %get3A_5 = arith.constant 0 : index
    %get3A_6 = arith.constant 0 : index
    %get3A_7 = vector.load %arg3[%get3A_5, %get3A_6] : memref<1000x128xf32, #tpu.memory_space<vmem>>, vector<1000x128xf32>
    %mul3A = vector.broadcast %get3A_1 : f32 to vector<1000x128xf32>
    %mul3A_8 = arith.mulf %mul3A, %get3A_4 : vector<1000x128xf32>
    %get3A_9 = arith.constant 0 : index
    %get3A_10 = arith.constant 0 : index
    %get3A_11 = vector.load %arg4[%get3A_9, %get3A_10] : memref<1000x128xf32, #tpu.memory_space<vmem>>, vector<1000x128xf32>
    %add3A = arith.addf %mul3A_8, %get3A_11 : vector<1000x128xf32>
    %mul3A_12 = vector.broadcast %get3A_1 : f32 to vector<1000x128xf32>
    %mul3A_13 = arith.mulf %mul3A_12, %get3A_7 : vector<1000x128xf32>
    %get3A_14 = arith.constant 0 : index
    %get3A_15 = arith.constant 0 : index
    %get3A_16 = vector.load %arg5[%get3A_14, %get3A_15] : memref<1000x128xf32, #tpu.memory_space<vmem>>, vector<1000x128xf32>
    %add3A_17 = arith.addf %mul3A_13, %get3A_16 : vector<1000x128xf32>
    %get3A_18 = arith.constant 0 : index
    %get3A_19 = arith.constant 0 : index
    %get3A_20 = vector.load %arg6[%get3A_18, %get3A_19] : memref<128x256xf32, #tpu.memory_space<vmem>>, vector<128x256xf32>
    %dot_general3A = arith.constant dense<0.000000e+00> : vector<1000x256xf32>
    %dot_general3A_21 = tpu.matmul %add3A, %get3A_20, %dot_general3A {dimension_numbers = #tpu.dot_dimension_numbers<[1], [0], [0], [1], [0, 0, 1, 1], [], []>, transpose_lhs_hint = false} : vector<1000x128xf32>, vector<128x256xf32>, vector<1000x256xf32> -> vector<1000x256xf32>
    %get3A_22 = arith.constant 0 : index
    %get3A_23 = arith.constant 0 : index
    %get3A_24 = vector.load %arg7[%get3A_22, %get3A_23] : memref<128x256xf32, #tpu.memory_space<vmem>>, vector<128x256xf32>
    %dot_general3A_25 = arith.constant dense<0.000000e+00> : vector<1000x256xf32>
    %dot_general3A_26 = tpu.matmul %add3A_17, %get3A_24, %dot_general3A_25 {dimension_numbers = #tpu.dot_dimension_numbers<[1], [0], [0], [1], [0, 0, 1, 1], [], []>, transpose_lhs_hint = false} : vector<1000x128xf32>, vector<128x256xf32>, vector<1000x256xf32> -> vector<1000x256xf32>
    %add3A_27 = arith.addf %dot_general3A_21, %dot_general3A_26 : vector<1000x256xf32>
    %get3A_28 = arith.constant 0 : index
    %get3A_29 = arith.constant 0 : index
    %get3A_30 = vector.load %arg8[%get3A_28, %get3A_29] : memref<1x256xf32, #tpu.memory_space<vmem>>, vector<1x256xf32>
    %add3A_31 = vector.broadcast %get3A_30 : vector<1x256xf32> to vector<1000x256xf32>
    %add3A_32 = arith.addf %add3A_27, %add3A_31 : vector<1000x256xf32>
    %max3A = arith.constant 0.000000e+00 : f32
    %max3A_33 = vector.broadcast %max3A : f32 to vector<1000x256xf32>
    %max3A_34 = arith.maximumf %add3A_32, %max3A_33 : vector<1000x256xf32>
    %get3A_35 = arith.constant 0 : index
    %get3A_36 = arith.constant 0 : index
    %get3A_37 = vector.load %arg9[%get3A_35, %get3A_36] : memref<256x128xf32, #tpu.memory_space<vmem>>, vector<256x128xf32>
    %dot_general3A_38 = arith.constant dense<0.000000e+00> : vector<1000x128xf32>
    %dot_general3A_39 = tpu.matmul %max3A_34, %get3A_37, %dot_general3A_38 {dimension_numbers = #tpu.dot_dimension_numbers<[1], [0], [0], [1], [0, 0, 1, 1], [], []>, transpose_lhs_hint = false} : vector<1000x256xf32>, vector<256x128xf32>, vector<1000x128xf32> -> vector<1000x128xf32>
    %get3A_40 = arith.constant 0 : index
    %get3A_41 = arith.constant 0 : index
    %get3A_42 = vector.load %arg11[%get3A_40, %get3A_41] : memref<1x128xf32, #tpu.memory_space<vmem>>, vector<1x128xf32>
    %add3A_43 = vector.broadcast %get3A_42 : vector<1x128xf32> to vector<1000x128xf32>
    %add3A_44 = arith.addf %dot_general3A_39, %add3A_43 : vector<1000x128xf32>
    %add3A_45 = arith.addf %add3A_44, %get3A_4 : vector<1000x128xf32>
    %get3A_46 = arith.constant 0 : index
    %get3A_47 = arith.constant 0 : index
    %get3A_48 = vector.load %arg10[%get3A_46, %get3A_47] : memref<256x128xf32, #tpu.memory_space<vmem>>, vector<256x128xf32>
    %dot_general3A_49 = arith.constant dense<0.000000e+00> : vector<1000x128xf32>
    %dot_general3A_50 = tpu.matmul %max3A_34, %get3A_48, %dot_general3A_49 {dimension_numbers = #tpu.dot_dimension_numbers<[1], [0], [0], [1], [0, 0, 1, 1], [], []>, transpose_lhs_hint = false} : vector<1000x256xf32>, vector<256x128xf32>, vector<1000x128xf32> -> vector<1000x128xf32>
    %get3A_51 = arith.constant 0 : index
    %get3A_52 = arith.constant 0 : index
    %get3A_53 = vector.load %arg12[%get3A_51, %get3A_52] : memref<1x128xf32, #tpu.memory_space<vmem>>, vector<1x128xf32>
    %add3A_54 = vector.broadcast %get3A_53 : vector<1x128xf32> to vector<1000x128xf32>
    %add3A_55 = arith.addf %dot_general3A_50, %add3A_54 : vector<1000x128xf32>
    %add3A_56 = arith.addf %add3A_55, %get3A_7 : vector<1000x128xf32>
    %max3A_57 = arith.constant 0.000000e+00 : f32
    %max3A_58 = vector.broadcast %max3A_57 : f32 to vector<1000x128xf32>
    %max3A_59 = arith.maximumf %add3A_45, %max3A_58 : vector<1000x128xf32>
    %max3A_60 = arith.constant 0.000000e+00 : f32
    %max3A_61 = vector.broadcast %max3A_60 : f32 to vector<1000x128xf32>
    %max3A_62 = arith.maximumf %add3A_56, %max3A_61 : vector<1000x128xf32>
    %swap3A = arith.constant 0 : index
    %swap3A_63 = arith.constant 0 : index
    %swap3A_64 = vector.load %arg13[%swap3A, %swap3A_63] : memref<1000x128xf32, #tpu.memory_space<vmem>>, vector<1000x128xf32>
    tpu.vector_store %arg13[%swap3A, %swap3A_63], %max3A_59 {strides = array<i32>} : memref<1000x128xf32, #tpu.memory_space<vmem>>, vector<1000x128xf32>,
    %swap3A_65 = arith.constant 0 : index
    %swap3A_66 = arith.constant 0 : index
    %swap3A_67 = vector.load %arg14[%swap3A_65, %swap3A_66] : memref<1000x128xf32, #tpu.memory_space<vmem>>, vector<1000x128xf32>
    tpu.vector_store %arg14[%swap3A_65, %swap3A_66], %max3A_62 {strides = array<i32>} : memref<1000x128xf32, #tpu.memory_space<vmem>>, vector<1000x128xf32>,
    %convert_element_type3A = arith.truncf %max3A_59 : vector<1000x128xf32> to vector<1000x128xbf16>
    %convert_element_type3A_68 = arith.extf %convert_element_type3A : vector<1000x128xbf16> to vector<1000x128xf32>
    %convert_element_type3A_69 = arith.truncf %max3A_62 : vector<1000x128xf32> to vector<1000x128xbf16>
    %convert_element_type3A_70 = arith.extf %convert_element_type3A_69 : vector<1000x128xbf16> to vector<1000x128xf32>
    %bitcast_convert_type3A = tpu.bitcast %convert_element_type3A_68 : vector<1000x128xf32> -> vector<1000x128xi32>
    %bitcast_convert_type3A_71 = tpu.bitcast %convert_element_type3A_70 : vector<1000x128xf32> -> vector<1000x128xi32>
    %shift_right_logical3A = arith.constant 16 : i32
    %shift_right_logical3A_72 = vector.broadcast %shift_right_logical3A : i32 to vector<1000x128xi32>
    %shift_right_logical3A_73 = arith.shrui %bitcast_convert_type3A, %shift_right_logical3A_72 : vector<1000x128xi32>
    %and3A = arith.constant -65536 : i32
    %and3A_74 = vector.broadcast %and3A : i32 to vector<1000x128xi32>
    %and3A_75 = arith.andi %bitcast_convert_type3A_71, %and3A_74 : vector<1000x128xi32>
    %or3A = arith.ori %shift_right_logical3A_73, %and3A_75 : vector<1000x128xi32>
    %swap3A_76 = arith.constant 0 : index
    %swap3A_77 = arith.constant 0 : index
    %swap3A_78 = vector.load %arg15[%swap3A_76, %swap3A_77] : memref<1000x128xi32, #tpu.memory_space<vmem>>, vector<1000x128xi32>
    tpu.vector_store %arg15[%swap3A_76, %swap3A_77], %or3A {strides = array<i32>} : memref<1000x128xi32, #tpu.memory_space<vmem>>, vector<1000x128xi32>,
    return
  }
  func.func @transform_0(%arg0: i32) -> (i32, i32) {
    %c0_i32 = arith.constant 0 : i32
    %c0_i32_0 = arith.constant 0 : i32
    %c0_i32_1 = arith.constant 0 : i32
    return %c0_i32, %c0_i32_0 : i32, i32
  }
  func.func @transform_1(%arg0: i32) -> (i32, i32) {
    %c0_i32 = arith.constant 0 : i32
    %c0_i32_0 = arith.constant 0 : i32
    return %arg0, %c0_i32 : i32, i32
  }
  func.func @transform_2(%arg0: i32) -> (i32, i32) {
    %c0_i32 = arith.constant 0 : i32
    %c0_i32_0 = arith.constant 0 : i32
    return %arg0, %c0_i32 : i32, i32
  }
  func.func @transform_3(%arg0: i32) -> (i32, i32) {
    %c0_i32 = arith.constant 0 : i32
    %c0_i32_0 = arith.constant 0 : i32
    return %arg0, %c0_i32 : i32, i32
  }
  func.func @transform_4(%arg0: i32) -> (i32, i32) {
    %c0_i32 = arith.constant 0 : i32
    %c0_i32_0 = arith.constant 0 : i32
    return %arg0, %c0_i32 : i32, i32
  }
  func.func @transform_5(%arg0: i32) -> (i32, i32) {
    %c0_i32 = arith.constant 0 : i32
    %c0_i32_0 = arith.constant 0 : i32
    %c0_i32_1 = arith.constant 0 : i32
    return %c0_i32, %c0_i32_0 : i32, i32
  }
  func.func @transform_6(%arg0: i32) -> (i32, i32) {
    %c0_i32 = arith.constant 0 : i32
    %c0_i32_0 = arith.constant 0 : i32
    %c0_i32_1 = arith.constant 0 : i32
    return %c0_i32, %c0_i32_0 : i32, i32
  }
  func.func @transform_7(%arg0: i32) -> (i32, i32) {
    %c0_i32 = arith.constant 0 : i32
    %c0_i32_0 = arith.constant 0 : i32
    %c0_i32_1 = arith.constant 0 : i32
    return %c0_i32, %c0_i32_0 : i32, i32
  }
  func.func @transform_8(%arg0: i32) -> (i32, i32) {
    %c0_i32 = arith.constant 0 : i32
    %c0_i32_0 = arith.constant 0 : i32
    %c0_i32_1 = arith.constant 0 : i32
    return %c0_i32, %c0_i32_0 : i32, i32
  }
  func.func @transform_9(%arg0: i32) -> (i32, i32) {
    %c0_i32 = arith.constant 0 : i32
    %c0_i32_0 = arith.constant 0 : i32
    %c0_i32_1 = arith.constant 0 : i32
    return %c0_i32, %c0_i32_0 : i32, i32
  }
  func.func @transform_10(%arg0: i32) -> (i32, i32) {
    %c0_i32 = arith.constant 0 : i32
    %c0_i32_0 = arith.constant 0 : i32
    %c0_i32_1 = arith.constant 0 : i32
    return %c0_i32, %c0_i32_0 : i32, i32
  }
  func.func @transform_11(%arg0: i32) -> (i32, i32) {
    %c0_i32 = arith.constant 0 : i32
    %c0_i32_0 = arith.constant 0 : i32
    %c0_i32_1 = arith.constant 0 : i32
    return %c0_i32, %c0_i32_0 : i32, i32
  }
  func.func @transform_12(%arg0: i32) -> (i32, i32) {
    %c0_i32 = arith.constant 0 : i32
    %c0_i32_0 = arith.constant 0 : i32
    return %arg0, %c0_i32 : i32, i32
  }
  func.func @transform_13(%arg0: i32) -> (i32, i32) {
    %c0_i32 = arith.constant 0 : i32
    %c0_i32_0 = arith.constant 0 : i32
    return %arg0, %c0_i32 : i32, i32
  }
  func.func @transform_14(%arg0: i32) -> (i32, i32) {
    %c0_i32 = arith.constant 0 : i32
    %c0_i32_0 = arith.constant 0 : i32
    return %arg0, %c0_i32 : i32, i32
  }
}

module attributes {stable_mosaic.version = 14 : i64} {
  func.func @_head_body(%arg0: memref<1x1xf32, #tpu.memory_space<smem>>, %arg1: memref<10000x128xf32, #tpu.memory_space<vmem>>, %arg2: memref<10000x128xf32, #tpu.memory_space<vmem>>, %arg3: memref<128x256xf32, #tpu.memory_space<vmem>>, %arg4: memref<128x256xf32, #tpu.memory_space<vmem>>, %arg5: memref<1x256xf32, #tpu.memory_space<vmem>>, %arg6: memref<1x256xf32, #tpu.memory_space<vmem>>) attributes {dimension_semantics = [], scalar_prefetch = 0 : i64, scratch_operands = 0 : i64, tpu.core_type = #tpu.core_type<tc>} {
    %get3A = arith.constant 0 : index
    %get3A_0 = arith.constant 0 : index
    %get3A_1 = memref.load %arg0[%get3A, %get3A_0] : memref<1x1xf32, #tpu.memory_space<smem>>
    %get3A_2 = arith.constant 0 : index
    %get3A_3 = arith.constant 0 : index
    %get3A_4 = vector.load %arg1[%get3A_2, %get3A_3] : memref<10000x128xf32, #tpu.memory_space<vmem>>, vector<10000x128xf32>
    %get3A_5 = arith.constant 0 : index
    %get3A_6 = arith.constant 0 : index
    %get3A_7 = vector.load %arg2[%get3A_5, %get3A_6] : memref<10000x128xf32, #tpu.memory_space<vmem>>, vector<10000x128xf32>
    %reduce_sum3A = arith.constant dense<0.000000e+00> : vector<128xf32>
    %reduce_sum3A_8 = vector.multi_reduction <add>, %get3A_4, %reduce_sum3A [0] : vector<10000x128xf32> to vector<128xf32>
    %broadcast_in_dim3A = vector.shape_cast %reduce_sum3A_8 : vector<128xf32> to vector<1x128xf32>
    %mul3A = arith.constant 9.99999974E-5 : f32
    %mul3A_9 = vector.broadcast %mul3A : f32 to vector<1x128xf32>
    %mul3A_10 = arith.mulf %broadcast_in_dim3A, %mul3A_9 : vector<1x128xf32>
    %slice3A = vector.extract_strided_slice %get3A_4 {offsets = [0, 0], sizes = [1, 128], strides = [1, 1]} : vector<10000x128xf32> to vector<1x128xf32>
    %mul3A_11 = vector.broadcast %get3A_1 : f32 to vector<1x128xf32>
    %mul3A_12 = arith.mulf %mul3A_11, %slice3A : vector<1x128xf32>
    %add3A = arith.addf %mul3A_10, %mul3A_12 : vector<1x128xf32>
    %reduce_sum3A_13 = arith.constant dense<0.000000e+00> : vector<128xf32>
    %reduce_sum3A_14 = vector.multi_reduction <add>, %get3A_7, %reduce_sum3A_13 [0] : vector<10000x128xf32> to vector<128xf32>
    %broadcast_in_dim3A_15 = vector.shape_cast %reduce_sum3A_14 : vector<128xf32> to vector<1x128xf32>
    %mul3A_16 = arith.constant 9.99999974E-5 : f32
    %mul3A_17 = vector.broadcast %mul3A_16 : f32 to vector<1x128xf32>
    %mul3A_18 = arith.mulf %broadcast_in_dim3A_15, %mul3A_17 : vector<1x128xf32>
    %slice3A_19 = vector.extract_strided_slice %get3A_7 {offsets = [0, 0], sizes = [1, 128], strides = [1, 1]} : vector<10000x128xf32> to vector<1x128xf32>
    %mul3A_20 = vector.broadcast %get3A_1 : f32 to vector<1x128xf32>
    %mul3A_21 = arith.mulf %mul3A_20, %slice3A_19 : vector<1x128xf32>
    %add3A_22 = arith.addf %mul3A_18, %mul3A_21 : vector<1x128xf32>
    %get3A_23 = arith.constant 0 : index
    %get3A_24 = arith.constant 0 : index
    %get3A_25 = vector.load %arg3[%get3A_23, %get3A_24] : memref<128x256xf32, #tpu.memory_space<vmem>>, vector<128x256xf32>
    %dot_general3A = arith.constant dense<0.000000e+00> : vector<1x256xf32>
    %dot_general3A_26 = tpu.matmul %add3A, %get3A_25, %dot_general3A {dimension_numbers = #tpu.dot_dimension_numbers<[1], [0], [0], [1], [0, 0, 1, 1], [], []>, transpose_lhs_hint = false} : vector<1x128xf32>, vector<128x256xf32>, vector<1x256xf32> -> vector<1x256xf32>
    %get3A_27 = arith.constant 0 : index
    %get3A_28 = arith.constant 0 : index
    %get3A_29 = vector.load %arg4[%get3A_27, %get3A_28] : memref<128x256xf32, #tpu.memory_space<vmem>>, vector<128x256xf32>
    %dot_general3A_30 = arith.constant dense<0.000000e+00> : vector<1x256xf32>
    %dot_general3A_31 = tpu.matmul %add3A_22, %get3A_29, %dot_general3A_30 {dimension_numbers = #tpu.dot_dimension_numbers<[1], [0], [0], [1], [0, 0, 1, 1], [], []>, transpose_lhs_hint = false} : vector<1x128xf32>, vector<128x256xf32>, vector<1x256xf32> -> vector<1x256xf32>
    %add3A_32 = arith.addf %dot_general3A_26, %dot_general3A_31 : vector<1x256xf32>
    %get3A_33 = arith.constant 0 : index
    %get3A_34 = arith.constant 0 : index
    %get3A_35 = vector.load %arg5[%get3A_33, %get3A_34] : memref<1x256xf32, #tpu.memory_space<vmem>>, vector<1x256xf32>
    %add3A_36 = arith.addf %add3A_32, %get3A_35 : vector<1x256xf32>
    %swap3A = arith.constant 0 : index
    %swap3A_37 = arith.constant 0 : index
    %swap3A_38 = vector.load %arg6[%swap3A, %swap3A_37] : memref<1x256xf32, #tpu.memory_space<vmem>>, vector<1x256xf32>
    tpu.vector_store %arg6[%swap3A, %swap3A_37], %add3A_36 {strides = array<i32>} : memref<1x256xf32, #tpu.memory_space<vmem>>, vector<1x256xf32>,
    return
  }
}

</mosaic_0001>

<sc_bundles>
// kernel: kernel.12.cloned.1.call-start
scs
__scs_entry_jumppad:
0x0: {  	(pc) =	sbr.rel $0x88, $3  }
0x1: {  	(tag) =	ssettag $0x0;
	lr =	simm.s32 $0x1  }
0x2: {  	[smem:$0x3F8D] =	sst lr;
	_ =	strace $0xD0000000  }
0x3: {  	_ = 	snop  }
0x4: {  	_ = 	snop  }
0x5: {  	_ = 	snop  }
0x6: {  	_ = 	snop  }
0x7: {  	_ = 	snop  }
__scs_overlays_trampoline_lowered:
0x8: {  	[smem:$0x3F9C] =	sst s0  }
0x9: {  	[smem:$0x3F9D] =	sst s1  }
0xa: {  	[smem:$0x3F9E] =	sst s2  }
0xb: {  	[smem:$0x3F9F] =	sst s3  }
0xc: {  	[smem:$0x3FA0] =	sst s4  }
0xd: {  	[smem:$0x3FA1] =	sst s5  }
0xe: {  	[smem:$0x3FA2] =	sst s6  }
0xf: {  	[smem:$0x3FA3] =	sst s7  }
0x10: {  	[smem:$0x3FA4] =	sst s8  }
0x11: {  	[smem:$0x3FA5] =	sst s9;
	s0 =	simm.s32 @!p0 $0x0  }
0x12: {  	s1 =	sld [smem:$0x3F8B];
	s0 =	simm.s32 @p0 $0x1  }
0x13: {  	[smem:$0x3FA6] =	sst s0;
	s0 =	simm.s32 @!p1 $0x0  }
0x14: {  	s2 =	sld [smem:$0x3F8A];
	s0 =	simm.s32 @p1 $0x1  }
0x15: {  	[smem:$0x3FA7] =	sst s0;
	s0 =	simm.s32 @!p2 $0x0  }
0x16: {  	s3 =	sld [smem:$0x3FDB];
	s0 =	simm.s32 @p2 $0x1  }
0x17: {  	s4 =	simm.s32 $0x1BF5;
	[smem:$0x3FA9] =	sst s0  }
0x18: {  	s0 =	sld [smem:$0x3F8C];
	_ =	swait.ge [sflag:s4], $0x0  }
0x19: {  	s7 =	sld [smem:$0x3F8D]  }
0x1a: {  	s8 =	sadd.s32 $0xFFFFE003, lr  }
0x1b: {  	s9 =	sadd.s32 $0xFFFFFEF7, lr;
	s5 =	simm.s32 $0xFFFFFFFF;
	p2 =	slt.u32 s8, $0xFFFFF086  }
0x1c: {  	p1 =	slt.u32 s9, $0xF7A;
	s5 =	simm.s32 @!p2 $0x0  }
0x1d: {  	s5 =	simm.s32 @p1 $0x1;
	p0 =	seq.s32 s7, s2  }
0x1e: {  	s7 =	smul.u32 @!p0 $0xF7A, s2;
	p2 =	seq.s32 @!p0 s5, $0x0  }
0x1f: {  	s9 =	smul.u32 $0xF7A, s1;
	s8 =	simm.s32 @!p0 $0x1BF5;
	p2 =	por !p2, p0  }
0x20: {  	[sflag:s8] =	ssyncset.s32 @!p0 $0xFFFFF086;
	s6 =	sadd.s32 @!p0 s3, s7;
	s7 =	simm.s32 @!p0 $0x108  }
0x21: {  	s3 =	sadd.s32 s3, s9;
	s6 =	sadd.s32 @!p0 $0x88, s6;
	s7 =	simm.s32 @p2 $0x1082  }
0x22: {  	[simem:s7], [sflag:s8] =	dma.local @!p0 [hbm:s6], $0xF7A  }
0x23: {  	s9 =	sor.u32 $0xD0000000, s2;
	s6 =	simm.s32 $0x108;
	_ =	swait.ge @!p0 [sflag:s8], $0x0  }
0x24: {  	s3 =	sadd.s32 $0x88, s3;
	s6 =	simm.s32 @!p1 $0x1082;
	[sflag:s4] =	ssyncset.s32 $0xFFFFF086  }
0x25: {  	[simem:s6], [sflag:s4] =	dma.local [hbm:s3], $0xF7A  }
0x26: {  	[smem:$0x3F8D] =	sst s1;
	(tag) =	ssettag s2;
	_ =	strace s9  }
0x27: {  	s1 =	sld [smem:$0x3F9D]  }
0x28: {  	s2 =	sld [smem:$0x3F9E]  }
0x29: {  	s4 =	sld [smem:$0x3FA0]  }
0x2a: {  	p0 =	seq.s32 s5, $0x0;
	s5 =	sld [smem:$0x3FA1]  }
0x2b: {  	s6 =	sld [smem:$0x3FA2]  }
0x2c: {  	s7 =	sld [smem:$0x3FA3]  }
0x2d: {  	s3 =	simm.s32 $0x108;
	s8 =	sld [smem:$0x3FA4]  }
0x2e: {  	s3 =	simm.s32 @!p0 $0x1082;
	s9 =	sld [smem:$0x3FA5]  }
0x2f: {  	lr =	sadd.s32 s0, s3;
	s0 =	sld [smem:$0x3F9C]  }
0x30: {  	s3 =	sld [smem:$0x3F9F]  }
0x31: {  	[smem:$0x3FA8] =	sst s10  }
0x32: {  	s10 =	sld [smem:$0x3FA6];
	_ =	sdelay $0x3  }
0x33: {  	p0 =	seq.s32 s10, $0x1;
	s10 =	sld [smem:$0x3FA8];
	_ =	sdelay $0x3  }
0x34: {  	[smem:$0x3FA8] =	sst s10  }
0x35: {  	s10 =	sld [smem:$0x3FA7];
	_ =	sdelay $0x3  }
0x36: {  	p1 =	seq.s32 s10, $0x1;
	s10 =	sld [smem:$0x3FA8];
	_ =	sdelay $0x3  }
0x37: {  	[smem:$0x3FA8] =	sst s10  }
0x38: {  	s10 =	sld [smem:$0x3FA9]  }
0x39: {  	_ = 	snop;
	(pc) =	sbr.ind lr, $3  }
0x3a: {  	_ = 	snop  }
0x3b: {  	_ = 	snop  }
0x3c: {  	p2 =	seq.s32 s10, $0x1;
	s10 =	sld [smem:$0x3FA8]  }
0x3d: {  	_ =	shalt  }
0x3e: {  	_ =	shalt  }
0x3f: {  	_ =	shalt  }
0x40: {  	_ =	shalt  }
0x41: {  	_ =	shalt  }
0x42: {  	_ =	shalt  }
0x43: {  	_ =	shalt  }
0x44: {  	_ =	shalt  }
0x45: {  	_ =	shalt  }
0x46: {  	_ =	shalt  }
0x47: {  	_ =	shalt  }
0x48: {  	_ =	shalt  }
0x49: {  	_ =	shalt  }
0x4a: {  	_ =	shalt  }
0x4b: {  	_ =	shalt  }
0x4c: {  	_ =	shalt  }
0x4d: {  	_ =	shalt  }
0x4e: {  	_ =	shalt  }
0x4f: {  	_ =	shalt  }
0x50: {  	_ =	shalt  }
0x51: {  	_ =	shalt  }
0x52: {  	_ =	shalt  }
0x53: {  	_ =	shalt  }
0x54: {  	_ =	shalt  }
0x55: {  	_ =	shalt  }
0x56: {  	_ =	shalt  }
0x57: {  	_ =	shalt  }
0x58: {  	_ =	shalt  }
0x59: {  	_ =	shalt  }
0x5a: {  	_ =	shalt  }
0x5b: {  	_ =	shalt  }
0x5c: {  	_ =	shalt  }
0x5d: {  	_ =	shalt  }
0x5e: {  	_ =	shalt  }
0x5f: {  	_ =	shalt  }
0x60: {  	_ =	shalt  }
0x61: {  	_ =	shalt  }
0x62: {  	_ =	shalt  }
0x63: {  	_ =	shalt  }
0x64: {  	_ =	shalt  }
0x65: {  	_ =	shalt  }
0x66: {  	_ =	shalt  }
0x67: {  	_ =	shalt  }
0x68: {  	_ =	shalt  }
0x69: {  	_ =	shalt  }
0x6a: {  	_ =	shalt  }
0x6b: {  	_ =	shalt  }
0x6c: {  	_ =	shalt  }
0x6d: {  	_ =	shalt  }
0x6e: {  	_ =	shalt  }
0x6f: {  	_ =	shalt  }
0x70: {  	_ =	shalt  }
0x71: {  	_ =	shalt  }
0x72: {  	_ =	shalt  }
0x73: {  	_ =	shalt  }
0x74: {  	_ =	shalt  }
0x75: {  	_ =	shalt  }
0x76: {  	_ =	shalt  }
0x77: {  	_ =	shalt  }
0x78: {  	_ =	shalt  }
0x79: {  	_ =	shalt  }
0x7a: {  	_ =	shalt  }
0x7b: {  	_ =	shalt  }
0x7c: {  	_ =	shalt  }
0x7d: {  	_ =	shalt  }
0x7e: {  	_ =	shalt  }
0x7f: {  	_ =	shalt  }
0x80: {  	_ =	shalt  }
0x81: {  	_ =	shalt  }
0x82: {  	_ =	shalt  }
0x83: {  	_ =	shalt  }
0x84: {  	_ =	shalt  }
0x85: {  	_ =	shalt  }
0x86: {  	_ =	shalt  }
0x87: {  	_ =	shalt  }
.Lfunc_end0:
.L_simem_size_0:
called_computation.1_lowered:
.L_overlay_start_0:
0x88: {  	s2 =	sld [smem:$0x3FD9]  }
0x89: {  	s3 =	sld [smem:$0x3FFE];
	_ =	sdelay $0x1  }
0x8a: {  	s1 =	srdreg.scid  }
0x8b: {  	s0 =	sand.u32 $0x1, s1  }
0x8c: {  	s16 =	sshll.u32 s0, $0xA;
	s2 =	sadd.s32 s3, s2  }
0x8d: {  	s2 =	sadd.s32 s2, s16  }
0x8e: {  	[smem:$0x3FB4] =	sst s2  }
0x8f: {  	_ = 	snop  }
0x90: {  	(tm) =	ssettm $0x1  }
0x91: {  	s17 =	sld [smem:$0x3FFB];
	_ =	sdelay $0x3  }
0x92: {  	_ =	strace s17  }
0x93: {  	s2 =	sld [smem:$0x3FFC];
	_ =	sdelay $0x3  }
0x94: {  	_ =	strace s2  }
0x95: {  	s2 =	sld [smem:$0x3FFD];
	_ =	sdelay $0x3  }
0x96: {  	_ =	strace s2  }
0x97: {  	_ =	strace $0x8FFFFFFF  }
0x98: {  	s18 =	sld [smem:$0x3FDB];
	_ =	sdelay $0x1  }
0x99: {  	s19 =	simm.s32 $_scs_section_size  }
0x9a: {  	s4 =	simm.s32 $_size__tile_overlayer_lowered;
	s5 =	simm.s32 $_tile_overlayer_lowered  }
0x9b: {  	s22 =	simm.s32 $0x1BFF;
	s21 =	sshll.u32 s5, $0x1;
	s2 =	sadd.s32 s19, s18  }
0x9c: {  	s6 =	simm.s32 $0x0;
	s20 =	sshll.u32 s4, $0x1;
	s4 =	sadd.s32 s21, s2  }
0x9d: {  	[timem:s6], [sflag:s22] =	dma.local [hbm:s4], s20  }
0x9e: {  	_ =	swait.ge [sflag:s22], s20  }
0x9f: {  	s3 =	ssub.s32 $0x0, s20;
	[sflag:s22] =	ssyncset.done $0x0  }
0xa0: {  	[sflag:s22] =	ssyncadd.s32 s3;
	_ =	sdelay $0x1  }
0xa1: {  	s23 =	simm.s32 $0x1B8B  }
0xa2: {  	_ =	swait.ge [sflag:s23], $0x1  }
0xa3: {  	[sflag:s23] =	ssyncset.done $0x0  }
0xa4: {  	s25 =	simm.s32 $0x1B8E;
	s24 =	sld [smem:$0x3FFE];
	[sflag:s23] =	ssyncadd.s32 $0xFFFFFFFF  }
0xa5: {  	s26 =	simm.s32 $execute0_lowered;
	[smem:$0x3FD2] =	sst s25  }
0xa6: {  	s4 =	sshll.u32 s26, $0x1;
	_ =	strace $0x80000049;
	[dreg:$0x1] =	wrdreg $0xFFFFFFFF  }
0xa7: {  	s28 =	simm.s32 $_size_execute0_lowered;
	s2 =	sadd.s32 s2, s4;
	[dreg:$0x0] =	wrdreg $0x0  }
0xa8: {  	s4 =	sshll.u32 s28, $0x1;
	[dreg:$0x2] =	wrdreg s2  }
0xa9: {  	[dreg:$0x3] =	wrdreg s4  }
0xaa: {  	[dreg:$0x4] =	wrdreg $0xC0  }
0xab: {  	_ =	task [dreg:s6], $0x5FFFF  }
0xac: {  	[dreg:$0x1] =	wrdreg $0xFFFFFFFF  }
0xad: {  	[dreg:$0x0] =	wrdreg $0x60  }
0xae: {  	[dreg:$0x2] =	wrdreg s24  }
0xaf: {  	[dreg:$0x3] =	wrdreg $0x0  }
0xb0: {  	[dreg:$0x4] =	wrdreg $0x9  }
0xb1: {  	_ =	task.clear_ibuf [dreg:s6], $0x5FFFF;
	_ =	strace $0x90000049  }
0xb2: {  	s29 =	simm.s32 $0x9;
	_ =	strace $0x8000004B  }
0xb3: {  	_ =	swait.ge [sflag:s29], $0x1  }
0xb4: {  	[sflag:s29] =	ssyncadd.s32 $0xFFFFFFFF  }
0xb5: {  	_ =	strace $0x9000004B  }
0xb6: {  	_ =	sfence  }
0xb7: {  	s30 =	sld [smem:$0x0];
	_ =	sdelay $0x2  }
0xb8: {  	s31 =	sshll.u32 s1, $0xD;
	s1 =	sshrl.u32 s1, $0x2  }
0xb9: {  	s3 =	sand.u32 $0x4000, s31;
	s1 =	sadd.s32 s1, s30  }
0xba: {  	s0 =	sor.u32 s3, s0;
	s1 =	sshll.u32 s1, $0x11  }
0xbb: {  	s0 =	sor.u32 s1, s0  }
0xbc: {  	s0 =	sadd.s32 $0x8F2B, s0  }
0xbd: {  	[sflag:s0] =	ssyncadd.remote.s32 $0x1  }
0xbe: {  	_ =	sfence.sel $0xFFFF  }
0xbf: {  	[dreg:$0x0] =	wrdreg $0xFFFFFFFF;
	(pc) =	sbr.abs _section_cstart, $3  }
0xc0: {  	[dreg:$0x1] =	wrdreg $0xFFFFFFFF  }
0xc1: {  	_ =	task.clear_ibuf [dreg:s6], $0x2FFFF;
	_ =	strace $0x9FFFFFFF  }
0xc2: {  	(tm) =	ssettm $0x7FFFFFFF  }
0xc3: {  	_ =	shalt  }
tec
execute0_lowered:
.L_overlay_start_1:
0x0: {  	(tag) =	ssettag $0x1  }
0x1: {  	s0 =	rddreg [dreg:$0x0]  }
0x2: {  	s1 =	rddreg [dreg:$0x1];
	s2 =	simm.s32 $0x0  }
0x3: {  	s8 =	srdreg.scid;
	s6 =	stileid.u32;
	s29 =	simm.s32 $0x0  }
0x4: {  	[smem:$0x7FF] =	sst s2;
	s4 =	sadd.s32 $0x9DCE00, s0;
	s5 =	sadd.s32 $0x18E00, s0  }
0x5: {  	s3 =	sadd.s32 $0x4FAE00, s0;
	s7 =	sadd.s32 $0xF000, s0;
	s10 =	smul.u32 $0x4E000, s6  }
0x6: {  	s9 =	sand.u32 $0x1, s8;
	s14 =	sadd.s32 $0xA52400, s0;
	s22 =	smul.u32 $0xA, s6  }
0x7: {  	s8 =	sadd.s32 $0x5200, s0;
	s15 =	sadd.s32 $0xA79600, s0;
	s25 =	smul.u32 $0x50, s6  }
0x8: {  	s28 =	smul.u32 $0x500, s6;
	_ =	strace $0x8000004A;
	[dreg:$0x3] =	wrdreg s5  }
0x9: {  	s31 =	smul.u32 $0x2700, s6;
	s21 =	sadd.s32 $0x1DE00, s0;
	[dreg:$0x4] =	wrdreg s14  }
0xa: {  	p1 =	sne.s32 s6, $0xF;
	p2 =	seq.s32 s6, $0xF;
	[dreg:$0x5] =	wrdreg s15  }
0xb: {  	s11 =	ssub.s32 $0x2, s9;
	p0 =	seq.s32 s9, $0x1;
	[dreg:$0x13] =	wrdreg s21  }
0xc: {  	s21 =	simm.s32 $0x6;
	s9 =	simm.s32 $0x13980;
	s30 =	sadd.s32 s7, s22  }
0xd: {  	s12 =	sshrl.u32 s11, $0x1;
	s5 =	sadd.s32 s5, s28;
	[dreg:$0xa] =	wrdreg s30  }
0xe: {  	s10 =	sshrl.u32 s10, $0x2;
	s18 =	sadd.s32 s14, s31;
	[dreg:$0xc] =	wrdreg s5  }
0xf: {  	s19 =	sadd.s32 s15, s31;
	s31 =	sadd.s32 $0x138000, s1;
	[dreg:$0xf] =	wrdreg s18  }
0x10: {  	s14 =	simm.s32 $0x5;
	s15 =	simm.s32 $0x16280;
	[dreg:$0x11] =	wrdreg s19  }
0x11: {  	s26 =	sadd.s32 s10, s1;
	s10 =	sadd.s32 s8, s22;
	[dreg:$0x18] =	wrdreg s31  }
0x12: {  	s11 =	ssub.s32 s11, s12;
	s12 =	sshrl.u32 s25, $0x3;
	[dreg:$0xb] =	wrdreg s10  }
0x13: {  	s25 =	sadd.s32 $0x4FFE00, s0;
	s23 =	sadd.s32 $0x2800, s26;
	[dreg:$0x6] =	wrdreg s26  }
0x14: {  	s0 =	sor.u32 $0x20, s6;
	s24 =	sadd.s32 $0x5000, s26;
	[dreg:$0x7] =	wrdreg s23  }
0x15: {  	s18 =	simm.s32 $0x1;
	s13 =	sadd.s32 $0x7800, s26;
	[dreg:$0x8] =	wrdreg s24  }
0x16: {  	s19 =	simm.s32 $0x3;
	s20 =	smax.u32 s11, $0x1;
	[dreg:$0x9] =	wrdreg s13  }
0x17: {  	s12 =	sadd.s32 $0xA0, s12;
	s22 =	sadd.s32 $0xA000, s26;
	[dreg:$0x12] =	wrdreg s20  }
0x18: {  	s30 =	sadd.s32 $0x11800, s26;
	s10 =	simm.s32 $0x50;
	[dreg:$0x14] =	wrdreg s22  }
0x19: {  	s16 =	sadd.s32 s7, s12;
	s17 =	sadd.s32 s8, s12;
	[dreg:$0x17] =	wrdreg s30  }
0x1a: {  	s24 =	smov.u32 s3;
	s3 =	sadd.s32 s3, s28;
	[dreg:$0xd] =	wrdreg s16  }
.Ltmp0:
0x1b: {  	s23 =	sadd.s32 $0xC800, s26;
	[dreg:$0xe] =	wrdreg s17;
	(pc) =	sbr.rel .LBB2_1-.Ltmp0, $4  }
0x1c: {  	s28 =	sadd.s32 $0xF000, s26;
	s20 =	simm.s32 $0x13A80;
	[dreg:$0x10] =	wrdreg s3  }
0x1d: {  	s12 =	simm.s32 $0x13900;
	s13 =	simm.s32 $0x13A00;
	[dreg:$0x15] =	wrdreg s23  }
0x1e: {  	s22 =	simm.s32 $0x4;
	[dreg:$0x16] =	wrdreg s28;
	s3 =	stileid.u32  }
0x1f: {  	v0 =	vimm.f32 $0.0e+00;
	s17 =	sor.u32 $0x30, s6;
	s16 =	simm.s32 $0x1B280;
	s23 =	simm.s32 $0x2  }
.LBB2_20:
0x20: {  	s6 =	rddreg [dreg:$0x18]  }
0x21: {  	s5 =	sadd.s32 $0x27000, s28;
	s6 =	sshrl.u32 s6, $0x3  }
0x22: {  	[hbm:s5], [sflag:s11] =	dma.local [spmem:s6], $0x100  }
0x23: {  	_ =	swait.ge [sflag:s21], $0x100  }
0x24: {  	[sflag:s21] =	ssyncset.done $0x0  }
0x25: {  	[sflag:s21] =	ssyncadd.s32 $0xFFFFFF00  }
.LBB2_21:
0x26: {  	s29 =	sadd.s32 $0x1, s29;
	s5 =	rddreg [dreg:$0x12]  }
0x27: {  	p3 =	sne.s32 s29, s5  }
.Ltmp1:
0x28: {  	_ = 	snop;
	(pc) =	sbr.rel @!p3 .LBB2_22-.Ltmp1, $1  }
0x29: {  	_ =	sdelay $0x3  }
.LBB2_1:
0x2a: {  	[dreg:$0x19] =	wrdreg s29;
	s11 =	simm.s32 $0x0;
	s28 =	simm.s32 $0x200  }
.LBB2_2:
0x2b: {  	p3 =	sne.s32 s28, $0x9E00;
	[tilespmem:s11+$0x13AF0] =	vst v0  }
0x2c: {  	[tilespmem:s11+$0x13A80] =	vst v0  }
0x2d: {  	[tilespmem:s11+$0x13A90] =	vst v0  }
.Ltmp2:
0x2e: {  	[tilespmem:s11+$0x13AA0] =	vst v0;
	(pc) =	sbr.rel @p3 .LBB2_2-.Ltmp2, $4  }
0x2f: {  	[tilespmem:s11+$0x13AB0] =	vst v0  }
0x30: {  	[tilespmem:s11+$0x13AC0] =	vst v0  }
0x31: {  	[tilespmem:s11+$0x13AD0] =	vst v0  }
0x32: {  	[tilespmem:s11+$0x13AE0] =	vst v0;
	s11 =	sshra.s32 s28, $0x2;
	s28 =	sadd.s32 $0x200, s28  }
0x33: {  	[tilespmem:s11+$0x13AF0] =	vst v0  }
0x34: {  	[tilespmem:s11+$0x13A80] =	vst v0  }
0x35: {  	[tilespmem:s11+$0x13A90] =	vst v0  }
0x36: {  	[tilespmem:s11+$0x13AA0] =	vst v0  }
0x37: {  	[tilespmem:s11+$0x13AB0] =	vst v0  }
0x38: {  	[tilespmem:s11+$0x13AC0] =	vst v0  }
0x39: {  	[tilespmem:s11+$0x13AD0] =	vst v0  }
0x3a: {  	[tilespmem:s11+$0x13AE0] =	vst v0  }
0x3b: {  	[spmem:s26] =	stream.linear.scatter [tilespmem:s20], [sflag:$0x6], $0x2800, $0x38;
	[tilespmem:$0x1DA80] =	vst v63  }
0x3c: {  	_ =	swait.ge [sflag:s21], $0x2800  }
0x3d: {  	[sflag:s21] =	ssyncset.done $0x0  }
0x3e: {  	s5 =	rddreg [dreg:$0x7];
	[sflag:s21] =	ssyncadd.s32 $0xFFFFD800  }
0x3f: {  	[spmem:s5] =	stream.linear.scatter [tilespmem:s20], [sflag:$0x6], $0x2800, $0x38;
	[tilespmem:$0x1DA80] =	vst v63  }
0x40: {  	_ =	swait.ge [sflag:s21], $0x2800  }
0x41: {  	[sflag:s21] =	ssyncset.done $0x0  }
0x42: {  	s30 =	rddreg [dreg:$0x8];
	[sflag:s21] =	ssyncadd.s32 $0xFFFFD800  }
0x43: {  	[spmem:s30] =	stream.linear.scatter [tilespmem:s20], [sflag:$0x6], $0x2800, $0x38;
	[tilespmem:$0x1DA80] =	vst v63  }
0x44: {  	_ =	swait.ge [sflag:s21], $0x2800  }
0x45: {  	[sflag:s21] =	ssyncset.done $0x0  }
0x46: {  	s31 =	rddreg [dreg:$0x9];
	[sflag:s21] =	ssyncadd.s32 $0xFFFFD800  }
0x47: {  	[spmem:s31] =	stream.linear.scatter [tilespmem:s20], [sflag:$0x6], $0x2800, $0x38;
	[tilespmem:$0x1DA80] =	vst v63  }
0x48: {  	_ =	swait.ge [sflag:s21], $0x2800  }
0x49: {  	[sflag:s21] =	ssyncset.done $0x0  }
0x4a: {  	s6 =	rddreg [dreg:$0x14];
	[sflag:s21] =	ssyncadd.s32 $0xFFFFD800  }
0x4b: {  	[spmem:s6] =	stream.linear.scatter [tilespmem:s20], [sflag:$0x6], $0x2800, $0x38;
	[tilespmem:$0x1DA80] =	vst v63  }
0x4c: {  	_ =	swait.ge [sflag:s21], $0x2800  }
0x4d: {  	[sflag:s21] =	ssyncset.done $0x0  }
0x4e: {  	s11 =	rddreg [dreg:$0x15];
	[sflag:s21] =	ssyncadd.s32 $0xFFFFD800  }
0x4f: {  	[spmem:s11] =	stream.linear.scatter [tilespmem:s20], [sflag:$0x6], $0x2800, $0x38;
	[tilespmem:$0x1DA80] =	vst v63  }
0x50: {  	_ =	swait.ge [sflag:s21], $0x2800  }
0x51: {  	[sflag:s21] =	ssyncset.done $0x0  }
0x52: {  	s26 =	rddreg [dreg:$0x16];
	[sflag:s21] =	ssyncadd.s32 $0xFFFFD800  }
0x53: {  	[spmem:s26] =	stream.linear.scatter [tilespmem:s20], [sflag:$0x6], $0x2800, $0x38;
	[tilespmem:$0x1DA80] =	vst v63  }
0x54: {  	_ =	swait.ge [sflag:s21], $0x2800  }
0x55: {  	[sflag:s21] =	ssyncset.done $0x0  }
0x56: {  	s29 =	rddreg [dreg:$0x17];
	[sflag:s21] =	ssyncadd.s32 $0xFFFFD800  }
0x57: {  	[spmem:s29] =	stream.linear.scatter [tilespmem:s20], [sflag:$0x6], $0x2000, $0x38;
	[tilespmem:$0x1DA80] =	vst v63  }
0x58: {  	_ =	swait.ge [sflag:s21], $0x2000  }
0x59: {  	[sflag:s21] =	ssyncset.done $0x0  }
0x5a: {  	s11 =	simm.s32 @!p1 $0x13A80;
	s5 =	rddreg [dreg:$0x18];
	[sflag:s21] =	ssyncadd.s32 $0xFFFFE000  }
0x5b: {  	[spmem:s5] =	stream.linear.scatter @!p1 [tilespmem:s11], [sflag:$0x6], $0x800, $0x38;
	[tilespmem:$0x1DA80] =	vst v63  }
0x5c: {  	s11 =	simm.s32 @!p1 $0x6  }
0x5d: {  	_ =	swait.ge @!p1 [sflag:s11], $0x800  }
0x5e: {  	[sflag:s11] =	ssyncset.done @!p1 $0x0  }
0x5f: {  	[sflag:s11] =	ssyncadd.s32 @!p1 $0xFFFFF800  }
0x60: {  	[bflag:$0x0] =	sbarrier.arrive $0xFFFF  }
0x61: {  	s6 =	simm.s32 $0x13880;
	s30 =	rddreg [dreg:$0xa]  }
0x62: {  	[tilespmem:s6], [sflag:$0x6] =	stream.linear.gather [hbm4b:s30+s2], $0x50, $0x38;
	[tilespmem:$0x1DA80] =	vst v63  }
0x63: {  	_ =	swait.ge [sflag:s21], $0x50  }
0x64: {  	[sflag:s21] =	ssyncset.done $0x0  }
0x65: {  	s31 =	rddreg [dreg:$0xb];
	[sflag:s21] =	ssyncadd.s32 $0xFFFFFFB0  }
0x66: {  	[tilespmem:s9], [sflag:$0x6] =	stream.linear.gather [hbm4b:s31+s2], $0x50, $0x38;
	[tilespmem:$0x1DA80] =	vst v63  }
.Ltmp3:
0x67: {  	_ = 	snop;
	(pc) =	sbr.rel @!p0 .LBB2_4-.Ltmp3, $4  }
0x68: {  	_ =	swait.ge [sflag:s21], $0x50  }
0x69: {  	[sflag:s21] =	ssyncset.done $0x0  }
0x6a: {  	s28 =	simm.s32 $0x0;
	[sflag:s21] =	ssyncadd.s32 $0xFFFFFFB0  }
0x6b: {  	[tilespmem:s20], [sflag:$0x1] =	stream.indirect.gather [hbm4b:s4+s10], $0x80, s6, s10, $0xb8;
	[tilespmem:$0x1DA80] =	vst v63  }
0x6c: {  	s5 =	rddreg [dreg:$0x10];
	s6 =	simm.s32 $0x18A80  }
0x6d: {  	[tilespmem:s6], [sflag:$0x3] =	stream.linear.gather [hbm4b:s5+s28], $0x2800, $0x38;
	[tilespmem:$0x1DA80] =	vst v63  }
0x6e: {  	s30 =	rddreg [dreg:$0xd]  }
0x6f: {  	[tilespmem:s12], [sflag:$0x5] =	stream.linear.gather [hbm4b:s30+s28], $0x50, $0x38;
	[tilespmem:$0x1DA80] =	vst v63  }
0x70: {  	s31 =	rddreg [dreg:$0xe];
	s29 =	simm.s32 $0x0  }
0x71: {  	[tilespmem:s13], [sflag:$0x5] =	stream.linear.gather [hbm4b:s31+s28], $0x50, $0x38;
	[tilespmem:$0x1DA80] =	vst v63  }
.LBB2_13:
0x72: {  	_ =	swait.ge [sflag:s14], $0x50  }
0x73: {  	[sflag:s14] =	ssyncset.done $0x0  }
0x74: {  	[sflag:s14] =	ssyncadd.s32 $0xFFFFFFB0  }
0x75: {  	s30 =	sshll.u32 s29, $0x5;
	_ =	swait.ge [sflag:s14], $0x50  }
0x76: {  	s5 =	sor.u32 s3, s30;
	[sflag:s14] =	ssyncset.done $0x0  }
0x77: {  	s5 =	smul.u32 $0x500, s5;
	[sflag:s14] =	ssyncadd.s32 $0xFFFFFFB0  }
0x78: {  	[tilespmem:s15], [sflag:$0x2] =	stream.indirect.gather [hbm4b:s4+s10], $0x80, s12, s10, $0xb8;
	[tilespmem:$0x1DA80] =	vst v63  }
0x79: {  	s5 =	sadd.s32 s25, s5  }
0x7a: {  	[tilespmem:s16], [sflag:$0x4] =	stream.linear.gather [hbm4b:s5+s28], $0x2800, $0x38;
	[tilespmem:$0x1DA80] =	vst v63  }
0x7b: {  	_ =	swait.ge [sflag:s18], $0x2800  }
0x7c: {  	[sflag:s18] =	ssyncset.done $0x0  }
0x7d: {  	[sflag:s18] =	ssyncadd.s32 $0xFFFFD800  }
0x7e: {  	_ =	swait.ge [sflag:s19], $0x2800  }
0x7f: {  	[sflag:s19] =	ssyncset.done $0x0  }
0x80: {  	s31 =	simm.s32 $0x0;
	[sflag:s19] =	ssyncadd.s32 $0xFFFFD800  }
0x81: {  	v1 =	vld [tilespmem:s31+$0x18A80]  }
0x82: {  	v3 =	vld [tilespmem:s31+$0x18A90]  }
0x83: {  	v5 =	vld [tilespmem:s31+$0x18AA0]  }
0x84: {  	v2 =	vld [tilespmem:s31+$0x18AB0]  }
0x85: {  	v7 =	vld [tilespmem:s31+$0x13A80]  }
0x86: {  	v13 =	vld [tilespmem:s31+$0x13AC0]  }
0x87: {  	v10 =	vld [tilespmem:s31+$0x13A90]  }
0x88: {  	v8 =	vld [tilespmem:s31+$0x13AD0];
	v12 =	vunpack.i.u.bf16.f32 v1  }
0x89: {  	v6 =	vld [tilespmem:s31+$0x13AA0];
	v1 =	vunpack.i.l.bf16.f32 v1;
	v4 =	vunpack.i.u.bf16.f32 v3;
	v11 =	vunpack.i.l.bf16.f32 v3  }
0x8a: {  	v9 =	vld [tilespmem:s31+$0x13AE0];
	v7 =	vunpack.i.u.bf16.f32 v7;
	v3 =	vunpack.i.u.bf16.f32 v5;
	v5 =	vunpack.i.l.bf16.f32 v5  }
0x8b: {  	s11 =	simm.s32 $0x200;
	v14 =	vunpack.i.u.bf16.f32 v13;
	v13 =	vadd.f32 v7, v1;
	v1 =	vunpack.i.u.bf16.f32 v2;
	v7 =	vld [tilespmem:s31+$0x13AB0]  }
.LBB2_14:
0x8c: {  	s5 =	sshra.s32 s11, $0x2;
	p3 =	sne.s32 s11, $0x9E00;
	v12 =	vadd.f32 v14, v12;
	v10 =	vunpack.i.u.bf16.f32 v10;
	v14 =	vunpack.i.l.bf16.f32 v2;
	v15 =	vld [tilespmem:s31+$0x13AF0]  }
0x8d: {  	v16 =	vld [tilespmem:s5+$0x18A80];
	v2 =	vmax.f32 v13, $0.0e+00;
	v8 =	vunpack.i.u.bf16.f32 v8;
	v10 =	vadd.f32 v10, v11  }
0x8e: {  	v11 =	vld [tilespmem:s5+$0x18A90];
	[tilespmem:s31+$0x13A80] =	vst v2;
	v2 =	vmax.f32 v12, $0.0e+00;
	v4 =	vadd.f32 v8, v4;
	v6 =	vunpack.i.u.bf16.f32 v6  }
0x8f: {  	v13 =	vld [tilespmem:s5+$0x18AA0];
	[tilespmem:s31+$0x13AC0] =	vst v2;
	v8 =	vmax.f32 v10, $0.0e+00;
	v9 =	vunpack.i.u.bf16.f32 v9;
	v5 =	vadd.f32 v6, v5  }
0x90: {  	v2 =	vld [tilespmem:s5+$0x18AB0];
	[tilespmem:s31+$0x13A90] =	vst v8;
	v4 =	vmax.f32 v4, $0.0e+00;
	v3 =	vadd.f32 v9, v3;
	v6 =	vunpack.i.u.bf16.f32 v7  }
0x91: {  	v7 =	vld [tilespmem:s5+$0x13A80];
	[tilespmem:s31+$0x13AD0] =	vst v4;
	v4 =	vmax.f32 v5, $0.0e+00;
	v5 =	vunpack.i.u.bf16.f32 v15;
	v6 =	vadd.f32 v6, v14  }
0x92: {  	v14 =	vld [tilespmem:s5+$0x13AC0];
	[tilespmem:s31+$0x13AA0] =	vst v4;
	v3 =	vmax.f32 v3, $0.0e+00;
	v1 =	vadd.f32 v5, v1  }
.Ltmp4:
0x93: {  	v10 =	vld [tilespmem:s5+$0x13A90];
	[tilespmem:s31+$0x13AE0] =	vst v3;
	v3 =	vmax.f32 v6, $0.0e+00;
	(pc) =	sbr.rel @p3 .LBB2_14-.Ltmp4, $4  }
0x94: {  	v12 =	vunpack.i.u.bf16.f32 v16;
	v8 =	vld [tilespmem:s5+$0x13AD0];
	[tilespmem:s31+$0x13AB0] =	vst v3;
	v1 =	vmax.f32 v1, $0.0e+00  }
0x95: {  	v15 =	vunpack.i.l.bf16.f32 v16;
	v4 =	vunpack.i.u.bf16.f32 v11;
	v11 =	vunpack.i.l.bf16.f32 v11;
	v6 =	vld [tilespmem:s5+$0x13AA0];
	[tilespmem:s31+$0x13AF0] =	vst v1;
	s31 =	smov.u32 s5  }
0x96: {  	v3 =	vunpack.i.u.bf16.f32 v13;
	v5 =	vunpack.i.l.bf16.f32 v13;
	v1 =	vunpack.i.u.bf16.f32 v7;
	v9 =	vld [tilespmem:s31+$0x13AE0]  }
0x97: {  	s11 =	sadd.s32 $0x200, s11;
	v14 =	vunpack.i.u.bf16.f32 v14;
	v13 =	vadd.f32 v1, v15;
	v1 =	vunpack.i.u.bf16.f32 v2;
	v7 =	vld [tilespmem:s31+$0x13AB0]  }
0x98: {  	v12 =	vadd.f32 v14, v12;
	v10 =	vunpack.i.u.bf16.f32 v10;
	v2 =	vunpack.i.l.bf16.f32 v2;
	v14 =	vld [tilespmem:s31+$0x13AF0]  }
0x99: {  	v13 =	vmax.f32 v13, $0.0e+00;
	v8 =	vunpack.i.u.bf16.f32 v8;
	v10 =	vadd.f32 v10, v11  }
0x9a: {  	[tilespmem:s31+$0x13A80] =	vst v13;
	v11 =	vmax.f32 v12, $0.0e+00;
	v4 =	vadd.f32 v8, v4;
	v6 =	vunpack.i.u.bf16.f32 v6  }
0x9b: {  	[tilespmem:s31+$0x13AC0] =	vst v11;
	v8 =	vmax.f32 v10, $0.0e+00;
	v9 =	vunpack.i.u.bf16.f32 v9;
	v5 =	vadd.f32 v6, v5  }
0x9c: {  	[tilespmem:s31+$0x13A90] =	vst v8;
	v4 =	vmax.f32 v4, $0.0e+00;
	v3 =	vadd.f32 v9, v3;
	v6 =	vunpack.i.u.bf16.f32 v7  }
0x9d: {  	[tilespmem:s31+$0x13AD0] =	vst v4;
	v4 =	vmax.f32 v5, $0.0e+00;
	v5 =	vunpack.i.u.bf16.f32 v14;
	v2 =	vadd.f32 v6, v2  }
0x9e: {  	[tilespmem:s31+$0x13AA0] =	vst v4;
	v3 =	vmax.f32 v3, $0.0e+00;
	v1 =	vadd.f32 v5, v1  }
0x9f: {  	[tilespmem:s31+$0x13AE0] =	vst v3;
	v2 =	vmax.f32 v2, $0.0e+00  }
0xa0: {  	p3 =	seq.s32 s29, $0x7C;
	[tilespmem:s31+$0x13AB0] =	vst v2;
	v1 =	vmax.f32 v1, $0.0e+00  }
0xa1: {  	s5 =	sadd.s32 @!p3 s0, s30;
	[tilespmem:s31+$0x13AF0] =	vst v1  }
0xa2: {  	[spmem:s1] =	stream.indirect.scatter.add.f32 [tilespmem:s20], [sflag:$0x6], $0x80, s9, s10, $0xb8;
	[tilespmem:$0x1DA80] =	vst v63  }
0xa3: {  	s6 =	smul.u32 @!p3 $0xA, s5;
	_ =	swait.ge [sflag:s21], $0x2800  }
0xa4: {  	s26 =	simm.s32 @!p3 $0x0;
	[sflag:s21] =	ssyncset.done $0x0  }
0xa5: {  	s11 =	sadd.s32 @!p3 s7, s6;
	s31 =	simm.s32 @!p3 $0x13880;
	[sflag:s21] =	ssyncadd.s32 $0xFFFFD800  }
0xa6: {  	[tilespmem:s31], [sflag:$0x5] =	stream.linear.gather @!p3 [hbm4b:s11+s26], $0x50, $0x38;
	[tilespmem:$0x1DA80] =	vst v63  }
0xa7: {  	s6 =	sadd.s32 @!p3 s8, s6;
	s11 =	simm.s32 @!p3 $0x13980  }
0xa8: {  	[tilespmem:s11], [sflag:$0x5] =	stream.linear.gather @!p3 [hbm4b:s6+s26], $0x50, $0x38;
	[tilespmem:$0x1DA80] =	vst v63  }
0xa9: {  	s6 =	simm.s32 @!p3 $0x5  }
0xaa: {  	_ =	swait.ge @!p3 [sflag:s6], $0x50  }
0xab: {  	[sflag:s6] =	ssyncset.done @!p3 $0x0  }
0xac: {  	[sflag:s6] =	ssyncadd.s32 @!p3 $0xFFFFFFB0  }
0xad: {  	_ =	swait.ge @!p3 [sflag:s6], $0x50  }
0xae: {  	s5 =	smul.u32 @!p3 $0x500, s5;
	[sflag:s6] =	ssyncset.done @!p3 $0x0  }
0xaf: {  	s11 =	simm.s32 @!p3 $0x13A80;
	[sflag:s6] =	ssyncadd.s32 @!p3 $0xFFFFFFB0;
	s6 =	simm.s32 @!p3 $0x50  }
0xb0: {  	[tilespmem:s11], [sflag:$0x1] =	stream.indirect.gather @!p3 [hbm4b:s4+s6], $0x80, s31, s6, $0xb8;
	[tilespmem:$0x1DA80] =	vst v63  }
0xb1: {  	s5 =	sadd.s32 @!p3 s24, s5;
	s6 =	simm.s32 @!p3 $0x18A80  }
0xb2: {  	[tilespmem:s6], [sflag:$0x3] =	stream.linear.gather @!p3 [hbm4b:s5+s26], $0x2800, $0x38;
	[tilespmem:$0x1DA80] =	vst v63  }
0xb3: {  	_ =	swait.ge [sflag:s23], $0x2800  }
0xb4: {  	[sflag:s23] =	ssyncset.done $0x0  }
0xb5: {  	[sflag:s23] =	ssyncadd.s32 $0xFFFFD800  }
0xb6: {  	_ =	swait.ge [sflag:s22], $0x2800  }
0xb7: {  	[sflag:s22] =	ssyncset.done $0x0  }
0xb8: {  	s31 =	simm.s32 $0x0;
	[sflag:s22] =	ssyncadd.s32 $0xFFFFD800  }
0xb9: {  	v1 =	vld [tilespmem:s31+$0x1B280]  }
0xba: {  	v3 =	vld [tilespmem:s31+$0x1B290]  }
0xbb: {  	v5 =	vld [tilespmem:s31+$0x1B2A0]  }
0xbc: {  	v2 =	vld [tilespmem:s31+$0x1B2B0]  }
0xbd: {  	v7 =	vld [tilespmem:s31+$0x16280]  }
0xbe: {  	v13 =	vld [tilespmem:s31+$0x162C0]  }
0xbf: {  	v10 =	vld [tilespmem:s31+$0x16290]  }
0xc0: {  	v8 =	vld [tilespmem:s31+$0x162D0];
	v12 =	vunpack.i.u.bf16.f32 v1  }
0xc1: {  	v6 =	vld [tilespmem:s31+$0x162A0];
	v1 =	vunpack.i.l.bf16.f32 v1;
	v4 =	vunpack.i.u.bf16.f32 v3;
	v11 =	vunpack.i.l.bf16.f32 v3  }
0xc2: {  	v9 =	vld [tilespmem:s31+$0x162E0];
	v7 =	vunpack.i.u.bf16.f32 v7;
	v3 =	vunpack.i.u.bf16.f32 v5;
	v5 =	vunpack.i.l.bf16.f32 v5  }
0xc3: {  	s11 =	simm.s32 $0x200;
	v14 =	vunpack.i.u.bf16.f32 v13;
	v13 =	vadd.f32 v7, v1;
	v1 =	vunpack.i.u.bf16.f32 v2;
	v7 =	vld [tilespmem:s31+$0x162B0]  }
.LBB2_16:
0xc4: {  	s5 =	sshra.s32 s11, $0x2;
	p4 =	sne.s32 s11, $0x9E00;
	v12 =	vadd.f32 v14, v12;
	v10 =	vunpack.i.u.bf16.f32 v10;
	v14 =	vunpack.i.l.bf16.f32 v2;
	v15 =	vld [tilespmem:s31+$0x162F0]  }
0xc5: {  	v16 =	vld [tilespmem:s5+$0x1B280];
	v2 =	vmax.f32 v13, $0.0e+00;
	v8 =	vunpack.i.u.bf16.f32 v8;
	v10 =	vadd.f32 v10, v11  }
0xc6: {  	v11 =	vld [tilespmem:s5+$0x1B290];
	[tilespmem:s31+$0x16280] =	vst v2;
	v2 =	vmax.f32 v12, $0.0e+00;
	v4 =	vadd.f32 v8, v4;
	v6 =	vunpack.i.u.bf16.f32 v6  }
0xc7: {  	v13 =	vld [tilespmem:s5+$0x1B2A0];
	[tilespmem:s31+$0x162C0] =	vst v2;
	v8 =	vmax.f32 v10, $0.0e+00;
	v9 =	vunpack.i.u.bf16.f32 v9;
	v5 =	vadd.f32 v6, v5  }
0xc8: {  	v2 =	vld [tilespmem:s5+$0x1B2B0];
	[tilespmem:s31+$0x16290] =	vst v8;
	v4 =	vmax.f32 v4, $0.0e+00;
	v3 =	vadd.f32 v9, v3;
	v6 =	vunpack.i.u.bf16.f32 v7  }
0xc9: {  	v7 =	vld [tilespmem:s5+$0x16280];
	[tilespmem:s31+$0x162D0] =	vst v4;
	v4 =	vmax.f32 v5, $0.0e+00;
	v5 =	vunpack.i.u.bf16.f32 v15;
	v6 =	vadd.f32 v6, v14  }
0xca: {  	v14 =	vld [tilespmem:s5+$0x162C0];
	[tilespmem:s31+$0x162A0] =	vst v4;
	v3 =	vmax.f32 v3, $0.0e+00;
	v1 =	vadd.f32 v5, v1  }
.Ltmp5:
0xcb: {  	v10 =	vld [tilespmem:s5+$0x16290];
	[tilespmem:s31+$0x162E0] =	vst v3;
	v3 =	vmax.f32 v6, $0.0e+00;
	(pc) =	sbr.rel @p4 .LBB2_16-.Ltmp5, $4  }
0xcc: {  	v12 =	vunpack.i.u.bf16.f32 v16;
	v8 =	vld [tilespmem:s5+$0x162D0];
	[tilespmem:s31+$0x162B0] =	vst v3;
	v1 =	vmax.f32 v1, $0.0e+00  }
0xcd: {  	v15 =	vunpack.i.l.bf16.f32 v16;
	v4 =	vunpack.i.u.bf16.f32 v11;
	v11 =	vunpack.i.l.bf16.f32 v11;
	v6 =	vld [tilespmem:s5+$0x162A0];
	[tilespmem:s31+$0x162F0] =	vst v1;
	s31 =	smov.u32 s5  }
0xce: {  	v3 =	vunpack.i.u.bf16.f32 v13;
	v5 =	vunpack.i.l.bf16.f32 v13;
	v1 =	vunpack.i.u.bf16.f32 v7;
	v9 =	vld [tilespmem:s31+$0x162E0]  }
0xcf: {  	s11 =	sadd.s32 $0x200, s11;
	v14 =	vunpack.i.u.bf16.f32 v14;
	v13 =	vadd.f32 v1, v15;
	v1 =	vunpack.i.u.bf16.f32 v2;
	v7 =	vld [tilespmem:s31+$0x162B0]  }
0xd0: {  	v12 =	vadd.f32 v14, v12;
	v10 =	vunpack.i.u.bf16.f32 v10;
	v2 =	vunpack.i.l.bf16.f32 v2;
	v58 =	vld [tilespmem:s31+$0x162F0]  }
0xd1: {  	v13 =	vmax.f32 v13, $0.0e+00;
	v8 =	vunpack.i.u.bf16.f32 v8;
	v10 =	vadd.f32 v10, v11  }
0xd2: {  	[tilespmem:s31+$0x16280] =	vst v13;
	v59 =	vmax.f32 v12, $0.0e+00;
	v4 =	vadd.f32 v8, v4;
	v6 =	vunpack.i.u.bf16.f32 v6  }
0xd3: {  	[tilespmem:s31+$0x162C0] =	vst v59;
	v60 =	vmax.f32 v10, $0.0e+00;
	v9 =	vunpack.i.u.bf16.f32 v9;
	v5 =	vadd.f32 v6, v5  }
0xd4: {  	[tilespmem:s31+$0x16290] =	vst v60;
	v4 =	vmax.f32 v4, $0.0e+00;
	v3 =	vadd.f32 v9, v3;
	v61 =	vunpack.i.u.bf16.f32 v7  }
0xd5: {  	[tilespmem:s31+$0x162D0] =	vst v4;
	v62 =	vmax.f32 v5, $0.0e+00;
	v63 =	vunpack.i.u.bf16.f32 v58;
	v2 =	vadd.f32 v61, v2  }
0xd6: {  	[tilespmem:s31+$0x162A0] =	vst v62;
	v3 =	vmax.f32 v3, $0.0e+00;
	v1 =	vadd.f32 v63, v1  }
0xd7: {  	[tilespmem:s31+$0x162E0] =	vst v3;
	v2 =	vmax.f32 v2, $0.0e+00  }
0xd8: {  	[tilespmem:s31+$0x162B0] =	vst v2;
	v1 =	vmax.f32 v1, $0.0e+00  }
.Ltmp6:
0xd9: {  	[tilespmem:s31+$0x162F0] =	vst v1;
	(pc) =	sbr.rel @p3 .LBB2_19-.Ltmp6, $4  }
0xda: {  	[spmem:s1] =	stream.indirect.scatter.add.f32 [tilespmem:s15], [sflag:$0x6], $0x80, s13, s10, $0xb8;
	[tilespmem:$0x1DA80] =	vst v63  }
0xdb: {  	_ =	swait.ge [sflag:s21], $0x2800  }
0xdc: {  	[sflag:s21] =	ssyncset.done $0x0  }
0xdd: {  	[sflag:s21] =	ssyncadd.s32 $0xFFFFD800  }
0xde: {  	s5 =	sadd.s32 s17, s30  }
0xdf: {  	s5 =	smul.u32 $0xA, s5  }
.Ltmp7:
0xe0: {  	_ = 	snop;
	(pc) =	sbr.rel .LBB2_13-.Ltmp7, $4  }
0xe1: {  	s6 =	sadd.s32 s7, s5  }
0xe2: {  	[tilespmem:s12], [sflag:$0x5] =	stream.linear.gather [hbm4b:s6+s2], $0x50, $0x38;
	[tilespmem:$0x1DA80] =	vst v63  }
0xe3: {  	s29 =	sadd.s32 $0x1, s29;
	s5 =	sadd.s32 s8, s5  }
0xe4: {  	[tilespmem:s13], [sflag:$0x5] =	stream.linear.gather [hbm4b:s5+s2], $0x50, $0x38;
	[tilespmem:$0x1DA80] =	vst v63  }
.LBB2_4:
0xe5: {  	s5 =	rddreg [dreg:$0xc];
	s6 =	simm.s32 $0x18A80  }
0xe6: {  	[tilespmem:s6], [sflag:$0x3] =	stream.linear.gather [hbm4b:s5+s28], $0x2800, $0x38;
	[tilespmem:$0x1DA80] =	vst v63  }
0xe7: {  	s30 =	rddreg [dreg:$0xd]  }
0xe8: {  	[tilespmem:s12], [sflag:$0x5] =	stream.linear.gather [hbm4b:s30+s28], $0x50, $0x38;
	[tilespmem:$0x1DA80] =	vst v63  }
0xe9: {  	s31 =	rddreg [dreg:$0xe];
	s29 =	simm.s32 $0x0  }
0xea: {  	[tilespmem:s13], [sflag:$0x5] =	stream.linear.gather [hbm4b:s31+s28], $0x50, $0x38;
	[tilespmem:$0x1DA80] =	vst v63  }
.LBB2_5:
0xeb: {  	_ =	swait.ge [sflag:s14], $0x50  }
0xec: {  	[sflag:s14] =	ssyncset.done $0x0  }
0xed: {  	[sflag:s14] =	ssyncadd.s32 $0xFFFFFFB0  }
0xee: {  	s30 =	sshll.u32 s29, $0x5;
	_ =	swait.ge [sflag:s14], $0x50  }
0xef: {  	s11 =	sor.u32 s3, s30;
	[sflag:s14] =	ssyncset.done $0x0  }
0xf0: {  	s11 =	smul.u32 $0x500, s11;
	s5 =	rddreg [dreg:$0x13];
	[sflag:s14] =	ssyncadd.s32 $0xFFFFFFB0  }
0xf1: {  	[tilespmem:s15], [sflag:$0x2] =	stream.indirect.gather [hbm4b:s4+s10], $0x80, s12, s10, $0xb8;
	[tilespmem:$0x1DA80] =	vst v63  }
0xf2: {  	s11 =	sadd.s32 s5, s11  }
0xf3: {  	[tilespmem:s16], [sflag:$0x4] =	stream.linear.gather [hbm4b:s11+s28], $0x2800, $0x38;
	[tilespmem:$0x1DA80] =	vst v63  }
0xf4: {  	_ =	swait.ge [sflag:s18], $0x2800  }
0xf5: {  	[sflag:s18] =	ssyncset.done $0x0  }
0xf6: {  	[sflag:s18] =	ssyncadd.s32 $0xFFFFD800  }
0xf7: {  	_ =	swait.ge [sflag:s19], $0x2800  }
0xf8: {  	[sflag:s19] =	ssyncset.done $0x0  }
0xf9: {  	s31 =	simm.s32 $0x0;
	[sflag:s19] =	ssyncadd.s32 $0xFFFFD800  }
0xfa: {  	v1 =	vld [tilespmem:s31+$0x18A80]  }
0xfb: {  	v3 =	vld [tilespmem:s31+$0x18A90]  }
0xfc: {  	v5 =	vld [tilespmem:s31+$0x18AA0]  }
0xfd: {  	v2 =	vld [tilespmem:s31+$0x18AB0]  }
0xfe: {  	v7 =	vld [tilespmem:s31+$0x13A80]  }
0xff: {  	v13 =	vld [tilespmem:s31+$0x13AC0]  }
0x100: {  	v10 =	vld [tilespmem:s31+$0x13A90]  }
0x101: {  	v8 =	vld [tilespmem:s31+$0x13AD0];
	v12 =	vunpack.i.u.bf16.f32 v1  }
0x102: {  	v6 =	vld [tilespmem:s31+$0x13AA0];
	v1 =	vunpack.i.l.bf16.f32 v1;
	v4 =	vunpack.i.u.bf16.f32 v3;
	v11 =	vunpack.i.l.bf16.f32 v3  }
0x103: {  	v9 =	vld [tilespmem:s31+$0x13AE0];
	v7 =	vunpack.i.l.bf16.f32 v7;
	v3 =	vunpack.i.u.bf16.f32 v5;
	v5 =	vunpack.i.l.bf16.f32 v5  }
0x104: {  	s11 =	simm.s32 $0x200;
	v14 =	vunpack.i.l.bf16.f32 v13;
	v13 =	vadd.f32 v7, v1;
	v1 =	vunpack.i.u.bf16.f32 v2;
	v7 =	vld [tilespmem:s31+$0x13AB0]  }
.LBB2_6:
0x105: {  	s26 =	sshra.s32 s11, $0x2;
	p3 =	sne.s32 s11, $0x9E00;
	v12 =	vadd.f32 v14, v12;
	v10 =	vunpack.i.l.bf16.f32 v10;
	v14 =	vunpack.i.l.bf16.f32 v2;
	v15 =	vld [tilespmem:s31+$0x13AF0]  }
0x106: {  	v16 =	vld [tilespmem:s26+$0x18A80];
	v2 =	vmax.f32 v13, $0.0e+00;
	v8 =	vunpack.i.l.bf16.f32 v8;
	v10 =	vadd.f32 v10, v11  }
0x107: {  	v11 =	vld [tilespmem:s26+$0x18A90];
	[tilespmem:s31+$0x13A80] =	vst v2;
	v2 =	vmax.f32 v12, $0.0e+00;
	v4 =	vadd.f32 v8, v4;
	v6 =	vunpack.i.l.bf16.f32 v6  }
0x108: {  	v13 =	vld [tilespmem:s26+$0x18AA0];
	[tilespmem:s31+$0x13AC0] =	vst v2;
	v8 =	vmax.f32 v10, $0.0e+00;
	v9 =	vunpack.i.l.bf16.f32 v9;
	v5 =	vadd.f32 v6, v5  }
0x109: {  	v2 =	vld [tilespmem:s26+$0x18AB0];
	[tilespmem:s31+$0x13A90] =	vst v8;
	v4 =	vmax.f32 v4, $0.0e+00;
	v3 =	vadd.f32 v9, v3;
	v6 =	vunpack.i.l.bf16.f32 v7  }
0x10a: {  	v7 =	vld [tilespmem:s26+$0x13A80];
	[tilespmem:s31+$0x13AD0] =	vst v4;
	v4 =	vmax.f32 v5, $0.0e+00;
	v5 =	vunpack.i.l.bf16.f32 v15;
	v6 =	vadd.f32 v6, v14  }
0x10b: {  	v14 =	vld [tilespmem:s26+$0x13AC0];
	[tilespmem:s31+$0x13AA0] =	vst v4;
	v3 =	vmax.f32 v3, $0.0e+00;
	v1 =	vadd.f32 v5, v1  }
.Ltmp8:
0x10c: {  	v10 =	vld [tilespmem:s26+$0x13A90];
	[tilespmem:s31+$0x13AE0] =	vst v3;
	v3 =	vmax.f32 v6, $0.0e+00;
	(pc) =	sbr.rel @p3 .LBB2_6-.Ltmp8, $4  }
0x10d: {  	v12 =	vunpack.i.u.bf16.f32 v16;
	v8 =	vld [tilespmem:s26+$0x13AD0];
	[tilespmem:s31+$0x13AB0] =	vst v3;
	v1 =	vmax.f32 v1, $0.0e+00  }
0x10e: {  	v15 =	vunpack.i.l.bf16.f32 v16;
	v4 =	vunpack.i.u.bf16.f32 v11;
	v11 =	vunpack.i.l.bf16.f32 v11;
	v6 =	vld [tilespmem:s26+$0x13AA0];
	[tilespmem:s31+$0x13AF0] =	vst v1;
	s31 =	smov.u32 s26  }
0x10f: {  	v3 =	vunpack.i.u.bf16.f32 v13;
	v5 =	vunpack.i.l.bf16.f32 v13;
	v1 =	vunpack.i.l.bf16.f32 v7;
	v9 =	vld [tilespmem:s31+$0x13AE0]  }
0x110: {  	s11 =	sadd.s32 $0x200, s11;
	v14 =	vunpack.i.l.bf16.f32 v14;
	v13 =	vadd.f32 v1, v15;
	v1 =	vunpack.i.u.bf16.f32 v2;
	v7 =	vld [tilespmem:s31+$0x13AB0]  }
0x111: {  	v12 =	vadd.f32 v14, v12;
	v10 =	vunpack.i.l.bf16.f32 v10;
	v2 =	vunpack.i.l.bf16.f32 v2;
	v14 =	vld [tilespmem:s31+$0x13AF0]  }
0x112: {  	v13 =	vmax.f32 v13, $0.0e+00;
	v8 =	vunpack.i.l.bf16.f32 v8;
	v10 =	vadd.f32 v10, v11  }
0x113: {  	[tilespmem:s31+$0x13A80] =	vst v13;
	v11 =	vmax.f32 v12, $0.0e+00;
	v4 =	vadd.f32 v8, v4;
	v6 =	vunpack.i.l.bf16.f32 v6  }
0x114: {  	[tilespmem:s31+$0x13AC0] =	vst v11;
	v8 =	vmax.f32 v10, $0.0e+00;
	v9 =	vunpack.i.l.bf16.f32 v9;
	v5 =	vadd.f32 v6, v5  }
0x115: {  	[tilespmem:s31+$0x13A90] =	vst v8;
	v4 =	vmax.f32 v4, $0.0e+00;
	v3 =	vadd.f32 v9, v3;
	v6 =	vunpack.i.l.bf16.f32 v7  }
0x116: {  	[tilespmem:s31+$0x13AD0] =	vst v4;
	v4 =	vmax.f32 v5, $0.0e+00;
	v5 =	vunpack.i.l.bf16.f32 v14;
	v2 =	vadd.f32 v6, v2  }
0x117: {  	[tilespmem:s31+$0x13AA0] =	vst v4;
	v3 =	vmax.f32 v3, $0.0e+00;
	v1 =	vadd.f32 v5, v1  }
0x118: {  	[tilespmem:s31+$0x13AE0] =	vst v3;
	v2 =	vmax.f32 v2, $0.0e+00  }
0x119: {  	p3 =	seq.s32 s29, $0x7C;
	[tilespmem:s31+$0x13AB0] =	vst v2;
	v1 =	vmax.f32 v1, $0.0e+00  }
0x11a: {  	s11 =	sadd.s32 @!p3 s0, s30;
	[tilespmem:s31+$0x13AF0] =	vst v1  }
0x11b: {  	[spmem:s1] =	stream.indirect.scatter.add.f32 [tilespmem:s20], [sflag:$0x6], $0x80, s9, s10, $0xb8;
	[tilespmem:$0x1DA80] =	vst v63  }
0x11c: {  	s26 =	smul.u32 @!p3 $0xA, s11;
	_ =	swait.ge [sflag:s21], $0x2800  }
0x11d: {  	s5 =	simm.s32 @!p3 $0x0;
	[sflag:s21] =	ssyncset.done $0x0  }
0x11e: {  	s6 =	simm.s32 @!p3 $0x13880;
	s31 =	sadd.s32 @!p3 s7, s26;
	[sflag:s21] =	ssyncadd.s32 $0xFFFFD800  }
0x11f: {  	[tilespmem:s6], [sflag:$0x5] =	stream.linear.gather @!p3 [hbm4b:s31+s5], $0x50, $0x38;
	[tilespmem:$0x1DA80] =	vst v63  }
0x120: {  	s26 =	sadd.s32 @!p3 s8, s26;
	s31 =	simm.s32 @!p3 $0x13980  }
0x121: {  	[tilespmem:s31], [sflag:$0x5] =	stream.linear.gather @!p3 [hbm4b:s26+s5], $0x50, $0x38;
	[tilespmem:$0x1DA80] =	vst v63  }
0x122: {  	s26 =	simm.s32 @!p3 $0x5  }
0x123: {  	_ =	swait.ge @!p3 [sflag:s26], $0x50  }
0x124: {  	[sflag:s26] =	ssyncset.done @!p3 $0x0  }
0x125: {  	[sflag:s26] =	ssyncadd.s32 @!p3 $0xFFFFFFB0  }
0x126: {  	_ =	swait.ge @!p3 [sflag:s26], $0x50  }
0x127: {  	s11 =	smul.u32 @!p3 $0x500, s11;
	[sflag:s26] =	ssyncset.done @!p3 $0x0  }
0x128: {  	s31 =	simm.s32 @!p3 $0x13A80;
	[sflag:s26] =	ssyncadd.s32 @!p3 $0xFFFFFFB0;
	s26 =	simm.s32 @!p3 $0x50  }
0x129: {  	[tilespmem:s31], [sflag:$0x1] =	stream.indirect.gather @!p3 [hbm4b:s4+s26], $0x80, s6, s26, $0xb8;
	[tilespmem:$0x1DA80] =	vst v63  }
0x12a: {  	s6 =	rddreg [dreg:$0x3]  }
0x12b: {  	s6 =	sadd.s32 @!p3 s6, s11;
	s11 =	simm.s32 @!p3 $0x18A80  }
0x12c: {  	[tilespmem:s11], [sflag:$0x3] =	stream.linear.gather @!p3 [hbm4b:s6+s5], $0x2800, $0x38;
	[tilespmem:$0x1DA80] =	vst v63  }
0x12d: {  	_ =	swait.ge [sflag:s23], $0x2800  }
0x12e: {  	[sflag:s23] =	ssyncset.done $0x0  }
0x12f: {  	[sflag:s23] =	ssyncadd.s32 $0xFFFFD800  }
0x130: {  	_ =	swait.ge [sflag:s22], $0x2800  }
0x131: {  	[sflag:s22] =	ssyncset.done $0x0  }
0x132: {  	s31 =	simm.s32 $0x0;
	[sflag:s22] =	ssyncadd.s32 $0xFFFFD800  }
0x133: {  	v1 =	vld [tilespmem:s31+$0x1B280]  }
0x134: {  	v3 =	vld [tilespmem:s31+$0x1B290]  }
0x135: {  	v5 =	vld [tilespmem:s31+$0x1B2A0]  }
0x136: {  	v2 =	vld [tilespmem:s31+$0x1B2B0]  }
0x137: {  	v7 =	vld [tilespmem:s31+$0x16280]  }
0x138: {  	v13 =	vld [tilespmem:s31+$0x162C0]  }
0x139: {  	v10 =	vld [tilespmem:s31+$0x16290]  }
0x13a: {  	v8 =	vld [tilespmem:s31+$0x162D0];
	v12 =	vunpack.i.u.bf16.f32 v1  }
0x13b: {  	v6 =	vld [tilespmem:s31+$0x162A0];
	v1 =	vunpack.i.l.bf16.f32 v1;
	v4 =	vunpack.i.u.bf16.f32 v3;
	v11 =	vunpack.i.l.bf16.f32 v3  }
0x13c: {  	v9 =	vld [tilespmem:s31+$0x162E0];
	v7 =	vunpack.i.l.bf16.f32 v7;
	v3 =	vunpack.i.u.bf16.f32 v5;
	v5 =	vunpack.i.l.bf16.f32 v5  }
0x13d: {  	s11 =	simm.s32 $0x200;
	v14 =	vunpack.i.l.bf16.f32 v13;
	v13 =	vadd.f32 v7, v1;
	v1 =	vunpack.i.u.bf16.f32 v2;
	v7 =	vld [tilespmem:s31+$0x162B0]  }
.LBB2_8:
0x13e: {  	s5 =	sshra.s32 s11, $0x2;
	p4 =	sne.s32 s11, $0x9E00;
	v12 =	vadd.f32 v14, v12;
	v10 =	vunpack.i.l.bf16.f32 v10;
	v14 =	vunpack.i.l.bf16.f32 v2;
	v15 =	vld [tilespmem:s31+$0x162F0]  }
0x13f: {  	v16 =	vld [tilespmem:s5+$0x1B280];
	v2 =	vmax.f32 v13, $0.0e+00;
	v8 =	vunpack.i.l.bf16.f32 v8;
	v10 =	vadd.f32 v10, v11  }
0x140: {  	v11 =	vld [tilespmem:s5+$0x1B290];
	[tilespmem:s31+$0x16280] =	vst v2;
	v2 =	vmax.f32 v12, $0.0e+00;
	v4 =	vadd.f32 v8, v4;
	v6 =	vunpack.i.l.bf16.f32 v6  }
0x141: {  	v13 =	vld [tilespmem:s5+$0x1B2A0];
	[tilespmem:s31+$0x162C0] =	vst v2;
	v8 =	vmax.f32 v10, $0.0e+00;
	v9 =	vunpack.i.l.bf16.f32 v9;
	v5 =	vadd.f32 v6, v5  }
0x142: {  	v2 =	vld [tilespmem:s5+$0x1B2B0];
	[tilespmem:s31+$0x16290] =	vst v8;
	v4 =	vmax.f32 v4, $0.0e+00;
	v3 =	vadd.f32 v9, v3;
	v6 =	vunpack.i.l.bf16.f32 v7  }
0x143: {  	v7 =	vld [tilespmem:s5+$0x16280];
	[tilespmem:s31+$0x162D0] =	vst v4;
	v4 =	vmax.f32 v5, $0.0e+00;
	v5 =	vunpack.i.l.bf16.f32 v15;
	v6 =	vadd.f32 v6, v14  }
0x144: {  	v14 =	vld [tilespmem:s5+$0x162C0];
	[tilespmem:s31+$0x162A0] =	vst v4;
	v3 =	vmax.f32 v3, $0.0e+00;
	v1 =	vadd.f32 v5, v1  }
.Ltmp9:
0x145: {  	v10 =	vld [tilespmem:s5+$0x16290];
	[tilespmem:s31+$0x162E0] =	vst v3;
	v3 =	vmax.f32 v6, $0.0e+00;
	(pc) =	sbr.rel @p4 .LBB2_8-.Ltmp9, $4  }
0x146: {  	v12 =	vunpack.i.u.bf16.f32 v16;
	v8 =	vld [tilespmem:s5+$0x162D0];
	[tilespmem:s31+$0x162B0] =	vst v3;
	v1 =	vmax.f32 v1, $0.0e+00  }
0x147: {  	v15 =	vunpack.i.l.bf16.f32 v16;
	v4 =	vunpack.i.u.bf16.f32 v11;
	v11 =	vunpack.i.l.bf16.f32 v11;
	v6 =	vld [tilespmem:s5+$0x162A0];
	[tilespmem:s31+$0x162F0] =	vst v1;
	s31 =	smov.u32 s5  }
0x148: {  	v3 =	vunpack.i.u.bf16.f32 v13;
	v5 =	vunpack.i.l.bf16.f32 v13;
	v1 =	vunpack.i.l.bf16.f32 v7;
	v9 =	vld [tilespmem:s31+$0x162E0]  }
0x149: {  	s11 =	sadd.s32 $0x200, s11;
	v14 =	vunpack.i.l.bf16.f32 v14;
	v13 =	vadd.f32 v1, v15;
	v1 =	vunpack.i.u.bf16.f32 v2;
	v7 =	vld [tilespmem:s31+$0x162B0]  }
0x14a: {  	v12 =	vadd.f32 v14, v12;
	v10 =	vunpack.i.l.bf16.f32 v10;
	v2 =	vunpack.i.l.bf16.f32 v2;
	v58 =	vld [tilespmem:s31+$0x162F0]  }
0x14b: {  	v13 =	vmax.f32 v13, $0.0e+00;
	v8 =	vunpack.i.l.bf16.f32 v8;
	v10 =	vadd.f32 v10, v11  }
0x14c: {  	[tilespmem:s31+$0x16280] =	vst v13;
	v59 =	vmax.f32 v12, $0.0e+00;
	v4 =	vadd.f32 v8, v4;
	v6 =	vunpack.i.l.bf16.f32 v6  }
0x14d: {  	[tilespmem:s31+$0x162C0] =	vst v59;
	v60 =	vmax.f32 v10, $0.0e+00;
	v9 =	vunpack.i.l.bf16.f32 v9;
	v5 =	vadd.f32 v6, v5  }
0x14e: {  	[tilespmem:s31+$0x16290] =	vst v60;
	v4 =	vmax.f32 v4, $0.0e+00;
	v3 =	vadd.f32 v9, v3;
	v61 =	vunpack.i.l.bf16.f32 v7  }
0x14f: {  	[tilespmem:s31+$0x162D0] =	vst v4;
	v62 =	vmax.f32 v5, $0.0e+00;
	v63 =	vunpack.i.l.bf16.f32 v58;
	v2 =	vadd.f32 v61, v2  }
0x150: {  	[tilespmem:s31+$0x162A0] =	vst v62;
	v3 =	vmax.f32 v3, $0.0e+00;
	v1 =	vadd.f32 v63, v1  }
0x151: {  	[tilespmem:s31+$0x162E0] =	vst v3;
	v2 =	vmax.f32 v2, $0.0e+00  }
0x152: {  	[tilespmem:s31+$0x162B0] =	vst v2;
	v1 =	vmax.f32 v1, $0.0e+00  }
.Ltmp10:
0x153: {  	[tilespmem:s31+$0x162F0] =	vst v1;
	(pc) =	sbr.rel @p3 .LBB2_11-.Ltmp10, $4  }
0x154: {  	[spmem:s1] =	stream.indirect.scatter.add.f32 [tilespmem:s15], [sflag:$0x6], $0x80, s13, s10, $0xb8;
	[tilespmem:$0x1DA80] =	vst v63  }
0x155: {  	_ =	swait.ge [sflag:s21], $0x2800  }
0x156: {  	[sflag:s21] =	ssyncset.done $0x0  }
0x157: {  	[sflag:s21] =	ssyncadd.s32 $0xFFFFD800  }
0x158: {  	s5 =	sadd.s32 s17, s30  }
0x159: {  	s5 =	smul.u32 $0xA, s5  }
.Ltmp11:
0x15a: {  	_ = 	snop;
	(pc) =	sbr.rel .LBB2_5-.Ltmp11, $4  }
0x15b: {  	s6 =	sadd.s32 s7, s5  }
0x15c: {  	[tilespmem:s12], [sflag:$0x5] =	stream.linear.gather [hbm4b:s6+s2], $0x50, $0x38;
	[tilespmem:$0x1DA80] =	vst v63  }
0x15d: {  	s29 =	sadd.s32 $0x1, s29;
	s5 =	sadd.s32 s8, s5  }
0x15e: {  	[tilespmem:s13], [sflag:$0x5] =	stream.linear.gather [hbm4b:s5+s2], $0x50, $0x38;
	[tilespmem:$0x1DA80] =	vst v63  }
.LBB2_19:
0x15f: {  	[bflag:$0x0] =	sbarrier.arrive $0xFFFF  }
0x160: {  	s5 =	sshll.u32 s3, $0x6;
	s26 =	rddreg [dreg:$0x6]  }
0x161: {  	s11 =	sor.u32 $0x1C06, s5;
	s6 =	rddreg [dreg:$0x11];
	s31 =	sshrl.u32 s26, $0x3  }
0x162: {  	[hbm:s6], [sflag:s11] =	dma.local [spmem:s31], $0x2700  }
.Ltmp12:
0x163: {  	_ = 	snop;
	(pc) =	sbr.rel @p1 .LBB2_21-.Ltmp12, $4  }
.Ltmp13:
0x164: {  	_ = 	snop;
	(pc) =	sbr.rel @!p1 .LBB2_20-.Ltmp13, $4  }
0x165: {  	_ =	swait.ge [sflag:s21], $0x2700  }
0x166: {  	[sflag:s21] =	ssyncset.done $0x0;
	s28 =	rddreg [dreg:$0x5]  }
0x167: {  	s29 =	rddreg [dreg:$0x19];
	[sflag:s21] =	ssyncadd.s32 $0xFFFFD900  }
0x168: {  	_ = 	snop  }
.LBB2_11:
0x169: {  	[bflag:$0x0] =	sbarrier.arrive $0xFFFF  }
0x16a: {  	s5 =	sshll.u32 s3, $0x6;
	s26 =	rddreg [dreg:$0x6]  }
0x16b: {  	s11 =	sor.u32 $0x1C06, s5;
	s6 =	rddreg [dreg:$0xf];
	s31 =	sshrl.u32 s26, $0x3  }
0x16c: {  	[hbm:s6], [sflag:s11] =	dma.local [spmem:s31], $0x2700  }
.Ltmp14:
0x16d: {  	_ = 	snop;
	(pc) =	sbr.rel @p2 .LBB2_20-.Ltmp14, $4  }
.Ltmp15:
0x16e: {  	_ = 	snop;
	(pc) =	sbr.rel @!p2 .LBB2_21-.Ltmp15, $4  }
0x16f: {  	_ =	swait.ge [sflag:s21], $0x2700  }
0x170: {  	[sflag:s21] =	ssyncset.done $0x0;
	s28 =	rddreg [dreg:$0x4]  }
0x171: {  	s29 =	rddreg [dreg:$0x19];
	[sflag:s21] =	ssyncadd.s32 $0xFFFFD900  }
0x172: {  	_ = 	snop  }
.LBB2_22:
0x173: {  	_ =	sfence.sel $0x180000  }
0x174: {  	[bflag:$0x0] =	sbarrier.arrive $0xFFFF  }
0x175: {  	_ =	strace $0x9000004A  }
0x176: {  	[bflag:$0x2] =	sbarrier.arrive $0xFFFF  }
0x177: {  	p0 =	sne.s32 s3, $0x0;
	s0 =	rddreg [dreg:$0x2]  }
0x178: {  	s0 =	sadd.s32 @!p0 $0x100000, s0  }
0x179: {  	[sflag:s0] =	ssyncadd.tile.s32 @!p0 $0x1;
	_ =	shalt  }
.Lfunc_end2:
_tile_overlayer_lowered:
.L_overlay_start_2:
0x17a: {  	(tag) =	ssettag $0x2  }
0x17b: {  	s0 =	rddreg [dreg:$0x0];
	s2 =	stileid.u32  }
0x17c: {  	s1 =	rddreg [dreg:$0x1];
	p0 =	sne.s32 s2, $0x0  }
0x17d: {  	s3 =	rddreg [dreg:$0x2];
	[bflag:$0x3] =	sbarrier.arrive $0xFFFF;
	s2 =	simm.s32 @!p0 $0x1C06  }
0x17e: {  	[timem:s3], [sflag:s2] =	dma.local @!p0 [hbm:s0], s1  }
0x17f: {  	s0 =	simm.s32 @!p0 $0x6  }
0x180: {  	_ =	swait.ge @!p0 [sflag:s0], s1  }
0x181: {  	s1 =	ssub.s32 @!p0 $0x0, s1;
	[sflag:s0] =	ssyncset.done @!p0 $0x0  }
0x182: {  	[sflag:s0] =	ssyncadd.s32 @!p0 s1  }
0x183: {  	[bflag:$0x3] =	sbarrier.arrive $0xFFFF  }
0x184: {  	_ =	shalt  }

// kernel: kernel.9.cloned.1.call-start
scs
__scs_entry_jumppad:
0x0: {  	(pc) =	sbr.rel $0x88, $3  }
0x1: {  	(tag) =	ssettag $0x0;
	lr =	simm.s32 $0x1  }
0x2: {  	[smem:$0x3F8D] =	sst lr;
	_ =	strace $0xD0000000  }
0x3: {  	_ = 	snop  }
0x4: {  	_ = 	snop  }
0x5: {  	_ = 	snop  }
0x6: {  	_ = 	snop  }
0x7: {  	_ = 	snop  }
__scs_overlays_trampoline_lowered:
0x8: {  	[smem:$0x3F9C] =	sst s0  }
0x9: {  	[smem:$0x3F9D] =	sst s1  }
0xa: {  	[smem:$0x3F9E] =	sst s2  }
0xb: {  	[smem:$0x3F9F] =	sst s3  }
0xc: {  	[smem:$0x3FA0] =	sst s4  }
0xd: {  	[smem:$0x3FA1] =	sst s5  }
0xe: {  	[smem:$0x3FA2] =	sst s6  }
0xf: {  	[smem:$0x3FA3] =	sst s7  }
0x10: {  	[smem:$0x3FA4] =	sst s8  }
0x11: {  	[smem:$0x3FA5] =	sst s9;
	s0 =	simm.s32 @!p0 $0x0  }
0x12: {  	s1 =	sld [smem:$0x3F8B];
	s0 =	simm.s32 @p0 $0x1  }
0x13: {  	[smem:$0x3FA6] =	sst s0;
	s0 =	simm.s32 @!p1 $0x0  }
0x14: {  	s2 =	sld [smem:$0x3F8A];
	s0 =	simm.s32 @p1 $0x1  }
0x15: {  	[smem:$0x3FA7] =	sst s0;
	s0 =	simm.s32 @!p2 $0x0  }
0x16: {  	s3 =	sld [smem:$0x3FDB];
	s0 =	simm.s32 @p2 $0x1  }
0x17: {  	s4 =	simm.s32 $0x1BF5;
	[smem:$0x3FA9] =	sst s0  }
0x18: {  	s0 =	sld [smem:$0x3F8C];
	_ =	swait.ge [sflag:s4], $0x0  }
0x19: {  	s7 =	sld [smem:$0x3F8D]  }
0x1a: {  	s8 =	sadd.s32 $0xFFFFE003, lr  }
0x1b: {  	s9 =	sadd.s32 $0xFFFFFEF7, lr;
	s5 =	simm.s32 $0xFFFFFFFF;
	p2 =	slt.u32 s8, $0xFFFFF086  }
0x1c: {  	p1 =	slt.u32 s9, $0xF7A;
	s5 =	simm.s32 @!p2 $0x0  }
0x1d: {  	s5 =	simm.s32 @p1 $0x1;
	p0 =	seq.s32 s7, s2  }
0x1e: {  	s7 =	smul.u32 @!p0 $0xF7A, s2;
	p2 =	seq.s32 @!p0 s5, $0x0  }
0x1f: {  	s9 =	smul.u32 $0xF7A, s1;
	s8 =	simm.s32 @!p0 $0x1BF5;
	p2 =	por !p2, p0  }
0x20: {  	[sflag:s8] =	ssyncset.s32 @!p0 $0xFFFFF086;
	s6 =	sadd.s32 @!p0 s3, s7;
	s7 =	simm.s32 @!p0 $0x108  }
0x21: {  	s3 =	sadd.s32 s3, s9;
	s6 =	sadd.s32 @!p0 $0x88, s6;
	s7 =	simm.s32 @p2 $0x1082  }
0x22: {  	[simem:s7], [sflag:s8] =	dma.local @!p0 [hbm:s6], $0xF7A  }
0x23: {  	s9 =	sor.u32 $0xD0000000, s2;
	s6 =	simm.s32 $0x108;
	_ =	swait.ge @!p0 [sflag:s8], $0x0  }
0x24: {  	s3 =	sadd.s32 $0x88, s3;
	s6 =	simm.s32 @!p1 $0x1082;
	[sflag:s4] =	ssyncset.s32 $0xFFFFF086  }
0x25: {  	[simem:s6], [sflag:s4] =	dma.local [hbm:s3], $0xF7A  }
0x26: {  	[smem:$0x3F8D] =	sst s1;
	(tag) =	ssettag s2;
	_ =	strace s9  }
0x27: {  	s1 =	sld [smem:$0x3F9D]  }
0x28: {  	s2 =	sld [smem:$0x3F9E]  }
0x29: {  	s4 =	sld [smem:$0x3FA0]  }
0x2a: {  	p0 =	seq.s32 s5, $0x0;
	s5 =	sld [smem:$0x3FA1]  }
0x2b: {  	s6 =	sld [smem:$0x3FA2]  }
0x2c: {  	s7 =	sld [smem:$0x3FA3]  }
0x2d: {  	s3 =	simm.s32 $0x108;
	s8 =	sld [smem:$0x3FA4]  }
0x2e: {  	s3 =	simm.s32 @!p0 $0x1082;
	s9 =	sld [smem:$0x3FA5]  }
0x2f: {  	lr =	sadd.s32 s0, s3;
	s0 =	sld [smem:$0x3F9C]  }
0x30: {  	s3 =	sld [smem:$0x3F9F]  }
0x31: {  	[smem:$0x3FA8] =	sst s10  }
0x32: {  	s10 =	sld [smem:$0x3FA6];
	_ =	sdelay $0x3  }
0x33: {  	p0 =	seq.s32 s10, $0x1;
	s10 =	sld [smem:$0x3FA8];
	_ =	sdelay $0x3  }
0x34: {  	[smem:$0x3FA8] =	sst s10  }
0x35: {  	s10 =	sld [smem:$0x3FA7];
	_ =	sdelay $0x3  }
0x36: {  	p1 =	seq.s32 s10, $0x1;
	s10 =	sld [smem:$0x3FA8];
	_ =	sdelay $0x3  }
0x37: {  	[smem:$0x3FA8] =	sst s10  }
0x38: {  	s10 =	sld [smem:$0x3FA9]  }
0x39: {  	_ = 	snop;
	(pc) =	sbr.ind lr, $3  }
0x3a: {  	_ = 	snop  }
0x3b: {  	_ = 	snop  }
0x3c: {  	p2 =	seq.s32 s10, $0x1;
	s10 =	sld [smem:$0x3FA8]  }
0x3d: {  	_ =	shalt  }
0x3e: {  	_ =	shalt  }
0x3f: {  	_ =	shalt  }
0x40: {  	_ =	shalt  }
0x41: {  	_ =	shalt  }
0x42: {  	_ =	shalt  }
0x43: {  	_ =	shalt  }
0x44: {  	_ =	shalt  }
0x45: {  	_ =	shalt  }
0x46: {  	_ =	shalt  }
0x47: {  	_ =	shalt  }
0x48: {  	_ =	shalt  }
0x49: {  	_ =	shalt  }
0x4a: {  	_ =	shalt  }
0x4b: {  	_ =	shalt  }
0x4c: {  	_ =	shalt  }
0x4d: {  	_ =	shalt  }
0x4e: {  	_ =	shalt  }
0x4f: {  	_ =	shalt  }
0x50: {  	_ =	shalt  }
0x51: {  	_ =	shalt  }
0x52: {  	_ =	shalt  }
0x53: {  	_ =	shalt  }
0x54: {  	_ =	shalt  }
0x55: {  	_ =	shalt  }
0x56: {  	_ =	shalt  }
0x57: {  	_ =	shalt  }
0x58: {  	_ =	shalt  }
0x59: {  	_ =	shalt  }
0x5a: {  	_ =	shalt  }
0x5b: {  	_ =	shalt  }
0x5c: {  	_ =	shalt  }
0x5d: {  	_ =	shalt  }
0x5e: {  	_ =	shalt  }
0x5f: {  	_ =	shalt  }
0x60: {  	_ =	shalt  }
0x61: {  	_ =	shalt  }
0x62: {  	_ =	shalt  }
0x63: {  	_ =	shalt  }
0x64: {  	_ =	shalt  }
0x65: {  	_ =	shalt  }
0x66: {  	_ =	shalt  }
0x67: {  	_ =	shalt  }
0x68: {  	_ =	shalt  }
0x69: {  	_ =	shalt  }
0x6a: {  	_ =	shalt  }
0x6b: {  	_ =	shalt  }
0x6c: {  	_ =	shalt  }
0x6d: {  	_ =	shalt  }
0x6e: {  	_ =	shalt  }
0x6f: {  	_ =	shalt  }
0x70: {  	_ =	shalt  }
0x71: {  	_ =	shalt  }
0x72: {  	_ =	shalt  }
0x73: {  	_ =	shalt  }
0x74: {  	_ =	shalt  }
0x75: {  	_ =	shalt  }
0x76: {  	_ =	shalt  }
0x77: {  	_ =	shalt  }
0x78: {  	_ =	shalt  }
0x79: {  	_ =	shalt  }
0x7a: {  	_ =	shalt  }
0x7b: {  	_ =	shalt  }
0x7c: {  	_ =	shalt  }
0x7d: {  	_ =	shalt  }
0x7e: {  	_ =	shalt  }
0x7f: {  	_ =	shalt  }
0x80: {  	_ =	shalt  }
0x81: {  	_ =	shalt  }
0x82: {  	_ =	shalt  }
0x83: {  	_ =	shalt  }
0x84: {  	_ =	shalt  }
0x85: {  	_ =	shalt  }
0x86: {  	_ =	shalt  }
0x87: {  	_ =	shalt  }
.Lfunc_end0:
.L_simem_size_0:
called_computation_lowered:
.L_overlay_start_0:
0x88: {  	s2 =	sld [smem:$0x3FD9]  }
0x89: {  	s3 =	sld [smem:$0x3FFE];
	_ =	sdelay $0x1  }
0x8a: {  	s1 =	srdreg.scid  }
0x8b: {  	s0 =	sand.u32 $0x1, s1  }
0x8c: {  	s16 =	sshll.u32 s0, $0xA;
	s2 =	sadd.s32 s3, s2  }
0x8d: {  	s2 =	sadd.s32 s2, s16  }
0x8e: {  	[smem:$0x3FB4] =	sst s2  }
0x8f: {  	_ = 	snop  }
0x90: {  	(tm) =	ssettm $0x1  }
0x91: {  	s17 =	sld [smem:$0x3FFB];
	_ =	sdelay $0x3  }
0x92: {  	_ =	strace s17  }
0x93: {  	s2 =	sld [smem:$0x3FFC];
	_ =	sdelay $0x3  }
0x94: {  	_ =	strace s2  }
0x95: {  	s2 =	sld [smem:$0x3FFD];
	_ =	sdelay $0x3  }
0x96: {  	_ =	strace s2  }
0x97: {  	_ =	strace $0x8FFFFFFF  }
0x98: {  	s18 =	sld [smem:$0x3FDB];
	_ =	sdelay $0x1  }
0x99: {  	s19 =	simm.s32 $_scs_section_size  }
0x9a: {  	s4 =	simm.s32 $_size__tile_overlayer_lowered;
	s5 =	simm.s32 $_tile_overlayer_lowered  }
0x9b: {  	s22 =	simm.s32 $0x1BFF;
	s21 =	sshll.u32 s5, $0x1;
	s2 =	sadd.s32 s19, s18  }
0x9c: {  	s6 =	simm.s32 $0x0;
	s20 =	sshll.u32 s4, $0x1;
	s4 =	sadd.s32 s21, s2  }
0x9d: {  	[timem:s6], [sflag:s22] =	dma.local [hbm:s4], s20  }
0x9e: {  	_ =	swait.ge [sflag:s22], s20  }
0x9f: {  	s3 =	ssub.s32 $0x0, s20;
	[sflag:s22] =	ssyncset.done $0x0  }
0xa0: {  	[sflag:s22] =	ssyncadd.s32 s3;
	_ =	sdelay $0x1  }
0xa1: {  	s23 =	simm.s32 $0x1B8B  }
0xa2: {  	_ =	swait.ge [sflag:s23], $0x1  }
0xa3: {  	[sflag:s23] =	ssyncset.done $0x0  }
0xa4: {  	s25 =	simm.s32 $0x1B8E;
	s24 =	sld [smem:$0x3FFE];
	[sflag:s23] =	ssyncadd.s32 $0xFFFFFFFF  }
0xa5: {  	s26 =	simm.s32 $execute0_lowered;
	[smem:$0x3FD2] =	sst s25  }
0xa6: {  	s4 =	sshll.u32 s26, $0x1;
	_ =	strace $0x80000046;
	[dreg:$0x1] =	wrdreg $0xFFFFFFFF  }
0xa7: {  	s28 =	simm.s32 $_size_execute0_lowered;
	s2 =	sadd.s32 s2, s4;
	[dreg:$0x0] =	wrdreg $0x0  }
0xa8: {  	s4 =	sshll.u32 s28, $0x1;
	[dreg:$0x2] =	wrdreg s2  }
0xa9: {  	[dreg:$0x3] =	wrdreg s4  }
0xaa: {  	[dreg:$0x4] =	wrdreg $0xC0  }
0xab: {  	_ =	task [dreg:s6], $0x5FFFF  }
0xac: {  	[dreg:$0x1] =	wrdreg $0xFFFFFFFF  }
0xad: {  	[dreg:$0x0] =	wrdreg $0x60  }
0xae: {  	[dreg:$0x2] =	wrdreg s24  }
0xaf: {  	[dreg:$0x3] =	wrdreg $0x0  }
0xb0: {  	[dreg:$0x4] =	wrdreg $0x9  }
0xb1: {  	_ =	task.clear_ibuf [dreg:s6], $0x5FFFF;
	_ =	strace $0x90000046  }
0xb2: {  	s29 =	simm.s32 $0x9;
	_ =	strace $0x80000048  }
0xb3: {  	_ =	swait.ge [sflag:s29], $0x1  }
0xb4: {  	[sflag:s29] =	ssyncadd.s32 $0xFFFFFFFF  }
0xb5: {  	_ =	strace $0x90000048  }
0xb6: {  	_ =	sfence  }
0xb7: {  	s30 =	sld [smem:$0x0];
	_ =	sdelay $0x2  }
0xb8: {  	s31 =	sshll.u32 s1, $0xD;
	s1 =	sshrl.u32 s1, $0x2  }
0xb9: {  	s3 =	sand.u32 $0x4000, s31;
	s1 =	sadd.s32 s1, s30  }
0xba: {  	s0 =	sor.u32 s3, s0;
	s1 =	sshll.u32 s1, $0x11  }
0xbb: {  	s0 =	sor.u32 s1, s0  }
0xbc: {  	s0 =	sadd.s32 $0x8F2B, s0  }
0xbd: {  	[sflag:s0] =	ssyncadd.remote.s32 $0x1  }
0xbe: {  	_ =	sfence.sel $0xFFFF  }
0xbf: {  	[dreg:$0x0] =	wrdreg $0xFFFFFFFF;
	(pc) =	sbr.abs _section_cstart, $3  }
0xc0: {  	[dreg:$0x1] =	wrdreg $0xFFFFFFFF  }
0xc1: {  	_ =	task.clear_ibuf [dreg:s6], $0x2FFFF;
	_ =	strace $0x9FFFFFFF  }
0xc2: {  	(tm) =	ssettm $0x7FFFFFFF  }
0xc3: {  	_ =	shalt  }
tec
execute0_lowered:
.L_overlay_start_1:
0x0: {  	(tag) =	ssettag $0x1  }
0x1: {  	s0 =	rddreg [dreg:$0x0]  }
0x2: {  	s1 =	rddreg [dreg:$0x1];
	s2 =	simm.s32 $0x0  }
0x3: {  	s8 =	srdreg.scid;
	s6 =	stileid.u32;
	s29 =	simm.s32 $0x0  }
0x4: {  	[smem:$0x7FF] =	sst s2;
	s4 =	sadd.s32 $0x9DCE00, s0;
	s5 =	sadd.s32 $0x18E00, s0  }
0x5: {  	s3 =	sadd.s32 $0x4FAE00, s0;
	s7 =	sadd.s32 $0xF000, s0;
	s10 =	smul.u32 $0x4E000, s6  }
0x6: {  	s9 =	sand.u32 $0x1, s8;
	s14 =	sadd.s32 $0xA52400, s0;
	s22 =	smul.u32 $0xA, s6  }
0x7: {  	s8 =	sadd.s32 $0x5200, s0;
	s15 =	sadd.s32 $0xA79600, s0;
	s25 =	smul.u32 $0x50, s6  }
0x8: {  	s28 =	smul.u32 $0x500, s6;
	_ =	strace $0x80000047;
	[dreg:$0x3] =	wrdreg s5  }
0x9: {  	s31 =	smul.u32 $0x2700, s6;
	s21 =	sadd.s32 $0x1DE00, s0;
	[dreg:$0x4] =	wrdreg s14  }
0xa: {  	p1 =	sne.s32 s6, $0xF;
	p2 =	seq.s32 s6, $0xF;
	[dreg:$0x5] =	wrdreg s15  }
0xb: {  	s11 =	ssub.s32 $0x2, s9;
	p0 =	seq.s32 s9, $0x1;
	[dreg:$0x13] =	wrdreg s21  }
0xc: {  	s21 =	simm.s32 $0x6;
	s9 =	simm.s32 $0x13980;
	s30 =	sadd.s32 s7, s22  }
0xd: {  	s12 =	sshrl.u32 s11, $0x1;
	s5 =	sadd.s32 s5, s28;
	[dreg:$0xa] =	wrdreg s30  }
0xe: {  	s10 =	sshrl.u32 s10, $0x2;
	s18 =	sadd.s32 s14, s31;
	[dreg:$0xc] =	wrdreg s5  }
0xf: {  	s19 =	sadd.s32 s15, s31;
	s31 =	sadd.s32 $0x138000, s1;
	[dreg:$0xf] =	wrdreg s18  }
0x10: {  	s14 =	simm.s32 $0x5;
	s15 =	simm.s32 $0x16280;
	[dreg:$0x11] =	wrdreg s19  }
0x11: {  	s26 =	sadd.s32 s10, s1;
	s10 =	sadd.s32 s8, s22;
	[dreg:$0x18] =	wrdreg s31  }
0x12: {  	s11 =	ssub.s32 s11, s12;
	s12 =	sshrl.u32 s25, $0x3;
	[dreg:$0xb] =	wrdreg s10  }
0x13: {  	s25 =	sadd.s32 $0x4FFE00, s0;
	s23 =	sadd.s32 $0x2800, s26;
	[dreg:$0x6] =	wrdreg s26  }
0x14: {  	s0 =	sor.u32 $0x20, s6;
	s24 =	sadd.s32 $0x5000, s26;
	[dreg:$0x7] =	wrdreg s23  }
0x15: {  	s18 =	simm.s32 $0x1;
	s13 =	sadd.s32 $0x7800, s26;
	[dreg:$0x8] =	wrdreg s24  }
0x16: {  	s19 =	simm.s32 $0x3;
	s20 =	smax.u32 s11, $0x1;
	[dreg:$0x9] =	wrdreg s13  }
0x17: {  	s12 =	sadd.s32 $0xA0, s12;
	s22 =	sadd.s32 $0xA000, s26;
	[dreg:$0x12] =	wrdreg s20  }
0x18: {  	s30 =	sadd.s32 $0x11800, s26;
	s10 =	simm.s32 $0x50;
	[dreg:$0x14] =	wrdreg s22  }
0x19: {  	s16 =	sadd.s32 s7, s12;
	s17 =	sadd.s32 s8, s12;
	[dreg:$0x17] =	wrdreg s30  }
0x1a: {  	s24 =	smov.u32 s3;
	s3 =	sadd.s32 s3, s28;
	[dreg:$0xd] =	wrdreg s16  }
.Ltmp0:
0x1b: {  	s23 =	sadd.s32 $0xC800, s26;
	[dreg:$0xe] =	wrdreg s17;
	(pc) =	sbr.rel .LBB2_1-.Ltmp0, $4  }
0x1c: {  	s28 =	sadd.s32 $0xF000, s26;
	s20 =	simm.s32 $0x13A80;
	[dreg:$0x10] =	wrdreg s3  }
0x1d: {  	s12 =	simm.s32 $0x13900;
	s13 =	simm.s32 $0x13A00;
	[dreg:$0x15] =	wrdreg s23  }
0x1e: {  	s22 =	simm.s32 $0x4;
	[dreg:$0x16] =	wrdreg s28;
	s3 =	stileid.u32  }
0x1f: {  	v0 =	vimm.f32 $0.0e+00;
	s17 =	sor.u32 $0x30, s6;
	s16 =	simm.s32 $0x1B280;
	s23 =	simm.s32 $0x2  }
.LBB2_20:
0x20: {  	s6 =	rddreg [dreg:$0x18]  }
0x21: {  	s5 =	sadd.s32 $0x27000, s28;
	s6 =	sshrl.u32 s6, $0x3  }
0x22: {  	[hbm:s5], [sflag:s11] =	dma.local [spmem:s6], $0x100  }
0x23: {  	_ =	swait.ge [sflag:s21], $0x100  }
0x24: {  	[sflag:s21] =	ssyncset.done $0x0  }
0x25: {  	[sflag:s21] =	ssyncadd.s32 $0xFFFFFF00  }
.LBB2_21:
0x26: {  	s29 =	sadd.s32 $0x1, s29;
	s5 =	rddreg [dreg:$0x12]  }
0x27: {  	p3 =	sne.s32 s29, s5  }
.Ltmp1:
0x28: {  	_ = 	snop;
	(pc) =	sbr.rel @!p3 .LBB2_22-.Ltmp1, $1  }
0x29: {  	_ =	sdelay $0x3  }
.LBB2_1:
0x2a: {  	[dreg:$0x19] =	wrdreg s29;
	s11 =	simm.s32 $0x0;
	s28 =	simm.s32 $0x200  }
.LBB2_2:
0x2b: {  	p3 =	sne.s32 s28, $0x9E00;
	[tilespmem:s11+$0x13AF0] =	vst v0  }
0x2c: {  	[tilespmem:s11+$0x13A80] =	vst v0  }
0x2d: {  	[tilespmem:s11+$0x13A90] =	vst v0  }
.Ltmp2:
0x2e: {  	[tilespmem:s11+$0x13AA0] =	vst v0;
	(pc) =	sbr.rel @p3 .LBB2_2-.Ltmp2, $4  }
0x2f: {  	[tilespmem:s11+$0x13AB0] =	vst v0  }
0x30: {  	[tilespmem:s11+$0x13AC0] =	vst v0  }
0x31: {  	[tilespmem:s11+$0x13AD0] =	vst v0  }
0x32: {  	[tilespmem:s11+$0x13AE0] =	vst v0;
	s11 =	sshra.s32 s28, $0x2;
	s28 =	sadd.s32 $0x200, s28  }
0x33: {  	[tilespmem:s11+$0x13AF0] =	vst v0  }
0x34: {  	[tilespmem:s11+$0x13A80] =	vst v0  }
0x35: {  	[tilespmem:s11+$0x13A90] =	vst v0  }
0x36: {  	[tilespmem:s11+$0x13AA0] =	vst v0  }
0x37: {  	[tilespmem:s11+$0x13AB0] =	vst v0  }
0x38: {  	[tilespmem:s11+$0x13AC0] =	vst v0  }
0x39: {  	[tilespmem:s11+$0x13AD0] =	vst v0  }
0x3a: {  	[tilespmem:s11+$0x13AE0] =	vst v0  }
0x3b: {  	[spmem:s26] =	stream.linear.scatter [tilespmem:s20], [sflag:$0x6], $0x2800, $0x38;
	[tilespmem:$0x1DA80] =	vst v63  }
0x3c: {  	_ =	swait.ge [sflag:s21], $0x2800  }
0x3d: {  	[sflag:s21] =	ssyncset.done $0x0  }
0x3e: {  	s5 =	rddreg [dreg:$0x7];
	[sflag:s21] =	ssyncadd.s32 $0xFFFFD800  }
0x3f: {  	[spmem:s5] =	stream.linear.scatter [tilespmem:s20], [sflag:$0x6], $0x2800, $0x38;
	[tilespmem:$0x1DA80] =	vst v63  }
0x40: {  	_ =	swait.ge [sflag:s21], $0x2800  }
0x41: {  	[sflag:s21] =	ssyncset.done $0x0  }
0x42: {  	s30 =	rddreg [dreg:$0x8];
	[sflag:s21] =	ssyncadd.s32 $0xFFFFD800  }
0x43: {  	[spmem:s30] =	stream.linear.scatter [tilespmem:s20], [sflag:$0x6], $0x2800, $0x38;
	[tilespmem:$0x1DA80] =	vst v63  }
0x44: {  	_ =	swait.ge [sflag:s21], $0x2800  }
0x45: {  	[sflag:s21] =	ssyncset.done $0x0  }
0x46: {  	s31 =	rddreg [dreg:$0x9];
	[sflag:s21] =	ssyncadd.s32 $0xFFFFD800  }
0x47: {  	[spmem:s31] =	stream.linear.scatter [tilespmem:s20], [sflag:$0x6], $0x2800, $0x38;
	[tilespmem:$0x1DA80] =	vst v63  }
0x48: {  	_ =	swait.ge [sflag:s21], $0x2800  }
0x49: {  	[sflag:s21] =	ssyncset.done $0x0  }
0x4a: {  	s6 =	rddreg [dreg:$0x14];
	[sflag:s21] =	ssyncadd.s32 $0xFFFFD800  }
0x4b: {  	[spmem:s6] =	stream.linear.scatter [tilespmem:s20], [sflag:$0x6], $0x2800, $0x38;
	[tilespmem:$0x1DA80] =	vst v63  }
0x4c: {  	_ =	swait.ge [sflag:s21], $0x2800  }
0x4d: {  	[sflag:s21] =	ssyncset.done $0x0  }
0x4e: {  	s11 =	rddreg [dreg:$0x15];
	[sflag:s21] =	ssyncadd.s32 $0xFFFFD800  }
0x4f: {  	[spmem:s11] =	stream.linear.scatter [tilespmem:s20], [sflag:$0x6], $0x2800, $0x38;
	[tilespmem:$0x1DA80] =	vst v63  }
0x50: {  	_ =	swait.ge [sflag:s21], $0x2800  }
0x51: {  	[sflag:s21] =	ssyncset.done $0x0  }
0x52: {  	s26 =	rddreg [dreg:$0x16];
	[sflag:s21] =	ssyncadd.s32 $0xFFFFD800  }
0x53: {  	[spmem:s26] =	stream.linear.scatter [tilespmem:s20], [sflag:$0x6], $0x2800, $0x38;
	[tilespmem:$0x1DA80] =	vst v63  }
0x54: {  	_ =	swait.ge [sflag:s21], $0x2800  }
0x55: {  	[sflag:s21] =	ssyncset.done $0x0  }
0x56: {  	s29 =	rddreg [dreg:$0x17];
	[sflag:s21] =	ssyncadd.s32 $0xFFFFD800  }
0x57: {  	[spmem:s29] =	stream.linear.scatter [tilespmem:s20], [sflag:$0x6], $0x2000, $0x38;
	[tilespmem:$0x1DA80] =	vst v63  }
0x58: {  	_ =	swait.ge [sflag:s21], $0x2000  }
0x59: {  	[sflag:s21] =	ssyncset.done $0x0  }
0x5a: {  	s11 =	simm.s32 @!p1 $0x13A80;
	s5 =	rddreg [dreg:$0x18];
	[sflag:s21] =	ssyncadd.s32 $0xFFFFE000  }
0x5b: {  	[spmem:s5] =	stream.linear.scatter @!p1 [tilespmem:s11], [sflag:$0x6], $0x800, $0x38;
	[tilespmem:$0x1DA80] =	vst v63  }
0x5c: {  	s11 =	simm.s32 @!p1 $0x6  }
0x5d: {  	_ =	swait.ge @!p1 [sflag:s11], $0x800  }
0x5e: {  	[sflag:s11] =	ssyncset.done @!p1 $0x0  }
0x5f: {  	[sflag:s11] =	ssyncadd.s32 @!p1 $0xFFFFF800  }
0x60: {  	[bflag:$0x0] =	sbarrier.arrive $0xFFFF  }
0x61: {  	s6 =	simm.s32 $0x13880;
	s30 =	rddreg [dreg:$0xa]  }
0x62: {  	[tilespmem:s6], [sflag:$0x6] =	stream.linear.gather [hbm4b:s30+s2], $0x50, $0x38;
	[tilespmem:$0x1DA80] =	vst v63  }
0x63: {  	_ =	swait.ge [sflag:s21], $0x50  }
0x64: {  	[sflag:s21] =	ssyncset.done $0x0  }
0x65: {  	s31 =	rddreg [dreg:$0xb];
	[sflag:s21] =	ssyncadd.s32 $0xFFFFFFB0  }
0x66: {  	[tilespmem:s9], [sflag:$0x6] =	stream.linear.gather [hbm4b:s31+s2], $0x50, $0x38;
	[tilespmem:$0x1DA80] =	vst v63  }
.Ltmp3:
0x67: {  	_ = 	snop;
	(pc) =	sbr.rel @!p0 .LBB2_4-.Ltmp3, $4  }
0x68: {  	_ =	swait.ge [sflag:s21], $0x50  }
0x69: {  	[sflag:s21] =	ssyncset.done $0x0  }
0x6a: {  	s28 =	simm.s32 $0x0;
	[sflag:s21] =	ssyncadd.s32 $0xFFFFFFB0  }
0x6b: {  	[tilespmem:s20], [sflag:$0x1] =	stream.indirect.gather [hbm4b:s4+s10], $0x80, s6, s10, $0xb8;
	[tilespmem:$0x1DA80] =	vst v63  }
0x6c: {  	s5 =	rddreg [dreg:$0x10];
	s6 =	simm.s32 $0x18A80  }
0x6d: {  	[tilespmem:s6], [sflag:$0x3] =	stream.linear.gather [hbm4b:s5+s28], $0x2800, $0x38;
	[tilespmem:$0x1DA80] =	vst v63  }
0x6e: {  	s30 =	rddreg [dreg:$0xd]  }
0x6f: {  	[tilespmem:s12], [sflag:$0x5] =	stream.linear.gather [hbm4b:s30+s28], $0x50, $0x38;
	[tilespmem:$0x1DA80] =	vst v63  }
0x70: {  	s31 =	rddreg [dreg:$0xe];
	s29 =	simm.s32 $0x0  }
0x71: {  	[tilespmem:s13], [sflag:$0x5] =	stream.linear.gather [hbm4b:s31+s28], $0x50, $0x38;
	[tilespmem:$0x1DA80] =	vst v63  }
.LBB2_13:
0x72: {  	_ =	swait.ge [sflag:s14], $0x50  }
0x73: {  	[sflag:s14] =	ssyncset.done $0x0  }
0x74: {  	[sflag:s14] =	ssyncadd.s32 $0xFFFFFFB0  }
0x75: {  	s30 =	sshll.u32 s29, $0x5;
	_ =	swait.ge [sflag:s14], $0x50  }
0x76: {  	s5 =	sor.u32 s3, s30;
	[sflag:s14] =	ssyncset.done $0x0  }
0x77: {  	s5 =	smul.u32 $0x500, s5;
	[sflag:s14] =	ssyncadd.s32 $0xFFFFFFB0  }
0x78: {  	[tilespmem:s15], [sflag:$0x2] =	stream.indirect.gather [hbm4b:s4+s10], $0x80, s12, s10, $0xb8;
	[tilespmem:$0x1DA80] =	vst v63  }
0x79: {  	s5 =	sadd.s32 s25, s5  }
0x7a: {  	[tilespmem:s16], [sflag:$0x4] =	stream.linear.gather [hbm4b:s5+s28], $0x2800, $0x38;
	[tilespmem:$0x1DA80] =	vst v63  }
0x7b: {  	_ =	swait.ge [sflag:s18], $0x2800  }
0x7c: {  	[sflag:s18] =	ssyncset.done $0x0  }
0x7d: {  	[sflag:s18] =	ssyncadd.s32 $0xFFFFD800  }
0x7e: {  	_ =	swait.ge [sflag:s19], $0x2800  }
0x7f: {  	[sflag:s19] =	ssyncset.done $0x0  }
0x80: {  	s31 =	simm.s32 $0x0;
	[sflag:s19] =	ssyncadd.s32 $0xFFFFD800  }
0x81: {  	v1 =	vld [tilespmem:s31+$0x18A80]  }
0x82: {  	v3 =	vld [tilespmem:s31+$0x18A90]  }
0x83: {  	v5 =	vld [tilespmem:s31+$0x18AA0]  }
0x84: {  	v2 =	vld [tilespmem:s31+$0x18AB0]  }
0x85: {  	v7 =	vld [tilespmem:s31+$0x13A80]  }
0x86: {  	v13 =	vld [tilespmem:s31+$0x13AC0]  }
0x87: {  	v10 =	vld [tilespmem:s31+$0x13A90]  }
0x88: {  	v8 =	vld [tilespmem:s31+$0x13AD0];
	v12 =	vunpack.i.u.bf16.f32 v1  }
0x89: {  	v6 =	vld [tilespmem:s31+$0x13AA0];
	v1 =	vunpack.i.l.bf16.f32 v1;
	v4 =	vunpack.i.u.bf16.f32 v3;
	v11 =	vunpack.i.l.bf16.f32 v3  }
0x8a: {  	v9 =	vld [tilespmem:s31+$0x13AE0];
	v7 =	vunpack.i.u.bf16.f32 v7;
	v3 =	vunpack.i.u.bf16.f32 v5;
	v5 =	vunpack.i.l.bf16.f32 v5  }
0x8b: {  	s11 =	simm.s32 $0x200;
	v14 =	vunpack.i.u.bf16.f32 v13;
	v13 =	vadd.f32 v7, v1;
	v1 =	vunpack.i.u.bf16.f32 v2;
	v7 =	vld [tilespmem:s31+$0x13AB0]  }
.LBB2_14:
0x8c: {  	s5 =	sshra.s32 s11, $0x2;
	p3 =	sne.s32 s11, $0x9E00;
	v12 =	vadd.f32 v14, v12;
	v10 =	vunpack.i.u.bf16.f32 v10;
	v14 =	vunpack.i.l.bf16.f32 v2;
	v15 =	vld [tilespmem:s31+$0x13AF0]  }
0x8d: {  	v16 =	vld [tilespmem:s5+$0x18A80];
	v2 =	vmax.f32 v13, $0.0e+00;
	v8 =	vunpack.i.u.bf16.f32 v8;
	v10 =	vadd.f32 v10, v11  }
0x8e: {  	v11 =	vld [tilespmem:s5+$0x18A90];
	[tilespmem:s31+$0x13A80] =	vst v2;
	v2 =	vmax.f32 v12, $0.0e+00;
	v4 =	vadd.f32 v8, v4;
	v6 =	vunpack.i.u.bf16.f32 v6  }
0x8f: {  	v13 =	vld [tilespmem:s5+$0x18AA0];
	[tilespmem:s31+$0x13AC0] =	vst v2;
	v8 =	vmax.f32 v10, $0.0e+00;
	v9 =	vunpack.i.u.bf16.f32 v9;
	v5 =	vadd.f32 v6, v5  }
0x90: {  	v2 =	vld [tilespmem:s5+$0x18AB0];
	[tilespmem:s31+$0x13A90] =	vst v8;
	v4 =	vmax.f32 v4, $0.0e+00;
	v3 =	vadd.f32 v9, v3;
	v6 =	vunpack.i.u.bf16.f32 v7  }
0x91: {  	v7 =	vld [tilespmem:s5+$0x13A80];
	[tilespmem:s31+$0x13AD0] =	vst v4;
	v4 =	vmax.f32 v5, $0.0e+00;
	v5 =	vunpack.i.u.bf16.f32 v15;
	v6 =	vadd.f32 v6, v14  }
0x92: {  	v14 =	vld [tilespmem:s5+$0x13AC0];
	[tilespmem:s31+$0x13AA0] =	vst v4;
	v3 =	vmax.f32 v3, $0.0e+00;
	v1 =	vadd.f32 v5, v1  }
.Ltmp4:
0x93: {  	v10 =	vld [tilespmem:s5+$0x13A90];
	[tilespmem:s31+$0x13AE0] =	vst v3;
	v3 =	vmax.f32 v6, $0.0e+00;
	(pc) =	sbr.rel @p3 .LBB2_14-.Ltmp4, $4  }
0x94: {  	v12 =	vunpack.i.u.bf16.f32 v16;
	v8 =	vld [tilespmem:s5+$0x13AD0];
	[tilespmem:s31+$0x13AB0] =	vst v3;
	v1 =	vmax.f32 v1, $0.0e+00  }
0x95: {  	v15 =	vunpack.i.l.bf16.f32 v16;
	v4 =	vunpack.i.u.bf16.f32 v11;
	v11 =	vunpack.i.l.bf16.f32 v11;
	v6 =	vld [tilespmem:s5+$0x13AA0];
	[tilespmem:s31+$0x13AF0] =	vst v1;
	s31 =	smov.u32 s5  }
0x96: {  	v3 =	vunpack.i.u.bf16.f32 v13;
	v5 =	vunpack.i.l.bf16.f32 v13;
	v1 =	vunpack.i.u.bf16.f32 v7;
	v9 =	vld [tilespmem:s31+$0x13AE0]  }
0x97: {  	s11 =	sadd.s32 $0x200, s11;
	v14 =	vunpack.i.u.bf16.f32 v14;
	v13 =	vadd.f32 v1, v15;
	v1 =	vunpack.i.u.bf16.f32 v2;
	v7 =	vld [tilespmem:s31+$0x13AB0]  }
0x98: {  	v12 =	vadd.f32 v14, v12;
	v10 =	vunpack.i.u.bf16.f32 v10;
	v2 =	vunpack.i.l.bf16.f32 v2;
	v14 =	vld [tilespmem:s31+$0x13AF0]  }
0x99: {  	v13 =	vmax.f32 v13, $0.0e+00;
	v8 =	vunpack.i.u.bf16.f32 v8;
	v10 =	vadd.f32 v10, v11  }
0x9a: {  	[tilespmem:s31+$0x13A80] =	vst v13;
	v11 =	vmax.f32 v12, $0.0e+00;
	v4 =	vadd.f32 v8, v4;
	v6 =	vunpack.i.u.bf16.f32 v6  }
0x9b: {  	[tilespmem:s31+$0x13AC0] =	vst v11;
	v8 =	vmax.f32 v10, $0.0e+00;
	v9 =	vunpack.i.u.bf16.f32 v9;
	v5 =	vadd.f32 v6, v5  }
0x9c: {  	[tilespmem:s31+$0x13A90] =	vst v8;
	v4 =	vmax.f32 v4, $0.0e+00;
	v3 =	vadd.f32 v9, v3;
	v6 =	vunpack.i.u.bf16.f32 v7  }
0x9d: {  	[tilespmem:s31+$0x13AD0] =	vst v4;
	v4 =	vmax.f32 v5, $0.0e+00;
	v5 =	vunpack.i.u.bf16.f32 v14;
	v2 =	vadd.f32 v6, v2  }
0x9e: {  	[tilespmem:s31+$0x13AA0] =	vst v4;
	v3 =	vmax.f32 v3, $0.0e+00;
	v1 =	vadd.f32 v5, v1  }
0x9f: {  	[tilespmem:s31+$0x13AE0] =	vst v3;
	v2 =	vmax.f32 v2, $0.0e+00  }
0xa0: {  	p3 =	seq.s32 s29, $0x7C;
	[tilespmem:s31+$0x13AB0] =	vst v2;
	v1 =	vmax.f32 v1, $0.0e+00  }
0xa1: {  	s5 =	sadd.s32 @!p3 s0, s30;
	[tilespmem:s31+$0x13AF0] =	vst v1  }
0xa2: {  	[spmem:s1] =	stream.indirect.scatter.add.f32 [tilespmem:s20], [sflag:$0x6], $0x80, s9, s10, $0xb8;
	[tilespmem:$0x1DA80] =	vst v63  }
0xa3: {  	s6 =	smul.u32 @!p3 $0xA, s5;
	_ =	swait.ge [sflag:s21], $0x2800  }
0xa4: {  	s26 =	simm.s32 @!p3 $0x0;
	[sflag:s21] =	ssyncset.done $0x0  }
0xa5: {  	s11 =	sadd.s32 @!p3 s7, s6;
	s31 =	simm.s32 @!p3 $0x13880;
	[sflag:s21] =	ssyncadd.s32 $0xFFFFD800  }
0xa6: {  	[tilespmem:s31], [sflag:$0x5] =	stream.linear.gather @!p3 [hbm4b:s11+s26], $0x50, $0x38;
	[tilespmem:$0x1DA80] =	vst v63  }
0xa7: {  	s6 =	sadd.s32 @!p3 s8, s6;
	s11 =	simm.s32 @!p3 $0x13980  }
0xa8: {  	[tilespmem:s11], [sflag:$0x5] =	stream.linear.gather @!p3 [hbm4b:s6+s26], $0x50, $0x38;
	[tilespmem:$0x1DA80] =	vst v63  }
0xa9: {  	s6 =	simm.s32 @!p3 $0x5  }
0xaa: {  	_ =	swait.ge @!p3 [sflag:s6], $0x50  }
0xab: {  	[sflag:s6] =	ssyncset.done @!p3 $0x0  }
0xac: {  	[sflag:s6] =	ssyncadd.s32 @!p3 $0xFFFFFFB0  }
0xad: {  	_ =	swait.ge @!p3 [sflag:s6], $0x50  }
0xae: {  	s5 =	smul.u32 @!p3 $0x500, s5;
	[sflag:s6] =	ssyncset.done @!p3 $0x0  }
0xaf: {  	s11 =	simm.s32 @!p3 $0x13A80;
	[sflag:s6] =	ssyncadd.s32 @!p3 $0xFFFFFFB0;
	s6 =	simm.s32 @!p3 $0x50  }
0xb0: {  	[tilespmem:s11], [sflag:$0x1] =	stream.indirect.gather @!p3 [hbm4b:s4+s6], $0x80, s31, s6, $0xb8;
	[tilespmem:$0x1DA80] =	vst v63  }
0xb1: {  	s5 =	sadd.s32 @!p3 s24, s5;
	s6 =	simm.s32 @!p3 $0x18A80  }
0xb2: {  	[tilespmem:s6], [sflag:$0x3] =	stream.linear.gather @!p3 [hbm4b:s5+s26], $0x2800, $0x38;
	[tilespmem:$0x1DA80] =	vst v63  }
0xb3: {  	_ =	swait.ge [sflag:s23], $0x2800  }
0xb4: {  	[sflag:s23] =	ssyncset.done $0x0  }
0xb5: {  	[sflag:s23] =	ssyncadd.s32 $0xFFFFD800  }
0xb6: {  	_ =	swait.ge [sflag:s22], $0x2800  }
0xb7: {  	[sflag:s22] =	ssyncset.done $0x0  }
0xb8: {  	s31 =	simm.s32 $0x0;
	[sflag:s22] =	ssyncadd.s32 $0xFFFFD800  }
0xb9: {  	v1 =	vld [tilespmem:s31+$0x1B280]  }
0xba: {  	v3 =	vld [tilespmem:s31+$0x1B290]  }
0xbb: {  	v5 =	vld [tilespmem:s31+$0x1B2A0]  }
0xbc: {  	v2 =	vld [tilespmem:s31+$0x1B2B0]  }
0xbd: {  	v7 =	vld [tilespmem:s31+$0x16280]  }
0xbe: {  	v13 =	vld [tilespmem:s31+$0x162C0]  }
0xbf: {  	v10 =	vld [tilespmem:s31+$0x16290]  }
0xc0: {  	v8 =	vld [tilespmem:s31+$0x162D0];
	v12 =	vunpack.i.u.bf16.f32 v1  }
0xc1: {  	v6 =	vld [tilespmem:s31+$0x162A0];
	v1 =	vunpack.i.l.bf16.f32 v1;
	v4 =	vunpack.i.u.bf16.f32 v3;
	v11 =	vunpack.i.l.bf16.f32 v3  }
0xc2: {  	v9 =	vld [tilespmem:s31+$0x162E0];
	v7 =	vunpack.i.u.bf16.f32 v7;
	v3 =	vunpack.i.u.bf16.f32 v5;
	v5 =	vunpack.i.l.bf16.f32 v5  }
0xc3: {  	s11 =	simm.s32 $0x200;
	v14 =	vunpack.i.u.bf16.f32 v13;
	v13 =	vadd.f32 v7, v1;
	v1 =	vunpack.i.u.bf16.f32 v2;
	v7 =	vld [tilespmem:s31+$0x162B0]  }
.LBB2_16:
0xc4: {  	s5 =	sshra.s32 s11, $0x2;
	p4 =	sne.s32 s11, $0x9E00;
	v12 =	vadd.f32 v14, v12;
	v10 =	vunpack.i.u.bf16.f32 v10;
	v14 =	vunpack.i.l.bf16.f32 v2;
	v15 =	vld [tilespmem:s31+$0x162F0]  }
0xc5: {  	v16 =	vld [tilespmem:s5+$0x1B280];
	v2 =	vmax.f32 v13, $0.0e+00;
	v8 =	vunpack.i.u.bf16.f32 v8;
	v10 =	vadd.f32 v10, v11  }
0xc6: {  	v11 =	vld [tilespmem:s5+$0x1B290];
	[tilespmem:s31+$0x16280] =	vst v2;
	v2 =	vmax.f32 v12, $0.0e+00;
	v4 =	vadd.f32 v8, v4;
	v6 =	vunpack.i.u.bf16.f32 v6  }
0xc7: {  	v13 =	vld [tilespmem:s5+$0x1B2A0];
	[tilespmem:s31+$0x162C0] =	vst v2;
	v8 =	vmax.f32 v10, $0.0e+00;
	v9 =	vunpack.i.u.bf16.f32 v9;
	v5 =	vadd.f32 v6, v5  }
0xc8: {  	v2 =	vld [tilespmem:s5+$0x1B2B0];
	[tilespmem:s31+$0x16290] =	vst v8;
	v4 =	vmax.f32 v4, $0.0e+00;
	v3 =	vadd.f32 v9, v3;
	v6 =	vunpack.i.u.bf16.f32 v7  }
0xc9: {  	v7 =	vld [tilespmem:s5+$0x16280];
	[tilespmem:s31+$0x162D0] =	vst v4;
	v4 =	vmax.f32 v5, $0.0e+00;
	v5 =	vunpack.i.u.bf16.f32 v15;
	v6 =	vadd.f32 v6, v14  }
0xca: {  	v14 =	vld [tilespmem:s5+$0x162C0];
	[tilespmem:s31+$0x162A0] =	vst v4;
	v3 =	vmax.f32 v3, $0.0e+00;
	v1 =	vadd.f32 v5, v1  }
.Ltmp5:
0xcb: {  	v10 =	vld [tilespmem:s5+$0x16290];
	[tilespmem:s31+$0x162E0] =	vst v3;
	v3 =	vmax.f32 v6, $0.0e+00;
	(pc) =	sbr.rel @p4 .LBB2_16-.Ltmp5, $4  }
0xcc: {  	v12 =	vunpack.i.u.bf16.f32 v16;
	v8 =	vld [tilespmem:s5+$0x162D0];
	[tilespmem:s31+$0x162B0] =	vst v3;
	v1 =	vmax.f32 v1, $0.0e+00  }
0xcd: {  	v15 =	vunpack.i.l.bf16.f32 v16;
	v4 =	vunpack.i.u.bf16.f32 v11;
	v11 =	vunpack.i.l.bf16.f32 v11;
	v6 =	vld [tilespmem:s5+$0x162A0];
	[tilespmem:s31+$0x162F0] =	vst v1;
	s31 =	smov.u32 s5  }
0xce: {  	v3 =	vunpack.i.u.bf16.f32 v13;
	v5 =	vunpack.i.l.bf16.f32 v13;
	v1 =	vunpack.i.u.bf16.f32 v7;
	v9 =	vld [tilespmem:s31+$0x162E0]  }
0xcf: {  	s11 =	sadd.s32 $0x200, s11;
	v14 =	vunpack.i.u.bf16.f32 v14;
	v13 =	vadd.f32 v1, v15;
	v1 =	vunpack.i.u.bf16.f32 v2;
	v7 =	vld [tilespmem:s31+$0x162B0]  }
0xd0: {  	v12 =	vadd.f32 v14, v12;
	v10 =	vunpack.i.u.bf16.f32 v10;
	v2 =	vunpack.i.l.bf16.f32 v2;
	v58 =	vld [tilespmem:s31+$0x162F0]  }
0xd1: {  	v13 =	vmax.f32 v13, $0.0e+00;
	v8 =	vunpack.i.u.bf16.f32 v8;
	v10 =	vadd.f32 v10, v11  }
0xd2: {  	[tilespmem:s31+$0x16280] =	vst v13;
	v59 =	vmax.f32 v12, $0.0e+00;
	v4 =	vadd.f32 v8, v4;
	v6 =	vunpack.i.u.bf16.f32 v6  }
0xd3: {  	[tilespmem:s31+$0x162C0] =	vst v59;
	v60 =	vmax.f32 v10, $0.0e+00;
	v9 =	vunpack.i.u.bf16.f32 v9;
	v5 =	vadd.f32 v6, v5  }
0xd4: {  	[tilespmem:s31+$0x16290] =	vst v60;
	v4 =	vmax.f32 v4, $0.0e+00;
	v3 =	vadd.f32 v9, v3;
	v61 =	vunpack.i.u.bf16.f32 v7  }
0xd5: {  	[tilespmem:s31+$0x162D0] =	vst v4;
	v62 =	vmax.f32 v5, $0.0e+00;
	v63 =	vunpack.i.u.bf16.f32 v58;
	v2 =	vadd.f32 v61, v2  }
0xd6: {  	[tilespmem:s31+$0x162A0] =	vst v62;
	v3 =	vmax.f32 v3, $0.0e+00;
	v1 =	vadd.f32 v63, v1  }
0xd7: {  	[tilespmem:s31+$0x162E0] =	vst v3;
	v2 =	vmax.f32 v2, $0.0e+00  }
0xd8: {  	[tilespmem:s31+$0x162B0] =	vst v2;
	v1 =	vmax.f32 v1, $0.0e+00  }
.Ltmp6:
0xd9: {  	[tilespmem:s31+$0x162F0] =	vst v1;
	(pc) =	sbr.rel @p3 .LBB2_19-.Ltmp6, $4  }
0xda: {  	[spmem:s1] =	stream.indirect.scatter.add.f32 [tilespmem:s15], [sflag:$0x6], $0x80, s13, s10, $0xb8;
	[tilespmem:$0x1DA80] =	vst v63  }
0xdb: {  	_ =	swait.ge [sflag:s21], $0x2800  }
0xdc: {  	[sflag:s21] =	ssyncset.done $0x0  }
0xdd: {  	[sflag:s21] =	ssyncadd.s32 $0xFFFFD800  }
0xde: {  	s5 =	sadd.s32 s17, s30  }
0xdf: {  	s5 =	smul.u32 $0xA, s5  }
.Ltmp7:
0xe0: {  	_ = 	snop;
	(pc) =	sbr.rel .LBB2_13-.Ltmp7, $4  }
0xe1: {  	s6 =	sadd.s32 s7, s5  }
0xe2: {  	[tilespmem:s12], [sflag:$0x5] =	stream.linear.gather [hbm4b:s6+s2], $0x50, $0x38;
	[tilespmem:$0x1DA80] =	vst v63  }
0xe3: {  	s29 =	sadd.s32 $0x1, s29;
	s5 =	sadd.s32 s8, s5  }
0xe4: {  	[tilespmem:s13], [sflag:$0x5] =	stream.linear.gather [hbm4b:s5+s2], $0x50, $0x38;
	[tilespmem:$0x1DA80] =	vst v63  }
.LBB2_4:
0xe5: {  	s5 =	rddreg [dreg:$0xc];
	s6 =	simm.s32 $0x18A80  }
0xe6: {  	[tilespmem:s6], [sflag:$0x3] =	stream.linear.gather [hbm4b:s5+s28], $0x2800, $0x38;
	[tilespmem:$0x1DA80] =	vst v63  }
0xe7: {  	s30 =	rddreg [dreg:$0xd]  }
0xe8: {  	[tilespmem:s12], [sflag:$0x5] =	stream.linear.gather [hbm4b:s30+s28], $0x50, $0x38;
	[tilespmem:$0x1DA80] =	vst v63  }
0xe9: {  	s31 =	rddreg [dreg:$0xe];
	s29 =	simm.s32 $0x0  }
0xea: {  	[tilespmem:s13], [sflag:$0x5] =	stream.linear.gather [hbm4b:s31+s28], $0x50, $0x38;
	[tilespmem:$0x1DA80] =	vst v63  }
.LBB2_5:
0xeb: {  	_ =	swait.ge [sflag:s14], $0x50  }
0xec: {  	[sflag:s14] =	ssyncset.done $0x0  }
0xed: {  	[sflag:s14] =	ssyncadd.s32 $0xFFFFFFB0  }
0xee: {  	s30 =	sshll.u32 s29, $0x5;
	_ =	swait.ge [sflag:s14], $0x50  }
0xef: {  	s11 =	sor.u32 s3, s30;
	[sflag:s14] =	ssyncset.done $0x0  }
0xf0: {  	s11 =	smul.u32 $0x500, s11;
	s5 =	rddreg [dreg:$0x13];
	[sflag:s14] =	ssyncadd.s32 $0xFFFFFFB0  }
0xf1: {  	[tilespmem:s15], [sflag:$0x2] =	stream.indirect.gather [hbm4b:s4+s10], $0x80, s12, s10, $0xb8;
	[tilespmem:$0x1DA80] =	vst v63  }
0xf2: {  	s11 =	sadd.s32 s5, s11  }
0xf3: {  	[tilespmem:s16], [sflag:$0x4] =	stream.linear.gather [hbm4b:s11+s28], $0x2800, $0x38;
	[tilespmem:$0x1DA80] =	vst v63  }
0xf4: {  	_ =	swait.ge [sflag:s18], $0x2800  }
0xf5: {  	[sflag:s18] =	ssyncset.done $0x0  }
0xf6: {  	[sflag:s18] =	ssyncadd.s32 $0xFFFFD800  }
0xf7: {  	_ =	swait.ge [sflag:s19], $0x2800  }
0xf8: {  	[sflag:s19] =	ssyncset.done $0x0  }
0xf9: {  	s31 =	simm.s32 $0x0;
	[sflag:s19] =	ssyncadd.s32 $0xFFFFD800  }
0xfa: {  	v1 =	vld [tilespmem:s31+$0x18A80]  }
0xfb: {  	v3 =	vld [tilespmem:s31+$0x18A90]  }
0xfc: {  	v5 =	vld [tilespmem:s31+$0x18AA0]  }
0xfd: {  	v2 =	vld [tilespmem:s31+$0x18AB0]  }
0xfe: {  	v7 =	vld [tilespmem:s31+$0x13A80]  }
0xff: {  	v13 =	vld [tilespmem:s31+$0x13AC0]  }
0x100: {  	v10 =	vld [tilespmem:s31+$0x13A90]  }
0x101: {  	v8 =	vld [tilespmem:s31+$0x13AD0];
	v12 =	vunpack.i.u.bf16.f32 v1  }
0x102: {  	v6 =	vld [tilespmem:s31+$0x13AA0];
	v1 =	vunpack.i.l.bf16.f32 v1;
	v4 =	vunpack.i.u.bf16.f32 v3;
	v11 =	vunpack.i.l.bf16.f32 v3  }
0x103: {  	v9 =	vld [tilespmem:s31+$0x13AE0];
	v7 =	vunpack.i.l.bf16.f32 v7;
	v3 =	vunpack.i.u.bf16.f32 v5;
	v5 =	vunpack.i.l.bf16.f32 v5  }
0x104: {  	s11 =	simm.s32 $0x200;
	v14 =	vunpack.i.l.bf16.f32 v13;
	v13 =	vadd.f32 v7, v1;
	v1 =	vunpack.i.u.bf16.f32 v2;
	v7 =	vld [tilespmem:s31+$0x13AB0]  }
.LBB2_6:
0x105: {  	s26 =	sshra.s32 s11, $0x2;
	p3 =	sne.s32 s11, $0x9E00;
	v12 =	vadd.f32 v14, v12;
	v10 =	vunpack.i.l.bf16.f32 v10;
	v14 =	vunpack.i.l.bf16.f32 v2;
	v15 =	vld [tilespmem:s31+$0x13AF0]  }
0x106: {  	v16 =	vld [tilespmem:s26+$0x18A80];
	v2 =	vmax.f32 v13, $0.0e+00;
	v8 =	vunpack.i.l.bf16.f32 v8;
	v10 =	vadd.f32 v10, v11  }
0x107: {  	v11 =	vld [tilespmem:s26+$0x18A90];
	[tilespmem:s31+$0x13A80] =	vst v2;
	v2 =	vmax.f32 v12, $0.0e+00;
	v4 =	vadd.f32 v8, v4;
	v6 =	vunpack.i.l.bf16.f32 v6  }
0x108: {  	v13 =	vld [tilespmem:s26+$0x18AA0];
	[tilespmem:s31+$0x13AC0] =	vst v2;
	v8 =	vmax.f32 v10, $0.0e+00;
	v9 =	vunpack.i.l.bf16.f32 v9;
	v5 =	vadd.f32 v6, v5  }
0x109: {  	v2 =	vld [tilespmem:s26+$0x18AB0];
	[tilespmem:s31+$0x13A90] =	vst v8;
	v4 =	vmax.f32 v4, $0.0e+00;
	v3 =	vadd.f32 v9, v3;
	v6 =	vunpack.i.l.bf16.f32 v7  }
0x10a: {  	v7 =	vld [tilespmem:s26+$0x13A80];
	[tilespmem:s31+$0x13AD0] =	vst v4;
	v4 =	vmax.f32 v5, $0.0e+00;
	v5 =	vunpack.i.l.bf16.f32 v15;
	v6 =	vadd.f32 v6, v14  }
0x10b: {  	v14 =	vld [tilespmem:s26+$0x13AC0];
	[tilespmem:s31+$0x13AA0] =	vst v4;
	v3 =	vmax.f32 v3, $0.0e+00;
	v1 =	vadd.f32 v5, v1  }
.Ltmp8:
0x10c: {  	v10 =	vld [tilespmem:s26+$0x13A90];
	[tilespmem:s31+$0x13AE0] =	vst v3;
	v3 =	vmax.f32 v6, $0.0e+00;
	(pc) =	sbr.rel @p3 .LBB2_6-.Ltmp8, $4  }
0x10d: {  	v12 =	vunpack.i.u.bf16.f32 v16;
	v8 =	vld [tilespmem:s26+$0x13AD0];
	[tilespmem:s31+$0x13AB0] =	vst v3;
	v1 =	vmax.f32 v1, $0.0e+00  }
0x10e: {  	v15 =	vunpack.i.l.bf16.f32 v16;
	v4 =	vunpack.i.u.bf16.f32 v11;
	v11 =	vunpack.i.l.bf16.f32 v11;
	v6 =	vld [tilespmem:s26+$0x13AA0];
	[tilespmem:s31+$0x13AF0] =	vst v1;
	s31 =	smov.u32 s26  }
0x10f: {  	v3 =	vunpack.i.u.bf16.f32 v13;
	v5 =	vunpack.i.l.bf16.f32 v13;
	v1 =	vunpack.i.l.bf16.f32 v7;
	v9 =	vld [tilespmem:s31+$0x13AE0]  }
0x110: {  	s11 =	sadd.s32 $0x200, s11;
	v14 =	vunpack.i.l.bf16.f32 v14;
	v13 =	vadd.f32 v1, v15;
	v1 =	vunpack.i.u.bf16.f32 v2;
	v7 =	vld [tilespmem:s31+$0x13AB0]  }
0x111: {  	v12 =	vadd.f32 v14, v12;
	v10 =	vunpack.i.l.bf16.f32 v10;
	v2 =	vunpack.i.l.bf16.f32 v2;
	v14 =	vld [tilespmem:s31+$0x13AF0]  }
0x112: {  	v13 =	vmax.f32 v13, $0.0e+00;
	v8 =	vunpack.i.l.bf16.f32 v8;
	v10 =	vadd.f32 v10, v11  }
0x113: {  	[tilespmem:s31+$0x13A80] =	vst v13;
	v11 =	vmax.f32 v12, $0.0e+00;
	v4 =	vadd.f32 v8, v4;
	v6 =	vunpack.i.l.bf16.f32 v6  }
0x114: {  	[tilespmem:s31+$0x13AC0] =	vst v11;
	v8 =	vmax.f32 v10, $0.0e+00;
	v9 =	vunpack.i.l.bf16.f32 v9;
	v5 =	vadd.f32 v6, v5  }
0x115: {  	[tilespmem:s31+$0x13A90] =	vst v8;
	v4 =	vmax.f32 v4, $0.0e+00;
	v3 =	vadd.f32 v9, v3;
	v6 =	vunpack.i.l.bf16.f32 v7  }
0x116: {  	[tilespmem:s31+$0x13AD0] =	vst v4;
	v4 =	vmax.f32 v5, $0.0e+00;
	v5 =	vunpack.i.l.bf16.f32 v14;
	v2 =	vadd.f32 v6, v2  }
0x117: {  	[tilespmem:s31+$0x13AA0] =	vst v4;
	v3 =	vmax.f32 v3, $0.0e+00;
	v1 =	vadd.f32 v5, v1  }
0x118: {  	[tilespmem:s31+$0x13AE0] =	vst v3;
	v2 =	vmax.f32 v2, $0.0e+00  }
0x119: {  	p3 =	seq.s32 s29, $0x7C;
	[tilespmem:s31+$0x13AB0] =	vst v2;
	v1 =	vmax.f32 v1, $0.0e+00  }
0x11a: {  	s11 =	sadd.s32 @!p3 s0, s30;
	[tilespmem:s31+$0x13AF0] =	vst v1  }
0x11b: {  	[spmem:s1] =	stream.indirect.scatter.add.f32 [tilespmem:s20], [sflag:$0x6], $0x80, s9, s10, $0xb8;
	[tilespmem:$0x1DA80] =	vst v63  }
0x11c: {  	s26 =	smul.u32 @!p3 $0xA, s11;
	_ =	swait.ge [sflag:s21], $0x2800  }
0x11d: {  	s5 =	simm.s32 @!p3 $0x0;
	[sflag:s21] =	ssyncset.done $0x0  }
0x11e: {  	s6 =	simm.s32 @!p3 $0x13880;
	s31 =	sadd.s32 @!p3 s7, s26;
	[sflag:s21] =	ssyncadd.s32 $0xFFFFD800  }
0x11f: {  	[tilespmem:s6], [sflag:$0x5] =	stream.linear.gather @!p3 [hbm4b:s31+s5], $0x50, $0x38;
	[tilespmem:$0x1DA80] =	vst v63  }
0x120: {  	s26 =	sadd.s32 @!p3 s8, s26;
	s31 =	simm.s32 @!p3 $0x13980  }
0x121: {  	[tilespmem:s31], [sflag:$0x5] =	stream.linear.gather @!p3 [hbm4b:s26+s5], $0x50, $0x38;
	[tilespmem:$0x1DA80] =	vst v63  }
0x122: {  	s26 =	simm.s32 @!p3 $0x5  }
0x123: {  	_ =	swait.ge @!p3 [sflag:s26], $0x50  }
0x124: {  	[sflag:s26] =	ssyncset.done @!p3 $0x0  }
0x125: {  	[sflag:s26] =	ssyncadd.s32 @!p3 $0xFFFFFFB0  }
0x126: {  	_ =	swait.ge @!p3 [sflag:s26], $0x50  }
0x127: {  	s11 =	smul.u32 @!p3 $0x500, s11;
	[sflag:s26] =	ssyncset.done @!p3 $0x0  }
0x128: {  	s31 =	simm.s32 @!p3 $0x13A80;
	[sflag:s26] =	ssyncadd.s32 @!p3 $0xFFFFFFB0;
	s26 =	simm.s32 @!p3 $0x50  }
0x129: {  	[tilespmem:s31], [sflag:$0x1] =	stream.indirect.gather @!p3 [hbm4b:s4+s26], $0x80, s6, s26, $0xb8;
	[tilespmem:$0x1DA80] =	vst v63  }
0x12a: {  	s6 =	rddreg [dreg:$0x3]  }
0x12b: {  	s6 =	sadd.s32 @!p3 s6, s11;
	s11 =	simm.s32 @!p3 $0x18A80  }
0x12c: {  	[tilespmem:s11], [sflag:$0x3] =	stream.linear.gather @!p3 [hbm4b:s6+s5], $0x2800, $0x38;
	[tilespmem:$0x1DA80] =	vst v63  }
0x12d: {  	_ =	swait.ge [sflag:s23], $0x2800  }
0x12e: {  	[sflag:s23] =	ssyncset.done $0x0  }
0x12f: {  	[sflag:s23] =	ssyncadd.s32 $0xFFFFD800  }
0x130: {  	_ =	swait.ge [sflag:s22], $0x2800  }
0x131: {  	[sflag:s22] =	ssyncset.done $0x0  }
0x132: {  	s31 =	simm.s32 $0x0;
	[sflag:s22] =	ssyncadd.s32 $0xFFFFD800  }
0x133: {  	v1 =	vld [tilespmem:s31+$0x1B280]  }
0x134: {  	v3 =	vld [tilespmem:s31+$0x1B290]  }
0x135: {  	v5 =	vld [tilespmem:s31+$0x1B2A0]  }
0x136: {  	v2 =	vld [tilespmem:s31+$0x1B2B0]  }
0x137: {  	v7 =	vld [tilespmem:s31+$0x16280]  }
0x138: {  	v13 =	vld [tilespmem:s31+$0x162C0]  }
0x139: {  	v10 =	vld [tilespmem:s31+$0x16290]  }
0x13a: {  	v8 =	vld [tilespmem:s31+$0x162D0];
	v12 =	vunpack.i.u.bf16.f32 v1  }
0x13b: {  	v6 =	vld [tilespmem:s31+$0x162A0];
	v1 =	vunpack.i.l.bf16.f32 v1;
	v4 =	vunpack.i.u.bf16.f32 v3;
	v11 =	vunpack.i.l.bf16.f32 v3  }
0x13c: {  	v9 =	vld [tilespmem:s31+$0x162E0];
	v7 =	vunpack.i.l.bf16.f32 v7;
	v3 =	vunpack.i.u.bf16.f32 v5;
	v5 =	vunpack.i.l.bf16.f32 v5  }
0x13d: {  	s11 =	simm.s32 $0x200;
	v14 =	vunpack.i.l.bf16.f32 v13;
	v13 =	vadd.f32 v7, v1;
	v1 =	vunpack.i.u.bf16.f32 v2;
	v7 =	vld [tilespmem:s31+$0x162B0]  }
.LBB2_8:
0x13e: {  	s5 =	sshra.s32 s11, $0x2;
	p4 =	sne.s32 s11, $0x9E00;
	v12 =	vadd.f32 v14, v12;
	v10 =	vunpack.i.l.bf16.f32 v10;
	v14 =	vunpack.i.l.bf16.f32 v2;
	v15 =	vld [tilespmem:s31+$0x162F0]  }
0x13f: {  	v16 =	vld [tilespmem:s5+$0x1B280];
	v2 =	vmax.f32 v13, $0.0e+00;
	v8 =	vunpack.i.l.bf16.f32 v8;
	v10 =	vadd.f32 v10, v11  }
0x140: {  	v11 =	vld [tilespmem:s5+$0x1B290];
	[tilespmem:s31+$0x16280] =	vst v2;
	v2 =	vmax.f32 v12, $0.0e+00;
	v4 =	vadd.f32 v8, v4;
	v6 =	vunpack.i.l.bf16.f32 v6  }
0x141: {  	v13 =	vld [tilespmem:s5+$0x1B2A0];
	[tilespmem:s31+$0x162C0] =	vst v2;
	v8 =	vmax.f32 v10, $0.0e+00;
	v9 =	vunpack.i.l.bf16.f32 v9;
	v5 =	vadd.f32 v6, v5  }
0x142: {  	v2 =	vld [tilespmem:s5+$0x1B2B0];
	[tilespmem:s31+$0x16290] =	vst v8;
	v4 =	vmax.f32 v4, $0.0e+00;
	v3 =	vadd.f32 v9, v3;
	v6 =	vunpack.i.l.bf16.f32 v7  }
0x143: {  	v7 =	vld [tilespmem:s5+$0x16280];
	[tilespmem:s31+$0x162D0] =	vst v4;
	v4 =	vmax.f32 v5, $0.0e+00;
	v5 =	vunpack.i.l.bf16.f32 v15;
	v6 =	vadd.f32 v6, v14  }
0x144: {  	v14 =	vld [tilespmem:s5+$0x162C0];
	[tilespmem:s31+$0x162A0] =	vst v4;
	v3 =	vmax.f32 v3, $0.0e+00;
	v1 =	vadd.f32 v5, v1  }
.Ltmp9:
0x145: {  	v10 =	vld [tilespmem:s5+$0x16290];
	[tilespmem:s31+$0x162E0] =	vst v3;
	v3 =	vmax.f32 v6, $0.0e+00;
	(pc) =	sbr.rel @p4 .LBB2_8-.Ltmp9, $4  }
0x146: {  	v12 =	vunpack.i.u.bf16.f32 v16;
	v8 =	vld [tilespmem:s5+$0x162D0];
	[tilespmem:s31+$0x162B0] =	vst v3;
	v1 =	vmax.f32 v1, $0.0e+00  }
0x147: {  	v15 =	vunpack.i.l.bf16.f32 v16;
	v4 =	vunpack.i.u.bf16.f32 v11;
	v11 =	vunpack.i.l.bf16.f32 v11;
	v6 =	vld [tilespmem:s5+$0x162A0];
	[tilespmem:s31+$0x162F0] =	vst v1;
	s31 =	smov.u32 s5  }
0x148: {  	v3 =	vunpack.i.u.bf16.f32 v13;
	v5 =	vunpack.i.l.bf16.f32 v13;
	v1 =	vunpack.i.l.bf16.f32 v7;
	v9 =	vld [tilespmem:s31+$0x162E0]  }
0x149: {  	s11 =	sadd.s32 $0x200, s11;
	v14 =	vunpack.i.l.bf16.f32 v14;
	v13 =	vadd.f32 v1, v15;
	v1 =	vunpack.i.u.bf16.f32 v2;
	v7 =	vld [tilespmem:s31+$0x162B0]  }
0x14a: {  	v12 =	vadd.f32 v14, v12;
	v10 =	vunpack.i.l.bf16.f32 v10;
	v2 =	vunpack.i.l.bf16.f32 v2;
	v58 =	vld [tilespmem:s31+$0x162F0]  }
0x14b: {  	v13 =	vmax.f32 v13, $0.0e+00;
	v8 =	vunpack.i.l.bf16.f32 v8;
	v10 =	vadd.f32 v10, v11  }
0x14c: {  	[tilespmem:s31+$0x16280] =	vst v13;
	v59 =	vmax.f32 v12, $0.0e+00;
	v4 =	vadd.f32 v8, v4;
	v6 =	vunpack.i.l.bf16.f32 v6  }
0x14d: {  	[tilespmem:s31+$0x162C0] =	vst v59;
	v60 =	vmax.f32 v10, $0.0e+00;
	v9 =	vunpack.i.l.bf16.f32 v9;
	v5 =	vadd.f32 v6, v5  }
0x14e: {  	[tilespmem:s31+$0x16290] =	vst v60;
	v4 =	vmax.f32 v4, $0.0e+00;
	v3 =	vadd.f32 v9, v3;
	v61 =	vunpack.i.l.bf16.f32 v7  }
0x14f: {  	[tilespmem:s31+$0x162D0] =	vst v4;
	v62 =	vmax.f32 v5, $0.0e+00;
	v63 =	vunpack.i.l.bf16.f32 v58;
	v2 =	vadd.f32 v61, v2  }
0x150: {  	[tilespmem:s31+$0x162A0] =	vst v62;
	v3 =	vmax.f32 v3, $0.0e+00;
	v1 =	vadd.f32 v63, v1  }
0x151: {  	[tilespmem:s31+$0x162E0] =	vst v3;
	v2 =	vmax.f32 v2, $0.0e+00  }
0x152: {  	[tilespmem:s31+$0x162B0] =	vst v2;
	v1 =	vmax.f32 v1, $0.0e+00  }
.Ltmp10:
0x153: {  	[tilespmem:s31+$0x162F0] =	vst v1;
	(pc) =	sbr.rel @p3 .LBB2_11-.Ltmp10, $4  }
0x154: {  	[spmem:s1] =	stream.indirect.scatter.add.f32 [tilespmem:s15], [sflag:$0x6], $0x80, s13, s10, $0xb8;
	[tilespmem:$0x1DA80] =	vst v63  }
0x155: {  	_ =	swait.ge [sflag:s21], $0x2800  }
0x156: {  	[sflag:s21] =	ssyncset.done $0x0  }
0x157: {  	[sflag:s21] =	ssyncadd.s32 $0xFFFFD800  }
0x158: {  	s5 =	sadd.s32 s17, s30  }
0x159: {  	s5 =	smul.u32 $0xA, s5  }
.Ltmp11:
0x15a: {  	_ = 	snop;
	(pc) =	sbr.rel .LBB2_5-.Ltmp11, $4  }
0x15b: {  	s6 =	sadd.s32 s7, s5  }
0x15c: {  	[tilespmem:s12], [sflag:$0x5] =	stream.linear.gather [hbm4b:s6+s2], $0x50, $0x38;
	[tilespmem:$0x1DA80] =	vst v63  }
0x15d: {  	s29 =	sadd.s32 $0x1, s29;
	s5 =	sadd.s32 s8, s5  }
0x15e: {  	[tilespmem:s13], [sflag:$0x5] =	stream.linear.gather [hbm4b:s5+s2], $0x50, $0x38;
	[tilespmem:$0x1DA80] =	vst v63  }
.LBB2_19:
0x15f: {  	[bflag:$0x0] =	sbarrier.arrive $0xFFFF  }
0x160: {  	s5 =	sshll.u32 s3, $0x6;
	s26 =	rddreg [dreg:$0x6]  }
0x161: {  	s11 =	sor.u32 $0x1C06, s5;
	s6 =	rddreg [dreg:$0x11];
	s31 =	sshrl.u32 s26, $0x3  }
0x162: {  	[hbm:s6], [sflag:s11] =	dma.local [spmem:s31], $0x2700  }
.Ltmp12:
0x163: {  	_ = 	snop;
	(pc) =	sbr.rel @p1 .LBB2_21-.Ltmp12, $4  }
.Ltmp13:
0x164: {  	_ = 	snop;
	(pc) =	sbr.rel @!p1 .LBB2_20-.Ltmp13, $4  }
0x165: {  	_ =	swait.ge [sflag:s21], $0x2700  }
0x166: {  	[sflag:s21] =	ssyncset.done $0x0;
	s28 =	rddreg [dreg:$0x5]  }
0x167: {  	s29 =	rddreg [dreg:$0x19];
	[sflag:s21] =	ssyncadd.s32 $0xFFFFD900  }
0x168: {  	_ = 	snop  }
.LBB2_11:
0x169: {  	[bflag:$0x0] =	sbarrier.arrive $0xFFFF  }
0x16a: {  	s5 =	sshll.u32 s3, $0x6;
	s26 =	rddreg [dreg:$0x6]  }
0x16b: {  	s11 =	sor.u32 $0x1C06, s5;
	s6 =	rddreg [dreg:$0xf];
	s31 =	sshrl.u32 s26, $0x3  }
0x16c: {  	[hbm:s6], [sflag:s11] =	dma.local [spmem:s31], $0x2700  }
.Ltmp14:
0x16d: {  	_ = 	snop;
	(pc) =	sbr.rel @p2 .LBB2_20-.Ltmp14, $4  }
.Ltmp15:
0x16e: {  	_ = 	snop;
	(pc) =	sbr.rel @!p2 .LBB2_21-.Ltmp15, $4  }
0x16f: {  	_ =	swait.ge [sflag:s21], $0x2700  }
0x170: {  	[sflag:s21] =	ssyncset.done $0x0;
	s28 =	rddreg [dreg:$0x4]  }
0x171: {  	s29 =	rddreg [dreg:$0x19];
	[sflag:s21] =	ssyncadd.s32 $0xFFFFD900  }
0x172: {  	_ = 	snop  }
.LBB2_22:
0x173: {  	_ =	sfence.sel $0x180000  }
0x174: {  	[bflag:$0x0] =	sbarrier.arrive $0xFFFF  }
0x175: {  	_ =	strace $0x90000047  }
0x176: {  	[bflag:$0x2] =	sbarrier.arrive $0xFFFF  }
0x177: {  	p0 =	sne.s32 s3, $0x0;
	s0 =	rddreg [dreg:$0x2]  }
0x178: {  	s0 =	sadd.s32 @!p0 $0x100000, s0  }
0x179: {  	[sflag:s0] =	ssyncadd.tile.s32 @!p0 $0x1;
	_ =	shalt  }
.Lfunc_end2:
_tile_overlayer_lowered:
.L_overlay_start_2:
0x17a: {  	(tag) =	ssettag $0x2  }
0x17b: {  	s0 =	rddreg [dreg:$0x0];
	s2 =	stileid.u32  }
0x17c: {  	s1 =	rddreg [dreg:$0x1];
	p0 =	sne.s32 s2, $0x0  }
0x17d: {  	s3 =	rddreg [dreg:$0x2];
	[bflag:$0x3] =	sbarrier.arrive $0xFFFF;
	s2 =	simm.s32 @!p0 $0x1C06  }
0x17e: {  	[timem:s3], [sflag:s2] =	dma.local @!p0 [hbm:s0], s1  }
0x17f: {  	s0 =	simm.s32 @!p0 $0x6  }
0x180: {  	_ =	swait.ge @!p0 [sflag:s0], s1  }
0x181: {  	s1 =	ssub.s32 @!p0 $0x0, s1;
	[sflag:s0] =	ssyncset.done @!p0 $0x0  }
0x182: {  	[sflag:s0] =	ssyncadd.s32 @!p0 s1  }
0x183: {  	[bflag:$0x3] =	sbarrier.arrive $0xFFFF  }
0x184: {  	_ =	shalt  }

</sc_bundles>
